<compile_context>
chip_gen: v7x
topology: tpu7x:2x2x1
jax: 0.10.2.dev20260603
libtpu: 0.0.44.dev20260713+nightly
codegen_flags: <defaults>
</compile_context>

<pallas_src>
import dataclasses
import functools

import jax
import jax.numpy as jnp
from jax import lax
from jax.experimental import pallas as pl
from jax.experimental.pallas import tpu as pltpu
from jax.experimental.pallas import tpu_sc as plsc

B, N1, N2 = 16, 1024, 4096
C1, C2 = 256, 128
F1, F2 = 256, 256
EPS = 1e-7

T2 = 256
NT2 = N2 // T2
SUBQ = 128
NSTEP = (B * N2) // SUBQ
CW = C1 // 2
RPT = N1 // NT2
LANES = 16
TM = 512

_HI = -65536


def _bf16_topbits(x):
    t = lax.bitcast_convert_type(x, jnp.int32)
    lsb = jnp.bitwise_and(lax.shift_right_logical(t, 16), 1)
    return jnp.bitwise_and(t + 0x7FFF + lsb, _HI)



def _three_nn_body(xyz1_ref, xyz2t_ref, p1_ref, idx_ref, w_ref, tab_ref):
    b = pl.program_id(0)
    pts = p1_ref[0]
    lo = _bf16_topbits(pts[:, :CW])
    hi = _bf16_topbits(pts[:, CW:])
    tab_ref[...] = jnp.bitwise_or(lax.shift_right_logical(lo, 16), hi)

    xyz1 = xyz1_ref[0]
    q = xyz2t_ref[0]
    inf = jnp.float32(jnp.inf)
    RC = 128
    iota_l = lax.broadcasted_iota(jnp.int32, (RC, T2), 0)
    best_v = [jnp.full((1, T2), inf, jnp.float32) for _ in range(3)]
    best_i = [jnp.full((1, T2), N1, jnp.int32) for _ in range(3)]
    for c in range(N1 // RC):
        xc = xyz1[c * RC:(c + 1) * RC]
        dx = xc[:, 0:1] - q[0:1, :]
        dy = xc[:, 1:2] - q[1:2, :]
        dz = xc[:, 2:3] - q[2:3, :]
        cur = (dx * dx + dy * dy) + dz * dz
        for _ in range(3):
            m = jnp.min(cur, axis=0, keepdims=True)
            cand = jnp.where(cur == m, iota_l, RC)
            il = jnp.min(cand, axis=0, keepdims=True)
            cur = jnp.where(iota_l == il, inf, cur)
            ig = il + c * RC
            for j in range(3):
                sw = (m < best_v[j]) | ((m == best_v[j]) & (ig < best_i[j]))
                nv = jnp.where(sw, m, best_v[j])
                ni = jnp.where(sw, ig, best_i[j])
                m = jnp.where(sw, best_v[j], m)
                ig = jnp.where(sw, best_i[j], ig)
                best_v[j], best_i[j] = nv, ni
    rcp = [1.0 / jnp.maximum(v, EPS) for v in best_v]
    norm = rcp[0] + rcp[1] + rcp[2]
    gidx = jnp.concatenate([i + b * N1 for i in best_i], axis=0)
    wval = jnp.concatenate([r / norm for r in rcp], axis=0)
    for h in range(T2 // SUBQ):
        sl = slice(h * SUBQ, (h + 1) * SUBQ)
        idx_ref[0, 0, h] = gidx[:, sl]
        w_ref[0, 0, h] = wval[:, sl]


def _three_nn(xyz1, xyz2t, points1, nb):
    return pl.pallas_call(
        _three_nn_body,
        grid=(nb, NT2),
        in_specs=[
            pl.BlockSpec((1, N1, 3), lambda b, t: (b, 0, 0)),
            pl.BlockSpec((1, 3, T2), lambda b, t: (b, 0, t)),
            pl.BlockSpec((1, RPT, C1), lambda b, t: (b, t, 0)),
        ],
        out_specs=[
            pl.BlockSpec((1, 1, T2 // SUBQ, 3, SUBQ), lambda b, t: (b, t, 0, 0, 0)),
            pl.BlockSpec((1, 1, T2 // SUBQ, 3, SUBQ), lambda b, t: (b, t, 0, 0, 0)),
            pl.BlockSpec((RPT, CW), lambda b, t: (b * NT2 + t, 0)),
        ],
        out_shape=[
            jax.ShapeDtypeStruct((nb, NT2, T2 // SUBQ, 3, SUBQ), jnp.int32),
            jax.ShapeDtypeStruct((nb, NT2, T2 // SUBQ, 3, SUBQ), jnp.float32),
            jax.ShapeDtypeStruct((nb * N1, CW), jnp.int32),
        ],
    )(xyz1, xyz2t, points1)



def _sc_interp(table, idx3, w3, nrow, nstep):
    mesh = plsc.VectorSubcoreMesh(core_axis_name="c", subcore_axis_name="s")
    cp = pltpu.CompilerParams()
    if "needs_layout_passes" in pltpu.CompilerParams.__dataclass_fields__:
        cp = dataclasses.replace(cp, needs_layout_passes=False)

    @functools.partial(
        pl.kernel,
        out_type=jax.ShapeDtypeStruct((nrow, CW), jnp.int32),
        mesh=mesh,
        compiler_params=cp,
        scratch_types=[
            pltpu.VMEM((SUBQ, CW), jnp.int32),
            pltpu.VMEM((SUBQ, CW), jnp.int32),
            pltpu.VMEM((SUBQ, CW), jnp.int32),
        ],
    )
    def run(table_hbm, idx_hbm, w_hbm, out_hbm, r0, r1, r2):
        rows = (r0, r1, r2)

        def body(idx_vm, w_vm, out_vm):
            for k in range(3):
                pltpu.sync_copy(table_hbm.at[idx_vm.at[0, k]], rows[k])

            @pl.loop(0, SUBQ)
            def _(qv):
                z16 = jnp.zeros((LANES,), jnp.int32)
                qi = jnp.full((LANES,), qv, jnp.int32)
                w = []
                for k in range(3):
                    wf = plsc.load_gather(
                        w_vm, [z16, jnp.full((LANES,), k, jnp.int32), qi]
                    )
                    w.append(
                        plsc.pack(wf, wf, format=plsc.PackFormat.INTERLEAVED)
                    )
                for c in range(CW // LANES):
                    cs = pl.ds(c * LANES, LANES)
                    acc = w[0] * plsc.bitcast(rows[0][qv, cs], jnp.bfloat16)
                    acc += w[1] * plsc.bitcast(rows[1][qv, cs], jnp.bfloat16)
                    acc += w[2] * plsc.bitcast(rows[2][qv, cs], jnp.bfloat16)
                    out_vm[qv, cs] = plsc.bitcast(acc, jnp.int32)

        pltpu.emit_pipeline(
            body,
            grid=(nstep,),
            in_specs=[
                pl.BlockSpec((1, 3, SUBQ), lambda i: (i, 0, 0)),
                pl.BlockSpec((1, 3, SUBQ), lambda i: (i, 0, 0)),
            ],
            out_specs=[pl.BlockSpec((SUBQ, CW), lambda i: (i, 0))],
            core_axis_name=("c", "s"),
            dimension_semantics=(pltpu.PARALLEL,),
        )(idx_hbm, w_hbm, out_hbm)

    return run(table, idx3, w3)



def _mlp_body(xp_ref, p_ref, w1a_ref, w1b_ref, b1_ref, w2_ref, b2_ref, o_ref):
    wd = xp_ref[...]
    x_lo = lax.bitcast_convert_type(lax.shift_left(wd, 16), jnp.float32)
    x_hi = lax.bitcast_convert_type(jnp.bitwise_and(wd, _HI), jnp.float32)
    h = jnp.dot(x_lo.astype(jnp.bfloat16), w1a_ref[:CW],
                preferred_element_type=jnp.float32)
    h += jnp.dot(x_hi.astype(jnp.bfloat16), w1a_ref[CW:],
                 preferred_element_type=jnp.float32)
    h += jnp.dot(p_ref[...].astype(jnp.bfloat16), w1b_ref[...],
                 preferred_element_type=jnp.float32)
    h = jnp.maximum(h + b1_ref[...], 0.0)
    o = jnp.dot(h.astype(jnp.bfloat16), w2_ref[...],
                preferred_element_type=jnp.float32)
    o_ref[...] = jnp.maximum(o + b2_ref[...], 0.0)


def _mlp(xp, p, w1a, w1b, b1, w2, b2):
    nrow = xp.shape[0]
    return pl.pallas_call(
        _mlp_body,
        grid=(nrow // TM,),
        in_specs=[
            pl.BlockSpec((TM, CW), lambda i: (i, 0)),
            pl.BlockSpec((TM, C2), lambda i: (i, 0)),
            pl.BlockSpec((C1, F1), lambda i: (0, 0)),
            pl.BlockSpec((C2, F1), lambda i: (0, 0)),
            pl.BlockSpec((1, F1), lambda i: (0, 0)),
            pl.BlockSpec((F1, F2), lambda i: (0, 0)),
            pl.BlockSpec((1, F2), lambda i: (0, 0)),
        ],
        out_specs=pl.BlockSpec((TM, F2), lambda i: (i, 0)),
        out_shape=jax.ShapeDtypeStruct((nrow, F2), jnp.float32),
    )(xp, p, w1a, w1b, b1, w2, b2)



GROUPS = (8, 8)


def kernel(inputs_0, inputs_1, W1, b1, W2, b2):
    xyz1 = inputs_0[:, :, 0:3]
    points1 = inputs_0[:, :, 3:]
    xyz2 = inputs_1[:, :, 0:3]
    points2 = inputs_1[:, :, 3:]
    xyz2t = jnp.transpose(xyz2, (0, 2, 1))

    w1a = W1[:C1].astype(jnp.bfloat16)
    w1b = W1[C1:].astype(jnp.bfloat16)
    w2c = W2.astype(jnp.bfloat16)
    b1r, b2r = b1.reshape(1, F1), b2.reshape(1, F2)

    hs = []
    base = 0
    for bg in GROUPS:
        sl = slice(base, base + bg)
        base += bg
        idx3, w3, table = _three_nn(xyz1[sl], xyz2t[sl], points1[sl], bg)
        nstep = (bg * N2) // SUBQ
        interp = _sc_interp(
            table,
            idx3.reshape(nstep, 3, SUBQ),
            w3.reshape(nstep, 3, SUBQ),
            bg * N2,
            nstep,
        )
        hs.append(
            _mlp(interp, points2[sl].reshape(bg * N2, C2),
                 w1a, w1b, b1r, w2c, b2r)
        )
    h = jnp.concatenate(hs, axis=0)
    return h.reshape(B, N2, F2), xyz2

# --- scband reference (transcript-rebuilt; emitter-appended) ---
"""Pipeline reference for scband-point-net2-7842610283209 (READ-ONLY COPY).

The authoritative reference and input builder live on the scoring server;
editing this copy changes nothing except your own understanding.
"""

import jax, jax.numpy as jnp
import numpy as np

B, N1, N2 = 16, 1024, 4096
C1, C2 = 256, 128
F1, F2 = 256, 256
EPS = 1e-7  # tf.keras.backend.epsilon()


def setup_inputs(seed: int = 0) -> dict:
    key = jax.random.key(seed)
    k = jax.random.split(key, 4)
    inputs_0 = jax.random.normal(k[0], (B, N1, 3 + C1), dtype=jnp.float32)
    inputs_1 = jax.random.normal(k[1], (B, N2, 3 + C2), dtype=jnp.float32)
    W1 = jax.random.normal(k[2], (C1 + C2, F1), dtype=jnp.float32) * 0.05
    b1 = jnp.zeros((F1,), dtype=jnp.float32)
    W2 = jax.random.normal(k[3], (F1, F2), dtype=jnp.float32) * 0.05
    b2 = jnp.zeros((F2,), dtype=jnp.float32)
    return {"inputs_0": inputs_0, "inputs_1": inputs_1,
            "W1": W1, "b1": b1, "W2": W2, "b2": b2}


def reference(inputs_0, inputs_1, W1, b1, W2, b2):
    # split coords / features (channels_last)
    xyz1 = inputs_0[:, :, 0:3]
    points1 = inputs_0[:, :, 3:]
    xyz2 = inputs_1[:, :, 0:3]
    points2 = inputs_1[:, :, 3:]
    # three_nn: squared distances from each xyz2 point to all xyz1 points,
    # take the 3 nearest (original CUDA op returns squared distances)
    d = jnp.sum((xyz2[:, :, None, :] - xyz1[:, None, :, :]) ** 2, axis=-1)  # [B, N2, N1]
    neg_dist, idx = jax.lax.top_k(-d, 3)  # 3 smallest distances
    dist = -neg_dist  # [B, N2, 3]
    dist = jnp.maximum(dist, EPS)
    norm = jnp.sum(1.0 / dist, axis=-1, keepdims=True)  # [B, N2, 1]
    weight = 1.0 / dist / norm  # [B, N2, 3]
    # three_interpolate: weighted sum of gathered features
    batch_idx = jnp.arange(points1.shape[0])[:, None, None]
    gathered = points1[batch_idx, idx]  # [B, N2, 3, C1]
    interpolated = jnp.sum(gathered * weight[..., None], axis=2)  # [B, N2, C1]
    new_points = jnp.concatenate([interpolated, points2], axis=-1)  # [B, N2, C1+C2]
    # MLP (1x1 Conv2D + ReLU stack == per-point dense)
    h = jax.nn.relu(new_points @ W1 + b1)
    h = jax.nn.relu(h @ W2 + b2)
    return (h, xyz2)

if __name__ == "__main__":
    import jax
    _d = setup_inputs()
    print(jax.jit(kernel)(*tuple(_d.values())))

</pallas_src>

<mosaic_0001>
#map = affine_map<(d0, d1) -> (0, 0)>
#map1 = affine_map<(d0, d1) -> (0, 0, 0)>
module attributes {stable_mosaic.version = 14 : i64} {
  func.func @run(%arg0: i32, %arg1: i32, %arg2: memref<8192x128xi32, #tpu.memory_space<hbm>>, %arg3: memref<256x3x128xi32, #tpu.memory_space<hbm>>, %arg4: memref<256x3x128xf32, #tpu.memory_space<hbm>>, %arg5: memref<32768x128xi32, #tpu.memory_space<hbm>>, %arg6: memref<128x128xi32, #tpu.memory_space<vmem>>, %arg7: memref<128x128xi32, #tpu.memory_space<vmem>>, %arg8: memref<128x128xi32, #tpu.memory_space<vmem>>) attributes {dimension_semantics = [#tpu.dimension_semantics<core_parallel>, #tpu.dimension_semantics<subcore_parallel>], iteration_bounds = array<i64: 2, 16>, scalar_prefetch = 0 : i64, scratch_operands = 3 : i64, tpu.core_type = #tpu.core_type<sc_vector_subcore>, window_params = [{transform_indices = #map}, {transform_indices = #map1}, {transform_indices = #map1}, {transform_indices = #map}]} {
    %mul3A = arith.constant 1 : i32
    %mul3A_0 = arith.muli %arg1, %mul3A : i32
    %add3A = arith.constant 0 : i32
    %add3A_1 = arith.addi %add3A, %mul3A_0 : i32
    %mul3A_2 = arith.constant 16 : i32
    %mul3A_3 = arith.muli %arg0, %mul3A_2 : i32
    %add3A_4 = arith.addi %add3A_1, %mul3A_3 : i32
    %mul3A_5 = arith.constant 8 : i32
    %mul3A_6 = arith.muli %add3A_4, %mul3A_5 : i32
    "tpu.region"() ({
      %run_scoped3A = memref.alloca() : memref<2x1x3x128xi32, #tpu.memory_space<vmem>>
      %run_scoped3A_7 = tpu.sem_alloc : memref<2x!tpu.dma_semaphore, #tpu.memory_space<semaphore_mem>>
      %run_scoped3A_8 = memref.alloca() : memref<2x1x3x128xf32, #tpu.memory_space<vmem>>
      %run_scoped3A_9 = tpu.sem_alloc : memref<2x!tpu.dma_semaphore, #tpu.memory_space<semaphore_mem>>
      %run_scoped3A_10 = memref.alloca() : memref<2x128x128xi32, #tpu.memory_space<vmem>>
      %run_scoped3A_11 = tpu.sem_alloc : memref<2x!tpu.dma_semaphore, #tpu.memory_space<semaphore_mem>>
      %add3A_12 = arith.constant 0 : i32
      %add3A_13 = arith.addi %add3A_12, %mul3A_6 : i32
      %select_n3A = arith.constant true
      %select_n3A_14 = arith.constant 0 : i32
      %select_n3A_15 = arith.constant -1 : i32
      %select_n3A_16 = arith.select %select_n3A, %select_n3A_15, %select_n3A_14 : i32
      %eq3A = arith.constant -1 : i32
      %eq3A_17 = arith.cmpi eq, %select_n3A_16, %eq3A : i32
      %select_n3A_18 = arith.constant 7 : i32
      %select_n3A_19 = arith.select %eq3A_17, %select_n3A_18, %select_n3A_16 : i32
      %add3A_20 = arith.addi %select_n3A_19, %mul3A_6 : i32
      %select_n3A_21 = arith.constant true
      %select_n3A_22 = arith.constant 0 : i32
      %select_n3A_23 = arith.constant 1 : i32
      %select_n3A_24 = arith.select %select_n3A_21, %select_n3A_23, %select_n3A_22 : i32
      %eq3A_25 = arith.constant 8 : i32
      %eq3A_26 = arith.cmpi eq, %select_n3A_24, %eq3A_25 : i32
      %select_n3A_27 = arith.constant 0 : i32
      %select_n3A_28 = arith.select %eq3A_26, %select_n3A_27, %select_n3A_24 : i32
      %add3A_29 = arith.addi %select_n3A_28, %mul3A_6 : i32
      %add3A_30 = arith.constant 1 : i32
      %add3A_31 = arith.addi %select_n3A_28, %add3A_30 : i32
      %select_n3A_32 = arith.constant true
      %select_n3A_33 = arith.select %select_n3A_32, %add3A_31, %select_n3A_28 : i32
      %eq3A_34 = arith.constant 8 : i32
      %eq3A_35 = arith.cmpi eq, %select_n3A_33, %eq3A_34 : i32
      %select_n3A_36 = arith.constant 0 : i32
      %select_n3A_37 = arith.select %eq3A_35, %select_n3A_36, %select_n3A_33 : i32
      %add3A_38 = arith.addi %select_n3A_37, %mul3A_6 : i32
      "tpu.trace_start"() <{level = 10 : i32, message = "ep_initialize_0"}> : () -> ()
      %rem3A = arith.constant 0 : i32
      %rem3A_39 = arith.constant 2 : i32
      %rem3A_40 = arith.remui %rem3A, %rem3A_39 : i32
      %mul3A_41 = arith.constant 1 : i32
      %mul3A_42 = arith.muli %mul3A_41, %add3A_13 : i32
      %dma_start3A = arith.constant 0 : i32
      %dma_start3A_43 = arith.constant 0 : i32
      %dma_start3A_44 = arith.constant 0 : i32
      %dma_start3A_45 = tpu.memref_slice %run_scoped3A[%rem3A_40, %dma_start3A, %dma_start3A_43, %dma_start3A_44] : memref<2x1x3x128xi32, #tpu.memory_space<vmem>> -> memref<1x1x3x128xi32, #tpu.memory_space<vmem>>
      %dma_start3A_46 = tpu.memref_squeeze %dma_start3A_45 : memref<1x1x3x128xi32, #tpu.memory_space<vmem>> -> memref<1x3x128xi32, #tpu.memory_space<vmem>>
      %dma_start3A_47 = arith.constant 0 : i32
      %dma_start3A_48 = arith.constant 0 : i32
      %dma_start3A_49 = tpu.memref_slice %arg3[%mul3A_42, %dma_start3A_47, %dma_start3A_48] : memref<256x3x128xi32, #tpu.memory_space<hbm>> -> memref<1x3x128xi32, #tpu.memory_space<hbm>>
      %dma_start3A_50 = tpu.memref_slice %run_scoped3A_7[%rem3A_40] : memref<2x!tpu.dma_semaphore, #tpu.memory_space<semaphore_mem>> -> memref<1x!tpu.dma_semaphore, #tpu.memory_space<semaphore_mem>>
      %dma_start3A_51 = tpu.memref_squeeze %dma_start3A_50 : memref<1x!tpu.dma_semaphore, #tpu.memory_space<semaphore_mem>> -> memref<!tpu.dma_semaphore, #tpu.memory_space<semaphore_mem>>
      %dma_start3A_52 = arith.constant 0 : i32
      %dma_start3A_53 = arith.constant 0 : i32
      %dma_start3A_54 = arith.constant 0 : i32
      %dma_start3A_55 = tpu.memref_slice %run_scoped3A[%rem3A_40, %dma_start3A_52, %dma_start3A_53, %dma_start3A_54] : memref<2x1x3x128xi32, #tpu.memory_space<vmem>> -> memref<1x1x3x128xi32, #tpu.memory_space<vmem>>
      %dma_start3A_56 = tpu.memref_squeeze %dma_start3A_55 : memref<1x1x3x128xi32, #tpu.memory_space<vmem>> -> memref<1x3x128xi32, #tpu.memory_space<vmem>>
      %dma_start3A_57 = arith.constant 0 : i32
      %dma_start3A_58 = arith.constant 0 : i32
      %dma_start3A_59 = tpu.memref_slice %arg3[%mul3A_42, %dma_start3A_57, %dma_start3A_58] : memref<256x3x128xi32, #tpu.memory_space<hbm>> -> memref<1x3x128xi32, #tpu.memory_space<hbm>>
      tpu.enqueue_dma source(%dma_start3A_59 : memref<1x3x128xi32, #tpu.memory_space<hbm>>) target(%dma_start3A_56 : memref<1x3x128xi32, #tpu.memory_space<vmem>>) target_semaphore(%dma_start3A_51 : memref<!tpu.dma_semaphore, #tpu.memory_space<semaphore_mem>>)
      %add3A_60 = arith.constant 0 : i32
      %add3A_61 = arith.constant 1 : i32
      %add3A_62 = arith.addi %add3A_60, %add3A_61 : i32
      %select_n3A_63 = arith.constant true
      %select_n3A_64 = arith.constant 0 : i32
      %select_n3A_65 = arith.select %select_n3A_63, %add3A_62, %select_n3A_64 : i32
      %rem3A_66 = arith.constant 0 : i32
      %rem3A_67 = arith.constant 2 : i32
      %rem3A_68 = arith.remui %rem3A_66, %rem3A_67 : i32
      %mul3A_69 = arith.constant 1 : i32
      %mul3A_70 = arith.muli %mul3A_69, %add3A_13 : i32
      %dma_start3A_71 = arith.constant 0 : i32
      %dma_start3A_72 = arith.constant 0 : i32
      %dma_start3A_73 = arith.constant 0 : i32
      %dma_start3A_74 = tpu.memref_slice %run_scoped3A_8[%rem3A_68, %dma_start3A_71, %dma_start3A_72, %dma_start3A_73] : memref<2x1x3x128xf32, #tpu.memory_space<vmem>> -> memref<1x1x3x128xf32, #tpu.memory_space<vmem>>
      %dma_start3A_75 = tpu.memref_squeeze %dma_start3A_74 : memref<1x1x3x128xf32, #tpu.memory_space<vmem>> -> memref<1x3x128xf32, #tpu.memory_space<vmem>>
      %dma_start3A_76 = arith.constant 0 : i32
      %dma_start3A_77 = arith.constant 0 : i32
      %dma_start3A_78 = tpu.memref_slice %arg4[%mul3A_70, %dma_start3A_76, %dma_start3A_77] : memref<256x3x128xf32, #tpu.memory_space<hbm>> -> memref<1x3x128xf32, #tpu.memory_space<hbm>>
      %dma_start3A_79 = tpu.memref_slice %run_scoped3A_9[%rem3A_68] : memref<2x!tpu.dma_semaphore, #tpu.memory_space<semaphore_mem>> -> memref<1x!tpu.dma_semaphore, #tpu.memory_space<semaphore_mem>>
      %dma_start3A_80 = tpu.memref_squeeze %dma_start3A_79 : memref<1x!tpu.dma_semaphore, #tpu.memory_space<semaphore_mem>> -> memref<!tpu.dma_semaphore, #tpu.memory_space<semaphore_mem>>
      %dma_start3A_81 = arith.constant 0 : i32
      %dma_start3A_82 = arith.constant 0 : i32
      %dma_start3A_83 = arith.constant 0 : i32
      %dma_start3A_84 = tpu.memref_slice %run_scoped3A_8[%rem3A_68, %dma_start3A_81, %dma_start3A_82, %dma_start3A_83] : memref<2x1x3x128xf32, #tpu.memory_space<vmem>> -> memref<1x1x3x128xf32, #tpu.memory_space<vmem>>
      %dma_start3A_85 = tpu.memref_squeeze %dma_start3A_84 : memref<1x1x3x128xf32, #tpu.memory_space<vmem>> -> memref<1x3x128xf32, #tpu.memory_space<vmem>>
      %dma_start3A_86 = arith.constant 0 : i32
      %dma_start3A_87 = arith.constant 0 : i32
      %dma_start3A_88 = tpu.memref_slice %arg4[%mul3A_70, %dma_start3A_86, %dma_start3A_87] : memref<256x3x128xf32, #tpu.memory_space<hbm>> -> memref<1x3x128xf32, #tpu.memory_space<hbm>>
      tpu.enqueue_dma source(%dma_start3A_88 : memref<1x3x128xf32, #tpu.memory_space<hbm>>) target(%dma_start3A_85 : memref<1x3x128xf32, #tpu.memory_space<vmem>>) target_semaphore(%dma_start3A_80 : memref<!tpu.dma_semaphore, #tpu.memory_space<semaphore_mem>>)
      %add3A_89 = arith.constant 0 : i32
      %add3A_90 = arith.constant 1 : i32
      %add3A_91 = arith.addi %add3A_89, %add3A_90 : i32
      %select_n3A_92 = arith.constant true
      %select_n3A_93 = arith.constant 0 : i32
      %select_n3A_94 = arith.select %select_n3A_92, %add3A_91, %select_n3A_93 : i32
      "tpu.trace_stop"() : () -> ()
      %scan3A = arith.constant 0 : i32
      %scan3A_95 = arith.constant 0 : i32
      %scan3A_96 = arith.constant 0 : i32
      %scan3A_97 = arith.constant 0 : i32
      %scan3A_98 = arith.constant 0 : i32
      %scan3A_99 = arith.constant 0 : i32
      %scan3A_100 = arith.constant 8 : i32
      %scan3A_101 = arith.addi %scan3A_99, %scan3A_100 : i32
      %scan3A_102 = arith.constant 1 : i32
      %scan3A_103:7 = scf.for %scan3A_157 = %scan3A_99 to %scan3A_101 step %scan3A_102 iter_args(%scan3A_158 = %select_n3A_65, %scan3A_159 = %scan3A, %scan3A_160 = %select_n3A_94, %scan3A_161 = %scan3A_95, %scan3A_162 = %scan3A_96, %scan3A_163 = %scan3A_97, %scan3A_164 = %scan3A_98) -> (i32, i32, i32, i32, i32, i32, i32)  : i32 {
        %eq3A_165 = arith.constant 0 : i32
        %eq3A_166 = arith.cmpi eq, %scan3A_157, %eq3A_165 : i32
        %eq3A_167 = arith.constant 7 : i32
        %eq3A_168 = arith.cmpi eq, %scan3A_157, %eq3A_167 : i32
        %add3A_169 = arith.addi %scan3A_164, %mul3A_6 : i32
        %sub3A_170 = arith.constant 1 : i32
        %sub3A_171 = arith.subi %scan3A_164, %sub3A_170 : i32
        %select_n3A_172 = arith.constant true
        %select_n3A_173 = arith.select %select_n3A_172, %sub3A_171, %scan3A_164 : i32
        %eq3A_174 = arith.constant -1 : i32
        %eq3A_175 = arith.cmpi eq, %select_n3A_173, %eq3A_174 : i32
        %select_n3A_176 = arith.constant 7 : i32
        %select_n3A_177 = arith.select %eq3A_175, %select_n3A_176, %select_n3A_173 : i32
        %add3A_178 = arith.addi %select_n3A_177, %mul3A_6 : i32
        %add3A_179 = arith.constant 1 : i32
        %add3A_180 = arith.addi %scan3A_164, %add3A_179 : i32
        %select_n3A_181 = arith.constant true
        %select_n3A_182 = arith.select %select_n3A_181, %add3A_180, %scan3A_164 : i32
        %eq3A_183 = arith.constant 8 : i32
        %eq3A_184 = arith.cmpi eq, %select_n3A_182, %eq3A_183 : i32
        %select_n3A_185 = arith.constant 0 : i32
        %select_n3A_186 = arith.select %eq3A_184, %select_n3A_185, %select_n3A_182 : i32
        %add3A_187 = arith.addi %select_n3A_186, %mul3A_6 : i32
        %add3A_188 = arith.constant 1 : i32
        %add3A_189 = arith.addi %select_n3A_186, %add3A_188 : i32
        %select_n3A_190 = arith.constant true
        %select_n3A_191 = arith.select %select_n3A_190, %add3A_189, %select_n3A_186 : i32
        %eq3A_192 = arith.constant 8 : i32
        %eq3A_193 = arith.cmpi eq, %select_n3A_191, %eq3A_192 : i32
        %select_n3A_194 = arith.constant 0 : i32
        %select_n3A_195 = arith.select %eq3A_193, %select_n3A_194, %select_n3A_191 : i32
        %add3A_196 = arith.addi %select_n3A_195, %mul3A_6 : i32
        %ne3A = arith.cmpi ne, %add3A_169, %add3A_187 : i32
        %or3A = arith.constant false
        %or3A_197 = arith.ori %or3A, %ne3A : i1
        %or3A_198 = arith.constant false
        %or3A_199 = arith.ori %or3A_197, %or3A_198 : i1
        %or3A_200 = arith.constant false
        %or3A_201 = arith.ori %or3A_199, %or3A_200 : i1
        %ge3A = arith.constant 7 : i32
        %ge3A_202 = arith.cmpi sge, %scan3A_157, %ge3A : i32
        %not3A = arith.constant true
        %not3A_203 = arith.xori %ge3A_202, %not3A : i1
        %and3A = arith.andi %or3A_201, %not3A_203 : i1
        %convert_element_type3A = arith.extui %and3A : i1 to i32
        %cond3A = arith.constant 0 : i32
        %cond3A_204 = arith.cmpi ne, %convert_element_type3A, %cond3A : i32
        scf.if %cond3A_204 {
          "tpu.trace_start"() <{level = 10 : i32, message = "ep_copy_in"}> : () -> ()
          %rem3A_404 = arith.constant 2 : i32
          %rem3A_405 = arith.remui %scan3A_158, %rem3A_404 : i32
          %mul3A_406 = arith.constant 1 : i32
          %mul3A_407 = arith.muli %mul3A_406, %add3A_187 : i32
          %dma_start3A_408 = arith.constant 0 : i32
          %dma_start3A_409 = arith.constant 0 : i32
          %dma_start3A_410 = arith.constant 0 : i32
          %dma_start3A_411 = tpu.memref_slice %run_scoped3A[%rem3A_405, %dma_start3A_408, %dma_start3A_409, %dma_start3A_410] : memref<2x1x3x128xi32, #tpu.memory_space<vmem>> -> memref<1x1x3x128xi32, #tpu.memory_space<vmem>>
          %dma_start3A_412 = tpu.memref_squeeze %dma_start3A_411 : memref<1x1x3x128xi32, #tpu.memory_space<vmem>> -> memref<1x3x128xi32, #tpu.memory_space<vmem>>
          %dma_start3A_413 = arith.constant 0 : i32
          %dma_start3A_414 = arith.constant 0 : i32
          %dma_start3A_415 = tpu.memref_slice %arg3[%mul3A_407, %dma_start3A_413, %dma_start3A_414] : memref<256x3x128xi32, #tpu.memory_space<hbm>> -> memref<1x3x128xi32, #tpu.memory_space<hbm>>
          %dma_start3A_416 = tpu.memref_slice %run_scoped3A_7[%rem3A_405] : memref<2x!tpu.dma_semaphore, #tpu.memory_space<semaphore_mem>> -> memref<1x!tpu.dma_semaphore, #tpu.memory_space<semaphore_mem>>
          %dma_start3A_417 = tpu.memref_squeeze %dma_start3A_416 : memref<1x!tpu.dma_semaphore, #tpu.memory_space<semaphore_mem>> -> memref<!tpu.dma_semaphore, #tpu.memory_space<semaphore_mem>>
          %dma_start3A_418 = arith.constant 0 : i32
          %dma_start3A_419 = arith.constant 0 : i32
          %dma_start3A_420 = arith.constant 0 : i32
          %dma_start3A_421 = tpu.memref_slice %run_scoped3A[%rem3A_405, %dma_start3A_418, %dma_start3A_419, %dma_start3A_420] : memref<2x1x3x128xi32, #tpu.memory_space<vmem>> -> memref<1x1x3x128xi32, #tpu.memory_space<vmem>>
          %dma_start3A_422 = tpu.memref_squeeze %dma_start3A_421 : memref<1x1x3x128xi32, #tpu.memory_space<vmem>> -> memref<1x3x128xi32, #tpu.memory_space<vmem>>
          %dma_start3A_423 = arith.constant 0 : i32
          %dma_start3A_424 = arith.constant 0 : i32
          %dma_start3A_425 = tpu.memref_slice %arg3[%mul3A_407, %dma_start3A_423, %dma_start3A_424] : memref<256x3x128xi32, #tpu.memory_space<hbm>> -> memref<1x3x128xi32, #tpu.memory_space<hbm>>
          tpu.enqueue_dma source(%dma_start3A_425 : memref<1x3x128xi32, #tpu.memory_space<hbm>>) target(%dma_start3A_422 : memref<1x3x128xi32, #tpu.memory_space<vmem>>) target_semaphore(%dma_start3A_417 : memref<!tpu.dma_semaphore, #tpu.memory_space<semaphore_mem>>)
          "tpu.trace_stop"() : () -> ()
        } else {
        }
        %and3A_205 = arith.constant true
        %and3A_206 = arith.andi %and3A, %and3A_205 : i1
        %add3A_207 = arith.constant 1 : i32
        %add3A_208 = arith.addi %scan3A_158, %add3A_207 : i32
        %select_n3A_209 = arith.select %and3A_206, %add3A_208, %scan3A_158 : i32
        %ne3A_210 = arith.cmpi ne, %add3A_169, %add3A_187 : i32
        %or3A_211 = arith.constant false
        %or3A_212 = arith.ori %or3A_211, %ne3A_210 : i1
        %or3A_213 = arith.constant false
        %or3A_214 = arith.ori %or3A_212, %or3A_213 : i1
        %or3A_215 = arith.constant false
        %or3A_216 = arith.ori %or3A_214, %or3A_215 : i1
        %ge3A_217 = arith.constant 7 : i32
        %ge3A_218 = arith.cmpi sge, %scan3A_157, %ge3A_217 : i32
        %not3A_219 = arith.constant true
        %not3A_220 = arith.xori %ge3A_218, %not3A_219 : i1
        %and3A_221 = arith.andi %or3A_216, %not3A_220 : i1
        %convert_element_type3A_222 = arith.extui %and3A_221 : i1 to i32
        %cond3A_223 = arith.constant 0 : i32
        %cond3A_224 = arith.cmpi ne, %convert_element_type3A_222, %cond3A_223 : i32
        scf.if %cond3A_224 {
          "tpu.trace_start"() <{level = 10 : i32, message = "ep_copy_in"}> : () -> ()
          %rem3A_404 = arith.constant 2 : i32
          %rem3A_405 = arith.remui %scan3A_160, %rem3A_404 : i32
          %mul3A_406 = arith.constant 1 : i32
          %mul3A_407 = arith.muli %mul3A_406, %add3A_187 : i32
          %dma_start3A_408 = arith.constant 0 : i32
          %dma_start3A_409 = arith.constant 0 : i32
          %dma_start3A_410 = arith.constant 0 : i32
          %dma_start3A_411 = tpu.memref_slice %run_scoped3A_8[%rem3A_405, %dma_start3A_408, %dma_start3A_409, %dma_start3A_410] : memref<2x1x3x128xf32, #tpu.memory_space<vmem>> -> memref<1x1x3x128xf32, #tpu.memory_space<vmem>>
          %dma_start3A_412 = tpu.memref_squeeze %dma_start3A_411 : memref<1x1x3x128xf32, #tpu.memory_space<vmem>> -> memref<1x3x128xf32, #tpu.memory_space<vmem>>
          %dma_start3A_413 = arith.constant 0 : i32
          %dma_start3A_414 = arith.constant 0 : i32
          %dma_start3A_415 = tpu.memref_slice %arg4[%mul3A_407, %dma_start3A_413, %dma_start3A_414] : memref<256x3x128xf32, #tpu.memory_space<hbm>> -> memref<1x3x128xf32, #tpu.memory_space<hbm>>
          %dma_start3A_416 = tpu.memref_slice %run_scoped3A_9[%rem3A_405] : memref<2x!tpu.dma_semaphore, #tpu.memory_space<semaphore_mem>> -> memref<1x!tpu.dma_semaphore, #tpu.memory_space<semaphore_mem>>
          %dma_start3A_417 = tpu.memref_squeeze %dma_start3A_416 : memref<1x!tpu.dma_semaphore, #tpu.memory_space<semaphore_mem>> -> memref<!tpu.dma_semaphore, #tpu.memory_space<semaphore_mem>>
          %dma_start3A_418 = arith.constant 0 : i32
          %dma_start3A_419 = arith.constant 0 : i32
          %dma_start3A_420 = arith.constant 0 : i32
          %dma_start3A_421 = tpu.memref_slice %run_scoped3A_8[%rem3A_405, %dma_start3A_418, %dma_start3A_419, %dma_start3A_420] : memref<2x1x3x128xf32, #tpu.memory_space<vmem>> -> memref<1x1x3x128xf32, #tpu.memory_space<vmem>>
          %dma_start3A_422 = tpu.memref_squeeze %dma_start3A_421 : memref<1x1x3x128xf32, #tpu.memory_space<vmem>> -> memref<1x3x128xf32, #tpu.memory_space<vmem>>
          %dma_start3A_423 = arith.constant 0 : i32
          %dma_start3A_424 = arith.constant 0 : i32
          %dma_start3A_425 = tpu.memref_slice %arg4[%mul3A_407, %dma_start3A_423, %dma_start3A_424] : memref<256x3x128xf32, #tpu.memory_space<hbm>> -> memref<1x3x128xf32, #tpu.memory_space<hbm>>
          tpu.enqueue_dma source(%dma_start3A_425 : memref<1x3x128xf32, #tpu.memory_space<hbm>>) target(%dma_start3A_422 : memref<1x3x128xf32, #tpu.memory_space<vmem>>) target_semaphore(%dma_start3A_417 : memref<!tpu.dma_semaphore, #tpu.memory_space<semaphore_mem>>)
          "tpu.trace_stop"() : () -> ()
        } else {
        }
        %and3A_225 = arith.constant true
        %and3A_226 = arith.andi %and3A_221, %and3A_225 : i1
        %add3A_227 = arith.constant 1 : i32
        %add3A_228 = arith.addi %scan3A_160, %add3A_227 : i32
        %select_n3A_229 = arith.select %and3A_226, %add3A_228, %scan3A_160 : i32
        %ne3A_230 = arith.cmpi ne, %add3A_169, %add3A_187 : i32
        %or3A_231 = arith.constant false
        %or3A_232 = arith.ori %or3A_231, %ne3A_230 : i1
        %or3A_233 = arith.constant false
        %or3A_234 = arith.ori %or3A_232, %or3A_233 : i1
        %ge3A_235 = arith.constant 7 : i32
        %ge3A_236 = arith.cmpi sge, %scan3A_157, %ge3A_235 : i32
        %not3A_237 = arith.constant true
        %not3A_238 = arith.xori %ge3A_236, %not3A_237 : i1
        %and3A_239 = arith.andi %or3A_234, %not3A_238 : i1
        %ne3A_240 = arith.cmpi ne, %add3A_169, %add3A_178 : i32
        %or3A_241 = arith.constant false
        %or3A_242 = arith.ori %or3A_241, %ne3A_240 : i1
        %or3A_243 = arith.constant false
        %or3A_244 = arith.ori %or3A_242, %or3A_243 : i1
        %or3A_245 = arith.constant false
        %or3A_246 = arith.ori %or3A_244, %or3A_245 : i1
        %or3A_247 = arith.ori %or3A_246, %eq3A_166 : i1
        %convert_element_type3A_248 = arith.extui %or3A_247 : i1 to i32
        %cond3A_249 = arith.constant 0 : i32
        %cond3A_250 = arith.cmpi ne, %convert_element_type3A_248, %cond3A_249 : i32
        scf.if %cond3A_250 {
          "tpu.trace_start"() <{level = 10 : i32, message = "ep_wait_in"}> : () -> ()
          %mul3A_404 = arith.constant 1 : i32
          %mul3A_405 = arith.muli %mul3A_404, %add3A_169 : i32
          %rem3A_406 = arith.constant 2 : i32
          %rem3A_407 = arith.remui %scan3A_159, %rem3A_406 : i32
          %dma_wait3A_408 = arith.constant 0 : i32
          %dma_wait3A_409 = arith.constant 0 : i32
          %dma_wait3A_410 = arith.constant 0 : i32
          %dma_wait3A_411 = tpu.memref_slice %run_scoped3A[%rem3A_407, %dma_wait3A_408, %dma_wait3A_409, %dma_wait3A_410] : memref<2x1x3x128xi32, #tpu.memory_space<vmem>> -> memref<1x1x3x128xi32, #tpu.memory_space<vmem>>
          %dma_wait3A_412 = tpu.memref_squeeze %dma_wait3A_411 : memref<1x1x3x128xi32, #tpu.memory_space<vmem>> -> memref<1x3x128xi32, #tpu.memory_space<vmem>>
          %dma_wait3A_413 = arith.constant 0 : i32
          %dma_wait3A_414 = arith.constant 0 : i32
          %dma_wait3A_415 = tpu.memref_slice %arg3[%mul3A_405, %dma_wait3A_413, %dma_wait3A_414] : memref<256x3x128xi32, #tpu.memory_space<hbm>> -> memref<1x3x128xi32, #tpu.memory_space<hbm>>
          %dma_wait3A_416 = tpu.memref_slice %run_scoped3A_7[%rem3A_407] : memref<2x!tpu.dma_semaphore, #tpu.memory_space<semaphore_mem>> -> memref<1x!tpu.dma_semaphore, #tpu.memory_space<semaphore_mem>>
          %dma_wait3A_417 = tpu.memref_squeeze %dma_wait3A_416 : memref<1x!tpu.dma_semaphore, #tpu.memory_space<semaphore_mem>> -> memref<!tpu.dma_semaphore, #tpu.memory_space<semaphore_mem>>
          %dma_wait3A_418 = arith.constant 0 : i32
          %dma_wait3A_419 = arith.constant 0 : i32
          %dma_wait3A_420 = arith.constant 0 : i32
          %dma_wait3A_421 = tpu.memref_slice %run_scoped3A[%rem3A_407, %dma_wait3A_418, %dma_wait3A_419, %dma_wait3A_420] : memref<2x1x3x128xi32, #tpu.memory_space<vmem>> -> memref<1x1x3x128xi32, #tpu.memory_space<vmem>>
          %dma_wait3A_422 = tpu.memref_squeeze %dma_wait3A_421 : memref<1x1x3x128xi32, #tpu.memory_space<vmem>> -> memref<1x3x128xi32, #tpu.memory_space<vmem>>
          %dma_wait3A_423 = arith.constant 0 : i32
          %dma_wait3A_424 = arith.constant 0 : i32
          %dma_wait3A_425 = tpu.memref_slice %arg3[%mul3A_405, %dma_wait3A_423, %dma_wait3A_424] : memref<256x3x128xi32, #tpu.memory_space<hbm>> -> memref<1x3x128xi32, #tpu.memory_space<hbm>>
          tpu.wait_dma2 semaphore(%dma_wait3A_417 : memref<!tpu.dma_semaphore, #tpu.memory_space<semaphore_mem>>) src(%dma_wait3A_425 : memref<1x3x128xi32, #tpu.memory_space<hbm>>) dst(%dma_wait3A_422 : memref<1x3x128xi32, #tpu.memory_space<vmem>>)
          "tpu.trace_stop"() : () -> ()
        } else {
        }
        %ne3A_251 = arith.cmpi ne, %add3A_169, %add3A_178 : i32
        %or3A_252 = arith.constant false
        %or3A_253 = arith.ori %or3A_252, %ne3A_251 : i1
        %or3A_254 = arith.constant false
        %or3A_255 = arith.ori %or3A_253, %or3A_254 : i1
        %or3A_256 = arith.constant false
        %or3A_257 = arith.ori %or3A_255, %or3A_256 : i1
        %or3A_258 = arith.ori %or3A_257, %eq3A_166 : i1
        %convert_element_type3A_259 = arith.extui %or3A_258 : i1 to i32
        %cond3A_260 = arith.constant 0 : i32
        %cond3A_261 = arith.cmpi ne, %convert_element_type3A_259, %cond3A_260 : i32
        scf.if %cond3A_261 {
          "tpu.trace_start"() <{level = 10 : i32, message = "ep_wait_in"}> : () -> ()
          %mul3A_404 = arith.constant 1 : i32
          %mul3A_405 = arith.muli %mul3A_404, %add3A_169 : i32
          %rem3A_406 = arith.constant 2 : i32
          %rem3A_407 = arith.remui %scan3A_161, %rem3A_406 : i32
          %dma_wait3A_408 = arith.constant 0 : i32
          %dma_wait3A_409 = arith.constant 0 : i32
          %dma_wait3A_410 = arith.constant 0 : i32
          %dma_wait3A_411 = tpu.memref_slice %run_scoped3A_8[%rem3A_407, %dma_wait3A_408, %dma_wait3A_409, %dma_wait3A_410] : memref<2x1x3x128xf32, #tpu.memory_space<vmem>> -> memref<1x1x3x128xf32, #tpu.memory_space<vmem>>
          %dma_wait3A_412 = tpu.memref_squeeze %dma_wait3A_411 : memref<1x1x3x128xf32, #tpu.memory_space<vmem>> -> memref<1x3x128xf32, #tpu.memory_space<vmem>>
          %dma_wait3A_413 = arith.constant 0 : i32
          %dma_wait3A_414 = arith.constant 0 : i32
          %dma_wait3A_415 = tpu.memref_slice %arg4[%mul3A_405, %dma_wait3A_413, %dma_wait3A_414] : memref<256x3x128xf32, #tpu.memory_space<hbm>> -> memref<1x3x128xf32, #tpu.memory_space<hbm>>
          %dma_wait3A_416 = tpu.memref_slice %run_scoped3A_9[%rem3A_407] : memref<2x!tpu.dma_semaphore, #tpu.memory_space<semaphore_mem>> -> memref<1x!tpu.dma_semaphore, #tpu.memory_space<semaphore_mem>>
          %dma_wait3A_417 = tpu.memref_squeeze %dma_wait3A_416 : memref<1x!tpu.dma_semaphore, #tpu.memory_space<semaphore_mem>> -> memref<!tpu.dma_semaphore, #tpu.memory_space<semaphore_mem>>
          %dma_wait3A_418 = arith.constant 0 : i32
          %dma_wait3A_419 = arith.constant 0 : i32
          %dma_wait3A_420 = arith.constant 0 : i32
          %dma_wait3A_421 = tpu.memref_slice %run_scoped3A_8[%rem3A_407, %dma_wait3A_418, %dma_wait3A_419, %dma_wait3A_420] : memref<2x1x3x128xf32, #tpu.memory_space<vmem>> -> memref<1x1x3x128xf32, #tpu.memory_space<vmem>>
          %dma_wait3A_422 = tpu.memref_squeeze %dma_wait3A_421 : memref<1x1x3x128xf32, #tpu.memory_space<vmem>> -> memref<1x3x128xf32, #tpu.memory_space<vmem>>
          %dma_wait3A_423 = arith.constant 0 : i32
          %dma_wait3A_424 = arith.constant 0 : i32
          %dma_wait3A_425 = tpu.memref_slice %arg4[%mul3A_405, %dma_wait3A_423, %dma_wait3A_424] : memref<256x3x128xf32, #tpu.memory_space<hbm>> -> memref<1x3x128xf32, #tpu.memory_space<hbm>>
          tpu.wait_dma2 semaphore(%dma_wait3A_417 : memref<!tpu.dma_semaphore, #tpu.memory_space<semaphore_mem>>) src(%dma_wait3A_425 : memref<1x3x128xf32, #tpu.memory_space<hbm>>) dst(%dma_wait3A_422 : memref<1x3x128xf32, #tpu.memory_space<vmem>>)
          "tpu.trace_stop"() : () -> ()
        } else {
        }
        %ne3A_262 = arith.cmpi ne, %add3A_169, %add3A_178 : i32
        %or3A_263 = arith.constant false
        %or3A_264 = arith.ori %or3A_263, %ne3A_262 : i1
        %or3A_265 = arith.constant false
        %or3A_266 = arith.ori %or3A_264, %or3A_265 : i1
        %or3A_267 = arith.ori %or3A_266, %eq3A_166 : i1
        %convert_element_type3A_268 = arith.extui %or3A_267 : i1 to i32
        %cond3A_269 = arith.constant 0 : i32
        %cond3A_270 = arith.cmpi ne, %convert_element_type3A_268, %cond3A_269 : i32
        scf.if %cond3A_270 {
        } else {
        }
        %rem3A_271 = arith.constant 2 : i32
        %rem3A_272 = arith.remui %scan3A_159, %rem3A_271 : i32
        %rem3A_273 = arith.constant 2 : i32
        %rem3A_274 = arith.remui %scan3A_161, %rem3A_273 : i32
        %rem3A_275 = arith.constant 2 : i32
        %rem3A_276 = arith.remui %scan3A_162, %rem3A_275 : i32
        %run_scoped3A_277 = arith.constant 0 : i32
        %run_scoped3A_278 = arith.constant 0 : i32
        "tpu.trace_start"() <{level = 10 : i32, message = "ep_run_kernel"}> : () -> ()
        "tpu.region"() ({
          %run_scoped3A_404 = tpu.sem_alloc : memref<!tpu.dma_semaphore, #tpu.memory_space<semaphore_mem>>
          %dma_start3A_405 = arith.constant 0 : i32
          %dma_start3A_406 = arith.constant 0 : i32
          %dma_start3A_407 = arith.constant 0 : i32
          %dma_start3A_408 = tpu.memref_slice %run_scoped3A[%rem3A_272, %dma_start3A_405, %dma_start3A_406, %dma_start3A_407] : memref<2x1x3x128xi32, #tpu.memory_space<vmem>> -> memref<1x1x3x128xi32, #tpu.memory_space<vmem>>
          %dma_start3A_409 = tpu.memref_squeeze %dma_start3A_408 : memref<1x1x3x128xi32, #tpu.memory_space<vmem>> -> memref<1x3x128xi32, #tpu.memory_space<vmem>>
          %dma_start3A_410 = arith.constant 0 : i32
          %dma_start3A_411 = tpu.memref_slice %dma_start3A_409[%run_scoped3A_277, %run_scoped3A_278, %dma_start3A_410] : memref<1x3x128xi32, #tpu.memory_space<vmem>> -> memref<1x1x128xi32, #tpu.memory_space<vmem>>
          %dma_start3A_412 = tpu.memref_squeeze %dma_start3A_411 : memref<1x1x128xi32, #tpu.memory_space<vmem>> -> memref<128xi32, #tpu.memory_space<vmem>>
          %dma_start3A_413 = arith.constant 0 : i32
          %dma_start3A_414 = arith.constant 0 : i32
          %dma_start3A_415 = tpu.memref_slice %arg2[%dma_start3A_413, %dma_start3A_414] : memref<8192x128xi32, #tpu.memory_space<hbm>> -> memref<8192x128xi32, #tpu.memory_space<hbm>>
          tpu.enqueue_indirect_dma source(%dma_start3A_415 : memref<8192x128xi32, #tpu.memory_space<hbm>>) target(%arg6 : memref<128x128xi32, #tpu.memory_space<vmem>>) offsets(%dma_start3A_412 : memref<128xi32, #tpu.memory_space<vmem>>) semaphore(%run_scoped3A_404 : memref<!tpu.dma_semaphore, #tpu.memory_space<semaphore_mem>>)
          %dma_wait3A_416 = arith.constant 0 : i32
          %dma_wait3A_417 = arith.constant 0 : i32
          %dma_wait3A_418 = arith.constant 0 : i32
          %dma_wait3A_419 = tpu.memref_slice %run_scoped3A[%rem3A_272, %dma_wait3A_416, %dma_wait3A_417, %dma_wait3A_418] : memref<2x1x3x128xi32, #tpu.memory_space<vmem>> -> memref<1x1x3x128xi32, #tpu.memory_space<vmem>>
          %dma_wait3A_420 = tpu.memref_squeeze %dma_wait3A_419 : memref<1x1x3x128xi32, #tpu.memory_space<vmem>> -> memref<1x3x128xi32, #tpu.memory_space<vmem>>
          %dma_wait3A_421 = arith.constant 0 : i32
          %dma_wait3A_422 = tpu.memref_slice %dma_wait3A_420[%run_scoped3A_277, %run_scoped3A_278, %dma_wait3A_421] : memref<1x3x128xi32, #tpu.memory_space<vmem>> -> memref<1x1x128xi32, #tpu.memory_space<vmem>>
          %dma_wait3A_423 = tpu.memref_squeeze %dma_wait3A_422 : memref<1x1x128xi32, #tpu.memory_space<vmem>> -> memref<128xi32, #tpu.memory_space<vmem>>
          %dma_wait3A_424 = arith.constant 0 : i32
          %dma_wait3A_425 = arith.constant 0 : i32
          %dma_wait3A_426 = tpu.memref_slice %arg2[%dma_wait3A_424, %dma_wait3A_425] : memref<8192x128xi32, #tpu.memory_space<hbm>> -> memref<8192x128xi32, #tpu.memory_space<hbm>>
          tpu.wait_indirect_dma semaphore(%run_scoped3A_404 : memref<!tpu.dma_semaphore, #tpu.memory_space<semaphore_mem>>) src(%dma_wait3A_426 : memref<8192x128xi32, #tpu.memory_space<hbm>>) dst(%arg6 : memref<128x128xi32, #tpu.memory_space<vmem>>)
          tpu.yield
        }) : () -> ()
        %run_scoped3A_279 = arith.constant 0 : i32
        %run_scoped3A_280 = arith.constant 1 : i32
        "tpu.region"() ({
          %run_scoped3A_404 = tpu.sem_alloc : memref<!tpu.dma_semaphore, #tpu.memory_space<semaphore_mem>>
          %dma_start3A_405 = arith.constant 0 : i32
          %dma_start3A_406 = arith.constant 0 : i32
          %dma_start3A_407 = arith.constant 0 : i32
          %dma_start3A_408 = tpu.memref_slice %run_scoped3A[%rem3A_272, %dma_start3A_405, %dma_start3A_406, %dma_start3A_407] : memref<2x1x3x128xi32, #tpu.memory_space<vmem>> -> memref<1x1x3x128xi32, #tpu.memory_space<vmem>>
          %dma_start3A_409 = tpu.memref_squeeze %dma_start3A_408 : memref<1x1x3x128xi32, #tpu.memory_space<vmem>> -> memref<1x3x128xi32, #tpu.memory_space<vmem>>
          %dma_start3A_410 = arith.constant 0 : i32
          %dma_start3A_411 = tpu.memref_slice %dma_start3A_409[%run_scoped3A_279, %run_scoped3A_280, %dma_start3A_410] : memref<1x3x128xi32, #tpu.memory_space<vmem>> -> memref<1x1x128xi32, #tpu.memory_space<vmem>>
          %dma_start3A_412 = tpu.memref_squeeze %dma_start3A_411 : memref<1x1x128xi32, #tpu.memory_space<vmem>> -> memref<128xi32, #tpu.memory_space<vmem>>
          %dma_start3A_413 = arith.constant 0 : i32
          %dma_start3A_414 = arith.constant 0 : i32
          %dma_start3A_415 = tpu.memref_slice %arg2[%dma_start3A_413, %dma_start3A_414] : memref<8192x128xi32, #tpu.memory_space<hbm>> -> memref<8192x128xi32, #tpu.memory_space<hbm>>
          tpu.enqueue_indirect_dma source(%dma_start3A_415 : memref<8192x128xi32, #tpu.memory_space<hbm>>) target(%arg7 : memref<128x128xi32, #tpu.memory_space<vmem>>) offsets(%dma_start3A_412 : memref<128xi32, #tpu.memory_space<vmem>>) semaphore(%run_scoped3A_404 : memref<!tpu.dma_semaphore, #tpu.memory_space<semaphore_mem>>)
          %dma_wait3A_416 = arith.constant 0 : i32
          %dma_wait3A_417 = arith.constant 0 : i32
          %dma_wait3A_418 = arith.constant 0 : i32
          %dma_wait3A_419 = tpu.memref_slice %run_scoped3A[%rem3A_272, %dma_wait3A_416, %dma_wait3A_417, %dma_wait3A_418] : memref<2x1x3x128xi32, #tpu.memory_space<vmem>> -> memref<1x1x3x128xi32, #tpu.memory_space<vmem>>
          %dma_wait3A_420 = tpu.memref_squeeze %dma_wait3A_419 : memref<1x1x3x128xi32, #tpu.memory_space<vmem>> -> memref<1x3x128xi32, #tpu.memory_space<vmem>>
          %dma_wait3A_421 = arith.constant 0 : i32
          %dma_wait3A_422 = tpu.memref_slice %dma_wait3A_420[%run_scoped3A_279, %run_scoped3A_280, %dma_wait3A_421] : memref<1x3x128xi32, #tpu.memory_space<vmem>> -> memref<1x1x128xi32, #tpu.memory_space<vmem>>
          %dma_wait3A_423 = tpu.memref_squeeze %dma_wait3A_422 : memref<1x1x128xi32, #tpu.memory_space<vmem>> -> memref<128xi32, #tpu.memory_space<vmem>>
          %dma_wait3A_424 = arith.constant 0 : i32
          %dma_wait3A_425 = arith.constant 0 : i32
          %dma_wait3A_426 = tpu.memref_slice %arg2[%dma_wait3A_424, %dma_wait3A_425] : memref<8192x128xi32, #tpu.memory_space<hbm>> -> memref<8192x128xi32, #tpu.memory_space<hbm>>
          tpu.wait_indirect_dma semaphore(%run_scoped3A_404 : memref<!tpu.dma_semaphore, #tpu.memory_space<semaphore_mem>>) src(%dma_wait3A_426 : memref<8192x128xi32, #tpu.memory_space<hbm>>) dst(%arg7 : memref<128x128xi32, #tpu.memory_space<vmem>>)
          tpu.yield
        }) : () -> ()
        %run_scoped3A_281 = arith.constant 0 : i32
        %run_scoped3A_282 = arith.constant 2 : i32
        "tpu.region"() ({
          %run_scoped3A_404 = tpu.sem_alloc : memref<!tpu.dma_semaphore, #tpu.memory_space<semaphore_mem>>
          %dma_start3A_405 = arith.constant 0 : i32
          %dma_start3A_406 = arith.constant 0 : i32
          %dma_start3A_407 = arith.constant 0 : i32
          %dma_start3A_408 = tpu.memref_slice %run_scoped3A[%rem3A_272, %dma_start3A_405, %dma_start3A_406, %dma_start3A_407] : memref<2x1x3x128xi32, #tpu.memory_space<vmem>> -> memref<1x1x3x128xi32, #tpu.memory_space<vmem>>
          %dma_start3A_409 = tpu.memref_squeeze %dma_start3A_408 : memref<1x1x3x128xi32, #tpu.memory_space<vmem>> -> memref<1x3x128xi32, #tpu.memory_space<vmem>>
          %dma_start3A_410 = arith.constant 0 : i32
          %dma_start3A_411 = tpu.memref_slice %dma_start3A_409[%run_scoped3A_281, %run_scoped3A_282, %dma_start3A_410] : memref<1x3x128xi32, #tpu.memory_space<vmem>> -> memref<1x1x128xi32, #tpu.memory_space<vmem>>
          %dma_start3A_412 = tpu.memref_squeeze %dma_start3A_411 : memref<1x1x128xi32, #tpu.memory_space<vmem>> -> memref<128xi32, #tpu.memory_space<vmem>>
          %dma_start3A_413 = arith.constant 0 : i32
          %dma_start3A_414 = arith.constant 0 : i32
          %dma_start3A_415 = tpu.memref_slice %arg2[%dma_start3A_413, %dma_start3A_414] : memref<8192x128xi32, #tpu.memory_space<hbm>> -> memref<8192x128xi32, #tpu.memory_space<hbm>>
          tpu.enqueue_indirect_dma source(%dma_start3A_415 : memref<8192x128xi32, #tpu.memory_space<hbm>>) target(%arg8 : memref<128x128xi32, #tpu.memory_space<vmem>>) offsets(%dma_start3A_412 : memref<128xi32, #tpu.memory_space<vmem>>) semaphore(%run_scoped3A_404 : memref<!tpu.dma_semaphore, #tpu.memory_space<semaphore_mem>>)
          %dma_wait3A_416 = arith.constant 0 : i32
          %dma_wait3A_417 = arith.constant 0 : i32
          %dma_wait3A_418 = arith.constant 0 : i32
          %dma_wait3A_419 = tpu.memref_slice %run_scoped3A[%rem3A_272, %dma_wait3A_416, %dma_wait3A_417, %dma_wait3A_418] : memref<2x1x3x128xi32, #tpu.memory_space<vmem>> -> memref<1x1x3x128xi32, #tpu.memory_space<vmem>>
          %dma_wait3A_420 = tpu.memref_squeeze %dma_wait3A_419 : memref<1x1x3x128xi32, #tpu.memory_space<vmem>> -> memref<1x3x128xi32, #tpu.memory_space<vmem>>
          %dma_wait3A_421 = arith.constant 0 : i32
          %dma_wait3A_422 = tpu.memref_slice %dma_wait3A_420[%run_scoped3A_281, %run_scoped3A_282, %dma_wait3A_421] : memref<1x3x128xi32, #tpu.memory_space<vmem>> -> memref<1x1x128xi32, #tpu.memory_space<vmem>>
          %dma_wait3A_423 = tpu.memref_squeeze %dma_wait3A_422 : memref<1x1x128xi32, #tpu.memory_space<vmem>> -> memref<128xi32, #tpu.memory_space<vmem>>
          %dma_wait3A_424 = arith.constant 0 : i32
          %dma_wait3A_425 = arith.constant 0 : i32
          %dma_wait3A_426 = tpu.memref_slice %arg2[%dma_wait3A_424, %dma_wait3A_425] : memref<8192x128xi32, #tpu.memory_space<hbm>> -> memref<8192x128xi32, #tpu.memory_space<hbm>>
          tpu.wait_indirect_dma semaphore(%run_scoped3A_404 : memref<!tpu.dma_semaphore, #tpu.memory_space<semaphore_mem>>) src(%dma_wait3A_426 : memref<8192x128xi32, #tpu.memory_space<hbm>>) dst(%arg8 : memref<128x128xi32, #tpu.memory_space<vmem>>)
          tpu.yield
        }) : () -> ()
        %scan3A_283 = arith.constant 0 : i32
        %scan3A_284 = arith.constant 128 : i32
        %scan3A_285 = arith.addi %scan3A_283, %scan3A_284 : i32
        %scan3A_286 = arith.constant 1 : i32
        scf.for %scan3A_404 = %scan3A_283 to %scan3A_285 step %scan3A_286  : i32 {
          %mul3A_405 = arith.constant 1 : i32
          %mul3A_406 = arith.muli %scan3A_404, %mul3A_405 : i32
          %add3A_407 = arith.constant 0 : i32
          %add3A_408 = arith.addi %add3A_407, %mul3A_406 : i32
          %broadcast_in_dim3A = arith.constant 0 : i32
          %broadcast_in_dim3A_409 = vector.broadcast %broadcast_in_dim3A : i32 to vector<16xi32>
          %broadcast_in_dim3A_410 = vector.broadcast %add3A_408 : i32 to vector<16xi32>
          %broadcast_in_dim3A_411 = arith.constant 0 : i32
          %broadcast_in_dim3A_412 = vector.broadcast %broadcast_in_dim3A_411 : i32 to vector<16xi32>
          %gather3A = arith.constant 0 : i32
          %gather3A_413 = arith.constant 0 : i32
          %gather3A_414 = arith.constant 0 : i32
          %gather3A_415 = tpu.memref_slice %run_scoped3A_8[%rem3A_274, %gather3A, %gather3A_413, %gather3A_414] : memref<2x1x3x128xf32, #tpu.memory_space<vmem>> -> memref<1x1x3x128xf32, #tpu.memory_space<vmem>>
          %gather3A_416 = tpu.memref_squeeze %gather3A_415 : memref<1x1x3x128xf32, #tpu.memory_space<vmem>> -> memref<1x3x128xf32, #tpu.memory_space<vmem>>
          %gather3A_417 = tpu.vector_load_idx %gather3A_416[%broadcast_in_dim3A_409, %broadcast_in_dim3A_412, %broadcast_in_dim3A_410] : memref<1x3x128xf32, #tpu.memory_space<vmem>>[vector<16xi32>, vector<16xi32>, vector<16xi32>], vector<16xf32>,
          %pack3A = tpu.pack_subelements %gather3A_417, %gather3A_417 {pack_format = #tpu.pack_format<interleaved>, positions = array<i32: 0, 1>} : vector<16xf32>, vector<16xf32> -> vector<32xbf16>
          %broadcast_in_dim3A_418 = arith.constant 1 : i32
          %broadcast_in_dim3A_419 = vector.broadcast %broadcast_in_dim3A_418 : i32 to vector<16xi32>
          %gather3A_420 = arith.constant 0 : i32
          %gather3A_421 = arith.constant 0 : i32
          %gather3A_422 = arith.constant 0 : i32
          %gather3A_423 = tpu.memref_slice %run_scoped3A_8[%rem3A_274, %gather3A_420, %gather3A_421, %gather3A_422] : memref<2x1x3x128xf32, #tpu.memory_space<vmem>> -> memref<1x1x3x128xf32, #tpu.memory_space<vmem>>
          %gather3A_424 = tpu.memref_squeeze %gather3A_423 : memref<1x1x3x128xf32, #tpu.memory_space<vmem>> -> memref<1x3x128xf32, #tpu.memory_space<vmem>>
          %gather3A_425 = tpu.vector_load_idx %gather3A_424[%broadcast_in_dim3A_409, %broadcast_in_dim3A_419, %broadcast_in_dim3A_410] : memref<1x3x128xf32, #tpu.memory_space<vmem>>[vector<16xi32>, vector<16xi32>, vector<16xi32>], vector<16xf32>,
          %pack3A_426 = tpu.pack_subelements %gather3A_425, %gather3A_425 {pack_format = #tpu.pack_format<interleaved>, positions = array<i32: 0, 1>} : vector<16xf32>, vector<16xf32> -> vector<32xbf16>
          %broadcast_in_dim3A_427 = arith.constant 2 : i32
          %broadcast_in_dim3A_428 = vector.broadcast %broadcast_in_dim3A_427 : i32 to vector<16xi32>
          %gather3A_429 = arith.constant 0 : i32
          %gather3A_430 = arith.constant 0 : i32
          %gather3A_431 = arith.constant 0 : i32
          %gather3A_432 = tpu.memref_slice %run_scoped3A_8[%rem3A_274, %gather3A_429, %gather3A_430, %gather3A_431] : memref<2x1x3x128xf32, #tpu.memory_space<vmem>> -> memref<1x1x3x128xf32, #tpu.memory_space<vmem>>
          %gather3A_433 = tpu.memref_squeeze %gather3A_432 : memref<1x1x3x128xf32, #tpu.memory_space<vmem>> -> memref<1x3x128xf32, #tpu.memory_space<vmem>>
          %gather3A_434 = tpu.vector_load_idx %gather3A_433[%broadcast_in_dim3A_409, %broadcast_in_dim3A_428, %broadcast_in_dim3A_410] : memref<1x3x128xf32, #tpu.memory_space<vmem>>[vector<16xi32>, vector<16xi32>, vector<16xi32>], vector<16xf32>,
          %pack3A_435 = tpu.pack_subelements %gather3A_434, %gather3A_434 {pack_format = #tpu.pack_format<interleaved>, positions = array<i32: 0, 1>} : vector<16xf32>, vector<16xf32> -> vector<32xbf16>
          %get3A = arith.index_cast %add3A_408 : i32 to index
          %get3A_436 = arith.constant 0 : index
          %get3A_437 = tpu.vector_load %arg6[%get3A, %get3A_436] {strides = array<i32>} : memref<128x128xi32, #tpu.memory_space<vmem>>, vector<16xi32>,
          %bitcast3A = vector.bitcast %get3A_437 : vector<16xi32> to vector<32xbf16>
          %mul3A_438 = arith.mulf %pack3A, %bitcast3A : vector<32xbf16>
          %get3A_439 = arith.index_cast %add3A_408 : i32 to index
          %get3A_440 = arith.constant 0 : index
          %get3A_441 = tpu.vector_load %arg7[%get3A_439, %get3A_440] {strides = array<i32>} : memref<128x128xi32, #tpu.memory_space<vmem>>, vector<16xi32>,
          %bitcast3A_442 = vector.bitcast %get3A_441 : vector<16xi32> to vector<32xbf16>
          %mul3A_443 = arith.mulf %pack3A_426, %bitcast3A_442 : vector<32xbf16>
          %add3A_444 = arith.addf %mul3A_438, %mul3A_443 : vector<32xbf16>
          %get3A_445 = arith.index_cast %add3A_408 : i32 to index
          %get3A_446 = arith.constant 0 : index
          %get3A_447 = tpu.vector_load %arg8[%get3A_445, %get3A_446] {strides = array<i32>} : memref<128x128xi32, #tpu.memory_space<vmem>>, vector<16xi32>,
          %bitcast3A_448 = vector.bitcast %get3A_447 : vector<16xi32> to vector<32xbf16>
          %mul3A_449 = arith.mulf %pack3A_435, %bitcast3A_448 : vector<32xbf16>
          %add3A_450 = arith.addf %add3A_444, %mul3A_449 : vector<32xbf16>
          %bitcast3A_451 = vector.bitcast %add3A_450 : vector<32xbf16> to vector<16xi32>
          %swap3A = arith.constant 0 : i32
          %swap3A_452 = arith.constant 0 : i32
          %swap3A_453 = tpu.memref_slice %run_scoped3A_10[%rem3A_276, %swap3A, %swap3A_452] : memref<2x128x128xi32, #tpu.memory_space<vmem>> -> memref<1x128x128xi32, #tpu.memory_space<vmem>>
          %swap3A_454 = tpu.memref_squeeze %swap3A_453 : memref<1x128x128xi32, #tpu.memory_space<vmem>> -> memref<128x128xi32, #tpu.memory_space<vmem>>
          %swap3A_455 = arith.index_cast %add3A_408 : i32 to index
          %swap3A_456 = arith.constant 0 : index
          %swap3A_457 = tpu.vector_load %swap3A_454[%swap3A_455, %swap3A_456] {strides = array<i32>} : memref<128x128xi32, #tpu.memory_space<vmem>>, vector<16xi32>,
          tpu.vector_store %swap3A_454[%swap3A_455, %swap3A_456], %bitcast3A_451 {strides = array<i32>} : memref<128x128xi32, #tpu.memory_space<vmem>>, vector<16xi32>,
          %get3A_458 = arith.index_cast %add3A_408 : i32 to index
          %get3A_459 = arith.constant 16 : index
          %get3A_460 = tpu.vector_load %arg6[%get3A_458, %get3A_459] {strides = array<i32>} : memref<128x128xi32, #tpu.memory_space<vmem>>, vector<16xi32>,
          %bitcast3A_461 = vector.bitcast %get3A_460 : vector<16xi32> to vector<32xbf16>
          %mul3A_462 = arith.mulf %pack3A, %bitcast3A_461 : vector<32xbf16>
          %get3A_463 = arith.index_cast %add3A_408 : i32 to index
          %get3A_464 = arith.constant 16 : index
          %get3A_465 = tpu.vector_load %arg7[%get3A_463, %get3A_464] {strides = array<i32>} : memref<128x128xi32, #tpu.memory_space<vmem>>, vector<16xi32>,
          %bitcast3A_466 = vector.bitcast %get3A_465 : vector<16xi32> to vector<32xbf16>
          %mul3A_467 = arith.mulf %pack3A_426, %bitcast3A_466 : vector<32xbf16>
          %add3A_468 = arith.addf %mul3A_462, %mul3A_467 : vector<32xbf16>
          %get3A_469 = arith.index_cast %add3A_408 : i32 to index
          %get3A_470 = arith.constant 16 : index
          %get3A_471 = tpu.vector_load %arg8[%get3A_469, %get3A_470] {strides = array<i32>} : memref<128x128xi32, #tpu.memory_space<vmem>>, vector<16xi32>,
          %bitcast3A_472 = vector.bitcast %get3A_471 : vector<16xi32> to vector<32xbf16>
          %mul3A_473 = arith.mulf %pack3A_435, %bitcast3A_472 : vector<32xbf16>
          %add3A_474 = arith.addf %add3A_468, %mul3A_473 : vector<32xbf16>
          %bitcast3A_475 = vector.bitcast %add3A_474 : vector<32xbf16> to vector<16xi32>
          %swap3A_476 = arith.constant 0 : i32
          %swap3A_477 = arith.constant 0 : i32
          %swap3A_478 = tpu.memref_slice %run_scoped3A_10[%rem3A_276, %swap3A_476, %swap3A_477] : memref<2x128x128xi32, #tpu.memory_space<vmem>> -> memref<1x128x128xi32, #tpu.memory_space<vmem>>
          %swap3A_479 = tpu.memref_squeeze %swap3A_478 : memref<1x128x128xi32, #tpu.memory_space<vmem>> -> memref<128x128xi32, #tpu.memory_space<vmem>>
          %swap3A_480 = arith.index_cast %add3A_408 : i32 to index
          %swap3A_481 = arith.constant 16 : index
          %swap3A_482 = tpu.vector_load %swap3A_479[%swap3A_480, %swap3A_481] {strides = array<i32>} : memref<128x128xi32, #tpu.memory_space<vmem>>, vector<16xi32>,
          tpu.vector_store %swap3A_479[%swap3A_480, %swap3A_481], %bitcast3A_475 {strides = array<i32>} : memref<128x128xi32, #tpu.memory_space<vmem>>, vector<16xi32>,
          %get3A_483 = arith.index_cast %add3A_408 : i32 to index
          %get3A_484 = arith.constant 32 : index
          %get3A_485 = tpu.vector_load %arg6[%get3A_483, %get3A_484] {strides = array<i32>} : memref<128x128xi32, #tpu.memory_space<vmem>>, vector<16xi32>,
          %bitcast3A_486 = vector.bitcast %get3A_485 : vector<16xi32> to vector<32xbf16>
          %mul3A_487 = arith.mulf %pack3A, %bitcast3A_486 : vector<32xbf16>
          %get3A_488 = arith.index_cast %add3A_408 : i32 to index
          %get3A_489 = arith.constant 32 : index
          %get3A_490 = tpu.vector_load %arg7[%get3A_488, %get3A_489] {strides = array<i32>} : memref<128x128xi32, #tpu.memory_space<vmem>>, vector<16xi32>,
          %bitcast3A_491 = vector.bitcast %get3A_490 : vector<16xi32> to vector<32xbf16>
          %mul3A_492 = arith.mulf %pack3A_426, %bitcast3A_491 : vector<32xbf16>
          %add3A_493 = arith.addf %mul3A_487, %mul3A_492 : vector<32xbf16>
          %get3A_494 = arith.index_cast %add3A_408 : i32 to index
          %get3A_495 = arith.constant 32 : index
          %get3A_496 = tpu.vector_load %arg8[%get3A_494, %get3A_495] {strides = array<i32>} : memref<128x128xi32, #tpu.memory_space<vmem>>, vector<16xi32>,
          %bitcast3A_497 = vector.bitcast %get3A_496 : vector<16xi32> to vector<32xbf16>
          %mul3A_498 = arith.mulf %pack3A_435, %bitcast3A_497 : vector<32xbf16>
          %add3A_499 = arith.addf %add3A_493, %mul3A_498 : vector<32xbf16>
          %bitcast3A_500 = vector.bitcast %add3A_499 : vector<32xbf16> to vector<16xi32>
          %swap3A_501 = arith.constant 0 : i32
          %swap3A_502 = arith.constant 0 : i32
          %swap3A_503 = tpu.memref_slice %run_scoped3A_10[%rem3A_276, %swap3A_501, %swap3A_502] : memref<2x128x128xi32, #tpu.memory_space<vmem>> -> memref<1x128x128xi32, #tpu.memory_space<vmem>>
          %swap3A_504 = tpu.memref_squeeze %swap3A_503 : memref<1x128x128xi32, #tpu.memory_space<vmem>> -> memref<128x128xi32, #tpu.memory_space<vmem>>
          %swap3A_505 = arith.index_cast %add3A_408 : i32 to index
          %swap3A_506 = arith.constant 32 : index
          %swap3A_507 = tpu.vector_load %swap3A_504[%swap3A_505, %swap3A_506] {strides = array<i32>} : memref<128x128xi32, #tpu.memory_space<vmem>>, vector<16xi32>,
          tpu.vector_store %swap3A_504[%swap3A_505, %swap3A_506], %bitcast3A_500 {strides = array<i32>} : memref<128x128xi32, #tpu.memory_space<vmem>>, vector<16xi32>,
          %get3A_508 = arith.index_cast %add3A_408 : i32 to index
          %get3A_509 = arith.constant 48 : index
          %get3A_510 = tpu.vector_load %arg6[%get3A_508, %get3A_509] {strides = array<i32>} : memref<128x128xi32, #tpu.memory_space<vmem>>, vector<16xi32>,
          %bitcast3A_511 = vector.bitcast %get3A_510 : vector<16xi32> to vector<32xbf16>
          %mul3A_512 = arith.mulf %pack3A, %bitcast3A_511 : vector<32xbf16>
          %get3A_513 = arith.index_cast %add3A_408 : i32 to index
          %get3A_514 = arith.constant 48 : index
          %get3A_515 = tpu.vector_load %arg7[%get3A_513, %get3A_514] {strides = array<i32>} : memref<128x128xi32, #tpu.memory_space<vmem>>, vector<16xi32>,
          %bitcast3A_516 = vector.bitcast %get3A_515 : vector<16xi32> to vector<32xbf16>
          %mul3A_517 = arith.mulf %pack3A_426, %bitcast3A_516 : vector<32xbf16>
          %add3A_518 = arith.addf %mul3A_512, %mul3A_517 : vector<32xbf16>
          %get3A_519 = arith.index_cast %add3A_408 : i32 to index
          %get3A_520 = arith.constant 48 : index
          %get3A_521 = tpu.vector_load %arg8[%get3A_519, %get3A_520] {strides = array<i32>} : memref<128x128xi32, #tpu.memory_space<vmem>>, vector<16xi32>,
          %bitcast3A_522 = vector.bitcast %get3A_521 : vector<16xi32> to vector<32xbf16>
          %mul3A_523 = arith.mulf %pack3A_435, %bitcast3A_522 : vector<32xbf16>
          %add3A_524 = arith.addf %add3A_518, %mul3A_523 : vector<32xbf16>
          %bitcast3A_525 = vector.bitcast %add3A_524 : vector<32xbf16> to vector<16xi32>
          %swap3A_526 = arith.constant 0 : i32
          %swap3A_527 = arith.constant 0 : i32
          %swap3A_528 = tpu.memref_slice %run_scoped3A_10[%rem3A_276, %swap3A_526, %swap3A_527] : memref<2x128x128xi32, #tpu.memory_space<vmem>> -> memref<1x128x128xi32, #tpu.memory_space<vmem>>
          %swap3A_529 = tpu.memref_squeeze %swap3A_528 : memref<1x128x128xi32, #tpu.memory_space<vmem>> -> memref<128x128xi32, #tpu.memory_space<vmem>>
          %swap3A_530 = arith.index_cast %add3A_408 : i32 to index
          %swap3A_531 = arith.constant 48 : index
          %swap3A_532 = tpu.vector_load %swap3A_529[%swap3A_530, %swap3A_531] {strides = array<i32>} : memref<128x128xi32, #tpu.memory_space<vmem>>, vector<16xi32>,
          tpu.vector_store %swap3A_529[%swap3A_530, %swap3A_531], %bitcast3A_525 {strides = array<i32>} : memref<128x128xi32, #tpu.memory_space<vmem>>, vector<16xi32>,
          %get3A_533 = arith.index_cast %add3A_408 : i32 to index
          %get3A_534 = arith.constant 64 : index
          %get3A_535 = tpu.vector_load %arg6[%get3A_533, %get3A_534] {strides = array<i32>} : memref<128x128xi32, #tpu.memory_space<vmem>>, vector<16xi32>,
          %bitcast3A_536 = vector.bitcast %get3A_535 : vector<16xi32> to vector<32xbf16>
          %mul3A_537 = arith.mulf %pack3A, %bitcast3A_536 : vector<32xbf16>
          %get3A_538 = arith.index_cast %add3A_408 : i32 to index
          %get3A_539 = arith.constant 64 : index
          %get3A_540 = tpu.vector_load %arg7[%get3A_538, %get3A_539] {strides = array<i32>} : memref<128x128xi32, #tpu.memory_space<vmem>>, vector<16xi32>,
          %bitcast3A_541 = vector.bitcast %get3A_540 : vector<16xi32> to vector<32xbf16>
          %mul3A_542 = arith.mulf %pack3A_426, %bitcast3A_541 : vector<32xbf16>
          %add3A_543 = arith.addf %mul3A_537, %mul3A_542 : vector<32xbf16>
          %get3A_544 = arith.index_cast %add3A_408 : i32 to index
          %get3A_545 = arith.constant 64 : index
          %get3A_546 = tpu.vector_load %arg8[%get3A_544, %get3A_545] {strides = array<i32>} : memref<128x128xi32, #tpu.memory_space<vmem>>, vector<16xi32>,
          %bitcast3A_547 = vector.bitcast %get3A_546 : vector<16xi32> to vector<32xbf16>
          %mul3A_548 = arith.mulf %pack3A_435, %bitcast3A_547 : vector<32xbf16>
          %add3A_549 = arith.addf %add3A_543, %mul3A_548 : vector<32xbf16>
          %bitcast3A_550 = vector.bitcast %add3A_549 : vector<32xbf16> to vector<16xi32>
          %swap3A_551 = arith.constant 0 : i32
          %swap3A_552 = arith.constant 0 : i32
          %swap3A_553 = tpu.memref_slice %run_scoped3A_10[%rem3A_276, %swap3A_551, %swap3A_552] : memref<2x128x128xi32, #tpu.memory_space<vmem>> -> memref<1x128x128xi32, #tpu.memory_space<vmem>>
          %swap3A_554 = tpu.memref_squeeze %swap3A_553 : memref<1x128x128xi32, #tpu.memory_space<vmem>> -> memref<128x128xi32, #tpu.memory_space<vmem>>
          %swap3A_555 = arith.index_cast %add3A_408 : i32 to index
          %swap3A_556 = arith.constant 64 : index
          %swap3A_557 = tpu.vector_load %swap3A_554[%swap3A_555, %swap3A_556] {strides = array<i32>} : memref<128x128xi32, #tpu.memory_space<vmem>>, vector<16xi32>,
          tpu.vector_store %swap3A_554[%swap3A_555, %swap3A_556], %bitcast3A_550 {strides = array<i32>} : memref<128x128xi32, #tpu.memory_space<vmem>>, vector<16xi32>,
          %get3A_558 = arith.index_cast %add3A_408 : i32 to index
          %get3A_559 = arith.constant 80 : index
          %get3A_560 = tpu.vector_load %arg6[%get3A_558, %get3A_559] {strides = array<i32>} : memref<128x128xi32, #tpu.memory_space<vmem>>, vector<16xi32>,
          %bitcast3A_561 = vector.bitcast %get3A_560 : vector<16xi32> to vector<32xbf16>
          %mul3A_562 = arith.mulf %pack3A, %bitcast3A_561 : vector<32xbf16>
          %get3A_563 = arith.index_cast %add3A_408 : i32 to index
          %get3A_564 = arith.constant 80 : index
          %get3A_565 = tpu.vector_load %arg7[%get3A_563, %get3A_564] {strides = array<i32>} : memref<128x128xi32, #tpu.memory_space<vmem>>, vector<16xi32>,
          %bitcast3A_566 = vector.bitcast %get3A_565 : vector<16xi32> to vector<32xbf16>
          %mul3A_567 = arith.mulf %pack3A_426, %bitcast3A_566 : vector<32xbf16>
          %add3A_568 = arith.addf %mul3A_562, %mul3A_567 : vector<32xbf16>
          %get3A_569 = arith.index_cast %add3A_408 : i32 to index
          %get3A_570 = arith.constant 80 : index
          %get3A_571 = tpu.vector_load %arg8[%get3A_569, %get3A_570] {strides = array<i32>} : memref<128x128xi32, #tpu.memory_space<vmem>>, vector<16xi32>,
          %bitcast3A_572 = vector.bitcast %get3A_571 : vector<16xi32> to vector<32xbf16>
          %mul3A_573 = arith.mulf %pack3A_435, %bitcast3A_572 : vector<32xbf16>
          %add3A_574 = arith.addf %add3A_568, %mul3A_573 : vector<32xbf16>
          %bitcast3A_575 = vector.bitcast %add3A_574 : vector<32xbf16> to vector<16xi32>
          %swap3A_576 = arith.constant 0 : i32
          %swap3A_577 = arith.constant 0 : i32
          %swap3A_578 = tpu.memref_slice %run_scoped3A_10[%rem3A_276, %swap3A_576, %swap3A_577] : memref<2x128x128xi32, #tpu.memory_space<vmem>> -> memref<1x128x128xi32, #tpu.memory_space<vmem>>
          %swap3A_579 = tpu.memref_squeeze %swap3A_578 : memref<1x128x128xi32, #tpu.memory_space<vmem>> -> memref<128x128xi32, #tpu.memory_space<vmem>>
          %swap3A_580 = arith.index_cast %add3A_408 : i32 to index
          %swap3A_581 = arith.constant 80 : index
          %swap3A_582 = tpu.vector_load %swap3A_579[%swap3A_580, %swap3A_581] {strides = array<i32>} : memref<128x128xi32, #tpu.memory_space<vmem>>, vector<16xi32>,
          tpu.vector_store %swap3A_579[%swap3A_580, %swap3A_581], %bitcast3A_575 {strides = array<i32>} : memref<128x128xi32, #tpu.memory_space<vmem>>, vector<16xi32>,
          %get3A_583 = arith.index_cast %add3A_408 : i32 to index
          %get3A_584 = arith.constant 96 : index
          %get3A_585 = tpu.vector_load %arg6[%get3A_583, %get3A_584] {strides = array<i32>} : memref<128x128xi32, #tpu.memory_space<vmem>>, vector<16xi32>,
          %bitcast3A_586 = vector.bitcast %get3A_585 : vector<16xi32> to vector<32xbf16>
          %mul3A_587 = arith.mulf %pack3A, %bitcast3A_586 : vector<32xbf16>
          %get3A_588 = arith.index_cast %add3A_408 : i32 to index
          %get3A_589 = arith.constant 96 : index
          %get3A_590 = tpu.vector_load %arg7[%get3A_588, %get3A_589] {strides = array<i32>} : memref<128x128xi32, #tpu.memory_space<vmem>>, vector<16xi32>,
          %bitcast3A_591 = vector.bitcast %get3A_590 : vector<16xi32> to vector<32xbf16>
          %mul3A_592 = arith.mulf %pack3A_426, %bitcast3A_591 : vector<32xbf16>
          %add3A_593 = arith.addf %mul3A_587, %mul3A_592 : vector<32xbf16>
          %get3A_594 = arith.index_cast %add3A_408 : i32 to index
          %get3A_595 = arith.constant 96 : index
          %get3A_596 = tpu.vector_load %arg8[%get3A_594, %get3A_595] {strides = array<i32>} : memref<128x128xi32, #tpu.memory_space<vmem>>, vector<16xi32>,
          %bitcast3A_597 = vector.bitcast %get3A_596 : vector<16xi32> to vector<32xbf16>
          %mul3A_598 = arith.mulf %pack3A_435, %bitcast3A_597 : vector<32xbf16>
          %add3A_599 = arith.addf %add3A_593, %mul3A_598 : vector<32xbf16>
          %bitcast3A_600 = vector.bitcast %add3A_599 : vector<32xbf16> to vector<16xi32>
          %swap3A_601 = arith.constant 0 : i32
          %swap3A_602 = arith.constant 0 : i32
          %swap3A_603 = tpu.memref_slice %run_scoped3A_10[%rem3A_276, %swap3A_601, %swap3A_602] : memref<2x128x128xi32, #tpu.memory_space<vmem>> -> memref<1x128x128xi32, #tpu.memory_space<vmem>>
          %swap3A_604 = tpu.memref_squeeze %swap3A_603 : memref<1x128x128xi32, #tpu.memory_space<vmem>> -> memref<128x128xi32, #tpu.memory_space<vmem>>
          %swap3A_605 = arith.index_cast %add3A_408 : i32 to index
          %swap3A_606 = arith.constant 96 : index
          %swap3A_607 = tpu.vector_load %swap3A_604[%swap3A_605, %swap3A_606] {strides = array<i32>} : memref<128x128xi32, #tpu.memory_space<vmem>>, vector<16xi32>,
          tpu.vector_store %swap3A_604[%swap3A_605, %swap3A_606], %bitcast3A_600 {strides = array<i32>} : memref<128x128xi32, #tpu.memory_space<vmem>>, vector<16xi32>,
          %get3A_608 = arith.index_cast %add3A_408 : i32 to index
          %get3A_609 = arith.constant 112 : index
          %get3A_610 = tpu.vector_load %arg6[%get3A_608, %get3A_609] {strides = array<i32>} : memref<128x128xi32, #tpu.memory_space<vmem>>, vector<16xi32>,
          %bitcast3A_611 = vector.bitcast %get3A_610 : vector<16xi32> to vector<32xbf16>
          %mul3A_612 = arith.mulf %pack3A, %bitcast3A_611 : vector<32xbf16>
          %get3A_613 = arith.index_cast %add3A_408 : i32 to index
          %get3A_614 = arith.constant 112 : index
          %get3A_615 = tpu.vector_load %arg7[%get3A_613, %get3A_614] {strides = array<i32>} : memref<128x128xi32, #tpu.memory_space<vmem>>, vector<16xi32>,
          %bitcast3A_616 = vector.bitcast %get3A_615 : vector<16xi32> to vector<32xbf16>
          %mul3A_617 = arith.mulf %pack3A_426, %bitcast3A_616 : vector<32xbf16>
          %add3A_618 = arith.addf %mul3A_612, %mul3A_617 : vector<32xbf16>
          %get3A_619 = arith.index_cast %add3A_408 : i32 to index
          %get3A_620 = arith.constant 112 : index
          %get3A_621 = tpu.vector_load %arg8[%get3A_619, %get3A_620] {strides = array<i32>} : memref<128x128xi32, #tpu.memory_space<vmem>>, vector<16xi32>,
          %bitcast3A_622 = vector.bitcast %get3A_621 : vector<16xi32> to vector<32xbf16>
          %mul3A_623 = arith.mulf %pack3A_435, %bitcast3A_622 : vector<32xbf16>
          %add3A_624 = arith.addf %add3A_618, %mul3A_623 : vector<32xbf16>
          %bitcast3A_625 = vector.bitcast %add3A_624 : vector<32xbf16> to vector<16xi32>
          %swap3A_626 = arith.constant 0 : i32
          %swap3A_627 = arith.constant 0 : i32
          %swap3A_628 = tpu.memref_slice %run_scoped3A_10[%rem3A_276, %swap3A_626, %swap3A_627] : memref<2x128x128xi32, #tpu.memory_space<vmem>> -> memref<1x128x128xi32, #tpu.memory_space<vmem>>
          %swap3A_629 = tpu.memref_squeeze %swap3A_628 : memref<1x128x128xi32, #tpu.memory_space<vmem>> -> memref<128x128xi32, #tpu.memory_space<vmem>>
          %swap3A_630 = arith.index_cast %add3A_408 : i32 to index
          %swap3A_631 = arith.constant 112 : index
          %swap3A_632 = tpu.vector_load %swap3A_629[%swap3A_630, %swap3A_631] {strides = array<i32>} : memref<128x128xi32, #tpu.memory_space<vmem>>, vector<16xi32>,
          tpu.vector_store %swap3A_629[%swap3A_630, %swap3A_631], %bitcast3A_625 {strides = array<i32>} : memref<128x128xi32, #tpu.memory_space<vmem>>, vector<16xi32>,
        }
        %scan3A_287 = arith.constant 128 : i32
        "tpu.trace_stop"() : () -> ()
        %ne3A_288 = arith.cmpi ne, %add3A_169, %add3A_187 : i32
        %or3A_289 = arith.constant false
        %or3A_290 = arith.ori %or3A_289, %ne3A_288 : i1
        %or3A_291 = arith.constant false
        %or3A_292 = arith.ori %or3A_290, %or3A_291 : i1
        %or3A_293 = arith.constant false
        %or3A_294 = arith.ori %or3A_292, %or3A_293 : i1
        %or3A_295 = arith.ori %or3A_294, %eq3A_168 : i1
        %convert_element_type3A_296 = arith.extui %or3A_295 : i1 to i32
        %cond3A_297 = arith.constant 0 : i32
        %cond3A_298 = arith.cmpi ne, %convert_element_type3A_296, %cond3A_297 : i32
        scf.if %cond3A_298 {
        } else {
        }
        %and3A_299 = arith.constant false
        %and3A_300 = arith.andi %or3A_295, %and3A_299 : i1
        %ne3A_301 = arith.cmpi ne, %add3A_169, %add3A_187 : i32
        %or3A_302 = arith.constant false
        %or3A_303 = arith.ori %or3A_302, %ne3A_301 : i1
        %or3A_304 = arith.constant false
        %or3A_305 = arith.ori %or3A_303, %or3A_304 : i1
        %or3A_306 = arith.constant false
        %or3A_307 = arith.ori %or3A_305, %or3A_306 : i1
        %or3A_308 = arith.ori %or3A_307, %eq3A_168 : i1
        %convert_element_type3A_309 = arith.extui %or3A_308 : i1 to i32
        %cond3A_310 = arith.constant 0 : i32
        %cond3A_311 = arith.cmpi ne, %convert_element_type3A_309, %cond3A_310 : i32
        scf.if %cond3A_311 {
        } else {
        }
        %and3A_312 = arith.constant false
        %and3A_313 = arith.andi %or3A_308, %and3A_312 : i1
        %ne3A_314 = arith.cmpi ne, %add3A_169, %add3A_187 : i32
        %or3A_315 = arith.constant false
        %or3A_316 = arith.ori %or3A_315, %ne3A_314 : i1
        %or3A_317 = arith.constant false
        %or3A_318 = arith.ori %or3A_316, %or3A_317 : i1
        %or3A_319 = arith.ori %or3A_318, %eq3A_168 : i1
        %convert_element_type3A_320 = arith.extui %or3A_319 : i1 to i32
        %cond3A_321 = arith.constant 0 : i32
        %cond3A_322 = arith.cmpi ne, %convert_element_type3A_320, %cond3A_321 : i32
        scf.if %cond3A_322 {
          "tpu.trace_start"() <{level = 10 : i32, message = "ep_copy_out"}> : () -> ()
          %rem3A_404 = arith.constant 2 : i32
          %rem3A_405 = arith.remui %scan3A_162, %rem3A_404 : i32
          %mul3A_406 = arith.constant 128 : i32
          %mul3A_407 = arith.muli %mul3A_406, %add3A_169 : i32
          %dma_start3A_408 = arith.constant 0 : i32
          %dma_start3A_409 = arith.constant 0 : i32
          %dma_start3A_410 = tpu.memref_slice %run_scoped3A_10[%rem3A_405, %dma_start3A_408, %dma_start3A_409] : memref<2x128x128xi32, #tpu.memory_space<vmem>> -> memref<1x128x128xi32, #tpu.memory_space<vmem>>
          %dma_start3A_411 = tpu.memref_squeeze %dma_start3A_410 : memref<1x128x128xi32, #tpu.memory_space<vmem>> -> memref<128x128xi32, #tpu.memory_space<vmem>>
          %dma_start3A_412 = arith.constant 0 : i32
          %dma_start3A_413 = tpu.memref_slice %arg5[%mul3A_407, %dma_start3A_412] : memref<32768x128xi32, #tpu.memory_space<hbm>> -> memref<128x128xi32, #tpu.memory_space<hbm>>
          %dma_start3A_414 = tpu.memref_slice %run_scoped3A_11[%rem3A_405] : memref<2x!tpu.dma_semaphore, #tpu.memory_space<semaphore_mem>> -> memref<1x!tpu.dma_semaphore, #tpu.memory_space<semaphore_mem>>
          %dma_start3A_415 = tpu.memref_squeeze %dma_start3A_414 : memref<1x!tpu.dma_semaphore, #tpu.memory_space<semaphore_mem>> -> memref<!tpu.dma_semaphore, #tpu.memory_space<semaphore_mem>>
          %dma_start3A_416 = arith.constant 0 : i32
          %dma_start3A_417 = tpu.memref_slice %arg5[%mul3A_407, %dma_start3A_416] : memref<32768x128xi32, #tpu.memory_space<hbm>> -> memref<128x128xi32, #tpu.memory_space<hbm>>
          %dma_start3A_418 = arith.constant 0 : i32
          %dma_start3A_419 = arith.constant 0 : i32
          %dma_start3A_420 = tpu.memref_slice %run_scoped3A_10[%rem3A_405, %dma_start3A_418, %dma_start3A_419] : memref<2x128x128xi32, #tpu.memory_space<vmem>> -> memref<1x128x128xi32, #tpu.memory_space<vmem>>
          %dma_start3A_421 = tpu.memref_squeeze %dma_start3A_420 : memref<1x128x128xi32, #tpu.memory_space<vmem>> -> memref<128x128xi32, #tpu.memory_space<vmem>>
          tpu.enqueue_dma source(%dma_start3A_421 : memref<128x128xi32, #tpu.memory_space<vmem>>) target(%dma_start3A_417 : memref<128x128xi32, #tpu.memory_space<hbm>>) target_semaphore(%dma_start3A_415 : memref<!tpu.dma_semaphore, #tpu.memory_space<semaphore_mem>>)
          "tpu.trace_stop"() : () -> ()
        } else {
        }
        %and3A_323 = arith.constant true
        %and3A_324 = arith.andi %or3A_319, %and3A_323 : i1
        %add3A_325 = arith.constant 1 : i32
        %add3A_326 = arith.addi %scan3A_162, %add3A_325 : i32
        %select_n3A_327 = arith.select %and3A_324, %add3A_326, %scan3A_162 : i32
        %ne3A_328 = arith.cmpi ne, %add3A_169, %add3A_178 : i32
        %or3A_329 = arith.constant false
        %or3A_330 = arith.ori %or3A_329, %ne3A_328 : i1
        %or3A_331 = arith.constant false
        %or3A_332 = arith.ori %or3A_330, %or3A_331 : i1
        %or3A_333 = arith.constant false
        %or3A_334 = arith.ori %or3A_332, %or3A_333 : i1
        %not3A_335 = arith.constant true
        %not3A_336 = arith.xori %eq3A_166, %not3A_335 : i1
        %and3A_337 = arith.andi %or3A_334, %not3A_336 : i1
        %convert_element_type3A_338 = arith.extui %and3A_337 : i1 to i32
        %cond3A_339 = arith.constant 0 : i32
        %cond3A_340 = arith.cmpi ne, %convert_element_type3A_338, %cond3A_339 : i32
        scf.if %cond3A_340 {
        } else {
        }
        %and3A_341 = arith.constant false
        %and3A_342 = arith.andi %and3A_337, %and3A_341 : i1
        %ne3A_343 = arith.cmpi ne, %add3A_169, %add3A_178 : i32
        %or3A_344 = arith.constant false
        %or3A_345 = arith.ori %or3A_344, %ne3A_343 : i1
        %or3A_346 = arith.constant false
        %or3A_347 = arith.ori %or3A_345, %or3A_346 : i1
        %or3A_348 = arith.constant false
        %or3A_349 = arith.ori %or3A_347, %or3A_348 : i1
        %not3A_350 = arith.constant true
        %not3A_351 = arith.xori %eq3A_166, %not3A_350 : i1
        %and3A_352 = arith.andi %or3A_349, %not3A_351 : i1
        %convert_element_type3A_353 = arith.extui %and3A_352 : i1 to i32
        %cond3A_354 = arith.constant 0 : i32
        %cond3A_355 = arith.cmpi ne, %convert_element_type3A_353, %cond3A_354 : i32
        scf.if %cond3A_355 {
        } else {
        }
        %and3A_356 = arith.constant false
        %and3A_357 = arith.andi %and3A_352, %and3A_356 : i1
        %ne3A_358 = arith.cmpi ne, %add3A_169, %add3A_178 : i32
        %or3A_359 = arith.constant false
        %or3A_360 = arith.ori %or3A_359, %ne3A_358 : i1
        %or3A_361 = arith.constant false
        %or3A_362 = arith.ori %or3A_360, %or3A_361 : i1
        %not3A_363 = arith.constant true
        %not3A_364 = arith.xori %eq3A_166, %not3A_363 : i1
        %and3A_365 = arith.andi %or3A_362, %not3A_364 : i1
        %convert_element_type3A_366 = arith.extui %and3A_365 : i1 to i32
        %cond3A_367 = arith.constant 0 : i32
        %cond3A_368 = arith.cmpi ne, %convert_element_type3A_366, %cond3A_367 : i32
        scf.if %cond3A_368 {
          "tpu.trace_start"() <{level = 10 : i32, message = "ep_wait_out"}> : () -> ()
          %rem3A_404 = arith.constant 2 : i32
          %rem3A_405 = arith.remui %scan3A_163, %rem3A_404 : i32
          %mul3A_406 = arith.constant 128 : i32
          %mul3A_407 = arith.muli %mul3A_406, %add3A_178 : i32
          %dma_wait3A_408 = arith.constant 0 : i32
          %dma_wait3A_409 = arith.constant 0 : i32
          %dma_wait3A_410 = tpu.memref_slice %run_scoped3A_10[%rem3A_405, %dma_wait3A_408, %dma_wait3A_409] : memref<2x128x128xi32, #tpu.memory_space<vmem>> -> memref<1x128x128xi32, #tpu.memory_space<vmem>>
          %dma_wait3A_411 = tpu.memref_squeeze %dma_wait3A_410 : memref<1x128x128xi32, #tpu.memory_space<vmem>> -> memref<128x128xi32, #tpu.memory_space<vmem>>
          %dma_wait3A_412 = arith.constant 0 : i32
          %dma_wait3A_413 = tpu.memref_slice %arg5[%mul3A_407, %dma_wait3A_412] : memref<32768x128xi32, #tpu.memory_space<hbm>> -> memref<128x128xi32, #tpu.memory_space<hbm>>
          %dma_wait3A_414 = tpu.memref_slice %run_scoped3A_11[%rem3A_405] : memref<2x!tpu.dma_semaphore, #tpu.memory_space<semaphore_mem>> -> memref<1x!tpu.dma_semaphore, #tpu.memory_space<semaphore_mem>>
          %dma_wait3A_415 = tpu.memref_squeeze %dma_wait3A_414 : memref<1x!tpu.dma_semaphore, #tpu.memory_space<semaphore_mem>> -> memref<!tpu.dma_semaphore, #tpu.memory_space<semaphore_mem>>
          %dma_wait3A_416 = arith.constant 0 : i32
          %dma_wait3A_417 = tpu.memref_slice %arg5[%mul3A_407, %dma_wait3A_416] : memref<32768x128xi32, #tpu.memory_space<hbm>> -> memref<128x128xi32, #tpu.memory_space<hbm>>
          %dma_wait3A_418 = arith.constant 0 : i32
          %dma_wait3A_419 = arith.constant 0 : i32
          %dma_wait3A_420 = tpu.memref_slice %run_scoped3A_10[%rem3A_405, %dma_wait3A_418, %dma_wait3A_419] : memref<2x128x128xi32, #tpu.memory_space<vmem>> -> memref<1x128x128xi32, #tpu.memory_space<vmem>>
          %dma_wait3A_421 = tpu.memref_squeeze %dma_wait3A_420 : memref<1x128x128xi32, #tpu.memory_space<vmem>> -> memref<128x128xi32, #tpu.memory_space<vmem>>
          tpu.wait_dma2 semaphore(%dma_wait3A_415 : memref<!tpu.dma_semaphore, #tpu.memory_space<semaphore_mem>>) src(%dma_wait3A_421 : memref<128x128xi32, #tpu.memory_space<vmem>>) dst(%dma_wait3A_417 : memref<128x128xi32, #tpu.memory_space<hbm>>)
          "tpu.trace_stop"() : () -> ()
        } else {
        }
        %and3A_369 = arith.constant true
        %and3A_370 = arith.andi %and3A_365, %and3A_369 : i1
        %add3A_371 = arith.constant 1 : i32
        %add3A_372 = arith.addi %scan3A_163, %add3A_371 : i32
        %select_n3A_373 = arith.select %and3A_370, %add3A_372, %scan3A_163 : i32
        %ne3A_374 = arith.cmpi ne, %add3A_169, %add3A_187 : i32
        %or3A_375 = arith.constant false
        %or3A_376 = arith.ori %or3A_375, %ne3A_374 : i1
        %or3A_377 = arith.constant false
        %or3A_378 = arith.ori %or3A_376, %or3A_377 : i1
        %or3A_379 = arith.constant false
        %or3A_380 = arith.ori %or3A_378, %or3A_379 : i1
        %or3A_381 = arith.ori %or3A_380, %eq3A_168 : i1
        %add3A_382 = arith.constant 1 : i32
        %add3A_383 = arith.addi %scan3A_159, %add3A_382 : i32
        %select_n3A_384 = arith.select %or3A_381, %add3A_383, %scan3A_159 : i32
        %ne3A_385 = arith.cmpi ne, %add3A_169, %add3A_187 : i32
        %or3A_386 = arith.constant false
        %or3A_387 = arith.ori %or3A_386, %ne3A_385 : i1
        %or3A_388 = arith.constant false
        %or3A_389 = arith.ori %or3A_387, %or3A_388 : i1
        %or3A_390 = arith.constant false
        %or3A_391 = arith.ori %or3A_389, %or3A_390 : i1
        %or3A_392 = arith.ori %or3A_391, %eq3A_168 : i1
        %add3A_393 = arith.constant 1 : i32
        %add3A_394 = arith.addi %scan3A_161, %add3A_393 : i32
        %select_n3A_395 = arith.select %or3A_392, %add3A_394, %scan3A_161 : i32
        %add3A_396 = arith.constant 1 : i32
        %add3A_397 = arith.addi %scan3A_164, %add3A_396 : i32
        %select_n3A_398 = arith.constant true
        %select_n3A_399 = arith.select %select_n3A_398, %add3A_397, %scan3A_164 : i32
        %eq3A_400 = arith.constant 8 : i32
        %eq3A_401 = arith.cmpi eq, %select_n3A_399, %eq3A_400 : i32
        %select_n3A_402 = arith.constant 0 : i32
        %select_n3A_403 = arith.select %eq3A_401, %select_n3A_402, %select_n3A_399 : i32
        scf.yield %select_n3A_209, %select_n3A_384, %select_n3A_229, %select_n3A_395, %select_n3A_327, %select_n3A_373, %select_n3A_403 : i32, i32, i32, i32, i32, i32, i32
      }
      %scan3A_104 = arith.constant 8 : i32
      %sub3A = arith.constant 1 : i32
      %sub3A_105 = arith.subi %scan3A_103#6, %sub3A : i32
      %select_n3A_106 = arith.constant true
      %select_n3A_107 = arith.select %select_n3A_106, %sub3A_105, %scan3A_103#6 : i32
      %eq3A_108 = arith.constant -1 : i32
      %eq3A_109 = arith.cmpi eq, %select_n3A_107, %eq3A_108 : i32
      %select_n3A_110 = arith.constant 7 : i32
      %select_n3A_111 = arith.select %eq3A_109, %select_n3A_110, %select_n3A_107 : i32
      %add3A_112 = arith.addi %select_n3A_111, %mul3A_6 : i32
      %sub3A_113 = arith.constant 1 : i32
      %sub3A_114 = arith.subi %select_n3A_111, %sub3A_113 : i32
      %select_n3A_115 = arith.constant true
      %select_n3A_116 = arith.select %select_n3A_115, %sub3A_114, %select_n3A_111 : i32
      %eq3A_117 = arith.constant -1 : i32
      %eq3A_118 = arith.cmpi eq, %select_n3A_116, %eq3A_117 : i32
      %select_n3A_119 = arith.constant 7 : i32
      %select_n3A_120 = arith.select %eq3A_118, %select_n3A_119, %select_n3A_116 : i32
      %add3A_121 = arith.addi %select_n3A_120, %mul3A_6 : i32
      %add3A_122 = arith.constant 1 : i32
      %add3A_123 = arith.addi %select_n3A_111, %add3A_122 : i32
      %select_n3A_124 = arith.constant true
      %select_n3A_125 = arith.select %select_n3A_124, %add3A_123, %select_n3A_111 : i32
      %eq3A_126 = arith.constant 8 : i32
      %eq3A_127 = arith.cmpi eq, %select_n3A_125, %eq3A_126 : i32
      %select_n3A_128 = arith.constant 0 : i32
      %select_n3A_129 = arith.select %eq3A_127, %select_n3A_128, %select_n3A_125 : i32
      %add3A_130 = arith.addi %select_n3A_129, %mul3A_6 : i32
      %add3A_131 = arith.constant 1 : i32
      %add3A_132 = arith.addi %select_n3A_129, %add3A_131 : i32
      %select_n3A_133 = arith.constant true
      %select_n3A_134 = arith.select %select_n3A_133, %add3A_132, %select_n3A_129 : i32
      %eq3A_135 = arith.constant 8 : i32
      %eq3A_136 = arith.cmpi eq, %select_n3A_134, %eq3A_135 : i32
      %select_n3A_137 = arith.constant 0 : i32
      %select_n3A_138 = arith.select %eq3A_136, %select_n3A_137, %select_n3A_134 : i32
      %add3A_139 = arith.addi %select_n3A_138, %mul3A_6 : i32
      "tpu.trace_start"() <{level = 10 : i32, message = "ep_finalize"}> : () -> ()
      %rem3A_140 = arith.constant 2 : i32
      %rem3A_141 = arith.remui %scan3A_103#5, %rem3A_140 : i32
      %mul3A_142 = arith.constant 128 : i32
      %mul3A_143 = arith.muli %mul3A_142, %add3A_112 : i32
      %dma_wait3A = arith.constant 0 : i32
      %dma_wait3A_144 = arith.constant 0 : i32
      %dma_wait3A_145 = tpu.memref_slice %run_scoped3A_10[%rem3A_141, %dma_wait3A, %dma_wait3A_144] : memref<2x128x128xi32, #tpu.memory_space<vmem>> -> memref<1x128x128xi32, #tpu.memory_space<vmem>>
      %dma_wait3A_146 = tpu.memref_squeeze %dma_wait3A_145 : memref<1x128x128xi32, #tpu.memory_space<vmem>> -> memref<128x128xi32, #tpu.memory_space<vmem>>
      %dma_wait3A_147 = arith.constant 0 : i32
      %dma_wait3A_148 = tpu.memref_slice %arg5[%mul3A_143, %dma_wait3A_147] : memref<32768x128xi32, #tpu.memory_space<hbm>> -> memref<128x128xi32, #tpu.memory_space<hbm>>
      %dma_wait3A_149 = tpu.memref_slice %run_scoped3A_11[%rem3A_141] : memref<2x!tpu.dma_semaphore, #tpu.memory_space<semaphore_mem>> -> memref<1x!tpu.dma_semaphore, #tpu.memory_space<semaphore_mem>>
      %dma_wait3A_150 = tpu.memref_squeeze %dma_wait3A_149 : memref<1x!tpu.dma_semaphore, #tpu.memory_space<semaphore_mem>> -> memref<!tpu.dma_semaphore, #tpu.memory_space<semaphore_mem>>
      %dma_wait3A_151 = arith.constant 0 : i32
      %dma_wait3A_152 = tpu.memref_slice %arg5[%mul3A_143, %dma_wait3A_151] : memref<32768x128xi32, #tpu.memory_space<hbm>> -> memref<128x128xi32, #tpu.memory_space<hbm>>
      %dma_wait3A_153 = arith.constant 0 : i32
      %dma_wait3A_154 = arith.constant 0 : i32
      %dma_wait3A_155 = tpu.memref_slice %run_scoped3A_10[%rem3A_141, %dma_wait3A_153, %dma_wait3A_154] : memref<2x128x128xi32, #tpu.memory_space<vmem>> -> memref<1x128x128xi32, #tpu.memory_space<vmem>>
      %dma_wait3A_156 = tpu.memref_squeeze %dma_wait3A_155 : memref<1x128x128xi32, #tpu.memory_space<vmem>> -> memref<128x128xi32, #tpu.memory_space<vmem>>
      tpu.wait_dma2 semaphore(%dma_wait3A_150 : memref<!tpu.dma_semaphore, #tpu.memory_space<semaphore_mem>>) src(%dma_wait3A_156 : memref<128x128xi32, #tpu.memory_space<vmem>>) dst(%dma_wait3A_152 : memref<128x128xi32, #tpu.memory_space<hbm>>)
      "tpu.trace_stop"() : () -> ()
      tpu.yield
    }) : () -> ()
    return
  }
}

#map = affine_map<(d0, d1) -> (0, 0)>
#map1 = affine_map<(d0, d1) -> (0, 0, 0)>
module attributes {stable_mosaic.version = 14 : i64} {
  func.func @run(%arg0: i32, %arg1: i32, %arg2: memref<8192x128xi32, #tpu.memory_space<hbm>>, %arg3: memref<256x3x128xi32, #tpu.memory_space<hbm>>, %arg4: memref<256x3x128xf32, #tpu.memory_space<hbm>>, %arg5: memref<32768x128xi32, #tpu.memory_space<hbm>>, %arg6: memref<128x128xi32, #tpu.memory_space<vmem>>, %arg7: memref<128x128xi32, #tpu.memory_space<vmem>>, %arg8: memref<128x128xi32, #tpu.memory_space<vmem>>) attributes {dimension_semantics = [#tpu.dimension_semantics<core_parallel>, #tpu.dimension_semantics<subcore_parallel>], iteration_bounds = array<i64: 2, 16>, scalar_prefetch = 0 : i64, scratch_operands = 3 : i64, tpu.core_type = #tpu.core_type<sc_vector_subcore>, window_params = [{transform_indices = #map}, {transform_indices = #map1}, {transform_indices = #map1}, {transform_indices = #map}]} {
    %mul3A = arith.constant 1 : i32
    %mul3A_0 = arith.muli %arg1, %mul3A : i32
    %add3A = arith.constant 0 : i32
    %add3A_1 = arith.addi %add3A, %mul3A_0 : i32
    %mul3A_2 = arith.constant 16 : i32
    %mul3A_3 = arith.muli %arg0, %mul3A_2 : i32
    %add3A_4 = arith.addi %add3A_1, %mul3A_3 : i32
    %mul3A_5 = arith.constant 8 : i32
    %mul3A_6 = arith.muli %add3A_4, %mul3A_5 : i32
    "tpu.region"() ({
      %run_scoped3A = memref.alloca() : memref<2x1x3x128xi32, #tpu.memory_space<vmem>>
      %run_scoped3A_7 = tpu.sem_alloc : memref<2x!tpu.dma_semaphore, #tpu.memory_space<semaphore_mem>>
      %run_scoped3A_8 = memref.alloca() : memref<2x1x3x128xf32, #tpu.memory_space<vmem>>
      %run_scoped3A_9 = tpu.sem_alloc : memref<2x!tpu.dma_semaphore, #tpu.memory_space<semaphore_mem>>
      %run_scoped3A_10 = memref.alloca() : memref<2x128x128xi32, #tpu.memory_space<vmem>>
      %run_scoped3A_11 = tpu.sem_alloc : memref<2x!tpu.dma_semaphore, #tpu.memory_space<semaphore_mem>>
      %add3A_12 = arith.constant 0 : i32
      %add3A_13 = arith.addi %add3A_12, %mul3A_6 : i32
      %select_n3A = arith.constant true
      %select_n3A_14 = arith.constant 0 : i32
      %select_n3A_15 = arith.constant -1 : i32
      %select_n3A_16 = arith.select %select_n3A, %select_n3A_15, %select_n3A_14 : i32
      %eq3A = arith.constant -1 : i32
      %eq3A_17 = arith.cmpi eq, %select_n3A_16, %eq3A : i32
      %select_n3A_18 = arith.constant 7 : i32
      %select_n3A_19 = arith.select %eq3A_17, %select_n3A_18, %select_n3A_16 : i32
      %add3A_20 = arith.addi %select_n3A_19, %mul3A_6 : i32
      %select_n3A_21 = arith.constant true
      %select_n3A_22 = arith.constant 0 : i32
      %select_n3A_23 = arith.constant 1 : i32
      %select_n3A_24 = arith.select %select_n3A_21, %select_n3A_23, %select_n3A_22 : i32
      %eq3A_25 = arith.constant 8 : i32
      %eq3A_26 = arith.cmpi eq, %select_n3A_24, %eq3A_25 : i32
      %select_n3A_27 = arith.constant 0 : i32
      %select_n3A_28 = arith.select %eq3A_26, %select_n3A_27, %select_n3A_24 : i32
      %add3A_29 = arith.addi %select_n3A_28, %mul3A_6 : i32
      %add3A_30 = arith.constant 1 : i32
      %add3A_31 = arith.addi %select_n3A_28, %add3A_30 : i32
      %select_n3A_32 = arith.constant true
      %select_n3A_33 = arith.select %select_n3A_32, %add3A_31, %select_n3A_28 : i32
      %eq3A_34 = arith.constant 8 : i32
      %eq3A_35 = arith.cmpi eq, %select_n3A_33, %eq3A_34 : i32
      %select_n3A_36 = arith.constant 0 : i32
      %select_n3A_37 = arith.select %eq3A_35, %select_n3A_36, %select_n3A_33 : i32
      %add3A_38 = arith.addi %select_n3A_37, %mul3A_6 : i32
      "tpu.trace_start"() <{level = 10 : i32, message = "ep_initialize_0"}> : () -> ()
      %rem3A = arith.constant 0 : i32
      %rem3A_39 = arith.constant 2 : i32
      %rem3A_40 = arith.remui %rem3A, %rem3A_39 : i32
      %mul3A_41 = arith.constant 1 : i32
      %mul3A_42 = arith.muli %mul3A_41, %add3A_13 : i32
      %dma_start3A = arith.constant 0 : i32
      %dma_start3A_43 = arith.constant 0 : i32
      %dma_start3A_44 = arith.constant 0 : i32
      %dma_start3A_45 = tpu.memref_slice %run_scoped3A[%rem3A_40, %dma_start3A, %dma_start3A_43, %dma_start3A_44] : memref<2x1x3x128xi32, #tpu.memory_space<vmem>> -> memref<1x1x3x128xi32, #tpu.memory_space<vmem>>
      %dma_start3A_46 = tpu.memref_squeeze %dma_start3A_45 : memref<1x1x3x128xi32, #tpu.memory_space<vmem>> -> memref<1x3x128xi32, #tpu.memory_space<vmem>>
      %dma_start3A_47 = arith.constant 0 : i32
      %dma_start3A_48 = arith.constant 0 : i32
      %dma_start3A_49 = tpu.memref_slice %arg3[%mul3A_42, %dma_start3A_47, %dma_start3A_48] : memref<256x3x128xi32, #tpu.memory_space<hbm>> -> memref<1x3x128xi32, #tpu.memory_space<hbm>>
      %dma_start3A_50 = tpu.memref_slice %run_scoped3A_7[%rem3A_40] : memref<2x!tpu.dma_semaphore, #tpu.memory_space<semaphore_mem>> -> memref<1x!tpu.dma_semaphore, #tpu.memory_space<semaphore_mem>>
      %dma_start3A_51 = tpu.memref_squeeze %dma_start3A_50 : memref<1x!tpu.dma_semaphore, #tpu.memory_space<semaphore_mem>> -> memref<!tpu.dma_semaphore, #tpu.memory_space<semaphore_mem>>
      %dma_start3A_52 = arith.constant 0 : i32
      %dma_start3A_53 = arith.constant 0 : i32
      %dma_start3A_54 = arith.constant 0 : i32
      %dma_start3A_55 = tpu.memref_slice %run_scoped3A[%rem3A_40, %dma_start3A_52, %dma_start3A_53, %dma_start3A_54] : memref<2x1x3x128xi32, #tpu.memory_space<vmem>> -> memref<1x1x3x128xi32, #tpu.memory_space<vmem>>
      %dma_start3A_56 = tpu.memref_squeeze %dma_start3A_55 : memref<1x1x3x128xi32, #tpu.memory_space<vmem>> -> memref<1x3x128xi32, #tpu.memory_space<vmem>>
      %dma_start3A_57 = arith.constant 0 : i32
      %dma_start3A_58 = arith.constant 0 : i32
      %dma_start3A_59 = tpu.memref_slice %arg3[%mul3A_42, %dma_start3A_57, %dma_start3A_58] : memref<256x3x128xi32, #tpu.memory_space<hbm>> -> memref<1x3x128xi32, #tpu.memory_space<hbm>>
      tpu.enqueue_dma source(%dma_start3A_59 : memref<1x3x128xi32, #tpu.memory_space<hbm>>) target(%dma_start3A_56 : memref<1x3x128xi32, #tpu.memory_space<vmem>>) target_semaphore(%dma_start3A_51 : memref<!tpu.dma_semaphore, #tpu.memory_space<semaphore_mem>>)
      %add3A_60 = arith.constant 0 : i32
      %add3A_61 = arith.constant 1 : i32
      %add3A_62 = arith.addi %add3A_60, %add3A_61 : i32
      %select_n3A_63 = arith.constant true
      %select_n3A_64 = arith.constant 0 : i32
      %select_n3A_65 = arith.select %select_n3A_63, %add3A_62, %select_n3A_64 : i32
      %rem3A_66 = arith.constant 0 : i32
      %rem3A_67 = arith.constant 2 : i32
      %rem3A_68 = arith.remui %rem3A_66, %rem3A_67 : i32
      %mul3A_69 = arith.constant 1 : i32
      %mul3A_70 = arith.muli %mul3A_69, %add3A_13 : i32
      %dma_start3A_71 = arith.constant 0 : i32
      %dma_start3A_72 = arith.constant 0 : i32
      %dma_start3A_73 = arith.constant 0 : i32
      %dma_start3A_74 = tpu.memref_slice %run_scoped3A_8[%rem3A_68, %dma_start3A_71, %dma_start3A_72, %dma_start3A_73] : memref<2x1x3x128xf32, #tpu.memory_space<vmem>> -> memref<1x1x3x128xf32, #tpu.memory_space<vmem>>
      %dma_start3A_75 = tpu.memref_squeeze %dma_start3A_74 : memref<1x1x3x128xf32, #tpu.memory_space<vmem>> -> memref<1x3x128xf32, #tpu.memory_space<vmem>>
      %dma_start3A_76 = arith.constant 0 : i32
      %dma_start3A_77 = arith.constant 0 : i32
      %dma_start3A_78 = tpu.memref_slice %arg4[%mul3A_70, %dma_start3A_76, %dma_start3A_77] : memref<256x3x128xf32, #tpu.memory_space<hbm>> -> memref<1x3x128xf32, #tpu.memory_space<hbm>>
      %dma_start3A_79 = tpu.memref_slice %run_scoped3A_9[%rem3A_68] : memref<2x!tpu.dma_semaphore, #tpu.memory_space<semaphore_mem>> -> memref<1x!tpu.dma_semaphore, #tpu.memory_space<semaphore_mem>>
      %dma_start3A_80 = tpu.memref_squeeze %dma_start3A_79 : memref<1x!tpu.dma_semaphore, #tpu.memory_space<semaphore_mem>> -> memref<!tpu.dma_semaphore, #tpu.memory_space<semaphore_mem>>
      %dma_start3A_81 = arith.constant 0 : i32
      %dma_start3A_82 = arith.constant 0 : i32
      %dma_start3A_83 = arith.constant 0 : i32
      %dma_start3A_84 = tpu.memref_slice %run_scoped3A_8[%rem3A_68, %dma_start3A_81, %dma_start3A_82, %dma_start3A_83] : memref<2x1x3x128xf32, #tpu.memory_space<vmem>> -> memref<1x1x3x128xf32, #tpu.memory_space<vmem>>
      %dma_start3A_85 = tpu.memref_squeeze %dma_start3A_84 : memref<1x1x3x128xf32, #tpu.memory_space<vmem>> -> memref<1x3x128xf32, #tpu.memory_space<vmem>>
      %dma_start3A_86 = arith.constant 0 : i32
      %dma_start3A_87 = arith.constant 0 : i32
      %dma_start3A_88 = tpu.memref_slice %arg4[%mul3A_70, %dma_start3A_86, %dma_start3A_87] : memref<256x3x128xf32, #tpu.memory_space<hbm>> -> memref<1x3x128xf32, #tpu.memory_space<hbm>>
      tpu.enqueue_dma source(%dma_start3A_88 : memref<1x3x128xf32, #tpu.memory_space<hbm>>) target(%dma_start3A_85 : memref<1x3x128xf32, #tpu.memory_space<vmem>>) target_semaphore(%dma_start3A_80 : memref<!tpu.dma_semaphore, #tpu.memory_space<semaphore_mem>>)
      %add3A_89 = arith.constant 0 : i32
      %add3A_90 = arith.constant 1 : i32
      %add3A_91 = arith.addi %add3A_89, %add3A_90 : i32
      %select_n3A_92 = arith.constant true
      %select_n3A_93 = arith.constant 0 : i32
      %select_n3A_94 = arith.select %select_n3A_92, %add3A_91, %select_n3A_93 : i32
      "tpu.trace_stop"() : () -> ()
      %scan3A = arith.constant 0 : i32
      %scan3A_95 = arith.constant 0 : i32
      %scan3A_96 = arith.constant 0 : i32
      %scan3A_97 = arith.constant 0 : i32
      %scan3A_98 = arith.constant 0 : i32
      %scan3A_99 = arith.constant 0 : i32
      %scan3A_100 = arith.constant 8 : i32
      %scan3A_101 = arith.addi %scan3A_99, %scan3A_100 : i32
      %scan3A_102 = arith.constant 1 : i32
      %scan3A_103:7 = scf.for %scan3A_157 = %scan3A_99 to %scan3A_101 step %scan3A_102 iter_args(%scan3A_158 = %select_n3A_65, %scan3A_159 = %scan3A, %scan3A_160 = %select_n3A_94, %scan3A_161 = %scan3A_95, %scan3A_162 = %scan3A_96, %scan3A_163 = %scan3A_97, %scan3A_164 = %scan3A_98) -> (i32, i32, i32, i32, i32, i32, i32)  : i32 {
        %eq3A_165 = arith.constant 0 : i32
        %eq3A_166 = arith.cmpi eq, %scan3A_157, %eq3A_165 : i32
        %eq3A_167 = arith.constant 7 : i32
        %eq3A_168 = arith.cmpi eq, %scan3A_157, %eq3A_167 : i32
        %add3A_169 = arith.addi %scan3A_164, %mul3A_6 : i32
        %sub3A_170 = arith.constant 1 : i32
        %sub3A_171 = arith.subi %scan3A_164, %sub3A_170 : i32
        %select_n3A_172 = arith.constant true
        %select_n3A_173 = arith.select %select_n3A_172, %sub3A_171, %scan3A_164 : i32
        %eq3A_174 = arith.constant -1 : i32
        %eq3A_175 = arith.cmpi eq, %select_n3A_173, %eq3A_174 : i32
        %select_n3A_176 = arith.constant 7 : i32
        %select_n3A_177 = arith.select %eq3A_175, %select_n3A_176, %select_n3A_173 : i32
        %add3A_178 = arith.addi %select_n3A_177, %mul3A_6 : i32
        %add3A_179 = arith.constant 1 : i32
        %add3A_180 = arith.addi %scan3A_164, %add3A_179 : i32
        %select_n3A_181 = arith.constant true
        %select_n3A_182 = arith.select %select_n3A_181, %add3A_180, %scan3A_164 : i32
        %eq3A_183 = arith.constant 8 : i32
        %eq3A_184 = arith.cmpi eq, %select_n3A_182, %eq3A_183 : i32
        %select_n3A_185 = arith.constant 0 : i32
        %select_n3A_186 = arith.select %eq3A_184, %select_n3A_185, %select_n3A_182 : i32
        %add3A_187 = arith.addi %select_n3A_186, %mul3A_6 : i32
        %add3A_188 = arith.constant 1 : i32
        %add3A_189 = arith.addi %select_n3A_186, %add3A_188 : i32
        %select_n3A_190 = arith.constant true
        %select_n3A_191 = arith.select %select_n3A_190, %add3A_189, %select_n3A_186 : i32
        %eq3A_192 = arith.constant 8 : i32
        %eq3A_193 = arith.cmpi eq, %select_n3A_191, %eq3A_192 : i32
        %select_n3A_194 = arith.constant 0 : i32
        %select_n3A_195 = arith.select %eq3A_193, %select_n3A_194, %select_n3A_191 : i32
        %add3A_196 = arith.addi %select_n3A_195, %mul3A_6 : i32
        %ne3A = arith.cmpi ne, %add3A_169, %add3A_187 : i32
        %or3A = arith.constant false
        %or3A_197 = arith.ori %or3A, %ne3A : i1
        %or3A_198 = arith.constant false
        %or3A_199 = arith.ori %or3A_197, %or3A_198 : i1
        %or3A_200 = arith.constant false
        %or3A_201 = arith.ori %or3A_199, %or3A_200 : i1
        %ge3A = arith.constant 7 : i32
        %ge3A_202 = arith.cmpi sge, %scan3A_157, %ge3A : i32
        %not3A = arith.constant true
        %not3A_203 = arith.xori %ge3A_202, %not3A : i1
        %and3A = arith.andi %or3A_201, %not3A_203 : i1
        %convert_element_type3A = arith.extui %and3A : i1 to i32
        %cond3A = arith.constant 0 : i32
        %cond3A_204 = arith.cmpi ne, %convert_element_type3A, %cond3A : i32
        scf.if %cond3A_204 {
          "tpu.trace_start"() <{level = 10 : i32, message = "ep_copy_in"}> : () -> ()
          %rem3A_404 = arith.constant 2 : i32
          %rem3A_405 = arith.remui %scan3A_158, %rem3A_404 : i32
          %mul3A_406 = arith.constant 1 : i32
          %mul3A_407 = arith.muli %mul3A_406, %add3A_187 : i32
          %dma_start3A_408 = arith.constant 0 : i32
          %dma_start3A_409 = arith.constant 0 : i32
          %dma_start3A_410 = arith.constant 0 : i32
          %dma_start3A_411 = tpu.memref_slice %run_scoped3A[%rem3A_405, %dma_start3A_408, %dma_start3A_409, %dma_start3A_410] : memref<2x1x3x128xi32, #tpu.memory_space<vmem>> -> memref<1x1x3x128xi32, #tpu.memory_space<vmem>>
          %dma_start3A_412 = tpu.memref_squeeze %dma_start3A_411 : memref<1x1x3x128xi32, #tpu.memory_space<vmem>> -> memref<1x3x128xi32, #tpu.memory_space<vmem>>
          %dma_start3A_413 = arith.constant 0 : i32
          %dma_start3A_414 = arith.constant 0 : i32
          %dma_start3A_415 = tpu.memref_slice %arg3[%mul3A_407, %dma_start3A_413, %dma_start3A_414] : memref<256x3x128xi32, #tpu.memory_space<hbm>> -> memref<1x3x128xi32, #tpu.memory_space<hbm>>
          %dma_start3A_416 = tpu.memref_slice %run_scoped3A_7[%rem3A_405] : memref<2x!tpu.dma_semaphore, #tpu.memory_space<semaphore_mem>> -> memref<1x!tpu.dma_semaphore, #tpu.memory_space<semaphore_mem>>
          %dma_start3A_417 = tpu.memref_squeeze %dma_start3A_416 : memref<1x!tpu.dma_semaphore, #tpu.memory_space<semaphore_mem>> -> memref<!tpu.dma_semaphore, #tpu.memory_space<semaphore_mem>>
          %dma_start3A_418 = arith.constant 0 : i32
          %dma_start3A_419 = arith.constant 0 : i32
          %dma_start3A_420 = arith.constant 0 : i32
          %dma_start3A_421 = tpu.memref_slice %run_scoped3A[%rem3A_405, %dma_start3A_418, %dma_start3A_419, %dma_start3A_420] : memref<2x1x3x128xi32, #tpu.memory_space<vmem>> -> memref<1x1x3x128xi32, #tpu.memory_space<vmem>>
          %dma_start3A_422 = tpu.memref_squeeze %dma_start3A_421 : memref<1x1x3x128xi32, #tpu.memory_space<vmem>> -> memref<1x3x128xi32, #tpu.memory_space<vmem>>
          %dma_start3A_423 = arith.constant 0 : i32
          %dma_start3A_424 = arith.constant 0 : i32
          %dma_start3A_425 = tpu.memref_slice %arg3[%mul3A_407, %dma_start3A_423, %dma_start3A_424] : memref<256x3x128xi32, #tpu.memory_space<hbm>> -> memref<1x3x128xi32, #tpu.memory_space<hbm>>
          tpu.enqueue_dma source(%dma_start3A_425 : memref<1x3x128xi32, #tpu.memory_space<hbm>>) target(%dma_start3A_422 : memref<1x3x128xi32, #tpu.memory_space<vmem>>) target_semaphore(%dma_start3A_417 : memref<!tpu.dma_semaphore, #tpu.memory_space<semaphore_mem>>)
          "tpu.trace_stop"() : () -> ()
        } else {
        }
        %and3A_205 = arith.constant true
        %and3A_206 = arith.andi %and3A, %and3A_205 : i1
        %add3A_207 = arith.constant 1 : i32
        %add3A_208 = arith.addi %scan3A_158, %add3A_207 : i32
        %select_n3A_209 = arith.select %and3A_206, %add3A_208, %scan3A_158 : i32
        %ne3A_210 = arith.cmpi ne, %add3A_169, %add3A_187 : i32
        %or3A_211 = arith.constant false
        %or3A_212 = arith.ori %or3A_211, %ne3A_210 : i1
        %or3A_213 = arith.constant false
        %or3A_214 = arith.ori %or3A_212, %or3A_213 : i1
        %or3A_215 = arith.constant false
        %or3A_216 = arith.ori %or3A_214, %or3A_215 : i1
        %ge3A_217 = arith.constant 7 : i32
        %ge3A_218 = arith.cmpi sge, %scan3A_157, %ge3A_217 : i32
        %not3A_219 = arith.constant true
        %not3A_220 = arith.xori %ge3A_218, %not3A_219 : i1
        %and3A_221 = arith.andi %or3A_216, %not3A_220 : i1
        %convert_element_type3A_222 = arith.extui %and3A_221 : i1 to i32
        %cond3A_223 = arith.constant 0 : i32
        %cond3A_224 = arith.cmpi ne, %convert_element_type3A_222, %cond3A_223 : i32
        scf.if %cond3A_224 {
          "tpu.trace_start"() <{level = 10 : i32, message = "ep_copy_in"}> : () -> ()
          %rem3A_404 = arith.constant 2 : i32
          %rem3A_405 = arith.remui %scan3A_160, %rem3A_404 : i32
          %mul3A_406 = arith.constant 1 : i32
          %mul3A_407 = arith.muli %mul3A_406, %add3A_187 : i32
          %dma_start3A_408 = arith.constant 0 : i32
          %dma_start3A_409 = arith.constant 0 : i32
          %dma_start3A_410 = arith.constant 0 : i32
          %dma_start3A_411 = tpu.memref_slice %run_scoped3A_8[%rem3A_405, %dma_start3A_408, %dma_start3A_409, %dma_start3A_410] : memref<2x1x3x128xf32, #tpu.memory_space<vmem>> -> memref<1x1x3x128xf32, #tpu.memory_space<vmem>>
          %dma_start3A_412 = tpu.memref_squeeze %dma_start3A_411 : memref<1x1x3x128xf32, #tpu.memory_space<vmem>> -> memref<1x3x128xf32, #tpu.memory_space<vmem>>
          %dma_start3A_413 = arith.constant 0 : i32
          %dma_start3A_414 = arith.constant 0 : i32
          %dma_start3A_415 = tpu.memref_slice %arg4[%mul3A_407, %dma_start3A_413, %dma_start3A_414] : memref<256x3x128xf32, #tpu.memory_space<hbm>> -> memref<1x3x128xf32, #tpu.memory_space<hbm>>
          %dma_start3A_416 = tpu.memref_slice %run_scoped3A_9[%rem3A_405] : memref<2x!tpu.dma_semaphore, #tpu.memory_space<semaphore_mem>> -> memref<1x!tpu.dma_semaphore, #tpu.memory_space<semaphore_mem>>
          %dma_start3A_417 = tpu.memref_squeeze %dma_start3A_416 : memref<1x!tpu.dma_semaphore, #tpu.memory_space<semaphore_mem>> -> memref<!tpu.dma_semaphore, #tpu.memory_space<semaphore_mem>>
          %dma_start3A_418 = arith.constant 0 : i32
          %dma_start3A_419 = arith.constant 0 : i32
          %dma_start3A_420 = arith.constant 0 : i32
          %dma_start3A_421 = tpu.memref_slice %run_scoped3A_8[%rem3A_405, %dma_start3A_418, %dma_start3A_419, %dma_start3A_420] : memref<2x1x3x128xf32, #tpu.memory_space<vmem>> -> memref<1x1x3x128xf32, #tpu.memory_space<vmem>>
          %dma_start3A_422 = tpu.memref_squeeze %dma_start3A_421 : memref<1x1x3x128xf32, #tpu.memory_space<vmem>> -> memref<1x3x128xf32, #tpu.memory_space<vmem>>
          %dma_start3A_423 = arith.constant 0 : i32
          %dma_start3A_424 = arith.constant 0 : i32
          %dma_start3A_425 = tpu.memref_slice %arg4[%mul3A_407, %dma_start3A_423, %dma_start3A_424] : memref<256x3x128xf32, #tpu.memory_space<hbm>> -> memref<1x3x128xf32, #tpu.memory_space<hbm>>
          tpu.enqueue_dma source(%dma_start3A_425 : memref<1x3x128xf32, #tpu.memory_space<hbm>>) target(%dma_start3A_422 : memref<1x3x128xf32, #tpu.memory_space<vmem>>) target_semaphore(%dma_start3A_417 : memref<!tpu.dma_semaphore, #tpu.memory_space<semaphore_mem>>)
          "tpu.trace_stop"() : () -> ()
        } else {
        }
        %and3A_225 = arith.constant true
        %and3A_226 = arith.andi %and3A_221, %and3A_225 : i1
        %add3A_227 = arith.constant 1 : i32
        %add3A_228 = arith.addi %scan3A_160, %add3A_227 : i32
        %select_n3A_229 = arith.select %and3A_226, %add3A_228, %scan3A_160 : i32
        %ne3A_230 = arith.cmpi ne, %add3A_169, %add3A_187 : i32
        %or3A_231 = arith.constant false
        %or3A_232 = arith.ori %or3A_231, %ne3A_230 : i1
        %or3A_233 = arith.constant false
        %or3A_234 = arith.ori %or3A_232, %or3A_233 : i1
        %ge3A_235 = arith.constant 7 : i32
        %ge3A_236 = arith.cmpi sge, %scan3A_157, %ge3A_235 : i32
        %not3A_237 = arith.constant true
        %not3A_238 = arith.xori %ge3A_236, %not3A_237 : i1
        %and3A_239 = arith.andi %or3A_234, %not3A_238 : i1
        %ne3A_240 = arith.cmpi ne, %add3A_169, %add3A_178 : i32
        %or3A_241 = arith.constant false
        %or3A_242 = arith.ori %or3A_241, %ne3A_240 : i1
        %or3A_243 = arith.constant false
        %or3A_244 = arith.ori %or3A_242, %or3A_243 : i1
        %or3A_245 = arith.constant false
        %or3A_246 = arith.ori %or3A_244, %or3A_245 : i1
        %or3A_247 = arith.ori %or3A_246, %eq3A_166 : i1
        %convert_element_type3A_248 = arith.extui %or3A_247 : i1 to i32
        %cond3A_249 = arith.constant 0 : i32
        %cond3A_250 = arith.cmpi ne, %convert_element_type3A_248, %cond3A_249 : i32
        scf.if %cond3A_250 {
          "tpu.trace_start"() <{level = 10 : i32, message = "ep_wait_in"}> : () -> ()
          %mul3A_404 = arith.constant 1 : i32
          %mul3A_405 = arith.muli %mul3A_404, %add3A_169 : i32
          %rem3A_406 = arith.constant 2 : i32
          %rem3A_407 = arith.remui %scan3A_159, %rem3A_406 : i32
          %dma_wait3A_408 = arith.constant 0 : i32
          %dma_wait3A_409 = arith.constant 0 : i32
          %dma_wait3A_410 = arith.constant 0 : i32
          %dma_wait3A_411 = tpu.memref_slice %run_scoped3A[%rem3A_407, %dma_wait3A_408, %dma_wait3A_409, %dma_wait3A_410] : memref<2x1x3x128xi32, #tpu.memory_space<vmem>> -> memref<1x1x3x128xi32, #tpu.memory_space<vmem>>
          %dma_wait3A_412 = tpu.memref_squeeze %dma_wait3A_411 : memref<1x1x3x128xi32, #tpu.memory_space<vmem>> -> memref<1x3x128xi32, #tpu.memory_space<vmem>>
          %dma_wait3A_413 = arith.constant 0 : i32
          %dma_wait3A_414 = arith.constant 0 : i32
          %dma_wait3A_415 = tpu.memref_slice %arg3[%mul3A_405, %dma_wait3A_413, %dma_wait3A_414] : memref<256x3x128xi32, #tpu.memory_space<hbm>> -> memref<1x3x128xi32, #tpu.memory_space<hbm>>
          %dma_wait3A_416 = tpu.memref_slice %run_scoped3A_7[%rem3A_407] : memref<2x!tpu.dma_semaphore, #tpu.memory_space<semaphore_mem>> -> memref<1x!tpu.dma_semaphore, #tpu.memory_space<semaphore_mem>>
          %dma_wait3A_417 = tpu.memref_squeeze %dma_wait3A_416 : memref<1x!tpu.dma_semaphore, #tpu.memory_space<semaphore_mem>> -> memref<!tpu.dma_semaphore, #tpu.memory_space<semaphore_mem>>
          %dma_wait3A_418 = arith.constant 0 : i32
          %dma_wait3A_419 = arith.constant 0 : i32
          %dma_wait3A_420 = arith.constant 0 : i32
          %dma_wait3A_421 = tpu.memref_slice %run_scoped3A[%rem3A_407, %dma_wait3A_418, %dma_wait3A_419, %dma_wait3A_420] : memref<2x1x3x128xi32, #tpu.memory_space<vmem>> -> memref<1x1x3x128xi32, #tpu.memory_space<vmem>>
          %dma_wait3A_422 = tpu.memref_squeeze %dma_wait3A_421 : memref<1x1x3x128xi32, #tpu.memory_space<vmem>> -> memref<1x3x128xi32, #tpu.memory_space<vmem>>
          %dma_wait3A_423 = arith.constant 0 : i32
          %dma_wait3A_424 = arith.constant 0 : i32
          %dma_wait3A_425 = tpu.memref_slice %arg3[%mul3A_405, %dma_wait3A_423, %dma_wait3A_424] : memref<256x3x128xi32, #tpu.memory_space<hbm>> -> memref<1x3x128xi32, #tpu.memory_space<hbm>>
          tpu.wait_dma2 semaphore(%dma_wait3A_417 : memref<!tpu.dma_semaphore, #tpu.memory_space<semaphore_mem>>) src(%dma_wait3A_425 : memref<1x3x128xi32, #tpu.memory_space<hbm>>) dst(%dma_wait3A_422 : memref<1x3x128xi32, #tpu.memory_space<vmem>>)
          "tpu.trace_stop"() : () -> ()
        } else {
        }
        %ne3A_251 = arith.cmpi ne, %add3A_169, %add3A_178 : i32
        %or3A_252 = arith.constant false
        %or3A_253 = arith.ori %or3A_252, %ne3A_251 : i1
        %or3A_254 = arith.constant false
        %or3A_255 = arith.ori %or3A_253, %or3A_254 : i1
        %or3A_256 = arith.constant false
        %or3A_257 = arith.ori %or3A_255, %or3A_256 : i1
        %or3A_258 = arith.ori %or3A_257, %eq3A_166 : i1
        %convert_element_type3A_259 = arith.extui %or3A_258 : i1 to i32
        %cond3A_260 = arith.constant 0 : i32
        %cond3A_261 = arith.cmpi ne, %convert_element_type3A_259, %cond3A_260 : i32
        scf.if %cond3A_261 {
          "tpu.trace_start"() <{level = 10 : i32, message = "ep_wait_in"}> : () -> ()
          %mul3A_404 = arith.constant 1 : i32
          %mul3A_405 = arith.muli %mul3A_404, %add3A_169 : i32
          %rem3A_406 = arith.constant 2 : i32
          %rem3A_407 = arith.remui %scan3A_161, %rem3A_406 : i32
          %dma_wait3A_408 = arith.constant 0 : i32
          %dma_wait3A_409 = arith.constant 0 : i32
          %dma_wait3A_410 = arith.constant 0 : i32
          %dma_wait3A_411 = tpu.memref_slice %run_scoped3A_8[%rem3A_407, %dma_wait3A_408, %dma_wait3A_409, %dma_wait3A_410] : memref<2x1x3x128xf32, #tpu.memory_space<vmem>> -> memref<1x1x3x128xf32, #tpu.memory_space<vmem>>
          %dma_wait3A_412 = tpu.memref_squeeze %dma_wait3A_411 : memref<1x1x3x128xf32, #tpu.memory_space<vmem>> -> memref<1x3x128xf32, #tpu.memory_space<vmem>>
          %dma_wait3A_413 = arith.constant 0 : i32
          %dma_wait3A_414 = arith.constant 0 : i32
          %dma_wait3A_415 = tpu.memref_slice %arg4[%mul3A_405, %dma_wait3A_413, %dma_wait3A_414] : memref<256x3x128xf32, #tpu.memory_space<hbm>> -> memref<1x3x128xf32, #tpu.memory_space<hbm>>
          %dma_wait3A_416 = tpu.memref_slice %run_scoped3A_9[%rem3A_407] : memref<2x!tpu.dma_semaphore, #tpu.memory_space<semaphore_mem>> -> memref<1x!tpu.dma_semaphore, #tpu.memory_space<semaphore_mem>>
          %dma_wait3A_417 = tpu.memref_squeeze %dma_wait3A_416 : memref<1x!tpu.dma_semaphore, #tpu.memory_space<semaphore_mem>> -> memref<!tpu.dma_semaphore, #tpu.memory_space<semaphore_mem>>
          %dma_wait3A_418 = arith.constant 0 : i32
          %dma_wait3A_419 = arith.constant 0 : i32
          %dma_wait3A_420 = arith.constant 0 : i32
          %dma_wait3A_421 = tpu.memref_slice %run_scoped3A_8[%rem3A_407, %dma_wait3A_418, %dma_wait3A_419, %dma_wait3A_420] : memref<2x1x3x128xf32, #tpu.memory_space<vmem>> -> memref<1x1x3x128xf32, #tpu.memory_space<vmem>>
          %dma_wait3A_422 = tpu.memref_squeeze %dma_wait3A_421 : memref<1x1x3x128xf32, #tpu.memory_space<vmem>> -> memref<1x3x128xf32, #tpu.memory_space<vmem>>
          %dma_wait3A_423 = arith.constant 0 : i32
          %dma_wait3A_424 = arith.constant 0 : i32
          %dma_wait3A_425 = tpu.memref_slice %arg4[%mul3A_405, %dma_wait3A_423, %dma_wait3A_424] : memref<256x3x128xf32, #tpu.memory_space<hbm>> -> memref<1x3x128xf32, #tpu.memory_space<hbm>>
          tpu.wait_dma2 semaphore(%dma_wait3A_417 : memref<!tpu.dma_semaphore, #tpu.memory_space<semaphore_mem>>) src(%dma_wait3A_425 : memref<1x3x128xf32, #tpu.memory_space<hbm>>) dst(%dma_wait3A_422 : memref<1x3x128xf32, #tpu.memory_space<vmem>>)
          "tpu.trace_stop"() : () -> ()
        } else {
        }
        %ne3A_262 = arith.cmpi ne, %add3A_169, %add3A_178 : i32
        %or3A_263 = arith.constant false
        %or3A_264 = arith.ori %or3A_263, %ne3A_262 : i1
        %or3A_265 = arith.constant false
        %or3A_266 = arith.ori %or3A_264, %or3A_265 : i1
        %or3A_267 = arith.ori %or3A_266, %eq3A_166 : i1
        %convert_element_type3A_268 = arith.extui %or3A_267 : i1 to i32
        %cond3A_269 = arith.constant 0 : i32
        %cond3A_270 = arith.cmpi ne, %convert_element_type3A_268, %cond3A_269 : i32
        scf.if %cond3A_270 {
        } else {
        }
        %rem3A_271 = arith.constant 2 : i32
        %rem3A_272 = arith.remui %scan3A_159, %rem3A_271 : i32
        %rem3A_273 = arith.constant 2 : i32
        %rem3A_274 = arith.remui %scan3A_161, %rem3A_273 : i32
        %rem3A_275 = arith.constant 2 : i32
        %rem3A_276 = arith.remui %scan3A_162, %rem3A_275 : i32
        %run_scoped3A_277 = arith.constant 0 : i32
        %run_scoped3A_278 = arith.constant 0 : i32
        "tpu.trace_start"() <{level = 10 : i32, message = "ep_run_kernel"}> : () -> ()
        "tpu.region"() ({
          %run_scoped3A_404 = tpu.sem_alloc : memref<!tpu.dma_semaphore, #tpu.memory_space<semaphore_mem>>
          %dma_start3A_405 = arith.constant 0 : i32
          %dma_start3A_406 = arith.constant 0 : i32
          %dma_start3A_407 = arith.constant 0 : i32
          %dma_start3A_408 = tpu.memref_slice %run_scoped3A[%rem3A_272, %dma_start3A_405, %dma_start3A_406, %dma_start3A_407] : memref<2x1x3x128xi32, #tpu.memory_space<vmem>> -> memref<1x1x3x128xi32, #tpu.memory_space<vmem>>
          %dma_start3A_409 = tpu.memref_squeeze %dma_start3A_408 : memref<1x1x3x128xi32, #tpu.memory_space<vmem>> -> memref<1x3x128xi32, #tpu.memory_space<vmem>>
          %dma_start3A_410 = arith.constant 0 : i32
          %dma_start3A_411 = tpu.memref_slice %dma_start3A_409[%run_scoped3A_277, %run_scoped3A_278, %dma_start3A_410] : memref<1x3x128xi32, #tpu.memory_space<vmem>> -> memref<1x1x128xi32, #tpu.memory_space<vmem>>
          %dma_start3A_412 = tpu.memref_squeeze %dma_start3A_411 : memref<1x1x128xi32, #tpu.memory_space<vmem>> -> memref<128xi32, #tpu.memory_space<vmem>>
          %dma_start3A_413 = arith.constant 0 : i32
          %dma_start3A_414 = arith.constant 0 : i32
          %dma_start3A_415 = tpu.memref_slice %arg2[%dma_start3A_413, %dma_start3A_414] : memref<8192x128xi32, #tpu.memory_space<hbm>> -> memref<8192x128xi32, #tpu.memory_space<hbm>>
          tpu.enqueue_indirect_dma source(%dma_start3A_415 : memref<8192x128xi32, #tpu.memory_space<hbm>>) target(%arg6 : memref<128x128xi32, #tpu.memory_space<vmem>>) offsets(%dma_start3A_412 : memref<128xi32, #tpu.memory_space<vmem>>) semaphore(%run_scoped3A_404 : memref<!tpu.dma_semaphore, #tpu.memory_space<semaphore_mem>>)
          %dma_wait3A_416 = arith.constant 0 : i32
          %dma_wait3A_417 = arith.constant 0 : i32
          %dma_wait3A_418 = arith.constant 0 : i32
          %dma_wait3A_419 = tpu.memref_slice %run_scoped3A[%rem3A_272, %dma_wait3A_416, %dma_wait3A_417, %dma_wait3A_418] : memref<2x1x3x128xi32, #tpu.memory_space<vmem>> -> memref<1x1x3x128xi32, #tpu.memory_space<vmem>>
          %dma_wait3A_420 = tpu.memref_squeeze %dma_wait3A_419 : memref<1x1x3x128xi32, #tpu.memory_space<vmem>> -> memref<1x3x128xi32, #tpu.memory_space<vmem>>
          %dma_wait3A_421 = arith.constant 0 : i32
          %dma_wait3A_422 = tpu.memref_slice %dma_wait3A_420[%run_scoped3A_277, %run_scoped3A_278, %dma_wait3A_421] : memref<1x3x128xi32, #tpu.memory_space<vmem>> -> memref<1x1x128xi32, #tpu.memory_space<vmem>>
          %dma_wait3A_423 = tpu.memref_squeeze %dma_wait3A_422 : memref<1x1x128xi32, #tpu.memory_space<vmem>> -> memref<128xi32, #tpu.memory_space<vmem>>
          %dma_wait3A_424 = arith.constant 0 : i32
          %dma_wait3A_425 = arith.constant 0 : i32
          %dma_wait3A_426 = tpu.memref_slice %arg2[%dma_wait3A_424, %dma_wait3A_425] : memref<8192x128xi32, #tpu.memory_space<hbm>> -> memref<8192x128xi32, #tpu.memory_space<hbm>>
          tpu.wait_indirect_dma semaphore(%run_scoped3A_404 : memref<!tpu.dma_semaphore, #tpu.memory_space<semaphore_mem>>) src(%dma_wait3A_426 : memref<8192x128xi32, #tpu.memory_space<hbm>>) dst(%arg6 : memref<128x128xi32, #tpu.memory_space<vmem>>)
          tpu.yield
        }) : () -> ()
        %run_scoped3A_279 = arith.constant 0 : i32
        %run_scoped3A_280 = arith.constant 1 : i32
        "tpu.region"() ({
          %run_scoped3A_404 = tpu.sem_alloc : memref<!tpu.dma_semaphore, #tpu.memory_space<semaphore_mem>>
          %dma_start3A_405 = arith.constant 0 : i32
          %dma_start3A_406 = arith.constant 0 : i32
          %dma_start3A_407 = arith.constant 0 : i32
          %dma_start3A_408 = tpu.memref_slice %run_scoped3A[%rem3A_272, %dma_start3A_405, %dma_start3A_406, %dma_start3A_407] : memref<2x1x3x128xi32, #tpu.memory_space<vmem>> -> memref<1x1x3x128xi32, #tpu.memory_space<vmem>>
          %dma_start3A_409 = tpu.memref_squeeze %dma_start3A_408 : memref<1x1x3x128xi32, #tpu.memory_space<vmem>> -> memref<1x3x128xi32, #tpu.memory_space<vmem>>
          %dma_start3A_410 = arith.constant 0 : i32
          %dma_start3A_411 = tpu.memref_slice %dma_start3A_409[%run_scoped3A_279, %run_scoped3A_280, %dma_start3A_410] : memref<1x3x128xi32, #tpu.memory_space<vmem>> -> memref<1x1x128xi32, #tpu.memory_space<vmem>>
          %dma_start3A_412 = tpu.memref_squeeze %dma_start3A_411 : memref<1x1x128xi32, #tpu.memory_space<vmem>> -> memref<128xi32, #tpu.memory_space<vmem>>
          %dma_start3A_413 = arith.constant 0 : i32
          %dma_start3A_414 = arith.constant 0 : i32
          %dma_start3A_415 = tpu.memref_slice %arg2[%dma_start3A_413, %dma_start3A_414] : memref<8192x128xi32, #tpu.memory_space<hbm>> -> memref<8192x128xi32, #tpu.memory_space<hbm>>
          tpu.enqueue_indirect_dma source(%dma_start3A_415 : memref<8192x128xi32, #tpu.memory_space<hbm>>) target(%arg7 : memref<128x128xi32, #tpu.memory_space<vmem>>) offsets(%dma_start3A_412 : memref<128xi32, #tpu.memory_space<vmem>>) semaphore(%run_scoped3A_404 : memref<!tpu.dma_semaphore, #tpu.memory_space<semaphore_mem>>)
          %dma_wait3A_416 = arith.constant 0 : i32
          %dma_wait3A_417 = arith.constant 0 : i32
          %dma_wait3A_418 = arith.constant 0 : i32
          %dma_wait3A_419 = tpu.memref_slice %run_scoped3A[%rem3A_272, %dma_wait3A_416, %dma_wait3A_417, %dma_wait3A_418] : memref<2x1x3x128xi32, #tpu.memory_space<vmem>> -> memref<1x1x3x128xi32, #tpu.memory_space<vmem>>
          %dma_wait3A_420 = tpu.memref_squeeze %dma_wait3A_419 : memref<1x1x3x128xi32, #tpu.memory_space<vmem>> -> memref<1x3x128xi32, #tpu.memory_space<vmem>>
          %dma_wait3A_421 = arith.constant 0 : i32
          %dma_wait3A_422 = tpu.memref_slice %dma_wait3A_420[%run_scoped3A_279, %run_scoped3A_280, %dma_wait3A_421] : memref<1x3x128xi32, #tpu.memory_space<vmem>> -> memref<1x1x128xi32, #tpu.memory_space<vmem>>
          %dma_wait3A_423 = tpu.memref_squeeze %dma_wait3A_422 : memref<1x1x128xi32, #tpu.memory_space<vmem>> -> memref<128xi32, #tpu.memory_space<vmem>>
          %dma_wait3A_424 = arith.constant 0 : i32
          %dma_wait3A_425 = arith.constant 0 : i32
          %dma_wait3A_426 = tpu.memref_slice %arg2[%dma_wait3A_424, %dma_wait3A_425] : memref<8192x128xi32, #tpu.memory_space<hbm>> -> memref<8192x128xi32, #tpu.memory_space<hbm>>
          tpu.wait_indirect_dma semaphore(%run_scoped3A_404 : memref<!tpu.dma_semaphore, #tpu.memory_space<semaphore_mem>>) src(%dma_wait3A_426 : memref<8192x128xi32, #tpu.memory_space<hbm>>) dst(%arg7 : memref<128x128xi32, #tpu.memory_space<vmem>>)
          tpu.yield
        }) : () -> ()
        %run_scoped3A_281 = arith.constant 0 : i32
        %run_scoped3A_282 = arith.constant 2 : i32
        "tpu.region"() ({
          %run_scoped3A_404 = tpu.sem_alloc : memref<!tpu.dma_semaphore, #tpu.memory_space<semaphore_mem>>
          %dma_start3A_405 = arith.constant 0 : i32
          %dma_start3A_406 = arith.constant 0 : i32
          %dma_start3A_407 = arith.constant 0 : i32
          %dma_start3A_408 = tpu.memref_slice %run_scoped3A[%rem3A_272, %dma_start3A_405, %dma_start3A_406, %dma_start3A_407] : memref<2x1x3x128xi32, #tpu.memory_space<vmem>> -> memref<1x1x3x128xi32, #tpu.memory_space<vmem>>
          %dma_start3A_409 = tpu.memref_squeeze %dma_start3A_408 : memref<1x1x3x128xi32, #tpu.memory_space<vmem>> -> memref<1x3x128xi32, #tpu.memory_space<vmem>>
          %dma_start3A_410 = arith.constant 0 : i32
          %dma_start3A_411 = tpu.memref_slice %dma_start3A_409[%run_scoped3A_281, %run_scoped3A_282, %dma_start3A_410] : memref<1x3x128xi32, #tpu.memory_space<vmem>> -> memref<1x1x128xi32, #tpu.memory_space<vmem>>
          %dma_start3A_412 = tpu.memref_squeeze %dma_start3A_411 : memref<1x1x128xi32, #tpu.memory_space<vmem>> -> memref<128xi32, #tpu.memory_space<vmem>>
          %dma_start3A_413 = arith.constant 0 : i32
          %dma_start3A_414 = arith.constant 0 : i32
          %dma_start3A_415 = tpu.memref_slice %arg2[%dma_start3A_413, %dma_start3A_414] : memref<8192x128xi32, #tpu.memory_space<hbm>> -> memref<8192x128xi32, #tpu.memory_space<hbm>>
          tpu.enqueue_indirect_dma source(%dma_start3A_415 : memref<8192x128xi32, #tpu.memory_space<hbm>>) target(%arg8 : memref<128x128xi32, #tpu.memory_space<vmem>>) offsets(%dma_start3A_412 : memref<128xi32, #tpu.memory_space<vmem>>) semaphore(%run_scoped3A_404 : memref<!tpu.dma_semaphore, #tpu.memory_space<semaphore_mem>>)
          %dma_wait3A_416 = arith.constant 0 : i32
          %dma_wait3A_417 = arith.constant 0 : i32
          %dma_wait3A_418 = arith.constant 0 : i32
          %dma_wait3A_419 = tpu.memref_slice %run_scoped3A[%rem3A_272, %dma_wait3A_416, %dma_wait3A_417, %dma_wait3A_418] : memref<2x1x3x128xi32, #tpu.memory_space<vmem>> -> memref<1x1x3x128xi32, #tpu.memory_space<vmem>>
          %dma_wait3A_420 = tpu.memref_squeeze %dma_wait3A_419 : memref<1x1x3x128xi32, #tpu.memory_space<vmem>> -> memref<1x3x128xi32, #tpu.memory_space<vmem>>
          %dma_wait3A_421 = arith.constant 0 : i32
          %dma_wait3A_422 = tpu.memref_slice %dma_wait3A_420[%run_scoped3A_281, %run_scoped3A_282, %dma_wait3A_421] : memref<1x3x128xi32, #tpu.memory_space<vmem>> -> memref<1x1x128xi32, #tpu.memory_space<vmem>>
          %dma_wait3A_423 = tpu.memref_squeeze %dma_wait3A_422 : memref<1x1x128xi32, #tpu.memory_space<vmem>> -> memref<128xi32, #tpu.memory_space<vmem>>
          %dma_wait3A_424 = arith.constant 0 : i32
          %dma_wait3A_425 = arith.constant 0 : i32
          %dma_wait3A_426 = tpu.memref_slice %arg2[%dma_wait3A_424, %dma_wait3A_425] : memref<8192x128xi32, #tpu.memory_space<hbm>> -> memref<8192x128xi32, #tpu.memory_space<hbm>>
          tpu.wait_indirect_dma semaphore(%run_scoped3A_404 : memref<!tpu.dma_semaphore, #tpu.memory_space<semaphore_mem>>) src(%dma_wait3A_426 : memref<8192x128xi32, #tpu.memory_space<hbm>>) dst(%arg8 : memref<128x128xi32, #tpu.memory_space<vmem>>)
          tpu.yield
        }) : () -> ()
        %scan3A_283 = arith.constant 0 : i32
        %scan3A_284 = arith.constant 128 : i32
        %scan3A_285 = arith.addi %scan3A_283, %scan3A_284 : i32
        %scan3A_286 = arith.constant 1 : i32
        scf.for %scan3A_404 = %scan3A_283 to %scan3A_285 step %scan3A_286  : i32 {
          %mul3A_405 = arith.constant 1 : i32
          %mul3A_406 = arith.muli %scan3A_404, %mul3A_405 : i32
          %add3A_407 = arith.constant 0 : i32
          %add3A_408 = arith.addi %add3A_407, %mul3A_406 : i32
          %broadcast_in_dim3A = arith.constant 0 : i32
          %broadcast_in_dim3A_409 = vector.broadcast %broadcast_in_dim3A : i32 to vector<16xi32>
          %broadcast_in_dim3A_410 = vector.broadcast %add3A_408 : i32 to vector<16xi32>
          %broadcast_in_dim3A_411 = arith.constant 0 : i32
          %broadcast_in_dim3A_412 = vector.broadcast %broadcast_in_dim3A_411 : i32 to vector<16xi32>
          %gather3A = arith.constant 0 : i32
          %gather3A_413 = arith.constant 0 : i32
          %gather3A_414 = arith.constant 0 : i32
          %gather3A_415 = tpu.memref_slice %run_scoped3A_8[%rem3A_274, %gather3A, %gather3A_413, %gather3A_414] : memref<2x1x3x128xf32, #tpu.memory_space<vmem>> -> memref<1x1x3x128xf32, #tpu.memory_space<vmem>>
          %gather3A_416 = tpu.memref_squeeze %gather3A_415 : memref<1x1x3x128xf32, #tpu.memory_space<vmem>> -> memref<1x3x128xf32, #tpu.memory_space<vmem>>
          %gather3A_417 = tpu.vector_load_idx %gather3A_416[%broadcast_in_dim3A_409, %broadcast_in_dim3A_412, %broadcast_in_dim3A_410] : memref<1x3x128xf32, #tpu.memory_space<vmem>>[vector<16xi32>, vector<16xi32>, vector<16xi32>], vector<16xf32>,
          %pack3A = tpu.pack_subelements %gather3A_417, %gather3A_417 {pack_format = #tpu.pack_format<interleaved>, positions = array<i32: 0, 1>} : vector<16xf32>, vector<16xf32> -> vector<32xbf16>
          %broadcast_in_dim3A_418 = arith.constant 1 : i32
          %broadcast_in_dim3A_419 = vector.broadcast %broadcast_in_dim3A_418 : i32 to vector<16xi32>
          %gather3A_420 = arith.constant 0 : i32
          %gather3A_421 = arith.constant 0 : i32
          %gather3A_422 = arith.constant 0 : i32
          %gather3A_423 = tpu.memref_slice %run_scoped3A_8[%rem3A_274, %gather3A_420, %gather3A_421, %gather3A_422] : memref<2x1x3x128xf32, #tpu.memory_space<vmem>> -> memref<1x1x3x128xf32, #tpu.memory_space<vmem>>
          %gather3A_424 = tpu.memref_squeeze %gather3A_423 : memref<1x1x3x128xf32, #tpu.memory_space<vmem>> -> memref<1x3x128xf32, #tpu.memory_space<vmem>>
          %gather3A_425 = tpu.vector_load_idx %gather3A_424[%broadcast_in_dim3A_409, %broadcast_in_dim3A_419, %broadcast_in_dim3A_410] : memref<1x3x128xf32, #tpu.memory_space<vmem>>[vector<16xi32>, vector<16xi32>, vector<16xi32>], vector<16xf32>,
          %pack3A_426 = tpu.pack_subelements %gather3A_425, %gather3A_425 {pack_format = #tpu.pack_format<interleaved>, positions = array<i32: 0, 1>} : vector<16xf32>, vector<16xf32> -> vector<32xbf16>
          %broadcast_in_dim3A_427 = arith.constant 2 : i32
          %broadcast_in_dim3A_428 = vector.broadcast %broadcast_in_dim3A_427 : i32 to vector<16xi32>
          %gather3A_429 = arith.constant 0 : i32
          %gather3A_430 = arith.constant 0 : i32
          %gather3A_431 = arith.constant 0 : i32
          %gather3A_432 = tpu.memref_slice %run_scoped3A_8[%rem3A_274, %gather3A_429, %gather3A_430, %gather3A_431] : memref<2x1x3x128xf32, #tpu.memory_space<vmem>> -> memref<1x1x3x128xf32, #tpu.memory_space<vmem>>
          %gather3A_433 = tpu.memref_squeeze %gather3A_432 : memref<1x1x3x128xf32, #tpu.memory_space<vmem>> -> memref<1x3x128xf32, #tpu.memory_space<vmem>>
          %gather3A_434 = tpu.vector_load_idx %gather3A_433[%broadcast_in_dim3A_409, %broadcast_in_dim3A_428, %broadcast_in_dim3A_410] : memref<1x3x128xf32, #tpu.memory_space<vmem>>[vector<16xi32>, vector<16xi32>, vector<16xi32>], vector<16xf32>,
          %pack3A_435 = tpu.pack_subelements %gather3A_434, %gather3A_434 {pack_format = #tpu.pack_format<interleaved>, positions = array<i32: 0, 1>} : vector<16xf32>, vector<16xf32> -> vector<32xbf16>
          %get3A = arith.index_cast %add3A_408 : i32 to index
          %get3A_436 = arith.constant 0 : index
          %get3A_437 = tpu.vector_load %arg6[%get3A, %get3A_436] {strides = array<i32>} : memref<128x128xi32, #tpu.memory_space<vmem>>, vector<16xi32>,
          %bitcast3A = vector.bitcast %get3A_437 : vector<16xi32> to vector<32xbf16>
          %mul3A_438 = arith.mulf %pack3A, %bitcast3A : vector<32xbf16>
          %get3A_439 = arith.index_cast %add3A_408 : i32 to index
          %get3A_440 = arith.constant 0 : index
          %get3A_441 = tpu.vector_load %arg7[%get3A_439, %get3A_440] {strides = array<i32>} : memref<128x128xi32, #tpu.memory_space<vmem>>, vector<16xi32>,
          %bitcast3A_442 = vector.bitcast %get3A_441 : vector<16xi32> to vector<32xbf16>
          %mul3A_443 = arith.mulf %pack3A_426, %bitcast3A_442 : vector<32xbf16>
          %add3A_444 = arith.addf %mul3A_438, %mul3A_443 : vector<32xbf16>
          %get3A_445 = arith.index_cast %add3A_408 : i32 to index
          %get3A_446 = arith.constant 0 : index
          %get3A_447 = tpu.vector_load %arg8[%get3A_445, %get3A_446] {strides = array<i32>} : memref<128x128xi32, #tpu.memory_space<vmem>>, vector<16xi32>,
          %bitcast3A_448 = vector.bitcast %get3A_447 : vector<16xi32> to vector<32xbf16>
          %mul3A_449 = arith.mulf %pack3A_435, %bitcast3A_448 : vector<32xbf16>
          %add3A_450 = arith.addf %add3A_444, %mul3A_449 : vector<32xbf16>
          %bitcast3A_451 = vector.bitcast %add3A_450 : vector<32xbf16> to vector<16xi32>
          %swap3A = arith.constant 0 : i32
          %swap3A_452 = arith.constant 0 : i32
          %swap3A_453 = tpu.memref_slice %run_scoped3A_10[%rem3A_276, %swap3A, %swap3A_452] : memref<2x128x128xi32, #tpu.memory_space<vmem>> -> memref<1x128x128xi32, #tpu.memory_space<vmem>>
          %swap3A_454 = tpu.memref_squeeze %swap3A_453 : memref<1x128x128xi32, #tpu.memory_space<vmem>> -> memref<128x128xi32, #tpu.memory_space<vmem>>
          %swap3A_455 = arith.index_cast %add3A_408 : i32 to index
          %swap3A_456 = arith.constant 0 : index
          %swap3A_457 = tpu.vector_load %swap3A_454[%swap3A_455, %swap3A_456] {strides = array<i32>} : memref<128x128xi32, #tpu.memory_space<vmem>>, vector<16xi32>,
          tpu.vector_store %swap3A_454[%swap3A_455, %swap3A_456], %bitcast3A_451 {strides = array<i32>} : memref<128x128xi32, #tpu.memory_space<vmem>>, vector<16xi32>,
          %get3A_458 = arith.index_cast %add3A_408 : i32 to index
          %get3A_459 = arith.constant 16 : index
          %get3A_460 = tpu.vector_load %arg6[%get3A_458, %get3A_459] {strides = array<i32>} : memref<128x128xi32, #tpu.memory_space<vmem>>, vector<16xi32>,
          %bitcast3A_461 = vector.bitcast %get3A_460 : vector<16xi32> to vector<32xbf16>
          %mul3A_462 = arith.mulf %pack3A, %bitcast3A_461 : vector<32xbf16>
          %get3A_463 = arith.index_cast %add3A_408 : i32 to index
          %get3A_464 = arith.constant 16 : index
          %get3A_465 = tpu.vector_load %arg7[%get3A_463, %get3A_464] {strides = array<i32>} : memref<128x128xi32, #tpu.memory_space<vmem>>, vector<16xi32>,
          %bitcast3A_466 = vector.bitcast %get3A_465 : vector<16xi32> to vector<32xbf16>
          %mul3A_467 = arith.mulf %pack3A_426, %bitcast3A_466 : vector<32xbf16>
          %add3A_468 = arith.addf %mul3A_462, %mul3A_467 : vector<32xbf16>
          %get3A_469 = arith.index_cast %add3A_408 : i32 to index
          %get3A_470 = arith.constant 16 : index
          %get3A_471 = tpu.vector_load %arg8[%get3A_469, %get3A_470] {strides = array<i32>} : memref<128x128xi32, #tpu.memory_space<vmem>>, vector<16xi32>,
          %bitcast3A_472 = vector.bitcast %get3A_471 : vector<16xi32> to vector<32xbf16>
          %mul3A_473 = arith.mulf %pack3A_435, %bitcast3A_472 : vector<32xbf16>
          %add3A_474 = arith.addf %add3A_468, %mul3A_473 : vector<32xbf16>
          %bitcast3A_475 = vector.bitcast %add3A_474 : vector<32xbf16> to vector<16xi32>
          %swap3A_476 = arith.constant 0 : i32
          %swap3A_477 = arith.constant 0 : i32
          %swap3A_478 = tpu.memref_slice %run_scoped3A_10[%rem3A_276, %swap3A_476, %swap3A_477] : memref<2x128x128xi32, #tpu.memory_space<vmem>> -> memref<1x128x128xi32, #tpu.memory_space<vmem>>
          %swap3A_479 = tpu.memref_squeeze %swap3A_478 : memref<1x128x128xi32, #tpu.memory_space<vmem>> -> memref<128x128xi32, #tpu.memory_space<vmem>>
          %swap3A_480 = arith.index_cast %add3A_408 : i32 to index
          %swap3A_481 = arith.constant 16 : index
          %swap3A_482 = tpu.vector_load %swap3A_479[%swap3A_480, %swap3A_481] {strides = array<i32>} : memref<128x128xi32, #tpu.memory_space<vmem>>, vector<16xi32>,
          tpu.vector_store %swap3A_479[%swap3A_480, %swap3A_481], %bitcast3A_475 {strides = array<i32>} : memref<128x128xi32, #tpu.memory_space<vmem>>, vector<16xi32>,
          %get3A_483 = arith.index_cast %add3A_408 : i32 to index
          %get3A_484 = arith.constant 32 : index
          %get3A_485 = tpu.vector_load %arg6[%get3A_483, %get3A_484] {strides = array<i32>} : memref<128x128xi32, #tpu.memory_space<vmem>>, vector<16xi32>,
          %bitcast3A_486 = vector.bitcast %get3A_485 : vector<16xi32> to vector<32xbf16>
          %mul3A_487 = arith.mulf %pack3A, %bitcast3A_486 : vector<32xbf16>
          %get3A_488 = arith.index_cast %add3A_408 : i32 to index
          %get3A_489 = arith.constant 32 : index
          %get3A_490 = tpu.vector_load %arg7[%get3A_488, %get3A_489] {strides = array<i32>} : memref<128x128xi32, #tpu.memory_space<vmem>>, vector<16xi32>,
          %bitcast3A_491 = vector.bitcast %get3A_490 : vector<16xi32> to vector<32xbf16>
          %mul3A_492 = arith.mulf %pack3A_426, %bitcast3A_491 : vector<32xbf16>
          %add3A_493 = arith.addf %mul3A_487, %mul3A_492 : vector<32xbf16>
          %get3A_494 = arith.index_cast %add3A_408 : i32 to index
          %get3A_495 = arith.constant 32 : index
          %get3A_496 = tpu.vector_load %arg8[%get3A_494, %get3A_495] {strides = array<i32>} : memref<128x128xi32, #tpu.memory_space<vmem>>, vector<16xi32>,
          %bitcast3A_497 = vector.bitcast %get3A_496 : vector<16xi32> to vector<32xbf16>
          %mul3A_498 = arith.mulf %pack3A_435, %bitcast3A_497 : vector<32xbf16>
          %add3A_499 = arith.addf %add3A_493, %mul3A_498 : vector<32xbf16>
          %bitcast3A_500 = vector.bitcast %add3A_499 : vector<32xbf16> to vector<16xi32>
          %swap3A_501 = arith.constant 0 : i32
          %swap3A_502 = arith.constant 0 : i32
          %swap3A_503 = tpu.memref_slice %run_scoped3A_10[%rem3A_276, %swap3A_501, %swap3A_502] : memref<2x128x128xi32, #tpu.memory_space<vmem>> -> memref<1x128x128xi32, #tpu.memory_space<vmem>>
          %swap3A_504 = tpu.memref_squeeze %swap3A_503 : memref<1x128x128xi32, #tpu.memory_space<vmem>> -> memref<128x128xi32, #tpu.memory_space<vmem>>
          %swap3A_505 = arith.index_cast %add3A_408 : i32 to index
          %swap3A_506 = arith.constant 32 : index
          %swap3A_507 = tpu.vector_load %swap3A_504[%swap3A_505, %swap3A_506] {strides = array<i32>} : memref<128x128xi32, #tpu.memory_space<vmem>>, vector<16xi32>,
          tpu.vector_store %swap3A_504[%swap3A_505, %swap3A_506], %bitcast3A_500 {strides = array<i32>} : memref<128x128xi32, #tpu.memory_space<vmem>>, vector<16xi32>,
          %get3A_508 = arith.index_cast %add3A_408 : i32 to index
          %get3A_509 = arith.constant 48 : index
          %get3A_510 = tpu.vector_load %arg6[%get3A_508, %get3A_509] {strides = array<i32>} : memref<128x128xi32, #tpu.memory_space<vmem>>, vector<16xi32>,
          %bitcast3A_511 = vector.bitcast %get3A_510 : vector<16xi32> to vector<32xbf16>
          %mul3A_512 = arith.mulf %pack3A, %bitcast3A_511 : vector<32xbf16>
          %get3A_513 = arith.index_cast %add3A_408 : i32 to index
          %get3A_514 = arith.constant 48 : index
          %get3A_515 = tpu.vector_load %arg7[%get3A_513, %get3A_514] {strides = array<i32>} : memref<128x128xi32, #tpu.memory_space<vmem>>, vector<16xi32>,
          %bitcast3A_516 = vector.bitcast %get3A_515 : vector<16xi32> to vector<32xbf16>
          %mul3A_517 = arith.mulf %pack3A_426, %bitcast3A_516 : vector<32xbf16>
          %add3A_518 = arith.addf %mul3A_512, %mul3A_517 : vector<32xbf16>
          %get3A_519 = arith.index_cast %add3A_408 : i32 to index
          %get3A_520 = arith.constant 48 : index
          %get3A_521 = tpu.vector_load %arg8[%get3A_519, %get3A_520] {strides = array<i32>} : memref<128x128xi32, #tpu.memory_space<vmem>>, vector<16xi32>,
          %bitcast3A_522 = vector.bitcast %get3A_521 : vector<16xi32> to vector<32xbf16>
          %mul3A_523 = arith.mulf %pack3A_435, %bitcast3A_522 : vector<32xbf16>
          %add3A_524 = arith.addf %add3A_518, %mul3A_523 : vector<32xbf16>
          %bitcast3A_525 = vector.bitcast %add3A_524 : vector<32xbf16> to vector<16xi32>
          %swap3A_526 = arith.constant 0 : i32
          %swap3A_527 = arith.constant 0 : i32
          %swap3A_528 = tpu.memref_slice %run_scoped3A_10[%rem3A_276, %swap3A_526, %swap3A_527] : memref<2x128x128xi32, #tpu.memory_space<vmem>> -> memref<1x128x128xi32, #tpu.memory_space<vmem>>
          %swap3A_529 = tpu.memref_squeeze %swap3A_528 : memref<1x128x128xi32, #tpu.memory_space<vmem>> -> memref<128x128xi32, #tpu.memory_space<vmem>>
          %swap3A_530 = arith.index_cast %add3A_408 : i32 to index
          %swap3A_531 = arith.constant 48 : index
          %swap3A_532 = tpu.vector_load %swap3A_529[%swap3A_530, %swap3A_531] {strides = array<i32>} : memref<128x128xi32, #tpu.memory_space<vmem>>, vector<16xi32>,
          tpu.vector_store %swap3A_529[%swap3A_530, %swap3A_531], %bitcast3A_525 {strides = array<i32>} : memref<128x128xi32, #tpu.memory_space<vmem>>, vector<16xi32>,
          %get3A_533 = arith.index_cast %add3A_408 : i32 to index
          %get3A_534 = arith.constant 64 : index
          %get3A_535 = tpu.vector_load %arg6[%get3A_533, %get3A_534] {strides = array<i32>} : memref<128x128xi32, #tpu.memory_space<vmem>>, vector<16xi32>,
          %bitcast3A_536 = vector.bitcast %get3A_535 : vector<16xi32> to vector<32xbf16>
          %mul3A_537 = arith.mulf %pack3A, %bitcast3A_536 : vector<32xbf16>
          %get3A_538 = arith.index_cast %add3A_408 : i32 to index
          %get3A_539 = arith.constant 64 : index
          %get3A_540 = tpu.vector_load %arg7[%get3A_538, %get3A_539] {strides = array<i32>} : memref<128x128xi32, #tpu.memory_space<vmem>>, vector<16xi32>,
          %bitcast3A_541 = vector.bitcast %get3A_540 : vector<16xi32> to vector<32xbf16>
          %mul3A_542 = arith.mulf %pack3A_426, %bitcast3A_541 : vector<32xbf16>
          %add3A_543 = arith.addf %mul3A_537, %mul3A_542 : vector<32xbf16>
          %get3A_544 = arith.index_cast %add3A_408 : i32 to index
          %get3A_545 = arith.constant 64 : index
          %get3A_546 = tpu.vector_load %arg8[%get3A_544, %get3A_545] {strides = array<i32>} : memref<128x128xi32, #tpu.memory_space<vmem>>, vector<16xi32>,
          %bitcast3A_547 = vector.bitcast %get3A_546 : vector<16xi32> to vector<32xbf16>
          %mul3A_548 = arith.mulf %pack3A_435, %bitcast3A_547 : vector<32xbf16>
          %add3A_549 = arith.addf %add3A_543, %mul3A_548 : vector<32xbf16>
          %bitcast3A_550 = vector.bitcast %add3A_549 : vector<32xbf16> to vector<16xi32>
          %swap3A_551 = arith.constant 0 : i32
          %swap3A_552 = arith.constant 0 : i32
          %swap3A_553 = tpu.memref_slice %run_scoped3A_10[%rem3A_276, %swap3A_551, %swap3A_552] : memref<2x128x128xi32, #tpu.memory_space<vmem>> -> memref<1x128x128xi32, #tpu.memory_space<vmem>>
          %swap3A_554 = tpu.memref_squeeze %swap3A_553 : memref<1x128x128xi32, #tpu.memory_space<vmem>> -> memref<128x128xi32, #tpu.memory_space<vmem>>
          %swap3A_555 = arith.index_cast %add3A_408 : i32 to index
          %swap3A_556 = arith.constant 64 : index
          %swap3A_557 = tpu.vector_load %swap3A_554[%swap3A_555, %swap3A_556] {strides = array<i32>} : memref<128x128xi32, #tpu.memory_space<vmem>>, vector<16xi32>,
          tpu.vector_store %swap3A_554[%swap3A_555, %swap3A_556], %bitcast3A_550 {strides = array<i32>} : memref<128x128xi32, #tpu.memory_space<vmem>>, vector<16xi32>,
          %get3A_558 = arith.index_cast %add3A_408 : i32 to index
          %get3A_559 = arith.constant 80 : index
          %get3A_560 = tpu.vector_load %arg6[%get3A_558, %get3A_559] {strides = array<i32>} : memref<128x128xi32, #tpu.memory_space<vmem>>, vector<16xi32>,
          %bitcast3A_561 = vector.bitcast %get3A_560 : vector<16xi32> to vector<32xbf16>
          %mul3A_562 = arith.mulf %pack3A, %bitcast3A_561 : vector<32xbf16>
          %get3A_563 = arith.index_cast %add3A_408 : i32 to index
          %get3A_564 = arith.constant 80 : index
          %get3A_565 = tpu.vector_load %arg7[%get3A_563, %get3A_564] {strides = array<i32>} : memref<128x128xi32, #tpu.memory_space<vmem>>, vector<16xi32>,
          %bitcast3A_566 = vector.bitcast %get3A_565 : vector<16xi32> to vector<32xbf16>
          %mul3A_567 = arith.mulf %pack3A_426, %bitcast3A_566 : vector<32xbf16>
          %add3A_568 = arith.addf %mul3A_562, %mul3A_567 : vector<32xbf16>
          %get3A_569 = arith.index_cast %add3A_408 : i32 to index
          %get3A_570 = arith.constant 80 : index
          %get3A_571 = tpu.vector_load %arg8[%get3A_569, %get3A_570] {strides = array<i32>} : memref<128x128xi32, #tpu.memory_space<vmem>>, vector<16xi32>,
          %bitcast3A_572 = vector.bitcast %get3A_571 : vector<16xi32> to vector<32xbf16>
          %mul3A_573 = arith.mulf %pack3A_435, %bitcast3A_572 : vector<32xbf16>
          %add3A_574 = arith.addf %add3A_568, %mul3A_573 : vector<32xbf16>
          %bitcast3A_575 = vector.bitcast %add3A_574 : vector<32xbf16> to vector<16xi32>
          %swap3A_576 = arith.constant 0 : i32
          %swap3A_577 = arith.constant 0 : i32
          %swap3A_578 = tpu.memref_slice %run_scoped3A_10[%rem3A_276, %swap3A_576, %swap3A_577] : memref<2x128x128xi32, #tpu.memory_space<vmem>> -> memref<1x128x128xi32, #tpu.memory_space<vmem>>
          %swap3A_579 = tpu.memref_squeeze %swap3A_578 : memref<1x128x128xi32, #tpu.memory_space<vmem>> -> memref<128x128xi32, #tpu.memory_space<vmem>>
          %swap3A_580 = arith.index_cast %add3A_408 : i32 to index
          %swap3A_581 = arith.constant 80 : index
          %swap3A_582 = tpu.vector_load %swap3A_579[%swap3A_580, %swap3A_581] {strides = array<i32>} : memref<128x128xi32, #tpu.memory_space<vmem>>, vector<16xi32>,
          tpu.vector_store %swap3A_579[%swap3A_580, %swap3A_581], %bitcast3A_575 {strides = array<i32>} : memref<128x128xi32, #tpu.memory_space<vmem>>, vector<16xi32>,
          %get3A_583 = arith.index_cast %add3A_408 : i32 to index
          %get3A_584 = arith.constant 96 : index
          %get3A_585 = tpu.vector_load %arg6[%get3A_583, %get3A_584] {strides = array<i32>} : memref<128x128xi32, #tpu.memory_space<vmem>>, vector<16xi32>,
          %bitcast3A_586 = vector.bitcast %get3A_585 : vector<16xi32> to vector<32xbf16>
          %mul3A_587 = arith.mulf %pack3A, %bitcast3A_586 : vector<32xbf16>
          %get3A_588 = arith.index_cast %add3A_408 : i32 to index
          %get3A_589 = arith.constant 96 : index
          %get3A_590 = tpu.vector_load %arg7[%get3A_588, %get3A_589] {strides = array<i32>} : memref<128x128xi32, #tpu.memory_space<vmem>>, vector<16xi32>,
          %bitcast3A_591 = vector.bitcast %get3A_590 : vector<16xi32> to vector<32xbf16>
          %mul3A_592 = arith.mulf %pack3A_426, %bitcast3A_591 : vector<32xbf16>
          %add3A_593 = arith.addf %mul3A_587, %mul3A_592 : vector<32xbf16>
          %get3A_594 = arith.index_cast %add3A_408 : i32 to index
          %get3A_595 = arith.constant 96 : index
          %get3A_596 = tpu.vector_load %arg8[%get3A_594, %get3A_595] {strides = array<i32>} : memref<128x128xi32, #tpu.memory_space<vmem>>, vector<16xi32>,
          %bitcast3A_597 = vector.bitcast %get3A_596 : vector<16xi32> to vector<32xbf16>
          %mul3A_598 = arith.mulf %pack3A_435, %bitcast3A_597 : vector<32xbf16>
          %add3A_599 = arith.addf %add3A_593, %mul3A_598 : vector<32xbf16>
          %bitcast3A_600 = vector.bitcast %add3A_599 : vector<32xbf16> to vector<16xi32>
          %swap3A_601 = arith.constant 0 : i32
          %swap3A_602 = arith.constant 0 : i32
          %swap3A_603 = tpu.memref_slice %run_scoped3A_10[%rem3A_276, %swap3A_601, %swap3A_602] : memref<2x128x128xi32, #tpu.memory_space<vmem>> -> memref<1x128x128xi32, #tpu.memory_space<vmem>>
          %swap3A_604 = tpu.memref_squeeze %swap3A_603 : memref<1x128x128xi32, #tpu.memory_space<vmem>> -> memref<128x128xi32, #tpu.memory_space<vmem>>
          %swap3A_605 = arith.index_cast %add3A_408 : i32 to index
          %swap3A_606 = arith.constant 96 : index
          %swap3A_607 = tpu.vector_load %swap3A_604[%swap3A_605, %swap3A_606] {strides = array<i32>} : memref<128x128xi32, #tpu.memory_space<vmem>>, vector<16xi32>,
          tpu.vector_store %swap3A_604[%swap3A_605, %swap3A_606], %bitcast3A_600 {strides = array<i32>} : memref<128x128xi32, #tpu.memory_space<vmem>>, vector<16xi32>,
          %get3A_608 = arith.index_cast %add3A_408 : i32 to index
          %get3A_609 = arith.constant 112 : index
          %get3A_610 = tpu.vector_load %arg6[%get3A_608, %get3A_609] {strides = array<i32>} : memref<128x128xi32, #tpu.memory_space<vmem>>, vector<16xi32>,
          %bitcast3A_611 = vector.bitcast %get3A_610 : vector<16xi32> to vector<32xbf16>
          %mul3A_612 = arith.mulf %pack3A, %bitcast3A_611 : vector<32xbf16>
          %get3A_613 = arith.index_cast %add3A_408 : i32 to index
          %get3A_614 = arith.constant 112 : index
          %get3A_615 = tpu.vector_load %arg7[%get3A_613, %get3A_614] {strides = array<i32>} : memref<128x128xi32, #tpu.memory_space<vmem>>, vector<16xi32>,
          %bitcast3A_616 = vector.bitcast %get3A_615 : vector<16xi32> to vector<32xbf16>
          %mul3A_617 = arith.mulf %pack3A_426, %bitcast3A_616 : vector<32xbf16>
          %add3A_618 = arith.addf %mul3A_612, %mul3A_617 : vector<32xbf16>
          %get3A_619 = arith.index_cast %add3A_408 : i32 to index
          %get3A_620 = arith.constant 112 : index
          %get3A_621 = tpu.vector_load %arg8[%get3A_619, %get3A_620] {strides = array<i32>} : memref<128x128xi32, #tpu.memory_space<vmem>>, vector<16xi32>,
          %bitcast3A_622 = vector.bitcast %get3A_621 : vector<16xi32> to vector<32xbf16>
          %mul3A_623 = arith.mulf %pack3A_435, %bitcast3A_622 : vector<32xbf16>
          %add3A_624 = arith.addf %add3A_618, %mul3A_623 : vector<32xbf16>
          %bitcast3A_625 = vector.bitcast %add3A_624 : vector<32xbf16> to vector<16xi32>
          %swap3A_626 = arith.constant 0 : i32
          %swap3A_627 = arith.constant 0 : i32
          %swap3A_628 = tpu.memref_slice %run_scoped3A_10[%rem3A_276, %swap3A_626, %swap3A_627] : memref<2x128x128xi32, #tpu.memory_space<vmem>> -> memref<1x128x128xi32, #tpu.memory_space<vmem>>
          %swap3A_629 = tpu.memref_squeeze %swap3A_628 : memref<1x128x128xi32, #tpu.memory_space<vmem>> -> memref<128x128xi32, #tpu.memory_space<vmem>>
          %swap3A_630 = arith.index_cast %add3A_408 : i32 to index
          %swap3A_631 = arith.constant 112 : index
          %swap3A_632 = tpu.vector_load %swap3A_629[%swap3A_630, %swap3A_631] {strides = array<i32>} : memref<128x128xi32, #tpu.memory_space<vmem>>, vector<16xi32>,
          tpu.vector_store %swap3A_629[%swap3A_630, %swap3A_631], %bitcast3A_625 {strides = array<i32>} : memref<128x128xi32, #tpu.memory_space<vmem>>, vector<16xi32>,
        }
        %scan3A_287 = arith.constant 128 : i32
        "tpu.trace_stop"() : () -> ()
        %ne3A_288 = arith.cmpi ne, %add3A_169, %add3A_187 : i32
        %or3A_289 = arith.constant false
        %or3A_290 = arith.ori %or3A_289, %ne3A_288 : i1
        %or3A_291 = arith.constant false
        %or3A_292 = arith.ori %or3A_290, %or3A_291 : i1
        %or3A_293 = arith.constant false
        %or3A_294 = arith.ori %or3A_292, %or3A_293 : i1
        %or3A_295 = arith.ori %or3A_294, %eq3A_168 : i1
        %convert_element_type3A_296 = arith.extui %or3A_295 : i1 to i32
        %cond3A_297 = arith.constant 0 : i32
        %cond3A_298 = arith.cmpi ne, %convert_element_type3A_296, %cond3A_297 : i32
        scf.if %cond3A_298 {
        } else {
        }
        %and3A_299 = arith.constant false
        %and3A_300 = arith.andi %or3A_295, %and3A_299 : i1
        %ne3A_301 = arith.cmpi ne, %add3A_169, %add3A_187 : i32
        %or3A_302 = arith.constant false
        %or3A_303 = arith.ori %or3A_302, %ne3A_301 : i1
        %or3A_304 = arith.constant false
        %or3A_305 = arith.ori %or3A_303, %or3A_304 : i1
        %or3A_306 = arith.constant false
        %or3A_307 = arith.ori %or3A_305, %or3A_306 : i1
        %or3A_308 = arith.ori %or3A_307, %eq3A_168 : i1
        %convert_element_type3A_309 = arith.extui %or3A_308 : i1 to i32
        %cond3A_310 = arith.constant 0 : i32
        %cond3A_311 = arith.cmpi ne, %convert_element_type3A_309, %cond3A_310 : i32
        scf.if %cond3A_311 {
        } else {
        }
        %and3A_312 = arith.constant false
        %and3A_313 = arith.andi %or3A_308, %and3A_312 : i1
        %ne3A_314 = arith.cmpi ne, %add3A_169, %add3A_187 : i32
        %or3A_315 = arith.constant false
        %or3A_316 = arith.ori %or3A_315, %ne3A_314 : i1
        %or3A_317 = arith.constant false
        %or3A_318 = arith.ori %or3A_316, %or3A_317 : i1
        %or3A_319 = arith.ori %or3A_318, %eq3A_168 : i1
        %convert_element_type3A_320 = arith.extui %or3A_319 : i1 to i32
        %cond3A_321 = arith.constant 0 : i32
        %cond3A_322 = arith.cmpi ne, %convert_element_type3A_320, %cond3A_321 : i32
        scf.if %cond3A_322 {
          "tpu.trace_start"() <{level = 10 : i32, message = "ep_copy_out"}> : () -> ()
          %rem3A_404 = arith.constant 2 : i32
          %rem3A_405 = arith.remui %scan3A_162, %rem3A_404 : i32
          %mul3A_406 = arith.constant 128 : i32
          %mul3A_407 = arith.muli %mul3A_406, %add3A_169 : i32
          %dma_start3A_408 = arith.constant 0 : i32
          %dma_start3A_409 = arith.constant 0 : i32
          %dma_start3A_410 = tpu.memref_slice %run_scoped3A_10[%rem3A_405, %dma_start3A_408, %dma_start3A_409] : memref<2x128x128xi32, #tpu.memory_space<vmem>> -> memref<1x128x128xi32, #tpu.memory_space<vmem>>
          %dma_start3A_411 = tpu.memref_squeeze %dma_start3A_410 : memref<1x128x128xi32, #tpu.memory_space<vmem>> -> memref<128x128xi32, #tpu.memory_space<vmem>>
          %dma_start3A_412 = arith.constant 0 : i32
          %dma_start3A_413 = tpu.memref_slice %arg5[%mul3A_407, %dma_start3A_412] : memref<32768x128xi32, #tpu.memory_space<hbm>> -> memref<128x128xi32, #tpu.memory_space<hbm>>
          %dma_start3A_414 = tpu.memref_slice %run_scoped3A_11[%rem3A_405] : memref<2x!tpu.dma_semaphore, #tpu.memory_space<semaphore_mem>> -> memref<1x!tpu.dma_semaphore, #tpu.memory_space<semaphore_mem>>
          %dma_start3A_415 = tpu.memref_squeeze %dma_start3A_414 : memref<1x!tpu.dma_semaphore, #tpu.memory_space<semaphore_mem>> -> memref<!tpu.dma_semaphore, #tpu.memory_space<semaphore_mem>>
          %dma_start3A_416 = arith.constant 0 : i32
          %dma_start3A_417 = tpu.memref_slice %arg5[%mul3A_407, %dma_start3A_416] : memref<32768x128xi32, #tpu.memory_space<hbm>> -> memref<128x128xi32, #tpu.memory_space<hbm>>
          %dma_start3A_418 = arith.constant 0 : i32
          %dma_start3A_419 = arith.constant 0 : i32
          %dma_start3A_420 = tpu.memref_slice %run_scoped3A_10[%rem3A_405, %dma_start3A_418, %dma_start3A_419] : memref<2x128x128xi32, #tpu.memory_space<vmem>> -> memref<1x128x128xi32, #tpu.memory_space<vmem>>
          %dma_start3A_421 = tpu.memref_squeeze %dma_start3A_420 : memref<1x128x128xi32, #tpu.memory_space<vmem>> -> memref<128x128xi32, #tpu.memory_space<vmem>>
          tpu.enqueue_dma source(%dma_start3A_421 : memref<128x128xi32, #tpu.memory_space<vmem>>) target(%dma_start3A_417 : memref<128x128xi32, #tpu.memory_space<hbm>>) target_semaphore(%dma_start3A_415 : memref<!tpu.dma_semaphore, #tpu.memory_space<semaphore_mem>>)
          "tpu.trace_stop"() : () -> ()
        } else {
        }
        %and3A_323 = arith.constant true
        %and3A_324 = arith.andi %or3A_319, %and3A_323 : i1
        %add3A_325 = arith.constant 1 : i32
        %add3A_326 = arith.addi %scan3A_162, %add3A_325 : i32
        %select_n3A_327 = arith.select %and3A_324, %add3A_326, %scan3A_162 : i32
        %ne3A_328 = arith.cmpi ne, %add3A_169, %add3A_178 : i32
        %or3A_329 = arith.constant false
        %or3A_330 = arith.ori %or3A_329, %ne3A_328 : i1
        %or3A_331 = arith.constant false
        %or3A_332 = arith.ori %or3A_330, %or3A_331 : i1
        %or3A_333 = arith.constant false
        %or3A_334 = arith.ori %or3A_332, %or3A_333 : i1
        %not3A_335 = arith.constant true
        %not3A_336 = arith.xori %eq3A_166, %not3A_335 : i1
        %and3A_337 = arith.andi %or3A_334, %not3A_336 : i1
        %convert_element_type3A_338 = arith.extui %and3A_337 : i1 to i32
        %cond3A_339 = arith.constant 0 : i32
        %cond3A_340 = arith.cmpi ne, %convert_element_type3A_338, %cond3A_339 : i32
        scf.if %cond3A_340 {
        } else {
        }
        %and3A_341 = arith.constant false
        %and3A_342 = arith.andi %and3A_337, %and3A_341 : i1
        %ne3A_343 = arith.cmpi ne, %add3A_169, %add3A_178 : i32
        %or3A_344 = arith.constant false
        %or3A_345 = arith.ori %or3A_344, %ne3A_343 : i1
        %or3A_346 = arith.constant false
        %or3A_347 = arith.ori %or3A_345, %or3A_346 : i1
        %or3A_348 = arith.constant false
        %or3A_349 = arith.ori %or3A_347, %or3A_348 : i1
        %not3A_350 = arith.constant true
        %not3A_351 = arith.xori %eq3A_166, %not3A_350 : i1
        %and3A_352 = arith.andi %or3A_349, %not3A_351 : i1
        %convert_element_type3A_353 = arith.extui %and3A_352 : i1 to i32
        %cond3A_354 = arith.constant 0 : i32
        %cond3A_355 = arith.cmpi ne, %convert_element_type3A_353, %cond3A_354 : i32
        scf.if %cond3A_355 {
        } else {
        }
        %and3A_356 = arith.constant false
        %and3A_357 = arith.andi %and3A_352, %and3A_356 : i1
        %ne3A_358 = arith.cmpi ne, %add3A_169, %add3A_178 : i32
        %or3A_359 = arith.constant false
        %or3A_360 = arith.ori %or3A_359, %ne3A_358 : i1
        %or3A_361 = arith.constant false
        %or3A_362 = arith.ori %or3A_360, %or3A_361 : i1
        %not3A_363 = arith.constant true
        %not3A_364 = arith.xori %eq3A_166, %not3A_363 : i1
        %and3A_365 = arith.andi %or3A_362, %not3A_364 : i1
        %convert_element_type3A_366 = arith.extui %and3A_365 : i1 to i32
        %cond3A_367 = arith.constant 0 : i32
        %cond3A_368 = arith.cmpi ne, %convert_element_type3A_366, %cond3A_367 : i32
        scf.if %cond3A_368 {
          "tpu.trace_start"() <{level = 10 : i32, message = "ep_wait_out"}> : () -> ()
          %rem3A_404 = arith.constant 2 : i32
          %rem3A_405 = arith.remui %scan3A_163, %rem3A_404 : i32
          %mul3A_406 = arith.constant 128 : i32
          %mul3A_407 = arith.muli %mul3A_406, %add3A_178 : i32
          %dma_wait3A_408 = arith.constant 0 : i32
          %dma_wait3A_409 = arith.constant 0 : i32
          %dma_wait3A_410 = tpu.memref_slice %run_scoped3A_10[%rem3A_405, %dma_wait3A_408, %dma_wait3A_409] : memref<2x128x128xi32, #tpu.memory_space<vmem>> -> memref<1x128x128xi32, #tpu.memory_space<vmem>>
          %dma_wait3A_411 = tpu.memref_squeeze %dma_wait3A_410 : memref<1x128x128xi32, #tpu.memory_space<vmem>> -> memref<128x128xi32, #tpu.memory_space<vmem>>
          %dma_wait3A_412 = arith.constant 0 : i32
          %dma_wait3A_413 = tpu.memref_slice %arg5[%mul3A_407, %dma_wait3A_412] : memref<32768x128xi32, #tpu.memory_space<hbm>> -> memref<128x128xi32, #tpu.memory_space<hbm>>
          %dma_wait3A_414 = tpu.memref_slice %run_scoped3A_11[%rem3A_405] : memref<2x!tpu.dma_semaphore, #tpu.memory_space<semaphore_mem>> -> memref<1x!tpu.dma_semaphore, #tpu.memory_space<semaphore_mem>>
          %dma_wait3A_415 = tpu.memref_squeeze %dma_wait3A_414 : memref<1x!tpu.dma_semaphore, #tpu.memory_space<semaphore_mem>> -> memref<!tpu.dma_semaphore, #tpu.memory_space<semaphore_mem>>
          %dma_wait3A_416 = arith.constant 0 : i32
          %dma_wait3A_417 = tpu.memref_slice %arg5[%mul3A_407, %dma_wait3A_416] : memref<32768x128xi32, #tpu.memory_space<hbm>> -> memref<128x128xi32, #tpu.memory_space<hbm>>
          %dma_wait3A_418 = arith.constant 0 : i32
          %dma_wait3A_419 = arith.constant 0 : i32
          %dma_wait3A_420 = tpu.memref_slice %run_scoped3A_10[%rem3A_405, %dma_wait3A_418, %dma_wait3A_419] : memref<2x128x128xi32, #tpu.memory_space<vmem>> -> memref<1x128x128xi32, #tpu.memory_space<vmem>>
          %dma_wait3A_421 = tpu.memref_squeeze %dma_wait3A_420 : memref<1x128x128xi32, #tpu.memory_space<vmem>> -> memref<128x128xi32, #tpu.memory_space<vmem>>
          tpu.wait_dma2 semaphore(%dma_wait3A_415 : memref<!tpu.dma_semaphore, #tpu.memory_space<semaphore_mem>>) src(%dma_wait3A_421 : memref<128x128xi32, #tpu.memory_space<vmem>>) dst(%dma_wait3A_417 : memref<128x128xi32, #tpu.memory_space<hbm>>)
          "tpu.trace_stop"() : () -> ()
        } else {
        }
        %and3A_369 = arith.constant true
        %and3A_370 = arith.andi %and3A_365, %and3A_369 : i1
        %add3A_371 = arith.constant 1 : i32
        %add3A_372 = arith.addi %scan3A_163, %add3A_371 : i32
        %select_n3A_373 = arith.select %and3A_370, %add3A_372, %scan3A_163 : i32
        %ne3A_374 = arith.cmpi ne, %add3A_169, %add3A_187 : i32
        %or3A_375 = arith.constant false
        %or3A_376 = arith.ori %or3A_375, %ne3A_374 : i1
        %or3A_377 = arith.constant false
        %or3A_378 = arith.ori %or3A_376, %or3A_377 : i1
        %or3A_379 = arith.constant false
        %or3A_380 = arith.ori %or3A_378, %or3A_379 : i1
        %or3A_381 = arith.ori %or3A_380, %eq3A_168 : i1
        %add3A_382 = arith.constant 1 : i32
        %add3A_383 = arith.addi %scan3A_159, %add3A_382 : i32
        %select_n3A_384 = arith.select %or3A_381, %add3A_383, %scan3A_159 : i32
        %ne3A_385 = arith.cmpi ne, %add3A_169, %add3A_187 : i32
        %or3A_386 = arith.constant false
        %or3A_387 = arith.ori %or3A_386, %ne3A_385 : i1
        %or3A_388 = arith.constant false
        %or3A_389 = arith.ori %or3A_387, %or3A_388 : i1
        %or3A_390 = arith.constant false
        %or3A_391 = arith.ori %or3A_389, %or3A_390 : i1
        %or3A_392 = arith.ori %or3A_391, %eq3A_168 : i1
        %add3A_393 = arith.constant 1 : i32
        %add3A_394 = arith.addi %scan3A_161, %add3A_393 : i32
        %select_n3A_395 = arith.select %or3A_392, %add3A_394, %scan3A_161 : i32
        %add3A_396 = arith.constant 1 : i32
        %add3A_397 = arith.addi %scan3A_164, %add3A_396 : i32
        %select_n3A_398 = arith.constant true
        %select_n3A_399 = arith.select %select_n3A_398, %add3A_397, %scan3A_164 : i32
        %eq3A_400 = arith.constant 8 : i32
        %eq3A_401 = arith.cmpi eq, %select_n3A_399, %eq3A_400 : i32
        %select_n3A_402 = arith.constant 0 : i32
        %select_n3A_403 = arith.select %eq3A_401, %select_n3A_402, %select_n3A_399 : i32
        scf.yield %select_n3A_209, %select_n3A_384, %select_n3A_229, %select_n3A_395, %select_n3A_327, %select_n3A_373, %select_n3A_403 : i32, i32, i32, i32, i32, i32, i32
      }
      %scan3A_104 = arith.constant 8 : i32
      %sub3A = arith.constant 1 : i32
      %sub3A_105 = arith.subi %scan3A_103#6, %sub3A : i32
      %select_n3A_106 = arith.constant true
      %select_n3A_107 = arith.select %select_n3A_106, %sub3A_105, %scan3A_103#6 : i32
      %eq3A_108 = arith.constant -1 : i32
      %eq3A_109 = arith.cmpi eq, %select_n3A_107, %eq3A_108 : i32
      %select_n3A_110 = arith.constant 7 : i32
      %select_n3A_111 = arith.select %eq3A_109, %select_n3A_110, %select_n3A_107 : i32
      %add3A_112 = arith.addi %select_n3A_111, %mul3A_6 : i32
      %sub3A_113 = arith.constant 1 : i32
      %sub3A_114 = arith.subi %select_n3A_111, %sub3A_113 : i32
      %select_n3A_115 = arith.constant true
      %select_n3A_116 = arith.select %select_n3A_115, %sub3A_114, %select_n3A_111 : i32
      %eq3A_117 = arith.constant -1 : i32
      %eq3A_118 = arith.cmpi eq, %select_n3A_116, %eq3A_117 : i32
      %select_n3A_119 = arith.constant 7 : i32
      %select_n3A_120 = arith.select %eq3A_118, %select_n3A_119, %select_n3A_116 : i32
      %add3A_121 = arith.addi %select_n3A_120, %mul3A_6 : i32
      %add3A_122 = arith.constant 1 : i32
      %add3A_123 = arith.addi %select_n3A_111, %add3A_122 : i32
      %select_n3A_124 = arith.constant true
      %select_n3A_125 = arith.select %select_n3A_124, %add3A_123, %select_n3A_111 : i32
      %eq3A_126 = arith.constant 8 : i32
      %eq3A_127 = arith.cmpi eq, %select_n3A_125, %eq3A_126 : i32
      %select_n3A_128 = arith.constant 0 : i32
      %select_n3A_129 = arith.select %eq3A_127, %select_n3A_128, %select_n3A_125 : i32
      %add3A_130 = arith.addi %select_n3A_129, %mul3A_6 : i32
      %add3A_131 = arith.constant 1 : i32
      %add3A_132 = arith.addi %select_n3A_129, %add3A_131 : i32
      %select_n3A_133 = arith.constant true
      %select_n3A_134 = arith.select %select_n3A_133, %add3A_132, %select_n3A_129 : i32
      %eq3A_135 = arith.constant 8 : i32
      %eq3A_136 = arith.cmpi eq, %select_n3A_134, %eq3A_135 : i32
      %select_n3A_137 = arith.constant 0 : i32
      %select_n3A_138 = arith.select %eq3A_136, %select_n3A_137, %select_n3A_134 : i32
      %add3A_139 = arith.addi %select_n3A_138, %mul3A_6 : i32
      "tpu.trace_start"() <{level = 10 : i32, message = "ep_finalize"}> : () -> ()
      %rem3A_140 = arith.constant 2 : i32
      %rem3A_141 = arith.remui %scan3A_103#5, %rem3A_140 : i32
      %mul3A_142 = arith.constant 128 : i32
      %mul3A_143 = arith.muli %mul3A_142, %add3A_112 : i32
      %dma_wait3A = arith.constant 0 : i32
      %dma_wait3A_144 = arith.constant 0 : i32
      %dma_wait3A_145 = tpu.memref_slice %run_scoped3A_10[%rem3A_141, %dma_wait3A, %dma_wait3A_144] : memref<2x128x128xi32, #tpu.memory_space<vmem>> -> memref<1x128x128xi32, #tpu.memory_space<vmem>>
      %dma_wait3A_146 = tpu.memref_squeeze %dma_wait3A_145 : memref<1x128x128xi32, #tpu.memory_space<vmem>> -> memref<128x128xi32, #tpu.memory_space<vmem>>
      %dma_wait3A_147 = arith.constant 0 : i32
      %dma_wait3A_148 = tpu.memref_slice %arg5[%mul3A_143, %dma_wait3A_147] : memref<32768x128xi32, #tpu.memory_space<hbm>> -> memref<128x128xi32, #tpu.memory_space<hbm>>
      %dma_wait3A_149 = tpu.memref_slice %run_scoped3A_11[%rem3A_141] : memref<2x!tpu.dma_semaphore, #tpu.memory_space<semaphore_mem>> -> memref<1x!tpu.dma_semaphore, #tpu.memory_space<semaphore_mem>>
      %dma_wait3A_150 = tpu.memref_squeeze %dma_wait3A_149 : memref<1x!tpu.dma_semaphore, #tpu.memory_space<semaphore_mem>> -> memref<!tpu.dma_semaphore, #tpu.memory_space<semaphore_mem>>
      %dma_wait3A_151 = arith.constant 0 : i32
      %dma_wait3A_152 = tpu.memref_slice %arg5[%mul3A_143, %dma_wait3A_151] : memref<32768x128xi32, #tpu.memory_space<hbm>> -> memref<128x128xi32, #tpu.memory_space<hbm>>
      %dma_wait3A_153 = arith.constant 0 : i32
      %dma_wait3A_154 = arith.constant 0 : i32
      %dma_wait3A_155 = tpu.memref_slice %run_scoped3A_10[%rem3A_141, %dma_wait3A_153, %dma_wait3A_154] : memref<2x128x128xi32, #tpu.memory_space<vmem>> -> memref<1x128x128xi32, #tpu.memory_space<vmem>>
      %dma_wait3A_156 = tpu.memref_squeeze %dma_wait3A_155 : memref<1x128x128xi32, #tpu.memory_space<vmem>> -> memref<128x128xi32, #tpu.memory_space<vmem>>
      tpu.wait_dma2 semaphore(%dma_wait3A_150 : memref<!tpu.dma_semaphore, #tpu.memory_space<semaphore_mem>>) src(%dma_wait3A_156 : memref<128x128xi32, #tpu.memory_space<vmem>>) dst(%dma_wait3A_152 : memref<128x128xi32, #tpu.memory_space<hbm>>)
      "tpu.trace_stop"() : () -> ()
      tpu.yield
    }) : () -> ()
    return
  }
}

module attributes {stable_mosaic.version = 14 : i64} {
  func.func @_three_nn_body(%arg0: i32, %arg1: i32, %arg2: memref<1x1024x3xf32, #tpu.memory_space<vmem>>, %arg3: memref<1x3x256xf32, #tpu.memory_space<vmem>>, %arg4: memref<1x64x256xf32, #tpu.memory_space<vmem>>, %arg5: memref<1x1x2x3x128xi32, #tpu.memory_space<vmem>>, %arg6: memref<1x1x2x3x128xf32, #tpu.memory_space<vmem>>, %arg7: memref<64x128xi32, #tpu.memory_space<vmem>>) attributes {dimension_semantics = [#tpu.dimension_semantics<arbitrary>, #tpu.dimension_semantics<arbitrary>], iteration_bounds = array<i64: 8, 16>, scalar_prefetch = 0 : i64, scratch_operands = 0 : i64, tpu.core_type = #tpu.core_type<tc>, window_params = [{transform_indices = @transform_0, window_bounds = array<i64: 1, 1024, 3>}, {transform_indices = @transform_1, window_bounds = array<i64: 1, 3, 256>}, {transform_indices = @transform_2, window_bounds = array<i64: 1, 64, 256>}, {transform_indices = @transform_3, window_bounds = array<i64: 1, 1, 2, 3, 128>}, {transform_indices = @transform_4, window_bounds = array<i64: 1, 1, 2, 3, 128>}, {transform_indices = @transform_5, window_bounds = array<i64: 64, 128>}]} {
    %get3A = arith.constant 0 : index
    %get3A_0 = arith.constant 0 : index
    %get3A_1 = arith.constant 0 : index
    %get3A_2 = vector.load %arg4[%get3A, %get3A_0, %get3A_1] : memref<1x64x256xf32, #tpu.memory_space<vmem>>, vector<1x64x256xf32>
    %get3A_3 = vector.shape_cast %get3A_2 : vector<1x64x256xf32> to vector<64x256xf32>
    %slice3A = vector.extract_strided_slice %get3A_3 {offsets = [0, 0], sizes = [64, 128], strides = [1, 1]} : vector<64x256xf32> to vector<64x128xf32>
    %bitcast_convert_type3A = tpu.bitcast %slice3A : vector<64x128xf32> -> vector<64x128xi32>
    %shift_right_logical3A = arith.constant 16 : i32
    %shift_right_logical3A_4 = vector.broadcast %shift_right_logical3A : i32 to vector<64x128xi32>
    %shift_right_logical3A_5 = arith.shrui %bitcast_convert_type3A, %shift_right_logical3A_4 : vector<64x128xi32>
    %and3A = arith.constant 1 : i32
    %and3A_6 = vector.broadcast %and3A : i32 to vector<64x128xi32>
    %and3A_7 = arith.andi %shift_right_logical3A_5, %and3A_6 : vector<64x128xi32>
    %add3A = arith.constant 32767 : i32
    %add3A_8 = vector.broadcast %add3A : i32 to vector<64x128xi32>
    %add3A_9 = arith.addi %bitcast_convert_type3A, %add3A_8 : vector<64x128xi32>
    %add3A_10 = arith.addi %add3A_9, %and3A_7 : vector<64x128xi32>
    %and3A_11 = arith.constant -65536 : i32
    %and3A_12 = vector.broadcast %and3A_11 : i32 to vector<64x128xi32>
    %and3A_13 = arith.andi %add3A_10, %and3A_12 : vector<64x128xi32>
    %slice3A_14 = vector.extract_strided_slice %get3A_3 {offsets = [0, 128], sizes = [64, 128], strides = [1, 1]} : vector<64x256xf32> to vector<64x128xf32>
    %bitcast_convert_type3A_15 = tpu.bitcast %slice3A_14 : vector<64x128xf32> -> vector<64x128xi32>
    %shift_right_logical3A_16 = arith.constant 16 : i32
    %shift_right_logical3A_17 = vector.broadcast %shift_right_logical3A_16 : i32 to vector<64x128xi32>
    %shift_right_logical3A_18 = arith.shrui %bitcast_convert_type3A_15, %shift_right_logical3A_17 : vector<64x128xi32>
    %and3A_19 = arith.constant 1 : i32
    %and3A_20 = vector.broadcast %and3A_19 : i32 to vector<64x128xi32>
    %and3A_21 = arith.andi %shift_right_logical3A_18, %and3A_20 : vector<64x128xi32>
    %add3A_22 = arith.constant 32767 : i32
    %add3A_23 = vector.broadcast %add3A_22 : i32 to vector<64x128xi32>
    %add3A_24 = arith.addi %bitcast_convert_type3A_15, %add3A_23 : vector<64x128xi32>
    %add3A_25 = arith.addi %add3A_24, %and3A_21 : vector<64x128xi32>
    %and3A_26 = arith.constant -65536 : i32
    %and3A_27 = vector.broadcast %and3A_26 : i32 to vector<64x128xi32>
    %and3A_28 = arith.andi %add3A_25, %and3A_27 : vector<64x128xi32>
    %shift_right_logical3A_29 = arith.constant 16 : i32
    %shift_right_logical3A_30 = vector.broadcast %shift_right_logical3A_29 : i32 to vector<64x128xi32>
    %shift_right_logical3A_31 = arith.shrui %and3A_13, %shift_right_logical3A_30 : vector<64x128xi32>
    %or3A = arith.ori %shift_right_logical3A_31, %and3A_28 : vector<64x128xi32>
    %swap3A = arith.constant 0 : index
    %swap3A_32 = arith.constant 0 : index
    %swap3A_33 = vector.load %arg7[%swap3A, %swap3A_32] : memref<64x128xi32, #tpu.memory_space<vmem>>, vector<64x128xi32>
    tpu.vector_store %arg7[%swap3A, %swap3A_32], %or3A {strides = array<i32>} : memref<64x128xi32, #tpu.memory_space<vmem>>, vector<64x128xi32>,
    %get3A_34 = arith.constant 0 : index
    %get3A_35 = arith.constant 0 : index
    %get3A_36 = arith.constant 0 : index
    %get3A_37 = vector.load %arg2[%get3A_34, %get3A_35, %get3A_36] : memref<1x1024x3xf32, #tpu.memory_space<vmem>>, vector<1x1024x3xf32>
    %get3A_38 = vector.shape_cast %get3A_37 : vector<1x1024x3xf32> to vector<1024x3xf32>
    %get3A_39 = arith.constant 0 : index
    %get3A_40 = arith.constant 0 : index
    %get3A_41 = arith.constant 0 : index
    %get3A_42 = vector.load %arg3[%get3A_39, %get3A_40, %get3A_41] : memref<1x3x256xf32, #tpu.memory_space<vmem>>, vector<1x3x256xf32>
    %get3A_43 = vector.shape_cast %get3A_42 : vector<1x3x256xf32> to vector<3x256xf32>
    %iota3A = tpu.iota {dimensions = array<i32: 0>} : vector<128x256xi32>
    %broadcast_in_dim3A = arith.constant 0x7F800000 : f32
    %broadcast_in_dim3A_44 = vector.broadcast %broadcast_in_dim3A : f32 to vector<1x256xf32>
    %broadcast_in_dim3A_45 = arith.constant 0x7F800000 : f32
    %broadcast_in_dim3A_46 = vector.broadcast %broadcast_in_dim3A_45 : f32 to vector<1x256xf32>
    %broadcast_in_dim3A_47 = arith.constant 0x7F800000 : f32
    %broadcast_in_dim3A_48 = vector.broadcast %broadcast_in_dim3A_47 : f32 to vector<1x256xf32>
    %broadcast_in_dim3A_49 = arith.constant 1024 : i32
    %broadcast_in_dim3A_50 = vector.broadcast %broadcast_in_dim3A_49 : i32 to vector<1x256xi32>
    %broadcast_in_dim3A_51 = arith.constant 1024 : i32
    %broadcast_in_dim3A_52 = vector.broadcast %broadcast_in_dim3A_51 : i32 to vector<1x256xi32>
    %broadcast_in_dim3A_53 = arith.constant 1024 : i32
    %broadcast_in_dim3A_54 = vector.broadcast %broadcast_in_dim3A_53 : i32 to vector<1x256xi32>
    %slice3A_55 = vector.extract_strided_slice %get3A_38 {offsets = [0, 0], sizes = [128, 3], strides = [1, 1]} : vector<1024x3xf32> to vector<128x3xf32>
    %slice3A_56 = vector.extract_strided_slice %slice3A_55 {offsets = [0, 0], sizes = [128, 1], strides = [1, 1]} : vector<128x3xf32> to vector<128x1xf32>
    %slice3A_57 = vector.extract_strided_slice %get3A_43 {offsets = [0, 0], sizes = [1, 256], strides = [1, 1]} : vector<3x256xf32> to vector<1x256xf32>
    %sub3A = vector.broadcast %slice3A_56 : vector<128x1xf32> to vector<128x256xf32>
    %sub3A_58 = vector.broadcast %slice3A_57 : vector<1x256xf32> to vector<128x256xf32>
    %sub3A_59 = arith.subf %sub3A, %sub3A_58 : vector<128x256xf32>
    %slice3A_60 = vector.extract_strided_slice %slice3A_55 {offsets = [0, 1], sizes = [128, 1], strides = [1, 1]} : vector<128x3xf32> to vector<128x1xf32>
    %slice3A_61 = vector.extract_strided_slice %get3A_43 {offsets = [1, 0], sizes = [1, 256], strides = [1, 1]} : vector<3x256xf32> to vector<1x256xf32>
    %sub3A_62 = vector.broadcast %slice3A_60 : vector<128x1xf32> to vector<128x256xf32>
    %sub3A_63 = vector.broadcast %slice3A_61 : vector<1x256xf32> to vector<128x256xf32>
    %sub3A_64 = arith.subf %sub3A_62, %sub3A_63 : vector<128x256xf32>
    %slice3A_65 = vector.extract_strided_slice %slice3A_55 {offsets = [0, 2], sizes = [128, 1], strides = [1, 1]} : vector<128x3xf32> to vector<128x1xf32>
    %slice3A_66 = vector.extract_strided_slice %get3A_43 {offsets = [2, 0], sizes = [1, 256], strides = [1, 1]} : vector<3x256xf32> to vector<1x256xf32>
    %sub3A_67 = vector.broadcast %slice3A_65 : vector<128x1xf32> to vector<128x256xf32>
    %sub3A_68 = vector.broadcast %slice3A_66 : vector<1x256xf32> to vector<128x256xf32>
    %sub3A_69 = arith.subf %sub3A_67, %sub3A_68 : vector<128x256xf32>
    %mul3A = arith.mulf %sub3A_59, %sub3A_59 : vector<128x256xf32>
    %mul3A_70 = arith.mulf %sub3A_64, %sub3A_64 : vector<128x256xf32>
    %add3A_71 = arith.addf %mul3A, %mul3A_70 : vector<128x256xf32>
    %mul3A_72 = arith.mulf %sub3A_69, %sub3A_69 : vector<128x256xf32>
    %add3A_73 = arith.addf %add3A_71, %mul3A_72 : vector<128x256xf32>
    %reduce_min3A = arith.constant dense<0x7F800000> : vector<256xf32>
    %reduce_min3A_74 = vector.multi_reduction <minimumf>, %add3A_73, %reduce_min3A [0] : vector<128x256xf32> to vector<256xf32>
    %broadcast_in_dim3A_75 = vector.shape_cast %reduce_min3A_74 : vector<256xf32> to vector<1x256xf32>
    %eq3A = vector.broadcast %broadcast_in_dim3A_75 : vector<1x256xf32> to vector<128x256xf32>
    %eq3A_76 = arith.cmpf oeq, %add3A_73, %eq3A : vector<128x256xf32>
    %jit3A = arith.constant 128 : i32
    %broadcast_in_dim3A_77 = vector.broadcast %jit3A : i32 to vector<128x256xi32>
    %select_n3A = arith.select %eq3A_76, %iota3A, %broadcast_in_dim3A_77 : vector<128x256xi1>, vector<128x256xi32>
    %reduce_min3A_78 = arith.constant dense<2147483647> : vector<256xi32>
    %reduce_min3A_79 = vector.multi_reduction <minsi>, %select_n3A, %reduce_min3A_78 [0] : vector<128x256xi32> to vector<256xi32>
    %broadcast_in_dim3A_80 = vector.shape_cast %reduce_min3A_79 : vector<256xi32> to vector<1x256xi32>
    %eq3A_81 = vector.broadcast %broadcast_in_dim3A_80 : vector<1x256xi32> to vector<128x256xi32>
    %eq3A_82 = arith.cmpi eq, %iota3A, %eq3A_81 : vector<128x256xi32>
    %jit3A_83 = arith.constant 0x7F800000 : f32
    %broadcast_in_dim3A_84 = vector.broadcast %jit3A_83 : f32 to vector<128x256xf32>
    %select_n3A_85 = arith.select %eq3A_82, %broadcast_in_dim3A_84, %add3A_73 : vector<128x256xi1>, vector<128x256xf32>
    %add3A_86 = arith.constant 0 : i32
    %add3A_87 = vector.broadcast %add3A_86 : i32 to vector<1x256xi32>
    %add3A_88 = arith.addi %broadcast_in_dim3A_80, %add3A_87 : vector<1x256xi32>
    %lt3A = arith.cmpf olt, %broadcast_in_dim3A_75, %broadcast_in_dim3A_44 : vector<1x256xf32>
    %eq3A_89 = arith.cmpf oeq, %broadcast_in_dim3A_75, %broadcast_in_dim3A_44 : vector<1x256xf32>
    %lt3A_90 = arith.cmpi slt, %add3A_88, %broadcast_in_dim3A_50 : vector<1x256xi32>
    %and3A_91 = arith.andi %eq3A_89, %lt3A_90 : vector<1x256xi1>
    %or3A_92 = arith.ori %lt3A, %and3A_91 : vector<1x256xi1>
    %select_n3A_93 = arith.select %or3A_92, %broadcast_in_dim3A_75, %broadcast_in_dim3A_44 : vector<1x256xi1>, vector<1x256xf32>
    %select_n3A_94 = arith.select %or3A_92, %add3A_88, %broadcast_in_dim3A_50 : vector<1x256xi1>, vector<1x256xi32>
    %select_n3A_95 = arith.select %or3A_92, %broadcast_in_dim3A_44, %broadcast_in_dim3A_75 : vector<1x256xi1>, vector<1x256xf32>
    %select_n3A_96 = arith.select %or3A_92, %broadcast_in_dim3A_50, %add3A_88 : vector<1x256xi1>, vector<1x256xi32>
    %lt3A_97 = arith.cmpf olt, %select_n3A_95, %broadcast_in_dim3A_46 : vector<1x256xf32>
    %eq3A_98 = arith.cmpf oeq, %select_n3A_95, %broadcast_in_dim3A_46 : vector<1x256xf32>
    %lt3A_99 = arith.cmpi slt, %select_n3A_96, %broadcast_in_dim3A_52 : vector<1x256xi32>
    %and3A_100 = arith.andi %eq3A_98, %lt3A_99 : vector<1x256xi1>
    %or3A_101 = arith.ori %lt3A_97, %and3A_100 : vector<1x256xi1>
    %select_n3A_102 = arith.select %or3A_101, %select_n3A_95, %broadcast_in_dim3A_46 : vector<1x256xi1>, vector<1x256xf32>
    %select_n3A_103 = arith.select %or3A_101, %select_n3A_96, %broadcast_in_dim3A_52 : vector<1x256xi1>, vector<1x256xi32>
    %select_n3A_104 = arith.select %or3A_101, %broadcast_in_dim3A_46, %select_n3A_95 : vector<1x256xi1>, vector<1x256xf32>
    %select_n3A_105 = arith.select %or3A_101, %broadcast_in_dim3A_52, %select_n3A_96 : vector<1x256xi1>, vector<1x256xi32>
    %lt3A_106 = arith.cmpf olt, %select_n3A_104, %broadcast_in_dim3A_48 : vector<1x256xf32>
    %eq3A_107 = arith.cmpf oeq, %select_n3A_104, %broadcast_in_dim3A_48 : vector<1x256xf32>
    %lt3A_108 = arith.cmpi slt, %select_n3A_105, %broadcast_in_dim3A_54 : vector<1x256xi32>
    %and3A_109 = arith.andi %eq3A_107, %lt3A_108 : vector<1x256xi1>
    %or3A_110 = arith.ori %lt3A_106, %and3A_109 : vector<1x256xi1>
    %select_n3A_111 = arith.select %or3A_110, %select_n3A_104, %broadcast_in_dim3A_48 : vector<1x256xi1>, vector<1x256xf32>
    %select_n3A_112 = arith.select %or3A_110, %select_n3A_105, %broadcast_in_dim3A_54 : vector<1x256xi1>, vector<1x256xi32>
    %reduce_min3A_113 = arith.constant dense<0x7F800000> : vector<256xf32>
    %reduce_min3A_114 = vector.multi_reduction <minimumf>, %select_n3A_85, %reduce_min3A_113 [0] : vector<128x256xf32> to vector<256xf32>
    %broadcast_in_dim3A_115 = vector.shape_cast %reduce_min3A_114 : vector<256xf32> to vector<1x256xf32>
    %eq3A_116 = vector.broadcast %broadcast_in_dim3A_115 : vector<1x256xf32> to vector<128x256xf32>
    %eq3A_117 = arith.cmpf oeq, %select_n3A_85, %eq3A_116 : vector<128x256xf32>
    %jit3A_118 = arith.constant 128 : i32
    %broadcast_in_dim3A_119 = vector.broadcast %jit3A_118 : i32 to vector<128x256xi32>
    %select_n3A_120 = arith.select %eq3A_117, %iota3A, %broadcast_in_dim3A_119 : vector<128x256xi1>, vector<128x256xi32>
    %reduce_min3A_121 = arith.constant dense<2147483647> : vector<256xi32>
    %reduce_min3A_122 = vector.multi_reduction <minsi>, %select_n3A_120, %reduce_min3A_121 [0] : vector<128x256xi32> to vector<256xi32>
    %broadcast_in_dim3A_123 = vector.shape_cast %reduce_min3A_122 : vector<256xi32> to vector<1x256xi32>
    %eq3A_124 = vector.broadcast %broadcast_in_dim3A_123 : vector<1x256xi32> to vector<128x256xi32>
    %eq3A_125 = arith.cmpi eq, %iota3A, %eq3A_124 : vector<128x256xi32>
    %jit3A_126 = arith.constant 0x7F800000 : f32
    %broadcast_in_dim3A_127 = vector.broadcast %jit3A_126 : f32 to vector<128x256xf32>
    %select_n3A_128 = arith.select %eq3A_125, %broadcast_in_dim3A_127, %select_n3A_85 : vector<128x256xi1>, vector<128x256xf32>
    %add3A_129 = arith.constant 0 : i32
    %add3A_130 = vector.broadcast %add3A_129 : i32 to vector<1x256xi32>
    %add3A_131 = arith.addi %broadcast_in_dim3A_123, %add3A_130 : vector<1x256xi32>
    %lt3A_132 = arith.cmpf olt, %broadcast_in_dim3A_115, %select_n3A_93 : vector<1x256xf32>
    %eq3A_133 = arith.cmpf oeq, %broadcast_in_dim3A_115, %select_n3A_93 : vector<1x256xf32>
    %lt3A_134 = arith.cmpi slt, %add3A_131, %select_n3A_94 : vector<1x256xi32>
    %and3A_135 = arith.andi %eq3A_133, %lt3A_134 : vector<1x256xi1>
    %or3A_136 = arith.ori %lt3A_132, %and3A_135 : vector<1x256xi1>
    %select_n3A_137 = arith.select %or3A_136, %broadcast_in_dim3A_115, %select_n3A_93 : vector<1x256xi1>, vector<1x256xf32>
    %select_n3A_138 = arith.select %or3A_136, %add3A_131, %select_n3A_94 : vector<1x256xi1>, vector<1x256xi32>
    %select_n3A_139 = arith.select %or3A_136, %select_n3A_93, %broadcast_in_dim3A_115 : vector<1x256xi1>, vector<1x256xf32>
    %select_n3A_140 = arith.select %or3A_136, %select_n3A_94, %add3A_131 : vector<1x256xi1>, vector<1x256xi32>
    %lt3A_141 = arith.cmpf olt, %select_n3A_139, %select_n3A_102 : vector<1x256xf32>
    %eq3A_142 = arith.cmpf oeq, %select_n3A_139, %select_n3A_102 : vector<1x256xf32>
    %lt3A_143 = arith.cmpi slt, %select_n3A_140, %select_n3A_103 : vector<1x256xi32>
    %and3A_144 = arith.andi %eq3A_142, %lt3A_143 : vector<1x256xi1>
    %or3A_145 = arith.ori %lt3A_141, %and3A_144 : vector<1x256xi1>
    %select_n3A_146 = arith.select %or3A_145, %select_n3A_139, %select_n3A_102 : vector<1x256xi1>, vector<1x256xf32>
    %select_n3A_147 = arith.select %or3A_145, %select_n3A_140, %select_n3A_103 : vector<1x256xi1>, vector<1x256xi32>
    %select_n3A_148 = arith.select %or3A_145, %select_n3A_102, %select_n3A_139 : vector<1x256xi1>, vector<1x256xf32>
    %select_n3A_149 = arith.select %or3A_145, %select_n3A_103, %select_n3A_140 : vector<1x256xi1>, vector<1x256xi32>
    %lt3A_150 = arith.cmpf olt, %select_n3A_148, %select_n3A_111 : vector<1x256xf32>
    %eq3A_151 = arith.cmpf oeq, %select_n3A_148, %select_n3A_111 : vector<1x256xf32>
    %lt3A_152 = arith.cmpi slt, %select_n3A_149, %select_n3A_112 : vector<1x256xi32>
    %and3A_153 = arith.andi %eq3A_151, %lt3A_152 : vector<1x256xi1>
    %or3A_154 = arith.ori %lt3A_150, %and3A_153 : vector<1x256xi1>
    %select_n3A_155 = arith.select %or3A_154, %select_n3A_148, %select_n3A_111 : vector<1x256xi1>, vector<1x256xf32>
    %select_n3A_156 = arith.select %or3A_154, %select_n3A_149, %select_n3A_112 : vector<1x256xi1>, vector<1x256xi32>
    %reduce_min3A_157 = arith.constant dense<0x7F800000> : vector<256xf32>
    %reduce_min3A_158 = vector.multi_reduction <minimumf>, %select_n3A_128, %reduce_min3A_157 [0] : vector<128x256xf32> to vector<256xf32>
    %broadcast_in_dim3A_159 = vector.shape_cast %reduce_min3A_158 : vector<256xf32> to vector<1x256xf32>
    %eq3A_160 = vector.broadcast %broadcast_in_dim3A_159 : vector<1x256xf32> to vector<128x256xf32>
    %eq3A_161 = arith.cmpf oeq, %select_n3A_128, %eq3A_160 : vector<128x256xf32>
    %jit3A_162 = arith.constant 128 : i32
    %broadcast_in_dim3A_163 = vector.broadcast %jit3A_162 : i32 to vector<128x256xi32>
    %select_n3A_164 = arith.select %eq3A_161, %iota3A, %broadcast_in_dim3A_163 : vector<128x256xi1>, vector<128x256xi32>
    %reduce_min3A_165 = arith.constant dense<2147483647> : vector<256xi32>
    %reduce_min3A_166 = vector.multi_reduction <minsi>, %select_n3A_164, %reduce_min3A_165 [0] : vector<128x256xi32> to vector<256xi32>
    %broadcast_in_dim3A_167 = vector.shape_cast %reduce_min3A_166 : vector<256xi32> to vector<1x256xi32>
    %add3A_168 = arith.constant 0 : i32
    %add3A_169 = vector.broadcast %add3A_168 : i32 to vector<1x256xi32>
    %add3A_170 = arith.addi %broadcast_in_dim3A_167, %add3A_169 : vector<1x256xi32>
    %lt3A_171 = arith.cmpf olt, %broadcast_in_dim3A_159, %select_n3A_137 : vector<1x256xf32>
    %eq3A_172 = arith.cmpf oeq, %broadcast_in_dim3A_159, %select_n3A_137 : vector<1x256xf32>
    %lt3A_173 = arith.cmpi slt, %add3A_170, %select_n3A_138 : vector<1x256xi32>
    %and3A_174 = arith.andi %eq3A_172, %lt3A_173 : vector<1x256xi1>
    %or3A_175 = arith.ori %lt3A_171, %and3A_174 : vector<1x256xi1>
    %select_n3A_176 = arith.select %or3A_175, %broadcast_in_dim3A_159, %select_n3A_137 : vector<1x256xi1>, vector<1x256xf32>
    %select_n3A_177 = arith.select %or3A_175, %add3A_170, %select_n3A_138 : vector<1x256xi1>, vector<1x256xi32>
    %select_n3A_178 = arith.select %or3A_175, %select_n3A_137, %broadcast_in_dim3A_159 : vector<1x256xi1>, vector<1x256xf32>
    %select_n3A_179 = arith.select %or3A_175, %select_n3A_138, %add3A_170 : vector<1x256xi1>, vector<1x256xi32>
    %lt3A_180 = arith.cmpf olt, %select_n3A_178, %select_n3A_146 : vector<1x256xf32>
    %eq3A_181 = arith.cmpf oeq, %select_n3A_178, %select_n3A_146 : vector<1x256xf32>
    %lt3A_182 = arith.cmpi slt, %select_n3A_179, %select_n3A_147 : vector<1x256xi32>
    %and3A_183 = arith.andi %eq3A_181, %lt3A_182 : vector<1x256xi1>
    %or3A_184 = arith.ori %lt3A_180, %and3A_183 : vector<1x256xi1>
    %select_n3A_185 = arith.select %or3A_184, %select_n3A_178, %select_n3A_146 : vector<1x256xi1>, vector<1x256xf32>
    %select_n3A_186 = arith.select %or3A_184, %select_n3A_179, %select_n3A_147 : vector<1x256xi1>, vector<1x256xi32>
    %select_n3A_187 = arith.select %or3A_184, %select_n3A_146, %select_n3A_178 : vector<1x256xi1>, vector<1x256xf32>
    %select_n3A_188 = arith.select %or3A_184, %select_n3A_147, %select_n3A_179 : vector<1x256xi1>, vector<1x256xi32>
    %lt3A_189 = arith.cmpf olt, %select_n3A_187, %select_n3A_155 : vector<1x256xf32>
    %eq3A_190 = arith.cmpf oeq, %select_n3A_187, %select_n3A_155 : vector<1x256xf32>
    %lt3A_191 = arith.cmpi slt, %select_n3A_188, %select_n3A_156 : vector<1x256xi32>
    %and3A_192 = arith.andi %eq3A_190, %lt3A_191 : vector<1x256xi1>
    %or3A_193 = arith.ori %lt3A_189, %and3A_192 : vector<1x256xi1>
    %select_n3A_194 = arith.select %or3A_193, %select_n3A_187, %select_n3A_155 : vector<1x256xi1>, vector<1x256xf32>
    %select_n3A_195 = arith.select %or3A_193, %select_n3A_188, %select_n3A_156 : vector<1x256xi1>, vector<1x256xi32>
    %slice3A_196 = vector.extract_strided_slice %get3A_38 {offsets = [128, 0], sizes = [128, 3], strides = [1, 1]} : vector<1024x3xf32> to vector<128x3xf32>
    %slice3A_197 = vector.extract_strided_slice %slice3A_196 {offsets = [0, 0], sizes = [128, 1], strides = [1, 1]} : vector<128x3xf32> to vector<128x1xf32>
    %slice3A_198 = vector.extract_strided_slice %get3A_43 {offsets = [0, 0], sizes = [1, 256], strides = [1, 1]} : vector<3x256xf32> to vector<1x256xf32>
    %sub3A_199 = vector.broadcast %slice3A_197 : vector<128x1xf32> to vector<128x256xf32>
    %sub3A_200 = vector.broadcast %slice3A_198 : vector<1x256xf32> to vector<128x256xf32>
    %sub3A_201 = arith.subf %sub3A_199, %sub3A_200 : vector<128x256xf32>
    %slice3A_202 = vector.extract_strided_slice %slice3A_196 {offsets = [0, 1], sizes = [128, 1], strides = [1, 1]} : vector<128x3xf32> to vector<128x1xf32>
    %slice3A_203 = vector.extract_strided_slice %get3A_43 {offsets = [1, 0], sizes = [1, 256], strides = [1, 1]} : vector<3x256xf32> to vector<1x256xf32>
    %sub3A_204 = vector.broadcast %slice3A_202 : vector<128x1xf32> to vector<128x256xf32>
    %sub3A_205 = vector.broadcast %slice3A_203 : vector<1x256xf32> to vector<128x256xf32>
    %sub3A_206 = arith.subf %sub3A_204, %sub3A_205 : vector<128x256xf32>
    %slice3A_207 = vector.extract_strided_slice %slice3A_196 {offsets = [0, 2], sizes = [128, 1], strides = [1, 1]} : vector<128x3xf32> to vector<128x1xf32>
    %slice3A_208 = vector.extract_strided_slice %get3A_43 {offsets = [2, 0], sizes = [1, 256], strides = [1, 1]} : vector<3x256xf32> to vector<1x256xf32>
    %sub3A_209 = vector.broadcast %slice3A_207 : vector<128x1xf32> to vector<128x256xf32>
    %sub3A_210 = vector.broadcast %slice3A_208 : vector<1x256xf32> to vector<128x256xf32>
    %sub3A_211 = arith.subf %sub3A_209, %sub3A_210 : vector<128x256xf32>
    %mul3A_212 = arith.mulf %sub3A_201, %sub3A_201 : vector<128x256xf32>
    %mul3A_213 = arith.mulf %sub3A_206, %sub3A_206 : vector<128x256xf32>
    %add3A_214 = arith.addf %mul3A_212, %mul3A_213 : vector<128x256xf32>
    %mul3A_215 = arith.mulf %sub3A_211, %sub3A_211 : vector<128x256xf32>
    %add3A_216 = arith.addf %add3A_214, %mul3A_215 : vector<128x256xf32>
    %reduce_min3A_217 = arith.constant dense<0x7F800000> : vector<256xf32>
    %reduce_min3A_218 = vector.multi_reduction <minimumf>, %add3A_216, %reduce_min3A_217 [0] : vector<128x256xf32> to vector<256xf32>
    %broadcast_in_dim3A_219 = vector.shape_cast %reduce_min3A_218 : vector<256xf32> to vector<1x256xf32>
    %eq3A_220 = vector.broadcast %broadcast_in_dim3A_219 : vector<1x256xf32> to vector<128x256xf32>
    %eq3A_221 = arith.cmpf oeq, %add3A_216, %eq3A_220 : vector<128x256xf32>
    %jit3A_222 = arith.constant 128 : i32
    %broadcast_in_dim3A_223 = vector.broadcast %jit3A_222 : i32 to vector<128x256xi32>
    %select_n3A_224 = arith.select %eq3A_221, %iota3A, %broadcast_in_dim3A_223 : vector<128x256xi1>, vector<128x256xi32>
    %reduce_min3A_225 = arith.constant dense<2147483647> : vector<256xi32>
    %reduce_min3A_226 = vector.multi_reduction <minsi>, %select_n3A_224, %reduce_min3A_225 [0] : vector<128x256xi32> to vector<256xi32>
    %broadcast_in_dim3A_227 = vector.shape_cast %reduce_min3A_226 : vector<256xi32> to vector<1x256xi32>
    %eq3A_228 = vector.broadcast %broadcast_in_dim3A_227 : vector<1x256xi32> to vector<128x256xi32>
    %eq3A_229 = arith.cmpi eq, %iota3A, %eq3A_228 : vector<128x256xi32>
    %jit3A_230 = arith.constant 0x7F800000 : f32
    %broadcast_in_dim3A_231 = vector.broadcast %jit3A_230 : f32 to vector<128x256xf32>
    %select_n3A_232 = arith.select %eq3A_229, %broadcast_in_dim3A_231, %add3A_216 : vector<128x256xi1>, vector<128x256xf32>
    %add3A_233 = arith.constant 128 : i32
    %add3A_234 = vector.broadcast %add3A_233 : i32 to vector<1x256xi32>
    %add3A_235 = arith.addi %broadcast_in_dim3A_227, %add3A_234 : vector<1x256xi32>
    %lt3A_236 = arith.cmpf olt, %broadcast_in_dim3A_219, %select_n3A_176 : vector<1x256xf32>
    %eq3A_237 = arith.cmpf oeq, %broadcast_in_dim3A_219, %select_n3A_176 : vector<1x256xf32>
    %lt3A_238 = arith.cmpi slt, %add3A_235, %select_n3A_177 : vector<1x256xi32>
    %and3A_239 = arith.andi %eq3A_237, %lt3A_238 : vector<1x256xi1>
    %or3A_240 = arith.ori %lt3A_236, %and3A_239 : vector<1x256xi1>
    %select_n3A_241 = arith.select %or3A_240, %broadcast_in_dim3A_219, %select_n3A_176 : vector<1x256xi1>, vector<1x256xf32>
    %select_n3A_242 = arith.select %or3A_240, %add3A_235, %select_n3A_177 : vector<1x256xi1>, vector<1x256xi32>
    %select_n3A_243 = arith.select %or3A_240, %select_n3A_176, %broadcast_in_dim3A_219 : vector<1x256xi1>, vector<1x256xf32>
    %select_n3A_244 = arith.select %or3A_240, %select_n3A_177, %add3A_235 : vector<1x256xi1>, vector<1x256xi32>
    %lt3A_245 = arith.cmpf olt, %select_n3A_243, %select_n3A_185 : vector<1x256xf32>
    %eq3A_246 = arith.cmpf oeq, %select_n3A_243, %select_n3A_185 : vector<1x256xf32>
    %lt3A_247 = arith.cmpi slt, %select_n3A_244, %select_n3A_186 : vector<1x256xi32>
    %and3A_248 = arith.andi %eq3A_246, %lt3A_247 : vector<1x256xi1>
    %or3A_249 = arith.ori %lt3A_245, %and3A_248 : vector<1x256xi1>
    %select_n3A_250 = arith.select %or3A_249, %select_n3A_243, %select_n3A_185 : vector<1x256xi1>, vector<1x256xf32>
    %select_n3A_251 = arith.select %or3A_249, %select_n3A_244, %select_n3A_186 : vector<1x256xi1>, vector<1x256xi32>
    %select_n3A_252 = arith.select %or3A_249, %select_n3A_185, %select_n3A_243 : vector<1x256xi1>, vector<1x256xf32>
    %select_n3A_253 = arith.select %or3A_249, %select_n3A_186, %select_n3A_244 : vector<1x256xi1>, vector<1x256xi32>
    %lt3A_254 = arith.cmpf olt, %select_n3A_252, %select_n3A_194 : vector<1x256xf32>
    %eq3A_255 = arith.cmpf oeq, %select_n3A_252, %select_n3A_194 : vector<1x256xf32>
    %lt3A_256 = arith.cmpi slt, %select_n3A_253, %select_n3A_195 : vector<1x256xi32>
    %and3A_257 = arith.andi %eq3A_255, %lt3A_256 : vector<1x256xi1>
    %or3A_258 = arith.ori %lt3A_254, %and3A_257 : vector<1x256xi1>
    %select_n3A_259 = arith.select %or3A_258, %select_n3A_252, %select_n3A_194 : vector<1x256xi1>, vector<1x256xf32>
    %select_n3A_260 = arith.select %or3A_258, %select_n3A_253, %select_n3A_195 : vector<1x256xi1>, vector<1x256xi32>
    %reduce_min3A_261 = arith.constant dense<0x7F800000> : vector<256xf32>
    %reduce_min3A_262 = vector.multi_reduction <minimumf>, %select_n3A_232, %reduce_min3A_261 [0] : vector<128x256xf32> to vector<256xf32>
    %broadcast_in_dim3A_263 = vector.shape_cast %reduce_min3A_262 : vector<256xf32> to vector<1x256xf32>
    %eq3A_264 = vector.broadcast %broadcast_in_dim3A_263 : vector<1x256xf32> to vector<128x256xf32>
    %eq3A_265 = arith.cmpf oeq, %select_n3A_232, %eq3A_264 : vector<128x256xf32>
    %jit3A_266 = arith.constant 128 : i32
    %broadcast_in_dim3A_267 = vector.broadcast %jit3A_266 : i32 to vector<128x256xi32>
    %select_n3A_268 = arith.select %eq3A_265, %iota3A, %broadcast_in_dim3A_267 : vector<128x256xi1>, vector<128x256xi32>
    %reduce_min3A_269 = arith.constant dense<2147483647> : vector<256xi32>
    %reduce_min3A_270 = vector.multi_reduction <minsi>, %select_n3A_268, %reduce_min3A_269 [0] : vector<128x256xi32> to vector<256xi32>
    %broadcast_in_dim3A_271 = vector.shape_cast %reduce_min3A_270 : vector<256xi32> to vector<1x256xi32>
    %eq3A_272 = vector.broadcast %broadcast_in_dim3A_271 : vector<1x256xi32> to vector<128x256xi32>
    %eq3A_273 = arith.cmpi eq, %iota3A, %eq3A_272 : vector<128x256xi32>
    %jit3A_274 = arith.constant 0x7F800000 : f32
    %broadcast_in_dim3A_275 = vector.broadcast %jit3A_274 : f32 to vector<128x256xf32>
    %select_n3A_276 = arith.select %eq3A_273, %broadcast_in_dim3A_275, %select_n3A_232 : vector<128x256xi1>, vector<128x256xf32>
    %add3A_277 = arith.constant 128 : i32
    %add3A_278 = vector.broadcast %add3A_277 : i32 to vector<1x256xi32>
    %add3A_279 = arith.addi %broadcast_in_dim3A_271, %add3A_278 : vector<1x256xi32>
    %lt3A_280 = arith.cmpf olt, %broadcast_in_dim3A_263, %select_n3A_241 : vector<1x256xf32>
    %eq3A_281 = arith.cmpf oeq, %broadcast_in_dim3A_263, %select_n3A_241 : vector<1x256xf32>
    %lt3A_282 = arith.cmpi slt, %add3A_279, %select_n3A_242 : vector<1x256xi32>
    %and3A_283 = arith.andi %eq3A_281, %lt3A_282 : vector<1x256xi1>
    %or3A_284 = arith.ori %lt3A_280, %and3A_283 : vector<1x256xi1>
    %select_n3A_285 = arith.select %or3A_284, %broadcast_in_dim3A_263, %select_n3A_241 : vector<1x256xi1>, vector<1x256xf32>
    %select_n3A_286 = arith.select %or3A_284, %add3A_279, %select_n3A_242 : vector<1x256xi1>, vector<1x256xi32>
    %select_n3A_287 = arith.select %or3A_284, %select_n3A_241, %broadcast_in_dim3A_263 : vector<1x256xi1>, vector<1x256xf32>
    %select_n3A_288 = arith.select %or3A_284, %select_n3A_242, %add3A_279 : vector<1x256xi1>, vector<1x256xi32>
    %lt3A_289 = arith.cmpf olt, %select_n3A_287, %select_n3A_250 : vector<1x256xf32>
    %eq3A_290 = arith.cmpf oeq, %select_n3A_287, %select_n3A_250 : vector<1x256xf32>
    %lt3A_291 = arith.cmpi slt, %select_n3A_288, %select_n3A_251 : vector<1x256xi32>
    %and3A_292 = arith.andi %eq3A_290, %lt3A_291 : vector<1x256xi1>
    %or3A_293 = arith.ori %lt3A_289, %and3A_292 : vector<1x256xi1>
    %select_n3A_294 = arith.select %or3A_293, %select_n3A_287, %select_n3A_250 : vector<1x256xi1>, vector<1x256xf32>
    %select_n3A_295 = arith.select %or3A_293, %select_n3A_288, %select_n3A_251 : vector<1x256xi1>, vector<1x256xi32>
    %select_n3A_296 = arith.select %or3A_293, %select_n3A_250, %select_n3A_287 : vector<1x256xi1>, vector<1x256xf32>
    %select_n3A_297 = arith.select %or3A_293, %select_n3A_251, %select_n3A_288 : vector<1x256xi1>, vector<1x256xi32>
    %lt3A_298 = arith.cmpf olt, %select_n3A_296, %select_n3A_259 : vector<1x256xf32>
    %eq3A_299 = arith.cmpf oeq, %select_n3A_296, %select_n3A_259 : vector<1x256xf32>
    %lt3A_300 = arith.cmpi slt, %select_n3A_297, %select_n3A_260 : vector<1x256xi32>
    %and3A_301 = arith.andi %eq3A_299, %lt3A_300 : vector<1x256xi1>
    %or3A_302 = arith.ori %lt3A_298, %and3A_301 : vector<1x256xi1>
    %select_n3A_303 = arith.select %or3A_302, %select_n3A_296, %select_n3A_259 : vector<1x256xi1>, vector<1x256xf32>
    %select_n3A_304 = arith.select %or3A_302, %select_n3A_297, %select_n3A_260 : vector<1x256xi1>, vector<1x256xi32>
    %reduce_min3A_305 = arith.constant dense<0x7F800000> : vector<256xf32>
    %reduce_min3A_306 = vector.multi_reduction <minimumf>, %select_n3A_276, %reduce_min3A_305 [0] : vector<128x256xf32> to vector<256xf32>
    %broadcast_in_dim3A_307 = vector.shape_cast %reduce_min3A_306 : vector<256xf32> to vector<1x256xf32>
    %eq3A_308 = vector.broadcast %broadcast_in_dim3A_307 : vector<1x256xf32> to vector<128x256xf32>
    %eq3A_309 = arith.cmpf oeq, %select_n3A_276, %eq3A_308 : vector<128x256xf32>
    %jit3A_310 = arith.constant 128 : i32
    %broadcast_in_dim3A_311 = vector.broadcast %jit3A_310 : i32 to vector<128x256xi32>
    %select_n3A_312 = arith.select %eq3A_309, %iota3A, %broadcast_in_dim3A_311 : vector<128x256xi1>, vector<128x256xi32>
    %reduce_min3A_313 = arith.constant dense<2147483647> : vector<256xi32>
    %reduce_min3A_314 = vector.multi_reduction <minsi>, %select_n3A_312, %reduce_min3A_313 [0] : vector<128x256xi32> to vector<256xi32>
    %broadcast_in_dim3A_315 = vector.shape_cast %reduce_min3A_314 : vector<256xi32> to vector<1x256xi32>
    %add3A_316 = arith.constant 128 : i32
    %add3A_317 = vector.broadcast %add3A_316 : i32 to vector<1x256xi32>
    %add3A_318 = arith.addi %broadcast_in_dim3A_315, %add3A_317 : vector<1x256xi32>
    %lt3A_319 = arith.cmpf olt, %broadcast_in_dim3A_307, %select_n3A_285 : vector<1x256xf32>
    %eq3A_320 = arith.cmpf oeq, %broadcast_in_dim3A_307, %select_n3A_285 : vector<1x256xf32>
    %lt3A_321 = arith.cmpi slt, %add3A_318, %select_n3A_286 : vector<1x256xi32>
    %and3A_322 = arith.andi %eq3A_320, %lt3A_321 : vector<1x256xi1>
    %or3A_323 = arith.ori %lt3A_319, %and3A_322 : vector<1x256xi1>
    %select_n3A_324 = arith.select %or3A_323, %broadcast_in_dim3A_307, %select_n3A_285 : vector<1x256xi1>, vector<1x256xf32>
    %select_n3A_325 = arith.select %or3A_323, %add3A_318, %select_n3A_286 : vector<1x256xi1>, vector<1x256xi32>
    %select_n3A_326 = arith.select %or3A_323, %select_n3A_285, %broadcast_in_dim3A_307 : vector<1x256xi1>, vector<1x256xf32>
    %select_n3A_327 = arith.select %or3A_323, %select_n3A_286, %add3A_318 : vector<1x256xi1>, vector<1x256xi32>
    %lt3A_328 = arith.cmpf olt, %select_n3A_326, %select_n3A_294 : vector<1x256xf32>
    %eq3A_329 = arith.cmpf oeq, %select_n3A_326, %select_n3A_294 : vector<1x256xf32>
    %lt3A_330 = arith.cmpi slt, %select_n3A_327, %select_n3A_295 : vector<1x256xi32>
    %and3A_331 = arith.andi %eq3A_329, %lt3A_330 : vector<1x256xi1>
    %or3A_332 = arith.ori %lt3A_328, %and3A_331 : vector<1x256xi1>
    %select_n3A_333 = arith.select %or3A_332, %select_n3A_326, %select_n3A_294 : vector<1x256xi1>, vector<1x256xf32>
    %select_n3A_334 = arith.select %or3A_332, %select_n3A_327, %select_n3A_295 : vector<1x256xi1>, vector<1x256xi32>
    %select_n3A_335 = arith.select %or3A_332, %select_n3A_294, %select_n3A_326 : vector<1x256xi1>, vector<1x256xf32>
    %select_n3A_336 = arith.select %or3A_332, %select_n3A_295, %select_n3A_327 : vector<1x256xi1>, vector<1x256xi32>
    %lt3A_337 = arith.cmpf olt, %select_n3A_335, %select_n3A_303 : vector<1x256xf32>
    %eq3A_338 = arith.cmpf oeq, %select_n3A_335, %select_n3A_303 : vector<1x256xf32>
    %lt3A_339 = arith.cmpi slt, %select_n3A_336, %select_n3A_304 : vector<1x256xi32>
    %and3A_340 = arith.andi %eq3A_338, %lt3A_339 : vector<1x256xi1>
    %or3A_341 = arith.ori %lt3A_337, %and3A_340 : vector<1x256xi1>
    %select_n3A_342 = arith.select %or3A_341, %select_n3A_335, %select_n3A_303 : vector<1x256xi1>, vector<1x256xf32>
    %select_n3A_343 = arith.select %or3A_341, %select_n3A_336, %select_n3A_304 : vector<1x256xi1>, vector<1x256xi32>
    %slice3A_344 = vector.extract_strided_slice %get3A_38 {offsets = [256, 0], sizes = [128, 3], strides = [1, 1]} : vector<1024x3xf32> to vector<128x3xf32>
    %slice3A_345 = vector.extract_strided_slice %slice3A_344 {offsets = [0, 0], sizes = [128, 1], strides = [1, 1]} : vector<128x3xf32> to vector<128x1xf32>
    %slice3A_346 = vector.extract_strided_slice %get3A_43 {offsets = [0, 0], sizes = [1, 256], strides = [1, 1]} : vector<3x256xf32> to vector<1x256xf32>
    %sub3A_347 = vector.broadcast %slice3A_345 : vector<128x1xf32> to vector<128x256xf32>
    %sub3A_348 = vector.broadcast %slice3A_346 : vector<1x256xf32> to vector<128x256xf32>
    %sub3A_349 = arith.subf %sub3A_347, %sub3A_348 : vector<128x256xf32>
    %slice3A_350 = vector.extract_strided_slice %slice3A_344 {offsets = [0, 1], sizes = [128, 1], strides = [1, 1]} : vector<128x3xf32> to vector<128x1xf32>
    %slice3A_351 = vector.extract_strided_slice %get3A_43 {offsets = [1, 0], sizes = [1, 256], strides = [1, 1]} : vector<3x256xf32> to vector<1x256xf32>
    %sub3A_352 = vector.broadcast %slice3A_350 : vector<128x1xf32> to vector<128x256xf32>
    %sub3A_353 = vector.broadcast %slice3A_351 : vector<1x256xf32> to vector<128x256xf32>
    %sub3A_354 = arith.subf %sub3A_352, %sub3A_353 : vector<128x256xf32>
    %slice3A_355 = vector.extract_strided_slice %slice3A_344 {offsets = [0, 2], sizes = [128, 1], strides = [1, 1]} : vector<128x3xf32> to vector<128x1xf32>
    %slice3A_356 = vector.extract_strided_slice %get3A_43 {offsets = [2, 0], sizes = [1, 256], strides = [1, 1]} : vector<3x256xf32> to vector<1x256xf32>
    %sub3A_357 = vector.broadcast %slice3A_355 : vector<128x1xf32> to vector<128x256xf32>
    %sub3A_358 = vector.broadcast %slice3A_356 : vector<1x256xf32> to vector<128x256xf32>
    %sub3A_359 = arith.subf %sub3A_357, %sub3A_358 : vector<128x256xf32>
    %mul3A_360 = arith.mulf %sub3A_349, %sub3A_349 : vector<128x256xf32>
    %mul3A_361 = arith.mulf %sub3A_354, %sub3A_354 : vector<128x256xf32>
    %add3A_362 = arith.addf %mul3A_360, %mul3A_361 : vector<128x256xf32>
    %mul3A_363 = arith.mulf %sub3A_359, %sub3A_359 : vector<128x256xf32>
    %add3A_364 = arith.addf %add3A_362, %mul3A_363 : vector<128x256xf32>
    %reduce_min3A_365 = arith.constant dense<0x7F800000> : vector<256xf32>
    %reduce_min3A_366 = vector.multi_reduction <minimumf>, %add3A_364, %reduce_min3A_365 [0] : vector<128x256xf32> to vector<256xf32>
    %broadcast_in_dim3A_367 = vector.shape_cast %reduce_min3A_366 : vector<256xf32> to vector<1x256xf32>
    %eq3A_368 = vector.broadcast %broadcast_in_dim3A_367 : vector<1x256xf32> to vector<128x256xf32>
    %eq3A_369 = arith.cmpf oeq, %add3A_364, %eq3A_368 : vector<128x256xf32>
    %jit3A_370 = arith.constant 128 : i32
    %broadcast_in_dim3A_371 = vector.broadcast %jit3A_370 : i32 to vector<128x256xi32>
    %select_n3A_372 = arith.select %eq3A_369, %iota3A, %broadcast_in_dim3A_371 : vector<128x256xi1>, vector<128x256xi32>
    %reduce_min3A_373 = arith.constant dense<2147483647> : vector<256xi32>
    %reduce_min3A_374 = vector.multi_reduction <minsi>, %select_n3A_372, %reduce_min3A_373 [0] : vector<128x256xi32> to vector<256xi32>
    %broadcast_in_dim3A_375 = vector.shape_cast %reduce_min3A_374 : vector<256xi32> to vector<1x256xi32>
    %eq3A_376 = vector.broadcast %broadcast_in_dim3A_375 : vector<1x256xi32> to vector<128x256xi32>
    %eq3A_377 = arith.cmpi eq, %iota3A, %eq3A_376 : vector<128x256xi32>
    %jit3A_378 = arith.constant 0x7F800000 : f32
    %broadcast_in_dim3A_379 = vector.broadcast %jit3A_378 : f32 to vector<128x256xf32>
    %select_n3A_380 = arith.select %eq3A_377, %broadcast_in_dim3A_379, %add3A_364 : vector<128x256xi1>, vector<128x256xf32>
    %add3A_381 = arith.constant 256 : i32
    %add3A_382 = vector.broadcast %add3A_381 : i32 to vector<1x256xi32>
    %add3A_383 = arith.addi %broadcast_in_dim3A_375, %add3A_382 : vector<1x256xi32>
    %lt3A_384 = arith.cmpf olt, %broadcast_in_dim3A_367, %select_n3A_324 : vector<1x256xf32>
    %eq3A_385 = arith.cmpf oeq, %broadcast_in_dim3A_367, %select_n3A_324 : vector<1x256xf32>
    %lt3A_386 = arith.cmpi slt, %add3A_383, %select_n3A_325 : vector<1x256xi32>
    %and3A_387 = arith.andi %eq3A_385, %lt3A_386 : vector<1x256xi1>
    %or3A_388 = arith.ori %lt3A_384, %and3A_387 : vector<1x256xi1>
    %select_n3A_389 = arith.select %or3A_388, %broadcast_in_dim3A_367, %select_n3A_324 : vector<1x256xi1>, vector<1x256xf32>
    %select_n3A_390 = arith.select %or3A_388, %add3A_383, %select_n3A_325 : vector<1x256xi1>, vector<1x256xi32>
    %select_n3A_391 = arith.select %or3A_388, %select_n3A_324, %broadcast_in_dim3A_367 : vector<1x256xi1>, vector<1x256xf32>
    %select_n3A_392 = arith.select %or3A_388, %select_n3A_325, %add3A_383 : vector<1x256xi1>, vector<1x256xi32>
    %lt3A_393 = arith.cmpf olt, %select_n3A_391, %select_n3A_333 : vector<1x256xf32>
    %eq3A_394 = arith.cmpf oeq, %select_n3A_391, %select_n3A_333 : vector<1x256xf32>
    %lt3A_395 = arith.cmpi slt, %select_n3A_392, %select_n3A_334 : vector<1x256xi32>
    %and3A_396 = arith.andi %eq3A_394, %lt3A_395 : vector<1x256xi1>
    %or3A_397 = arith.ori %lt3A_393, %and3A_396 : vector<1x256xi1>
    %select_n3A_398 = arith.select %or3A_397, %select_n3A_391, %select_n3A_333 : vector<1x256xi1>, vector<1x256xf32>
    %select_n3A_399 = arith.select %or3A_397, %select_n3A_392, %select_n3A_334 : vector<1x256xi1>, vector<1x256xi32>
    %select_n3A_400 = arith.select %or3A_397, %select_n3A_333, %select_n3A_391 : vector<1x256xi1>, vector<1x256xf32>
    %select_n3A_401 = arith.select %or3A_397, %select_n3A_334, %select_n3A_392 : vector<1x256xi1>, vector<1x256xi32>
    %lt3A_402 = arith.cmpf olt, %select_n3A_400, %select_n3A_342 : vector<1x256xf32>
    %eq3A_403 = arith.cmpf oeq, %select_n3A_400, %select_n3A_342 : vector<1x256xf32>
    %lt3A_404 = arith.cmpi slt, %select_n3A_401, %select_n3A_343 : vector<1x256xi32>
    %and3A_405 = arith.andi %eq3A_403, %lt3A_404 : vector<1x256xi1>
    %or3A_406 = arith.ori %lt3A_402, %and3A_405 : vector<1x256xi1>
    %select_n3A_407 = arith.select %or3A_406, %select_n3A_400, %select_n3A_342 : vector<1x256xi1>, vector<1x256xf32>
    %select_n3A_408 = arith.select %or3A_406, %select_n3A_401, %select_n3A_343 : vector<1x256xi1>, vector<1x256xi32>
    %reduce_min3A_409 = arith.constant dense<0x7F800000> : vector<256xf32>
    %reduce_min3A_410 = vector.multi_reduction <minimumf>, %select_n3A_380, %reduce_min3A_409 [0] : vector<128x256xf32> to vector<256xf32>
    %broadcast_in_dim3A_411 = vector.shape_cast %reduce_min3A_410 : vector<256xf32> to vector<1x256xf32>
    %eq3A_412 = vector.broadcast %broadcast_in_dim3A_411 : vector<1x256xf32> to vector<128x256xf32>
    %eq3A_413 = arith.cmpf oeq, %select_n3A_380, %eq3A_412 : vector<128x256xf32>
    %jit3A_414 = arith.constant 128 : i32
    %broadcast_in_dim3A_415 = vector.broadcast %jit3A_414 : i32 to vector<128x256xi32>
    %select_n3A_416 = arith.select %eq3A_413, %iota3A, %broadcast_in_dim3A_415 : vector<128x256xi1>, vector<128x256xi32>
    %reduce_min3A_417 = arith.constant dense<2147483647> : vector<256xi32>
    %reduce_min3A_418 = vector.multi_reduction <minsi>, %select_n3A_416, %reduce_min3A_417 [0] : vector<128x256xi32> to vector<256xi32>
    %broadcast_in_dim3A_419 = vector.shape_cast %reduce_min3A_418 : vector<256xi32> to vector<1x256xi32>
    %eq3A_420 = vector.broadcast %broadcast_in_dim3A_419 : vector<1x256xi32> to vector<128x256xi32>
    %eq3A_421 = arith.cmpi eq, %iota3A, %eq3A_420 : vector<128x256xi32>
    %jit3A_422 = arith.constant 0x7F800000 : f32
    %broadcast_in_dim3A_423 = vector.broadcast %jit3A_422 : f32 to vector<128x256xf32>
    %select_n3A_424 = arith.select %eq3A_421, %broadcast_in_dim3A_423, %select_n3A_380 : vector<128x256xi1>, vector<128x256xf32>
    %add3A_425 = arith.constant 256 : i32
    %add3A_426 = vector.broadcast %add3A_425 : i32 to vector<1x256xi32>
    %add3A_427 = arith.addi %broadcast_in_dim3A_419, %add3A_426 : vector<1x256xi32>
    %lt3A_428 = arith.cmpf olt, %broadcast_in_dim3A_411, %select_n3A_389 : vector<1x256xf32>
    %eq3A_429 = arith.cmpf oeq, %broadcast_in_dim3A_411, %select_n3A_389 : vector<1x256xf32>
    %lt3A_430 = arith.cmpi slt, %add3A_427, %select_n3A_390 : vector<1x256xi32>
    %and3A_431 = arith.andi %eq3A_429, %lt3A_430 : vector<1x256xi1>
    %or3A_432 = arith.ori %lt3A_428, %and3A_431 : vector<1x256xi1>
    %select_n3A_433 = arith.select %or3A_432, %broadcast_in_dim3A_411, %select_n3A_389 : vector<1x256xi1>, vector<1x256xf32>
    %select_n3A_434 = arith.select %or3A_432, %add3A_427, %select_n3A_390 : vector<1x256xi1>, vector<1x256xi32>
    %select_n3A_435 = arith.select %or3A_432, %select_n3A_389, %broadcast_in_dim3A_411 : vector<1x256xi1>, vector<1x256xf32>
    %select_n3A_436 = arith.select %or3A_432, %select_n3A_390, %add3A_427 : vector<1x256xi1>, vector<1x256xi32>
    %lt3A_437 = arith.cmpf olt, %select_n3A_435, %select_n3A_398 : vector<1x256xf32>
    %eq3A_438 = arith.cmpf oeq, %select_n3A_435, %select_n3A_398 : vector<1x256xf32>
    %lt3A_439 = arith.cmpi slt, %select_n3A_436, %select_n3A_399 : vector<1x256xi32>
    %and3A_440 = arith.andi %eq3A_438, %lt3A_439 : vector<1x256xi1>
    %or3A_441 = arith.ori %lt3A_437, %and3A_440 : vector<1x256xi1>
    %select_n3A_442 = arith.select %or3A_441, %select_n3A_435, %select_n3A_398 : vector<1x256xi1>, vector<1x256xf32>
    %select_n3A_443 = arith.select %or3A_441, %select_n3A_436, %select_n3A_399 : vector<1x256xi1>, vector<1x256xi32>
    %select_n3A_444 = arith.select %or3A_441, %select_n3A_398, %select_n3A_435 : vector<1x256xi1>, vector<1x256xf32>
    %select_n3A_445 = arith.select %or3A_441, %select_n3A_399, %select_n3A_436 : vector<1x256xi1>, vector<1x256xi32>
    %lt3A_446 = arith.cmpf olt, %select_n3A_444, %select_n3A_407 : vector<1x256xf32>
    %eq3A_447 = arith.cmpf oeq, %select_n3A_444, %select_n3A_407 : vector<1x256xf32>
    %lt3A_448 = arith.cmpi slt, %select_n3A_445, %select_n3A_408 : vector<1x256xi32>
    %and3A_449 = arith.andi %eq3A_447, %lt3A_448 : vector<1x256xi1>
    %or3A_450 = arith.ori %lt3A_446, %and3A_449 : vector<1x256xi1>
    %select_n3A_451 = arith.select %or3A_450, %select_n3A_444, %select_n3A_407 : vector<1x256xi1>, vector<1x256xf32>
    %select_n3A_452 = arith.select %or3A_450, %select_n3A_445, %select_n3A_408 : vector<1x256xi1>, vector<1x256xi32>
    %reduce_min3A_453 = arith.constant dense<0x7F800000> : vector<256xf32>
    %reduce_min3A_454 = vector.multi_reduction <minimumf>, %select_n3A_424, %reduce_min3A_453 [0] : vector<128x256xf32> to vector<256xf32>
    %broadcast_in_dim3A_455 = vector.shape_cast %reduce_min3A_454 : vector<256xf32> to vector<1x256xf32>
    %eq3A_456 = vector.broadcast %broadcast_in_dim3A_455 : vector<1x256xf32> to vector<128x256xf32>
    %eq3A_457 = arith.cmpf oeq, %select_n3A_424, %eq3A_456 : vector<128x256xf32>
    %jit3A_458 = arith.constant 128 : i32
    %broadcast_in_dim3A_459 = vector.broadcast %jit3A_458 : i32 to vector<128x256xi32>
    %select_n3A_460 = arith.select %eq3A_457, %iota3A, %broadcast_in_dim3A_459 : vector<128x256xi1>, vector<128x256xi32>
    %reduce_min3A_461 = arith.constant dense<2147483647> : vector<256xi32>
    %reduce_min3A_462 = vector.multi_reduction <minsi>, %select_n3A_460, %reduce_min3A_461 [0] : vector<128x256xi32> to vector<256xi32>
    %broadcast_in_dim3A_463 = vector.shape_cast %reduce_min3A_462 : vector<256xi32> to vector<1x256xi32>
    %add3A_464 = arith.constant 256 : i32
    %add3A_465 = vector.broadcast %add3A_464 : i32 to vector<1x256xi32>
    %add3A_466 = arith.addi %broadcast_in_dim3A_463, %add3A_465 : vector<1x256xi32>
    %lt3A_467 = arith.cmpf olt, %broadcast_in_dim3A_455, %select_n3A_433 : vector<1x256xf32>
    %eq3A_468 = arith.cmpf oeq, %broadcast_in_dim3A_455, %select_n3A_433 : vector<1x256xf32>
    %lt3A_469 = arith.cmpi slt, %add3A_466, %select_n3A_434 : vector<1x256xi32>
    %and3A_470 = arith.andi %eq3A_468, %lt3A_469 : vector<1x256xi1>
    %or3A_471 = arith.ori %lt3A_467, %and3A_470 : vector<1x256xi1>
    %select_n3A_472 = arith.select %or3A_471, %broadcast_in_dim3A_455, %select_n3A_433 : vector<1x256xi1>, vector<1x256xf32>
    %select_n3A_473 = arith.select %or3A_471, %add3A_466, %select_n3A_434 : vector<1x256xi1>, vector<1x256xi32>
    %select_n3A_474 = arith.select %or3A_471, %select_n3A_433, %broadcast_in_dim3A_455 : vector<1x256xi1>, vector<1x256xf32>
    %select_n3A_475 = arith.select %or3A_471, %select_n3A_434, %add3A_466 : vector<1x256xi1>, vector<1x256xi32>
    %lt3A_476 = arith.cmpf olt, %select_n3A_474, %select_n3A_442 : vector<1x256xf32>
    %eq3A_477 = arith.cmpf oeq, %select_n3A_474, %select_n3A_442 : vector<1x256xf32>
    %lt3A_478 = arith.cmpi slt, %select_n3A_475, %select_n3A_443 : vector<1x256xi32>
    %and3A_479 = arith.andi %eq3A_477, %lt3A_478 : vector<1x256xi1>
    %or3A_480 = arith.ori %lt3A_476, %and3A_479 : vector<1x256xi1>
    %select_n3A_481 = arith.select %or3A_480, %select_n3A_474, %select_n3A_442 : vector<1x256xi1>, vector<1x256xf32>
    %select_n3A_482 = arith.select %or3A_480, %select_n3A_475, %select_n3A_443 : vector<1x256xi1>, vector<1x256xi32>
    %select_n3A_483 = arith.select %or3A_480, %select_n3A_442, %select_n3A_474 : vector<1x256xi1>, vector<1x256xf32>
    %select_n3A_484 = arith.select %or3A_480, %select_n3A_443, %select_n3A_475 : vector<1x256xi1>, vector<1x256xi32>
    %lt3A_485 = arith.cmpf olt, %select_n3A_483, %select_n3A_451 : vector<1x256xf32>
    %eq3A_486 = arith.cmpf oeq, %select_n3A_483, %select_n3A_451 : vector<1x256xf32>
    %lt3A_487 = arith.cmpi slt, %select_n3A_484, %select_n3A_452 : vector<1x256xi32>
    %and3A_488 = arith.andi %eq3A_486, %lt3A_487 : vector<1x256xi1>
    %or3A_489 = arith.ori %lt3A_485, %and3A_488 : vector<1x256xi1>
    %select_n3A_490 = arith.select %or3A_489, %select_n3A_483, %select_n3A_451 : vector<1x256xi1>, vector<1x256xf32>
    %select_n3A_491 = arith.select %or3A_489, %select_n3A_484, %select_n3A_452 : vector<1x256xi1>, vector<1x256xi32>
    %slice3A_492 = vector.extract_strided_slice %get3A_38 {offsets = [384, 0], sizes = [128, 3], strides = [1, 1]} : vector<1024x3xf32> to vector<128x3xf32>
    %slice3A_493 = vector.extract_strided_slice %slice3A_492 {offsets = [0, 0], sizes = [128, 1], strides = [1, 1]} : vector<128x3xf32> to vector<128x1xf32>
    %slice3A_494 = vector.extract_strided_slice %get3A_43 {offsets = [0, 0], sizes = [1, 256], strides = [1, 1]} : vector<3x256xf32> to vector<1x256xf32>
    %sub3A_495 = vector.broadcast %slice3A_493 : vector<128x1xf32> to vector<128x256xf32>
    %sub3A_496 = vector.broadcast %slice3A_494 : vector<1x256xf32> to vector<128x256xf32>
    %sub3A_497 = arith.subf %sub3A_495, %sub3A_496 : vector<128x256xf32>
    %slice3A_498 = vector.extract_strided_slice %slice3A_492 {offsets = [0, 1], sizes = [128, 1], strides = [1, 1]} : vector<128x3xf32> to vector<128x1xf32>
    %slice3A_499 = vector.extract_strided_slice %get3A_43 {offsets = [1, 0], sizes = [1, 256], strides = [1, 1]} : vector<3x256xf32> to vector<1x256xf32>
    %sub3A_500 = vector.broadcast %slice3A_498 : vector<128x1xf32> to vector<128x256xf32>
    %sub3A_501 = vector.broadcast %slice3A_499 : vector<1x256xf32> to vector<128x256xf32>
    %sub3A_502 = arith.subf %sub3A_500, %sub3A_501 : vector<128x256xf32>
    %slice3A_503 = vector.extract_strided_slice %slice3A_492 {offsets = [0, 2], sizes = [128, 1], strides = [1, 1]} : vector<128x3xf32> to vector<128x1xf32>
    %slice3A_504 = vector.extract_strided_slice %get3A_43 {offsets = [2, 0], sizes = [1, 256], strides = [1, 1]} : vector<3x256xf32> to vector<1x256xf32>
    %sub3A_505 = vector.broadcast %slice3A_503 : vector<128x1xf32> to vector<128x256xf32>
    %sub3A_506 = vector.broadcast %slice3A_504 : vector<1x256xf32> to vector<128x256xf32>
    %sub3A_507 = arith.subf %sub3A_505, %sub3A_506 : vector<128x256xf32>
    %mul3A_508 = arith.mulf %sub3A_497, %sub3A_497 : vector<128x256xf32>
    %mul3A_509 = arith.mulf %sub3A_502, %sub3A_502 : vector<128x256xf32>
    %add3A_510 = arith.addf %mul3A_508, %mul3A_509 : vector<128x256xf32>
    %mul3A_511 = arith.mulf %sub3A_507, %sub3A_507 : vector<128x256xf32>
    %add3A_512 = arith.addf %add3A_510, %mul3A_511 : vector<128x256xf32>
    %reduce_min3A_513 = arith.constant dense<0x7F800000> : vector<256xf32>
    %reduce_min3A_514 = vector.multi_reduction <minimumf>, %add3A_512, %reduce_min3A_513 [0] : vector<128x256xf32> to vector<256xf32>
    %broadcast_in_dim3A_515 = vector.shape_cast %reduce_min3A_514 : vector<256xf32> to vector<1x256xf32>
    %eq3A_516 = vector.broadcast %broadcast_in_dim3A_515 : vector<1x256xf32> to vector<128x256xf32>
    %eq3A_517 = arith.cmpf oeq, %add3A_512, %eq3A_516 : vector<128x256xf32>
    %jit3A_518 = arith.constant 128 : i32
    %broadcast_in_dim3A_519 = vector.broadcast %jit3A_518 : i32 to vector<128x256xi32>
    %select_n3A_520 = arith.select %eq3A_517, %iota3A, %broadcast_in_dim3A_519 : vector<128x256xi1>, vector<128x256xi32>
    %reduce_min3A_521 = arith.constant dense<2147483647> : vector<256xi32>
    %reduce_min3A_522 = vector.multi_reduction <minsi>, %select_n3A_520, %reduce_min3A_521 [0] : vector<128x256xi32> to vector<256xi32>
    %broadcast_in_dim3A_523 = vector.shape_cast %reduce_min3A_522 : vector<256xi32> to vector<1x256xi32>
    %eq3A_524 = vector.broadcast %broadcast_in_dim3A_523 : vector<1x256xi32> to vector<128x256xi32>
    %eq3A_525 = arith.cmpi eq, %iota3A, %eq3A_524 : vector<128x256xi32>
    %jit3A_526 = arith.constant 0x7F800000 : f32
    %broadcast_in_dim3A_527 = vector.broadcast %jit3A_526 : f32 to vector<128x256xf32>
    %select_n3A_528 = arith.select %eq3A_525, %broadcast_in_dim3A_527, %add3A_512 : vector<128x256xi1>, vector<128x256xf32>
    %add3A_529 = arith.constant 384 : i32
    %add3A_530 = vector.broadcast %add3A_529 : i32 to vector<1x256xi32>
    %add3A_531 = arith.addi %broadcast_in_dim3A_523, %add3A_530 : vector<1x256xi32>
    %lt3A_532 = arith.cmpf olt, %broadcast_in_dim3A_515, %select_n3A_472 : vector<1x256xf32>
    %eq3A_533 = arith.cmpf oeq, %broadcast_in_dim3A_515, %select_n3A_472 : vector<1x256xf32>
    %lt3A_534 = arith.cmpi slt, %add3A_531, %select_n3A_473 : vector<1x256xi32>
    %and3A_535 = arith.andi %eq3A_533, %lt3A_534 : vector<1x256xi1>
    %or3A_536 = arith.ori %lt3A_532, %and3A_535 : vector<1x256xi1>
    %select_n3A_537 = arith.select %or3A_536, %broadcast_in_dim3A_515, %select_n3A_472 : vector<1x256xi1>, vector<1x256xf32>
    %select_n3A_538 = arith.select %or3A_536, %add3A_531, %select_n3A_473 : vector<1x256xi1>, vector<1x256xi32>
    %select_n3A_539 = arith.select %or3A_536, %select_n3A_472, %broadcast_in_dim3A_515 : vector<1x256xi1>, vector<1x256xf32>
    %select_n3A_540 = arith.select %or3A_536, %select_n3A_473, %add3A_531 : vector<1x256xi1>, vector<1x256xi32>
    %lt3A_541 = arith.cmpf olt, %select_n3A_539, %select_n3A_481 : vector<1x256xf32>
    %eq3A_542 = arith.cmpf oeq, %select_n3A_539, %select_n3A_481 : vector<1x256xf32>
    %lt3A_543 = arith.cmpi slt, %select_n3A_540, %select_n3A_482 : vector<1x256xi32>
    %and3A_544 = arith.andi %eq3A_542, %lt3A_543 : vector<1x256xi1>
    %or3A_545 = arith.ori %lt3A_541, %and3A_544 : vector<1x256xi1>
    %select_n3A_546 = arith.select %or3A_545, %select_n3A_539, %select_n3A_481 : vector<1x256xi1>, vector<1x256xf32>
    %select_n3A_547 = arith.select %or3A_545, %select_n3A_540, %select_n3A_482 : vector<1x256xi1>, vector<1x256xi32>
    %select_n3A_548 = arith.select %or3A_545, %select_n3A_481, %select_n3A_539 : vector<1x256xi1>, vector<1x256xf32>
    %select_n3A_549 = arith.select %or3A_545, %select_n3A_482, %select_n3A_540 : vector<1x256xi1>, vector<1x256xi32>
    %lt3A_550 = arith.cmpf olt, %select_n3A_548, %select_n3A_490 : vector<1x256xf32>
    %eq3A_551 = arith.cmpf oeq, %select_n3A_548, %select_n3A_490 : vector<1x256xf32>
    %lt3A_552 = arith.cmpi slt, %select_n3A_549, %select_n3A_491 : vector<1x256xi32>
    %and3A_553 = arith.andi %eq3A_551, %lt3A_552 : vector<1x256xi1>
    %or3A_554 = arith.ori %lt3A_550, %and3A_553 : vector<1x256xi1>
    %select_n3A_555 = arith.select %or3A_554, %select_n3A_548, %select_n3A_490 : vector<1x256xi1>, vector<1x256xf32>
    %select_n3A_556 = arith.select %or3A_554, %select_n3A_549, %select_n3A_491 : vector<1x256xi1>, vector<1x256xi32>
    %reduce_min3A_557 = arith.constant dense<0x7F800000> : vector<256xf32>
    %reduce_min3A_558 = vector.multi_reduction <minimumf>, %select_n3A_528, %reduce_min3A_557 [0] : vector<128x256xf32> to vector<256xf32>
    %broadcast_in_dim3A_559 = vector.shape_cast %reduce_min3A_558 : vector<256xf32> to vector<1x256xf32>
    %eq3A_560 = vector.broadcast %broadcast_in_dim3A_559 : vector<1x256xf32> to vector<128x256xf32>
    %eq3A_561 = arith.cmpf oeq, %select_n3A_528, %eq3A_560 : vector<128x256xf32>
    %jit3A_562 = arith.constant 128 : i32
    %broadcast_in_dim3A_563 = vector.broadcast %jit3A_562 : i32 to vector<128x256xi32>
    %select_n3A_564 = arith.select %eq3A_561, %iota3A, %broadcast_in_dim3A_563 : vector<128x256xi1>, vector<128x256xi32>
    %reduce_min3A_565 = arith.constant dense<2147483647> : vector<256xi32>
    %reduce_min3A_566 = vector.multi_reduction <minsi>, %select_n3A_564, %reduce_min3A_565 [0] : vector<128x256xi32> to vector<256xi32>
    %broadcast_in_dim3A_567 = vector.shape_cast %reduce_min3A_566 : vector<256xi32> to vector<1x256xi32>
    %eq3A_568 = vector.broadcast %broadcast_in_dim3A_567 : vector<1x256xi32> to vector<128x256xi32>
    %eq3A_569 = arith.cmpi eq, %iota3A, %eq3A_568 : vector<128x256xi32>
    %jit3A_570 = arith.constant 0x7F800000 : f32
    %broadcast_in_dim3A_571 = vector.broadcast %jit3A_570 : f32 to vector<128x256xf32>
    %select_n3A_572 = arith.select %eq3A_569, %broadcast_in_dim3A_571, %select_n3A_528 : vector<128x256xi1>, vector<128x256xf32>
    %add3A_573 = arith.constant 384 : i32
    %add3A_574 = vector.broadcast %add3A_573 : i32 to vector<1x256xi32>
    %add3A_575 = arith.addi %broadcast_in_dim3A_567, %add3A_574 : vector<1x256xi32>
    %lt3A_576 = arith.cmpf olt, %broadcast_in_dim3A_559, %select_n3A_537 : vector<1x256xf32>
    %eq3A_577 = arith.cmpf oeq, %broadcast_in_dim3A_559, %select_n3A_537 : vector<1x256xf32>
    %lt3A_578 = arith.cmpi slt, %add3A_575, %select_n3A_538 : vector<1x256xi32>
    %and3A_579 = arith.andi %eq3A_577, %lt3A_578 : vector<1x256xi1>
    %or3A_580 = arith.ori %lt3A_576, %and3A_579 : vector<1x256xi1>
    %select_n3A_581 = arith.select %or3A_580, %broadcast_in_dim3A_559, %select_n3A_537 : vector<1x256xi1>, vector<1x256xf32>
    %select_n3A_582 = arith.select %or3A_580, %add3A_575, %select_n3A_538 : vector<1x256xi1>, vector<1x256xi32>
    %select_n3A_583 = arith.select %or3A_580, %select_n3A_537, %broadcast_in_dim3A_559 : vector<1x256xi1>, vector<1x256xf32>
    %select_n3A_584 = arith.select %or3A_580, %select_n3A_538, %add3A_575 : vector<1x256xi1>, vector<1x256xi32>
    %lt3A_585 = arith.cmpf olt, %select_n3A_583, %select_n3A_546 : vector<1x256xf32>
    %eq3A_586 = arith.cmpf oeq, %select_n3A_583, %select_n3A_546 : vector<1x256xf32>
    %lt3A_587 = arith.cmpi slt, %select_n3A_584, %select_n3A_547 : vector<1x256xi32>
    %and3A_588 = arith.andi %eq3A_586, %lt3A_587 : vector<1x256xi1>
    %or3A_589 = arith.ori %lt3A_585, %and3A_588 : vector<1x256xi1>
    %select_n3A_590 = arith.select %or3A_589, %select_n3A_583, %select_n3A_546 : vector<1x256xi1>, vector<1x256xf32>
    %select_n3A_591 = arith.select %or3A_589, %select_n3A_584, %select_n3A_547 : vector<1x256xi1>, vector<1x256xi32>
    %select_n3A_592 = arith.select %or3A_589, %select_n3A_546, %select_n3A_583 : vector<1x256xi1>, vector<1x256xf32>
    %select_n3A_593 = arith.select %or3A_589, %select_n3A_547, %select_n3A_584 : vector<1x256xi1>, vector<1x256xi32>
    %lt3A_594 = arith.cmpf olt, %select_n3A_592, %select_n3A_555 : vector<1x256xf32>
    %eq3A_595 = arith.cmpf oeq, %select_n3A_592, %select_n3A_555 : vector<1x256xf32>
    %lt3A_596 = arith.cmpi slt, %select_n3A_593, %select_n3A_556 : vector<1x256xi32>
    %and3A_597 = arith.andi %eq3A_595, %lt3A_596 : vector<1x256xi1>
    %or3A_598 = arith.ori %lt3A_594, %and3A_597 : vector<1x256xi1>
    %select_n3A_599 = arith.select %or3A_598, %select_n3A_592, %select_n3A_555 : vector<1x256xi1>, vector<1x256xf32>
    %select_n3A_600 = arith.select %or3A_598, %select_n3A_593, %select_n3A_556 : vector<1x256xi1>, vector<1x256xi32>
    %reduce_min3A_601 = arith.constant dense<0x7F800000> : vector<256xf32>
    %reduce_min3A_602 = vector.multi_reduction <minimumf>, %select_n3A_572, %reduce_min3A_601 [0] : vector<128x256xf32> to vector<256xf32>
    %broadcast_in_dim3A_603 = vector.shape_cast %reduce_min3A_602 : vector<256xf32> to vector<1x256xf32>
    %eq3A_604 = vector.broadcast %broadcast_in_dim3A_603 : vector<1x256xf32> to vector<128x256xf32>
    %eq3A_605 = arith.cmpf oeq, %select_n3A_572, %eq3A_604 : vector<128x256xf32>
    %jit3A_606 = arith.constant 128 : i32
    %broadcast_in_dim3A_607 = vector.broadcast %jit3A_606 : i32 to vector<128x256xi32>
    %select_n3A_608 = arith.select %eq3A_605, %iota3A, %broadcast_in_dim3A_607 : vector<128x256xi1>, vector<128x256xi32>
    %reduce_min3A_609 = arith.constant dense<2147483647> : vector<256xi32>
    %reduce_min3A_610 = vector.multi_reduction <minsi>, %select_n3A_608, %reduce_min3A_609 [0] : vector<128x256xi32> to vector<256xi32>
    %broadcast_in_dim3A_611 = vector.shape_cast %reduce_min3A_610 : vector<256xi32> to vector<1x256xi32>
    %add3A_612 = arith.constant 384 : i32
    %add3A_613 = vector.broadcast %add3A_612 : i32 to vector<1x256xi32>
    %add3A_614 = arith.addi %broadcast_in_dim3A_611, %add3A_613 : vector<1x256xi32>
    %lt3A_615 = arith.cmpf olt, %broadcast_in_dim3A_603, %select_n3A_581 : vector<1x256xf32>
    %eq3A_616 = arith.cmpf oeq, %broadcast_in_dim3A_603, %select_n3A_581 : vector<1x256xf32>
    %lt3A_617 = arith.cmpi slt, %add3A_614, %select_n3A_582 : vector<1x256xi32>
    %and3A_618 = arith.andi %eq3A_616, %lt3A_617 : vector<1x256xi1>
    %or3A_619 = arith.ori %lt3A_615, %and3A_618 : vector<1x256xi1>
    %select_n3A_620 = arith.select %or3A_619, %broadcast_in_dim3A_603, %select_n3A_581 : vector<1x256xi1>, vector<1x256xf32>
    %select_n3A_621 = arith.select %or3A_619, %add3A_614, %select_n3A_582 : vector<1x256xi1>, vector<1x256xi32>
    %select_n3A_622 = arith.select %or3A_619, %select_n3A_581, %broadcast_in_dim3A_603 : vector<1x256xi1>, vector<1x256xf32>
    %select_n3A_623 = arith.select %or3A_619, %select_n3A_582, %add3A_614 : vector<1x256xi1>, vector<1x256xi32>
    %lt3A_624 = arith.cmpf olt, %select_n3A_622, %select_n3A_590 : vector<1x256xf32>
    %eq3A_625 = arith.cmpf oeq, %select_n3A_622, %select_n3A_590 : vector<1x256xf32>
    %lt3A_626 = arith.cmpi slt, %select_n3A_623, %select_n3A_591 : vector<1x256xi32>
    %and3A_627 = arith.andi %eq3A_625, %lt3A_626 : vector<1x256xi1>
    %or3A_628 = arith.ori %lt3A_624, %and3A_627 : vector<1x256xi1>
    %select_n3A_629 = arith.select %or3A_628, %select_n3A_622, %select_n3A_590 : vector<1x256xi1>, vector<1x256xf32>
    %select_n3A_630 = arith.select %or3A_628, %select_n3A_623, %select_n3A_591 : vector<1x256xi1>, vector<1x256xi32>
    %select_n3A_631 = arith.select %or3A_628, %select_n3A_590, %select_n3A_622 : vector<1x256xi1>, vector<1x256xf32>
    %select_n3A_632 = arith.select %or3A_628, %select_n3A_591, %select_n3A_623 : vector<1x256xi1>, vector<1x256xi32>
    %lt3A_633 = arith.cmpf olt, %select_n3A_631, %select_n3A_599 : vector<1x256xf32>
    %eq3A_634 = arith.cmpf oeq, %select_n3A_631, %select_n3A_599 : vector<1x256xf32>
    %lt3A_635 = arith.cmpi slt, %select_n3A_632, %select_n3A_600 : vector<1x256xi32>
    %and3A_636 = arith.andi %eq3A_634, %lt3A_635 : vector<1x256xi1>
    %or3A_637 = arith.ori %lt3A_633, %and3A_636 : vector<1x256xi1>
    %select_n3A_638 = arith.select %or3A_637, %select_n3A_631, %select_n3A_599 : vector<1x256xi1>, vector<1x256xf32>
    %select_n3A_639 = arith.select %or3A_637, %select_n3A_632, %select_n3A_600 : vector<1x256xi1>, vector<1x256xi32>
    %slice3A_640 = vector.extract_strided_slice %get3A_38 {offsets = [512, 0], sizes = [128, 3], strides = [1, 1]} : vector<1024x3xf32> to vector<128x3xf32>
    %slice3A_641 = vector.extract_strided_slice %slice3A_640 {offsets = [0, 0], sizes = [128, 1], strides = [1, 1]} : vector<128x3xf32> to vector<128x1xf32>
    %slice3A_642 = vector.extract_strided_slice %get3A_43 {offsets = [0, 0], sizes = [1, 256], strides = [1, 1]} : vector<3x256xf32> to vector<1x256xf32>
    %sub3A_643 = vector.broadcast %slice3A_641 : vector<128x1xf32> to vector<128x256xf32>
    %sub3A_644 = vector.broadcast %slice3A_642 : vector<1x256xf32> to vector<128x256xf32>
    %sub3A_645 = arith.subf %sub3A_643, %sub3A_644 : vector<128x256xf32>
    %slice3A_646 = vector.extract_strided_slice %slice3A_640 {offsets = [0, 1], sizes = [128, 1], strides = [1, 1]} : vector<128x3xf32> to vector<128x1xf32>
    %slice3A_647 = vector.extract_strided_slice %get3A_43 {offsets = [1, 0], sizes = [1, 256], strides = [1, 1]} : vector<3x256xf32> to vector<1x256xf32>
    %sub3A_648 = vector.broadcast %slice3A_646 : vector<128x1xf32> to vector<128x256xf32>
    %sub3A_649 = vector.broadcast %slice3A_647 : vector<1x256xf32> to vector<128x256xf32>
    %sub3A_650 = arith.subf %sub3A_648, %sub3A_649 : vector<128x256xf32>
    %slice3A_651 = vector.extract_strided_slice %slice3A_640 {offsets = [0, 2], sizes = [128, 1], strides = [1, 1]} : vector<128x3xf32> to vector<128x1xf32>
    %slice3A_652 = vector.extract_strided_slice %get3A_43 {offsets = [2, 0], sizes = [1, 256], strides = [1, 1]} : vector<3x256xf32> to vector<1x256xf32>
    %sub3A_653 = vector.broadcast %slice3A_651 : vector<128x1xf32> to vector<128x256xf32>
    %sub3A_654 = vector.broadcast %slice3A_652 : vector<1x256xf32> to vector<128x256xf32>
    %sub3A_655 = arith.subf %sub3A_653, %sub3A_654 : vector<128x256xf32>
    %mul3A_656 = arith.mulf %sub3A_645, %sub3A_645 : vector<128x256xf32>
    %mul3A_657 = arith.mulf %sub3A_650, %sub3A_650 : vector<128x256xf32>
    %add3A_658 = arith.addf %mul3A_656, %mul3A_657 : vector<128x256xf32>
    %mul3A_659 = arith.mulf %sub3A_655, %sub3A_655 : vector<128x256xf32>
    %add3A_660 = arith.addf %add3A_658, %mul3A_659 : vector<128x256xf32>
    %reduce_min3A_661 = arith.constant dense<0x7F800000> : vector<256xf32>
    %reduce_min3A_662 = vector.multi_reduction <minimumf>, %add3A_660, %reduce_min3A_661 [0] : vector<128x256xf32> to vector<256xf32>
    %broadcast_in_dim3A_663 = vector.shape_cast %reduce_min3A_662 : vector<256xf32> to vector<1x256xf32>
    %eq3A_664 = vector.broadcast %broadcast_in_dim3A_663 : vector<1x256xf32> to vector<128x256xf32>
    %eq3A_665 = arith.cmpf oeq, %add3A_660, %eq3A_664 : vector<128x256xf32>
    %jit3A_666 = arith.constant 128 : i32
    %broadcast_in_dim3A_667 = vector.broadcast %jit3A_666 : i32 to vector<128x256xi32>
    %select_n3A_668 = arith.select %eq3A_665, %iota3A, %broadcast_in_dim3A_667 : vector<128x256xi1>, vector<128x256xi32>
    %reduce_min3A_669 = arith.constant dense<2147483647> : vector<256xi32>
    %reduce_min3A_670 = vector.multi_reduction <minsi>, %select_n3A_668, %reduce_min3A_669 [0] : vector<128x256xi32> to vector<256xi32>
    %broadcast_in_dim3A_671 = vector.shape_cast %reduce_min3A_670 : vector<256xi32> to vector<1x256xi32>
    %eq3A_672 = vector.broadcast %broadcast_in_dim3A_671 : vector<1x256xi32> to vector<128x256xi32>
    %eq3A_673 = arith.cmpi eq, %iota3A, %eq3A_672 : vector<128x256xi32>
    %jit3A_674 = arith.constant 0x7F800000 : f32
    %broadcast_in_dim3A_675 = vector.broadcast %jit3A_674 : f32 to vector<128x256xf32>
    %select_n3A_676 = arith.select %eq3A_673, %broadcast_in_dim3A_675, %add3A_660 : vector<128x256xi1>, vector<128x256xf32>
    %add3A_677 = arith.constant 512 : i32
    %add3A_678 = vector.broadcast %add3A_677 : i32 to vector<1x256xi32>
    %add3A_679 = arith.addi %broadcast_in_dim3A_671, %add3A_678 : vector<1x256xi32>
    %lt3A_680 = arith.cmpf olt, %broadcast_in_dim3A_663, %select_n3A_620 : vector<1x256xf32>
    %eq3A_681 = arith.cmpf oeq, %broadcast_in_dim3A_663, %select_n3A_620 : vector<1x256xf32>
    %lt3A_682 = arith.cmpi slt, %add3A_679, %select_n3A_621 : vector<1x256xi32>
    %and3A_683 = arith.andi %eq3A_681, %lt3A_682 : vector<1x256xi1>
    %or3A_684 = arith.ori %lt3A_680, %and3A_683 : vector<1x256xi1>
    %select_n3A_685 = arith.select %or3A_684, %broadcast_in_dim3A_663, %select_n3A_620 : vector<1x256xi1>, vector<1x256xf32>
    %select_n3A_686 = arith.select %or3A_684, %add3A_679, %select_n3A_621 : vector<1x256xi1>, vector<1x256xi32>
    %select_n3A_687 = arith.select %or3A_684, %select_n3A_620, %broadcast_in_dim3A_663 : vector<1x256xi1>, vector<1x256xf32>
    %select_n3A_688 = arith.select %or3A_684, %select_n3A_621, %add3A_679 : vector<1x256xi1>, vector<1x256xi32>
    %lt3A_689 = arith.cmpf olt, %select_n3A_687, %select_n3A_629 : vector<1x256xf32>
    %eq3A_690 = arith.cmpf oeq, %select_n3A_687, %select_n3A_629 : vector<1x256xf32>
    %lt3A_691 = arith.cmpi slt, %select_n3A_688, %select_n3A_630 : vector<1x256xi32>
    %and3A_692 = arith.andi %eq3A_690, %lt3A_691 : vector<1x256xi1>
    %or3A_693 = arith.ori %lt3A_689, %and3A_692 : vector<1x256xi1>
    %select_n3A_694 = arith.select %or3A_693, %select_n3A_687, %select_n3A_629 : vector<1x256xi1>, vector<1x256xf32>
    %select_n3A_695 = arith.select %or3A_693, %select_n3A_688, %select_n3A_630 : vector<1x256xi1>, vector<1x256xi32>
    %select_n3A_696 = arith.select %or3A_693, %select_n3A_629, %select_n3A_687 : vector<1x256xi1>, vector<1x256xf32>
    %select_n3A_697 = arith.select %or3A_693, %select_n3A_630, %select_n3A_688 : vector<1x256xi1>, vector<1x256xi32>
    %lt3A_698 = arith.cmpf olt, %select_n3A_696, %select_n3A_638 : vector<1x256xf32>
    %eq3A_699 = arith.cmpf oeq, %select_n3A_696, %select_n3A_638 : vector<1x256xf32>
    %lt3A_700 = arith.cmpi slt, %select_n3A_697, %select_n3A_639 : vector<1x256xi32>
    %and3A_701 = arith.andi %eq3A_699, %lt3A_700 : vector<1x256xi1>
    %or3A_702 = arith.ori %lt3A_698, %and3A_701 : vector<1x256xi1>
    %select_n3A_703 = arith.select %or3A_702, %select_n3A_696, %select_n3A_638 : vector<1x256xi1>, vector<1x256xf32>
    %select_n3A_704 = arith.select %or3A_702, %select_n3A_697, %select_n3A_639 : vector<1x256xi1>, vector<1x256xi32>
    %reduce_min3A_705 = arith.constant dense<0x7F800000> : vector<256xf32>
    %reduce_min3A_706 = vector.multi_reduction <minimumf>, %select_n3A_676, %reduce_min3A_705 [0] : vector<128x256xf32> to vector<256xf32>
    %broadcast_in_dim3A_707 = vector.shape_cast %reduce_min3A_706 : vector<256xf32> to vector<1x256xf32>
    %eq3A_708 = vector.broadcast %broadcast_in_dim3A_707 : vector<1x256xf32> to vector<128x256xf32>
    %eq3A_709 = arith.cmpf oeq, %select_n3A_676, %eq3A_708 : vector<128x256xf32>
    %jit3A_710 = arith.constant 128 : i32
    %broadcast_in_dim3A_711 = vector.broadcast %jit3A_710 : i32 to vector<128x256xi32>
    %select_n3A_712 = arith.select %eq3A_709, %iota3A, %broadcast_in_dim3A_711 : vector<128x256xi1>, vector<128x256xi32>
    %reduce_min3A_713 = arith.constant dense<2147483647> : vector<256xi32>
    %reduce_min3A_714 = vector.multi_reduction <minsi>, %select_n3A_712, %reduce_min3A_713 [0] : vector<128x256xi32> to vector<256xi32>
    %broadcast_in_dim3A_715 = vector.shape_cast %reduce_min3A_714 : vector<256xi32> to vector<1x256xi32>
    %eq3A_716 = vector.broadcast %broadcast_in_dim3A_715 : vector<1x256xi32> to vector<128x256xi32>
    %eq3A_717 = arith.cmpi eq, %iota3A, %eq3A_716 : vector<128x256xi32>
    %jit3A_718 = arith.constant 0x7F800000 : f32
    %broadcast_in_dim3A_719 = vector.broadcast %jit3A_718 : f32 to vector<128x256xf32>
    %select_n3A_720 = arith.select %eq3A_717, %broadcast_in_dim3A_719, %select_n3A_676 : vector<128x256xi1>, vector<128x256xf32>
    %add3A_721 = arith.constant 512 : i32
    %add3A_722 = vector.broadcast %add3A_721 : i32 to vector<1x256xi32>
    %add3A_723 = arith.addi %broadcast_in_dim3A_715, %add3A_722 : vector<1x256xi32>
    %lt3A_724 = arith.cmpf olt, %broadcast_in_dim3A_707, %select_n3A_685 : vector<1x256xf32>
    %eq3A_725 = arith.cmpf oeq, %broadcast_in_dim3A_707, %select_n3A_685 : vector<1x256xf32>
    %lt3A_726 = arith.cmpi slt, %add3A_723, %select_n3A_686 : vector<1x256xi32>
    %and3A_727 = arith.andi %eq3A_725, %lt3A_726 : vector<1x256xi1>
    %or3A_728 = arith.ori %lt3A_724, %and3A_727 : vector<1x256xi1>
    %select_n3A_729 = arith.select %or3A_728, %broadcast_in_dim3A_707, %select_n3A_685 : vector<1x256xi1>, vector<1x256xf32>
    %select_n3A_730 = arith.select %or3A_728, %add3A_723, %select_n3A_686 : vector<1x256xi1>, vector<1x256xi32>
    %select_n3A_731 = arith.select %or3A_728, %select_n3A_685, %broadcast_in_dim3A_707 : vector<1x256xi1>, vector<1x256xf32>
    %select_n3A_732 = arith.select %or3A_728, %select_n3A_686, %add3A_723 : vector<1x256xi1>, vector<1x256xi32>
    %lt3A_733 = arith.cmpf olt, %select_n3A_731, %select_n3A_694 : vector<1x256xf32>
    %eq3A_734 = arith.cmpf oeq, %select_n3A_731, %select_n3A_694 : vector<1x256xf32>
    %lt3A_735 = arith.cmpi slt, %select_n3A_732, %select_n3A_695 : vector<1x256xi32>
    %and3A_736 = arith.andi %eq3A_734, %lt3A_735 : vector<1x256xi1>
    %or3A_737 = arith.ori %lt3A_733, %and3A_736 : vector<1x256xi1>
    %select_n3A_738 = arith.select %or3A_737, %select_n3A_731, %select_n3A_694 : vector<1x256xi1>, vector<1x256xf32>
    %select_n3A_739 = arith.select %or3A_737, %select_n3A_732, %select_n3A_695 : vector<1x256xi1>, vector<1x256xi32>
    %select_n3A_740 = arith.select %or3A_737, %select_n3A_694, %select_n3A_731 : vector<1x256xi1>, vector<1x256xf32>
    %select_n3A_741 = arith.select %or3A_737, %select_n3A_695, %select_n3A_732 : vector<1x256xi1>, vector<1x256xi32>
    %lt3A_742 = arith.cmpf olt, %select_n3A_740, %select_n3A_703 : vector<1x256xf32>
    %eq3A_743 = arith.cmpf oeq, %select_n3A_740, %select_n3A_703 : vector<1x256xf32>
    %lt3A_744 = arith.cmpi slt, %select_n3A_741, %select_n3A_704 : vector<1x256xi32>
    %and3A_745 = arith.andi %eq3A_743, %lt3A_744 : vector<1x256xi1>
    %or3A_746 = arith.ori %lt3A_742, %and3A_745 : vector<1x256xi1>
    %select_n3A_747 = arith.select %or3A_746, %select_n3A_740, %select_n3A_703 : vector<1x256xi1>, vector<1x256xf32>
    %select_n3A_748 = arith.select %or3A_746, %select_n3A_741, %select_n3A_704 : vector<1x256xi1>, vector<1x256xi32>
    %reduce_min3A_749 = arith.constant dense<0x7F800000> : vector<256xf32>
    %reduce_min3A_750 = vector.multi_reduction <minimumf>, %select_n3A_720, %reduce_min3A_749 [0] : vector<128x256xf32> to vector<256xf32>
    %broadcast_in_dim3A_751 = vector.shape_cast %reduce_min3A_750 : vector<256xf32> to vector<1x256xf32>
    %eq3A_752 = vector.broadcast %broadcast_in_dim3A_751 : vector<1x256xf32> to vector<128x256xf32>
    %eq3A_753 = arith.cmpf oeq, %select_n3A_720, %eq3A_752 : vector<128x256xf32>
    %jit3A_754 = arith.constant 128 : i32
    %broadcast_in_dim3A_755 = vector.broadcast %jit3A_754 : i32 to vector<128x256xi32>
    %select_n3A_756 = arith.select %eq3A_753, %iota3A, %broadcast_in_dim3A_755 : vector<128x256xi1>, vector<128x256xi32>
    %reduce_min3A_757 = arith.constant dense<2147483647> : vector<256xi32>
    %reduce_min3A_758 = vector.multi_reduction <minsi>, %select_n3A_756, %reduce_min3A_757 [0] : vector<128x256xi32> to vector<256xi32>
    %broadcast_in_dim3A_759 = vector.shape_cast %reduce_min3A_758 : vector<256xi32> to vector<1x256xi32>
    %add3A_760 = arith.constant 512 : i32
    %add3A_761 = vector.broadcast %add3A_760 : i32 to vector<1x256xi32>
    %add3A_762 = arith.addi %broadcast_in_dim3A_759, %add3A_761 : vector<1x256xi32>
    %lt3A_763 = arith.cmpf olt, %broadcast_in_dim3A_751, %select_n3A_729 : vector<1x256xf32>
    %eq3A_764 = arith.cmpf oeq, %broadcast_in_dim3A_751, %select_n3A_729 : vector<1x256xf32>
    %lt3A_765 = arith.cmpi slt, %add3A_762, %select_n3A_730 : vector<1x256xi32>
    %and3A_766 = arith.andi %eq3A_764, %lt3A_765 : vector<1x256xi1>
    %or3A_767 = arith.ori %lt3A_763, %and3A_766 : vector<1x256xi1>
    %select_n3A_768 = arith.select %or3A_767, %broadcast_in_dim3A_751, %select_n3A_729 : vector<1x256xi1>, vector<1x256xf32>
    %select_n3A_769 = arith.select %or3A_767, %add3A_762, %select_n3A_730 : vector<1x256xi1>, vector<1x256xi32>
    %select_n3A_770 = arith.select %or3A_767, %select_n3A_729, %broadcast_in_dim3A_751 : vector<1x256xi1>, vector<1x256xf32>
    %select_n3A_771 = arith.select %or3A_767, %select_n3A_730, %add3A_762 : vector<1x256xi1>, vector<1x256xi32>
    %lt3A_772 = arith.cmpf olt, %select_n3A_770, %select_n3A_738 : vector<1x256xf32>
    %eq3A_773 = arith.cmpf oeq, %select_n3A_770, %select_n3A_738 : vector<1x256xf32>
    %lt3A_774 = arith.cmpi slt, %select_n3A_771, %select_n3A_739 : vector<1x256xi32>
    %and3A_775 = arith.andi %eq3A_773, %lt3A_774 : vector<1x256xi1>
    %or3A_776 = arith.ori %lt3A_772, %and3A_775 : vector<1x256xi1>
    %select_n3A_777 = arith.select %or3A_776, %select_n3A_770, %select_n3A_738 : vector<1x256xi1>, vector<1x256xf32>
    %select_n3A_778 = arith.select %or3A_776, %select_n3A_771, %select_n3A_739 : vector<1x256xi1>, vector<1x256xi32>
    %select_n3A_779 = arith.select %or3A_776, %select_n3A_738, %select_n3A_770 : vector<1x256xi1>, vector<1x256xf32>
    %select_n3A_780 = arith.select %or3A_776, %select_n3A_739, %select_n3A_771 : vector<1x256xi1>, vector<1x256xi32>
    %lt3A_781 = arith.cmpf olt, %select_n3A_779, %select_n3A_747 : vector<1x256xf32>
    %eq3A_782 = arith.cmpf oeq, %select_n3A_779, %select_n3A_747 : vector<1x256xf32>
    %lt3A_783 = arith.cmpi slt, %select_n3A_780, %select_n3A_748 : vector<1x256xi32>
    %and3A_784 = arith.andi %eq3A_782, %lt3A_783 : vector<1x256xi1>
    %or3A_785 = arith.ori %lt3A_781, %and3A_784 : vector<1x256xi1>
    %select_n3A_786 = arith.select %or3A_785, %select_n3A_779, %select_n3A_747 : vector<1x256xi1>, vector<1x256xf32>
    %select_n3A_787 = arith.select %or3A_785, %select_n3A_780, %select_n3A_748 : vector<1x256xi1>, vector<1x256xi32>
    %slice3A_788 = vector.extract_strided_slice %get3A_38 {offsets = [640, 0], sizes = [128, 3], strides = [1, 1]} : vector<1024x3xf32> to vector<128x3xf32>
    %slice3A_789 = vector.extract_strided_slice %slice3A_788 {offsets = [0, 0], sizes = [128, 1], strides = [1, 1]} : vector<128x3xf32> to vector<128x1xf32>
    %slice3A_790 = vector.extract_strided_slice %get3A_43 {offsets = [0, 0], sizes = [1, 256], strides = [1, 1]} : vector<3x256xf32> to vector<1x256xf32>
    %sub3A_791 = vector.broadcast %slice3A_789 : vector<128x1xf32> to vector<128x256xf32>
    %sub3A_792 = vector.broadcast %slice3A_790 : vector<1x256xf32> to vector<128x256xf32>
    %sub3A_793 = arith.subf %sub3A_791, %sub3A_792 : vector<128x256xf32>
    %slice3A_794 = vector.extract_strided_slice %slice3A_788 {offsets = [0, 1], sizes = [128, 1], strides = [1, 1]} : vector<128x3xf32> to vector<128x1xf32>
    %slice3A_795 = vector.extract_strided_slice %get3A_43 {offsets = [1, 0], sizes = [1, 256], strides = [1, 1]} : vector<3x256xf32> to vector<1x256xf32>
    %sub3A_796 = vector.broadcast %slice3A_794 : vector<128x1xf32> to vector<128x256xf32>
    %sub3A_797 = vector.broadcast %slice3A_795 : vector<1x256xf32> to vector<128x256xf32>
    %sub3A_798 = arith.subf %sub3A_796, %sub3A_797 : vector<128x256xf32>
    %slice3A_799 = vector.extract_strided_slice %slice3A_788 {offsets = [0, 2], sizes = [128, 1], strides = [1, 1]} : vector<128x3xf32> to vector<128x1xf32>
    %slice3A_800 = vector.extract_strided_slice %get3A_43 {offsets = [2, 0], sizes = [1, 256], strides = [1, 1]} : vector<3x256xf32> to vector<1x256xf32>
    %sub3A_801 = vector.broadcast %slice3A_799 : vector<128x1xf32> to vector<128x256xf32>
    %sub3A_802 = vector.broadcast %slice3A_800 : vector<1x256xf32> to vector<128x256xf32>
    %sub3A_803 = arith.subf %sub3A_801, %sub3A_802 : vector<128x256xf32>
    %mul3A_804 = arith.mulf %sub3A_793, %sub3A_793 : vector<128x256xf32>
    %mul3A_805 = arith.mulf %sub3A_798, %sub3A_798 : vector<128x256xf32>
    %add3A_806 = arith.addf %mul3A_804, %mul3A_805 : vector<128x256xf32>
    %mul3A_807 = arith.mulf %sub3A_803, %sub3A_803 : vector<128x256xf32>
    %add3A_808 = arith.addf %add3A_806, %mul3A_807 : vector<128x256xf32>
    %reduce_min3A_809 = arith.constant dense<0x7F800000> : vector<256xf32>
    %reduce_min3A_810 = vector.multi_reduction <minimumf>, %add3A_808, %reduce_min3A_809 [0] : vector<128x256xf32> to vector<256xf32>
    %broadcast_in_dim3A_811 = vector.shape_cast %reduce_min3A_810 : vector<256xf32> to vector<1x256xf32>
    %eq3A_812 = vector.broadcast %broadcast_in_dim3A_811 : vector<1x256xf32> to vector<128x256xf32>
    %eq3A_813 = arith.cmpf oeq, %add3A_808, %eq3A_812 : vector<128x256xf32>
    %jit3A_814 = arith.constant 128 : i32
    %broadcast_in_dim3A_815 = vector.broadcast %jit3A_814 : i32 to vector<128x256xi32>
    %select_n3A_816 = arith.select %eq3A_813, %iota3A, %broadcast_in_dim3A_815 : vector<128x256xi1>, vector<128x256xi32>
    %reduce_min3A_817 = arith.constant dense<2147483647> : vector<256xi32>
    %reduce_min3A_818 = vector.multi_reduction <minsi>, %select_n3A_816, %reduce_min3A_817 [0] : vector<128x256xi32> to vector<256xi32>
    %broadcast_in_dim3A_819 = vector.shape_cast %reduce_min3A_818 : vector<256xi32> to vector<1x256xi32>
    %eq3A_820 = vector.broadcast %broadcast_in_dim3A_819 : vector<1x256xi32> to vector<128x256xi32>
    %eq3A_821 = arith.cmpi eq, %iota3A, %eq3A_820 : vector<128x256xi32>
    %jit3A_822 = arith.constant 0x7F800000 : f32
    %broadcast_in_dim3A_823 = vector.broadcast %jit3A_822 : f32 to vector<128x256xf32>
    %select_n3A_824 = arith.select %eq3A_821, %broadcast_in_dim3A_823, %add3A_808 : vector<128x256xi1>, vector<128x256xf32>
    %add3A_825 = arith.constant 640 : i32
    %add3A_826 = vector.broadcast %add3A_825 : i32 to vector<1x256xi32>
    %add3A_827 = arith.addi %broadcast_in_dim3A_819, %add3A_826 : vector<1x256xi32>
    %lt3A_828 = arith.cmpf olt, %broadcast_in_dim3A_811, %select_n3A_768 : vector<1x256xf32>
    %eq3A_829 = arith.cmpf oeq, %broadcast_in_dim3A_811, %select_n3A_768 : vector<1x256xf32>
    %lt3A_830 = arith.cmpi slt, %add3A_827, %select_n3A_769 : vector<1x256xi32>
    %and3A_831 = arith.andi %eq3A_829, %lt3A_830 : vector<1x256xi1>
    %or3A_832 = arith.ori %lt3A_828, %and3A_831 : vector<1x256xi1>
    %select_n3A_833 = arith.select %or3A_832, %broadcast_in_dim3A_811, %select_n3A_768 : vector<1x256xi1>, vector<1x256xf32>
    %select_n3A_834 = arith.select %or3A_832, %add3A_827, %select_n3A_769 : vector<1x256xi1>, vector<1x256xi32>
    %select_n3A_835 = arith.select %or3A_832, %select_n3A_768, %broadcast_in_dim3A_811 : vector<1x256xi1>, vector<1x256xf32>
    %select_n3A_836 = arith.select %or3A_832, %select_n3A_769, %add3A_827 : vector<1x256xi1>, vector<1x256xi32>
    %lt3A_837 = arith.cmpf olt, %select_n3A_835, %select_n3A_777 : vector<1x256xf32>
    %eq3A_838 = arith.cmpf oeq, %select_n3A_835, %select_n3A_777 : vector<1x256xf32>
    %lt3A_839 = arith.cmpi slt, %select_n3A_836, %select_n3A_778 : vector<1x256xi32>
    %and3A_840 = arith.andi %eq3A_838, %lt3A_839 : vector<1x256xi1>
    %or3A_841 = arith.ori %lt3A_837, %and3A_840 : vector<1x256xi1>
    %select_n3A_842 = arith.select %or3A_841, %select_n3A_835, %select_n3A_777 : vector<1x256xi1>, vector<1x256xf32>
    %select_n3A_843 = arith.select %or3A_841, %select_n3A_836, %select_n3A_778 : vector<1x256xi1>, vector<1x256xi32>
    %select_n3A_844 = arith.select %or3A_841, %select_n3A_777, %select_n3A_835 : vector<1x256xi1>, vector<1x256xf32>
    %select_n3A_845 = arith.select %or3A_841, %select_n3A_778, %select_n3A_836 : vector<1x256xi1>, vector<1x256xi32>
    %lt3A_846 = arith.cmpf olt, %select_n3A_844, %select_n3A_786 : vector<1x256xf32>
    %eq3A_847 = arith.cmpf oeq, %select_n3A_844, %select_n3A_786 : vector<1x256xf32>
    %lt3A_848 = arith.cmpi slt, %select_n3A_845, %select_n3A_787 : vector<1x256xi32>
    %and3A_849 = arith.andi %eq3A_847, %lt3A_848 : vector<1x256xi1>
    %or3A_850 = arith.ori %lt3A_846, %and3A_849 : vector<1x256xi1>
    %select_n3A_851 = arith.select %or3A_850, %select_n3A_844, %select_n3A_786 : vector<1x256xi1>, vector<1x256xf32>
    %select_n3A_852 = arith.select %or3A_850, %select_n3A_845, %select_n3A_787 : vector<1x256xi1>, vector<1x256xi32>
    %reduce_min3A_853 = arith.constant dense<0x7F800000> : vector<256xf32>
    %reduce_min3A_854 = vector.multi_reduction <minimumf>, %select_n3A_824, %reduce_min3A_853 [0] : vector<128x256xf32> to vector<256xf32>
    %broadcast_in_dim3A_855 = vector.shape_cast %reduce_min3A_854 : vector<256xf32> to vector<1x256xf32>
    %eq3A_856 = vector.broadcast %broadcast_in_dim3A_855 : vector<1x256xf32> to vector<128x256xf32>
    %eq3A_857 = arith.cmpf oeq, %select_n3A_824, %eq3A_856 : vector<128x256xf32>
    %jit3A_858 = arith.constant 128 : i32
    %broadcast_in_dim3A_859 = vector.broadcast %jit3A_858 : i32 to vector<128x256xi32>
    %select_n3A_860 = arith.select %eq3A_857, %iota3A, %broadcast_in_dim3A_859 : vector<128x256xi1>, vector<128x256xi32>
    %reduce_min3A_861 = arith.constant dense<2147483647> : vector<256xi32>
    %reduce_min3A_862 = vector.multi_reduction <minsi>, %select_n3A_860, %reduce_min3A_861 [0] : vector<128x256xi32> to vector<256xi32>
    %broadcast_in_dim3A_863 = vector.shape_cast %reduce_min3A_862 : vector<256xi32> to vector<1x256xi32>
    %eq3A_864 = vector.broadcast %broadcast_in_dim3A_863 : vector<1x256xi32> to vector<128x256xi32>
    %eq3A_865 = arith.cmpi eq, %iota3A, %eq3A_864 : vector<128x256xi32>
    %jit3A_866 = arith.constant 0x7F800000 : f32
    %broadcast_in_dim3A_867 = vector.broadcast %jit3A_866 : f32 to vector<128x256xf32>
    %select_n3A_868 = arith.select %eq3A_865, %broadcast_in_dim3A_867, %select_n3A_824 : vector<128x256xi1>, vector<128x256xf32>
    %add3A_869 = arith.constant 640 : i32
    %add3A_870 = vector.broadcast %add3A_869 : i32 to vector<1x256xi32>
    %add3A_871 = arith.addi %broadcast_in_dim3A_863, %add3A_870 : vector<1x256xi32>
    %lt3A_872 = arith.cmpf olt, %broadcast_in_dim3A_855, %select_n3A_833 : vector<1x256xf32>
    %eq3A_873 = arith.cmpf oeq, %broadcast_in_dim3A_855, %select_n3A_833 : vector<1x256xf32>
    %lt3A_874 = arith.cmpi slt, %add3A_871, %select_n3A_834 : vector<1x256xi32>
    %and3A_875 = arith.andi %eq3A_873, %lt3A_874 : vector<1x256xi1>
    %or3A_876 = arith.ori %lt3A_872, %and3A_875 : vector<1x256xi1>
    %select_n3A_877 = arith.select %or3A_876, %broadcast_in_dim3A_855, %select_n3A_833 : vector<1x256xi1>, vector<1x256xf32>
    %select_n3A_878 = arith.select %or3A_876, %add3A_871, %select_n3A_834 : vector<1x256xi1>, vector<1x256xi32>
    %select_n3A_879 = arith.select %or3A_876, %select_n3A_833, %broadcast_in_dim3A_855 : vector<1x256xi1>, vector<1x256xf32>
    %select_n3A_880 = arith.select %or3A_876, %select_n3A_834, %add3A_871 : vector<1x256xi1>, vector<1x256xi32>
    %lt3A_881 = arith.cmpf olt, %select_n3A_879, %select_n3A_842 : vector<1x256xf32>
    %eq3A_882 = arith.cmpf oeq, %select_n3A_879, %select_n3A_842 : vector<1x256xf32>
    %lt3A_883 = arith.cmpi slt, %select_n3A_880, %select_n3A_843 : vector<1x256xi32>
    %and3A_884 = arith.andi %eq3A_882, %lt3A_883 : vector<1x256xi1>
    %or3A_885 = arith.ori %lt3A_881, %and3A_884 : vector<1x256xi1>
    %select_n3A_886 = arith.select %or3A_885, %select_n3A_879, %select_n3A_842 : vector<1x256xi1>, vector<1x256xf32>
    %select_n3A_887 = arith.select %or3A_885, %select_n3A_880, %select_n3A_843 : vector<1x256xi1>, vector<1x256xi32>
    %select_n3A_888 = arith.select %or3A_885, %select_n3A_842, %select_n3A_879 : vector<1x256xi1>, vector<1x256xf32>
    %select_n3A_889 = arith.select %or3A_885, %select_n3A_843, %select_n3A_880 : vector<1x256xi1>, vector<1x256xi32>
    %lt3A_890 = arith.cmpf olt, %select_n3A_888, %select_n3A_851 : vector<1x256xf32>
    %eq3A_891 = arith.cmpf oeq, %select_n3A_888, %select_n3A_851 : vector<1x256xf32>
    %lt3A_892 = arith.cmpi slt, %select_n3A_889, %select_n3A_852 : vector<1x256xi32>
    %and3A_893 = arith.andi %eq3A_891, %lt3A_892 : vector<1x256xi1>
    %or3A_894 = arith.ori %lt3A_890, %and3A_893 : vector<1x256xi1>
    %select_n3A_895 = arith.select %or3A_894, %select_n3A_888, %select_n3A_851 : vector<1x256xi1>, vector<1x256xf32>
    %select_n3A_896 = arith.select %or3A_894, %select_n3A_889, %select_n3A_852 : vector<1x256xi1>, vector<1x256xi32>
    %reduce_min3A_897 = arith.constant dense<0x7F800000> : vector<256xf32>
    %reduce_min3A_898 = vector.multi_reduction <minimumf>, %select_n3A_868, %reduce_min3A_897 [0] : vector<128x256xf32> to vector<256xf32>
    %broadcast_in_dim3A_899 = vector.shape_cast %reduce_min3A_898 : vector<256xf32> to vector<1x256xf32>
    %eq3A_900 = vector.broadcast %broadcast_in_dim3A_899 : vector<1x256xf32> to vector<128x256xf32>
    %eq3A_901 = arith.cmpf oeq, %select_n3A_868, %eq3A_900 : vector<128x256xf32>
    %jit3A_902 = arith.constant 128 : i32
    %broadcast_in_dim3A_903 = vector.broadcast %jit3A_902 : i32 to vector<128x256xi32>
    %select_n3A_904 = arith.select %eq3A_901, %iota3A, %broadcast_in_dim3A_903 : vector<128x256xi1>, vector<128x256xi32>
    %reduce_min3A_905 = arith.constant dense<2147483647> : vector<256xi32>
    %reduce_min3A_906 = vector.multi_reduction <minsi>, %select_n3A_904, %reduce_min3A_905 [0] : vector<128x256xi32> to vector<256xi32>
    %broadcast_in_dim3A_907 = vector.shape_cast %reduce_min3A_906 : vector<256xi32> to vector<1x256xi32>
    %add3A_908 = arith.constant 640 : i32
    %add3A_909 = vector.broadcast %add3A_908 : i32 to vector<1x256xi32>
    %add3A_910 = arith.addi %broadcast_in_dim3A_907, %add3A_909 : vector<1x256xi32>
    %lt3A_911 = arith.cmpf olt, %broadcast_in_dim3A_899, %select_n3A_877 : vector<1x256xf32>
    %eq3A_912 = arith.cmpf oeq, %broadcast_in_dim3A_899, %select_n3A_877 : vector<1x256xf32>
    %lt3A_913 = arith.cmpi slt, %add3A_910, %select_n3A_878 : vector<1x256xi32>
    %and3A_914 = arith.andi %eq3A_912, %lt3A_913 : vector<1x256xi1>
    %or3A_915 = arith.ori %lt3A_911, %and3A_914 : vector<1x256xi1>
    %select_n3A_916 = arith.select %or3A_915, %broadcast_in_dim3A_899, %select_n3A_877 : vector<1x256xi1>, vector<1x256xf32>
    %select_n3A_917 = arith.select %or3A_915, %add3A_910, %select_n3A_878 : vector<1x256xi1>, vector<1x256xi32>
    %select_n3A_918 = arith.select %or3A_915, %select_n3A_877, %broadcast_in_dim3A_899 : vector<1x256xi1>, vector<1x256xf32>
    %select_n3A_919 = arith.select %or3A_915, %select_n3A_878, %add3A_910 : vector<1x256xi1>, vector<1x256xi32>
    %lt3A_920 = arith.cmpf olt, %select_n3A_918, %select_n3A_886 : vector<1x256xf32>
    %eq3A_921 = arith.cmpf oeq, %select_n3A_918, %select_n3A_886 : vector<1x256xf32>
    %lt3A_922 = arith.cmpi slt, %select_n3A_919, %select_n3A_887 : vector<1x256xi32>
    %and3A_923 = arith.andi %eq3A_921, %lt3A_922 : vector<1x256xi1>
    %or3A_924 = arith.ori %lt3A_920, %and3A_923 : vector<1x256xi1>
    %select_n3A_925 = arith.select %or3A_924, %select_n3A_918, %select_n3A_886 : vector<1x256xi1>, vector<1x256xf32>
    %select_n3A_926 = arith.select %or3A_924, %select_n3A_919, %select_n3A_887 : vector<1x256xi1>, vector<1x256xi32>
    %select_n3A_927 = arith.select %or3A_924, %select_n3A_886, %select_n3A_918 : vector<1x256xi1>, vector<1x256xf32>
    %select_n3A_928 = arith.select %or3A_924, %select_n3A_887, %select_n3A_919 : vector<1x256xi1>, vector<1x256xi32>
    %lt3A_929 = arith.cmpf olt, %select_n3A_927, %select_n3A_895 : vector<1x256xf32>
    %eq3A_930 = arith.cmpf oeq, %select_n3A_927, %select_n3A_895 : vector<1x256xf32>
    %lt3A_931 = arith.cmpi slt, %select_n3A_928, %select_n3A_896 : vector<1x256xi32>
    %and3A_932 = arith.andi %eq3A_930, %lt3A_931 : vector<1x256xi1>
    %or3A_933 = arith.ori %lt3A_929, %and3A_932 : vector<1x256xi1>
    %select_n3A_934 = arith.select %or3A_933, %select_n3A_927, %select_n3A_895 : vector<1x256xi1>, vector<1x256xf32>
    %select_n3A_935 = arith.select %or3A_933, %select_n3A_928, %select_n3A_896 : vector<1x256xi1>, vector<1x256xi32>
    %slice3A_936 = vector.extract_strided_slice %get3A_38 {offsets = [768, 0], sizes = [128, 3], strides = [1, 1]} : vector<1024x3xf32> to vector<128x3xf32>
    %slice3A_937 = vector.extract_strided_slice %slice3A_936 {offsets = [0, 0], sizes = [128, 1], strides = [1, 1]} : vector<128x3xf32> to vector<128x1xf32>
    %slice3A_938 = vector.extract_strided_slice %get3A_43 {offsets = [0, 0], sizes = [1, 256], strides = [1, 1]} : vector<3x256xf32> to vector<1x256xf32>
    %sub3A_939 = vector.broadcast %slice3A_937 : vector<128x1xf32> to vector<128x256xf32>
    %sub3A_940 = vector.broadcast %slice3A_938 : vector<1x256xf32> to vector<128x256xf32>
    %sub3A_941 = arith.subf %sub3A_939, %sub3A_940 : vector<128x256xf32>
    %slice3A_942 = vector.extract_strided_slice %slice3A_936 {offsets = [0, 1], sizes = [128, 1], strides = [1, 1]} : vector<128x3xf32> to vector<128x1xf32>
    %slice3A_943 = vector.extract_strided_slice %get3A_43 {offsets = [1, 0], sizes = [1, 256], strides = [1, 1]} : vector<3x256xf32> to vector<1x256xf32>
    %sub3A_944 = vector.broadcast %slice3A_942 : vector<128x1xf32> to vector<128x256xf32>
    %sub3A_945 = vector.broadcast %slice3A_943 : vector<1x256xf32> to vector<128x256xf32>
    %sub3A_946 = arith.subf %sub3A_944, %sub3A_945 : vector<128x256xf32>
    %slice3A_947 = vector.extract_strided_slice %slice3A_936 {offsets = [0, 2], sizes = [128, 1], strides = [1, 1]} : vector<128x3xf32> to vector<128x1xf32>
    %slice3A_948 = vector.extract_strided_slice %get3A_43 {offsets = [2, 0], sizes = [1, 256], strides = [1, 1]} : vector<3x256xf32> to vector<1x256xf32>
    %sub3A_949 = vector.broadcast %slice3A_947 : vector<128x1xf32> to vector<128x256xf32>
    %sub3A_950 = vector.broadcast %slice3A_948 : vector<1x256xf32> to vector<128x256xf32>
    %sub3A_951 = arith.subf %sub3A_949, %sub3A_950 : vector<128x256xf32>
    %mul3A_952 = arith.mulf %sub3A_941, %sub3A_941 : vector<128x256xf32>
    %mul3A_953 = arith.mulf %sub3A_946, %sub3A_946 : vector<128x256xf32>
    %add3A_954 = arith.addf %mul3A_952, %mul3A_953 : vector<128x256xf32>
    %mul3A_955 = arith.mulf %sub3A_951, %sub3A_951 : vector<128x256xf32>
    %add3A_956 = arith.addf %add3A_954, %mul3A_955 : vector<128x256xf32>
    %reduce_min3A_957 = arith.constant dense<0x7F800000> : vector<256xf32>
    %reduce_min3A_958 = vector.multi_reduction <minimumf>, %add3A_956, %reduce_min3A_957 [0] : vector<128x256xf32> to vector<256xf32>
    %broadcast_in_dim3A_959 = vector.shape_cast %reduce_min3A_958 : vector<256xf32> to vector<1x256xf32>
    %eq3A_960 = vector.broadcast %broadcast_in_dim3A_959 : vector<1x256xf32> to vector<128x256xf32>
    %eq3A_961 = arith.cmpf oeq, %add3A_956, %eq3A_960 : vector<128x256xf32>
    %jit3A_962 = arith.constant 128 : i32
    %broadcast_in_dim3A_963 = vector.broadcast %jit3A_962 : i32 to vector<128x256xi32>
    %select_n3A_964 = arith.select %eq3A_961, %iota3A, %broadcast_in_dim3A_963 : vector<128x256xi1>, vector<128x256xi32>
    %reduce_min3A_965 = arith.constant dense<2147483647> : vector<256xi32>
    %reduce_min3A_966 = vector.multi_reduction <minsi>, %select_n3A_964, %reduce_min3A_965 [0] : vector<128x256xi32> to vector<256xi32>
    %broadcast_in_dim3A_967 = vector.shape_cast %reduce_min3A_966 : vector<256xi32> to vector<1x256xi32>
    %eq3A_968 = vector.broadcast %broadcast_in_dim3A_967 : vector<1x256xi32> to vector<128x256xi32>
    %eq3A_969 = arith.cmpi eq, %iota3A, %eq3A_968 : vector<128x256xi32>
    %jit3A_970 = arith.constant 0x7F800000 : f32
    %broadcast_in_dim3A_971 = vector.broadcast %jit3A_970 : f32 to vector<128x256xf32>
    %select_n3A_972 = arith.select %eq3A_969, %broadcast_in_dim3A_971, %add3A_956 : vector<128x256xi1>, vector<128x256xf32>
    %add3A_973 = arith.constant 768 : i32
    %add3A_974 = vector.broadcast %add3A_973 : i32 to vector<1x256xi32>
    %add3A_975 = arith.addi %broadcast_in_dim3A_967, %add3A_974 : vector<1x256xi32>
    %lt3A_976 = arith.cmpf olt, %broadcast_in_dim3A_959, %select_n3A_916 : vector<1x256xf32>
    %eq3A_977 = arith.cmpf oeq, %broadcast_in_dim3A_959, %select_n3A_916 : vector<1x256xf32>
    %lt3A_978 = arith.cmpi slt, %add3A_975, %select_n3A_917 : vector<1x256xi32>
    %and3A_979 = arith.andi %eq3A_977, %lt3A_978 : vector<1x256xi1>
    %or3A_980 = arith.ori %lt3A_976, %and3A_979 : vector<1x256xi1>
    %select_n3A_981 = arith.select %or3A_980, %broadcast_in_dim3A_959, %select_n3A_916 : vector<1x256xi1>, vector<1x256xf32>
    %select_n3A_982 = arith.select %or3A_980, %add3A_975, %select_n3A_917 : vector<1x256xi1>, vector<1x256xi32>
    %select_n3A_983 = arith.select %or3A_980, %select_n3A_916, %broadcast_in_dim3A_959 : vector<1x256xi1>, vector<1x256xf32>
    %select_n3A_984 = arith.select %or3A_980, %select_n3A_917, %add3A_975 : vector<1x256xi1>, vector<1x256xi32>
    %lt3A_985 = arith.cmpf olt, %select_n3A_983, %select_n3A_925 : vector<1x256xf32>
    %eq3A_986 = arith.cmpf oeq, %select_n3A_983, %select_n3A_925 : vector<1x256xf32>
    %lt3A_987 = arith.cmpi slt, %select_n3A_984, %select_n3A_926 : vector<1x256xi32>
    %and3A_988 = arith.andi %eq3A_986, %lt3A_987 : vector<1x256xi1>
    %or3A_989 = arith.ori %lt3A_985, %and3A_988 : vector<1x256xi1>
    %select_n3A_990 = arith.select %or3A_989, %select_n3A_983, %select_n3A_925 : vector<1x256xi1>, vector<1x256xf32>
    %select_n3A_991 = arith.select %or3A_989, %select_n3A_984, %select_n3A_926 : vector<1x256xi1>, vector<1x256xi32>
    %select_n3A_992 = arith.select %or3A_989, %select_n3A_925, %select_n3A_983 : vector<1x256xi1>, vector<1x256xf32>
    %select_n3A_993 = arith.select %or3A_989, %select_n3A_926, %select_n3A_984 : vector<1x256xi1>, vector<1x256xi32>
    %lt3A_994 = arith.cmpf olt, %select_n3A_992, %select_n3A_934 : vector<1x256xf32>
    %eq3A_995 = arith.cmpf oeq, %select_n3A_992, %select_n3A_934 : vector<1x256xf32>
    %lt3A_996 = arith.cmpi slt, %select_n3A_993, %select_n3A_935 : vector<1x256xi32>
    %and3A_997 = arith.andi %eq3A_995, %lt3A_996 : vector<1x256xi1>
    %or3A_998 = arith.ori %lt3A_994, %and3A_997 : vector<1x256xi1>
    %select_n3A_999 = arith.select %or3A_998, %select_n3A_992, %select_n3A_934 : vector<1x256xi1>, vector<1x256xf32>
    %select_n3A_1000 = arith.select %or3A_998, %select_n3A_993, %select_n3A_935 : vector<1x256xi1>, vector<1x256xi32>
    %reduce_min3A_1001 = arith.constant dense<0x7F800000> : vector<256xf32>
    %reduce_min3A_1002 = vector.multi_reduction <minimumf>, %select_n3A_972, %reduce_min3A_1001 [0] : vector<128x256xf32> to vector<256xf32>
    %broadcast_in_dim3A_1003 = vector.shape_cast %reduce_min3A_1002 : vector<256xf32> to vector<1x256xf32>
    %eq3A_1004 = vector.broadcast %broadcast_in_dim3A_1003 : vector<1x256xf32> to vector<128x256xf32>
    %eq3A_1005 = arith.cmpf oeq, %select_n3A_972, %eq3A_1004 : vector<128x256xf32>
    %jit3A_1006 = arith.constant 128 : i32
    %broadcast_in_dim3A_1007 = vector.broadcast %jit3A_1006 : i32 to vector<128x256xi32>
    %select_n3A_1008 = arith.select %eq3A_1005, %iota3A, %broadcast_in_dim3A_1007 : vector<128x256xi1>, vector<128x256xi32>
    %reduce_min3A_1009 = arith.constant dense<2147483647> : vector<256xi32>
    %reduce_min3A_1010 = vector.multi_reduction <minsi>, %select_n3A_1008, %reduce_min3A_1009 [0] : vector<128x256xi32> to vector<256xi32>
    %broadcast_in_dim3A_1011 = vector.shape_cast %reduce_min3A_1010 : vector<256xi32> to vector<1x256xi32>
    %eq3A_1012 = vector.broadcast %broadcast_in_dim3A_1011 : vector<1x256xi32> to vector<128x256xi32>
    %eq3A_1013 = arith.cmpi eq, %iota3A, %eq3A_1012 : vector<128x256xi32>
    %jit3A_1014 = arith.constant 0x7F800000 : f32
    %broadcast_in_dim3A_1015 = vector.broadcast %jit3A_1014 : f32 to vector<128x256xf32>
    %select_n3A_1016 = arith.select %eq3A_1013, %broadcast_in_dim3A_1015, %select_n3A_972 : vector<128x256xi1>, vector<128x256xf32>
    %add3A_1017 = arith.constant 768 : i32
    %add3A_1018 = vector.broadcast %add3A_1017 : i32 to vector<1x256xi32>
    %add3A_1019 = arith.addi %broadcast_in_dim3A_1011, %add3A_1018 : vector<1x256xi32>
    %lt3A_1020 = arith.cmpf olt, %broadcast_in_dim3A_1003, %select_n3A_981 : vector<1x256xf32>
    %eq3A_1021 = arith.cmpf oeq, %broadcast_in_dim3A_1003, %select_n3A_981 : vector<1x256xf32>
    %lt3A_1022 = arith.cmpi slt, %add3A_1019, %select_n3A_982 : vector<1x256xi32>
    %and3A_1023 = arith.andi %eq3A_1021, %lt3A_1022 : vector<1x256xi1>
    %or3A_1024 = arith.ori %lt3A_1020, %and3A_1023 : vector<1x256xi1>
    %select_n3A_1025 = arith.select %or3A_1024, %broadcast_in_dim3A_1003, %select_n3A_981 : vector<1x256xi1>, vector<1x256xf32>
    %select_n3A_1026 = arith.select %or3A_1024, %add3A_1019, %select_n3A_982 : vector<1x256xi1>, vector<1x256xi32>
    %select_n3A_1027 = arith.select %or3A_1024, %select_n3A_981, %broadcast_in_dim3A_1003 : vector<1x256xi1>, vector<1x256xf32>
    %select_n3A_1028 = arith.select %or3A_1024, %select_n3A_982, %add3A_1019 : vector<1x256xi1>, vector<1x256xi32>
    %lt3A_1029 = arith.cmpf olt, %select_n3A_1027, %select_n3A_990 : vector<1x256xf32>
    %eq3A_1030 = arith.cmpf oeq, %select_n3A_1027, %select_n3A_990 : vector<1x256xf32>
    %lt3A_1031 = arith.cmpi slt, %select_n3A_1028, %select_n3A_991 : vector<1x256xi32>
    %and3A_1032 = arith.andi %eq3A_1030, %lt3A_1031 : vector<1x256xi1>
    %or3A_1033 = arith.ori %lt3A_1029, %and3A_1032 : vector<1x256xi1>
    %select_n3A_1034 = arith.select %or3A_1033, %select_n3A_1027, %select_n3A_990 : vector<1x256xi1>, vector<1x256xf32>
    %select_n3A_1035 = arith.select %or3A_1033, %select_n3A_1028, %select_n3A_991 : vector<1x256xi1>, vector<1x256xi32>
    %select_n3A_1036 = arith.select %or3A_1033, %select_n3A_990, %select_n3A_1027 : vector<1x256xi1>, vector<1x256xf32>
    %select_n3A_1037 = arith.select %or3A_1033, %select_n3A_991, %select_n3A_1028 : vector<1x256xi1>, vector<1x256xi32>
    %lt3A_1038 = arith.cmpf olt, %select_n3A_1036, %select_n3A_999 : vector<1x256xf32>
    %eq3A_1039 = arith.cmpf oeq, %select_n3A_1036, %select_n3A_999 : vector<1x256xf32>
    %lt3A_1040 = arith.cmpi slt, %select_n3A_1037, %select_n3A_1000 : vector<1x256xi32>
    %and3A_1041 = arith.andi %eq3A_1039, %lt3A_1040 : vector<1x256xi1>
    %or3A_1042 = arith.ori %lt3A_1038, %and3A_1041 : vector<1x256xi1>
    %select_n3A_1043 = arith.select %or3A_1042, %select_n3A_1036, %select_n3A_999 : vector<1x256xi1>, vector<1x256xf32>
    %select_n3A_1044 = arith.select %or3A_1042, %select_n3A_1037, %select_n3A_1000 : vector<1x256xi1>, vector<1x256xi32>
    %reduce_min3A_1045 = arith.constant dense<0x7F800000> : vector<256xf32>
    %reduce_min3A_1046 = vector.multi_reduction <minimumf>, %select_n3A_1016, %reduce_min3A_1045 [0] : vector<128x256xf32> to vector<256xf32>
    %broadcast_in_dim3A_1047 = vector.shape_cast %reduce_min3A_1046 : vector<256xf32> to vector<1x256xf32>
    %eq3A_1048 = vector.broadcast %broadcast_in_dim3A_1047 : vector<1x256xf32> to vector<128x256xf32>
    %eq3A_1049 = arith.cmpf oeq, %select_n3A_1016, %eq3A_1048 : vector<128x256xf32>
    %jit3A_1050 = arith.constant 128 : i32
    %broadcast_in_dim3A_1051 = vector.broadcast %jit3A_1050 : i32 to vector<128x256xi32>
    %select_n3A_1052 = arith.select %eq3A_1049, %iota3A, %broadcast_in_dim3A_1051 : vector<128x256xi1>, vector<128x256xi32>
    %reduce_min3A_1053 = arith.constant dense<2147483647> : vector<256xi32>
    %reduce_min3A_1054 = vector.multi_reduction <minsi>, %select_n3A_1052, %reduce_min3A_1053 [0] : vector<128x256xi32> to vector<256xi32>
    %broadcast_in_dim3A_1055 = vector.shape_cast %reduce_min3A_1054 : vector<256xi32> to vector<1x256xi32>
    %add3A_1056 = arith.constant 768 : i32
    %add3A_1057 = vector.broadcast %add3A_1056 : i32 to vector<1x256xi32>
    %add3A_1058 = arith.addi %broadcast_in_dim3A_1055, %add3A_1057 : vector<1x256xi32>
    %lt3A_1059 = arith.cmpf olt, %broadcast_in_dim3A_1047, %select_n3A_1025 : vector<1x256xf32>
    %eq3A_1060 = arith.cmpf oeq, %broadcast_in_dim3A_1047, %select_n3A_1025 : vector<1x256xf32>
    %lt3A_1061 = arith.cmpi slt, %add3A_1058, %select_n3A_1026 : vector<1x256xi32>
    %and3A_1062 = arith.andi %eq3A_1060, %lt3A_1061 : vector<1x256xi1>
    %or3A_1063 = arith.ori %lt3A_1059, %and3A_1062 : vector<1x256xi1>
    %select_n3A_1064 = arith.select %or3A_1063, %broadcast_in_dim3A_1047, %select_n3A_1025 : vector<1x256xi1>, vector<1x256xf32>
    %select_n3A_1065 = arith.select %or3A_1063, %add3A_1058, %select_n3A_1026 : vector<1x256xi1>, vector<1x256xi32>
    %select_n3A_1066 = arith.select %or3A_1063, %select_n3A_1025, %broadcast_in_dim3A_1047 : vector<1x256xi1>, vector<1x256xf32>
    %select_n3A_1067 = arith.select %or3A_1063, %select_n3A_1026, %add3A_1058 : vector<1x256xi1>, vector<1x256xi32>
    %lt3A_1068 = arith.cmpf olt, %select_n3A_1066, %select_n3A_1034 : vector<1x256xf32>
    %eq3A_1069 = arith.cmpf oeq, %select_n3A_1066, %select_n3A_1034 : vector<1x256xf32>
    %lt3A_1070 = arith.cmpi slt, %select_n3A_1067, %select_n3A_1035 : vector<1x256xi32>
    %and3A_1071 = arith.andi %eq3A_1069, %lt3A_1070 : vector<1x256xi1>
    %or3A_1072 = arith.ori %lt3A_1068, %and3A_1071 : vector<1x256xi1>
    %select_n3A_1073 = arith.select %or3A_1072, %select_n3A_1066, %select_n3A_1034 : vector<1x256xi1>, vector<1x256xf32>
    %select_n3A_1074 = arith.select %or3A_1072, %select_n3A_1067, %select_n3A_1035 : vector<1x256xi1>, vector<1x256xi32>
    %select_n3A_1075 = arith.select %or3A_1072, %select_n3A_1034, %select_n3A_1066 : vector<1x256xi1>, vector<1x256xf32>
    %select_n3A_1076 = arith.select %or3A_1072, %select_n3A_1035, %select_n3A_1067 : vector<1x256xi1>, vector<1x256xi32>
    %lt3A_1077 = arith.cmpf olt, %select_n3A_1075, %select_n3A_1043 : vector<1x256xf32>
    %eq3A_1078 = arith.cmpf oeq, %select_n3A_1075, %select_n3A_1043 : vector<1x256xf32>
    %lt3A_1079 = arith.cmpi slt, %select_n3A_1076, %select_n3A_1044 : vector<1x256xi32>
    %and3A_1080 = arith.andi %eq3A_1078, %lt3A_1079 : vector<1x256xi1>
    %or3A_1081 = arith.ori %lt3A_1077, %and3A_1080 : vector<1x256xi1>
    %select_n3A_1082 = arith.select %or3A_1081, %select_n3A_1075, %select_n3A_1043 : vector<1x256xi1>, vector<1x256xf32>
    %select_n3A_1083 = arith.select %or3A_1081, %select_n3A_1076, %select_n3A_1044 : vector<1x256xi1>, vector<1x256xi32>
    %slice3A_1084 = vector.extract_strided_slice %get3A_38 {offsets = [896, 0], sizes = [128, 3], strides = [1, 1]} : vector<1024x3xf32> to vector<128x3xf32>
    %slice3A_1085 = vector.extract_strided_slice %slice3A_1084 {offsets = [0, 0], sizes = [128, 1], strides = [1, 1]} : vector<128x3xf32> to vector<128x1xf32>
    %slice3A_1086 = vector.extract_strided_slice %get3A_43 {offsets = [0, 0], sizes = [1, 256], strides = [1, 1]} : vector<3x256xf32> to vector<1x256xf32>
    %sub3A_1087 = vector.broadcast %slice3A_1085 : vector<128x1xf32> to vector<128x256xf32>
    %sub3A_1088 = vector.broadcast %slice3A_1086 : vector<1x256xf32> to vector<128x256xf32>
    %sub3A_1089 = arith.subf %sub3A_1087, %sub3A_1088 : vector<128x256xf32>
    %slice3A_1090 = vector.extract_strided_slice %slice3A_1084 {offsets = [0, 1], sizes = [128, 1], strides = [1, 1]} : vector<128x3xf32> to vector<128x1xf32>
    %slice3A_1091 = vector.extract_strided_slice %get3A_43 {offsets = [1, 0], sizes = [1, 256], strides = [1, 1]} : vector<3x256xf32> to vector<1x256xf32>
    %sub3A_1092 = vector.broadcast %slice3A_1090 : vector<128x1xf32> to vector<128x256xf32>
    %sub3A_1093 = vector.broadcast %slice3A_1091 : vector<1x256xf32> to vector<128x256xf32>
    %sub3A_1094 = arith.subf %sub3A_1092, %sub3A_1093 : vector<128x256xf32>
    %slice3A_1095 = vector.extract_strided_slice %slice3A_1084 {offsets = [0, 2], sizes = [128, 1], strides = [1, 1]} : vector<128x3xf32> to vector<128x1xf32>
    %slice3A_1096 = vector.extract_strided_slice %get3A_43 {offsets = [2, 0], sizes = [1, 256], strides = [1, 1]} : vector<3x256xf32> to vector<1x256xf32>
    %sub3A_1097 = vector.broadcast %slice3A_1095 : vector<128x1xf32> to vector<128x256xf32>
    %sub3A_1098 = vector.broadcast %slice3A_1096 : vector<1x256xf32> to vector<128x256xf32>
    %sub3A_1099 = arith.subf %sub3A_1097, %sub3A_1098 : vector<128x256xf32>
    %mul3A_1100 = arith.mulf %sub3A_1089, %sub3A_1089 : vector<128x256xf32>
    %mul3A_1101 = arith.mulf %sub3A_1094, %sub3A_1094 : vector<128x256xf32>
    %add3A_1102 = arith.addf %mul3A_1100, %mul3A_1101 : vector<128x256xf32>
    %mul3A_1103 = arith.mulf %sub3A_1099, %sub3A_1099 : vector<128x256xf32>
    %add3A_1104 = arith.addf %add3A_1102, %mul3A_1103 : vector<128x256xf32>
    %reduce_min3A_1105 = arith.constant dense<0x7F800000> : vector<256xf32>
    %reduce_min3A_1106 = vector.multi_reduction <minimumf>, %add3A_1104, %reduce_min3A_1105 [0] : vector<128x256xf32> to vector<256xf32>
    %broadcast_in_dim3A_1107 = vector.shape_cast %reduce_min3A_1106 : vector<256xf32> to vector<1x256xf32>
    %eq3A_1108 = vector.broadcast %broadcast_in_dim3A_1107 : vector<1x256xf32> to vector<128x256xf32>
    %eq3A_1109 = arith.cmpf oeq, %add3A_1104, %eq3A_1108 : vector<128x256xf32>
    %jit3A_1110 = arith.constant 128 : i32
    %broadcast_in_dim3A_1111 = vector.broadcast %jit3A_1110 : i32 to vector<128x256xi32>
    %select_n3A_1112 = arith.select %eq3A_1109, %iota3A, %broadcast_in_dim3A_1111 : vector<128x256xi1>, vector<128x256xi32>
    %reduce_min3A_1113 = arith.constant dense<2147483647> : vector<256xi32>
    %reduce_min3A_1114 = vector.multi_reduction <minsi>, %select_n3A_1112, %reduce_min3A_1113 [0] : vector<128x256xi32> to vector<256xi32>
    %broadcast_in_dim3A_1115 = vector.shape_cast %reduce_min3A_1114 : vector<256xi32> to vector<1x256xi32>
    %eq3A_1116 = vector.broadcast %broadcast_in_dim3A_1115 : vector<1x256xi32> to vector<128x256xi32>
    %eq3A_1117 = arith.cmpi eq, %iota3A, %eq3A_1116 : vector<128x256xi32>
    %jit3A_1118 = arith.constant 0x7F800000 : f32
    %broadcast_in_dim3A_1119 = vector.broadcast %jit3A_1118 : f32 to vector<128x256xf32>
    %select_n3A_1120 = arith.select %eq3A_1117, %broadcast_in_dim3A_1119, %add3A_1104 : vector<128x256xi1>, vector<128x256xf32>
    %add3A_1121 = arith.constant 896 : i32
    %add3A_1122 = vector.broadcast %add3A_1121 : i32 to vector<1x256xi32>
    %add3A_1123 = arith.addi %broadcast_in_dim3A_1115, %add3A_1122 : vector<1x256xi32>
    %lt3A_1124 = arith.cmpf olt, %broadcast_in_dim3A_1107, %select_n3A_1064 : vector<1x256xf32>
    %eq3A_1125 = arith.cmpf oeq, %broadcast_in_dim3A_1107, %select_n3A_1064 : vector<1x256xf32>
    %lt3A_1126 = arith.cmpi slt, %add3A_1123, %select_n3A_1065 : vector<1x256xi32>
    %and3A_1127 = arith.andi %eq3A_1125, %lt3A_1126 : vector<1x256xi1>
    %or3A_1128 = arith.ori %lt3A_1124, %and3A_1127 : vector<1x256xi1>
    %select_n3A_1129 = arith.select %or3A_1128, %broadcast_in_dim3A_1107, %select_n3A_1064 : vector<1x256xi1>, vector<1x256xf32>
    %select_n3A_1130 = arith.select %or3A_1128, %add3A_1123, %select_n3A_1065 : vector<1x256xi1>, vector<1x256xi32>
    %select_n3A_1131 = arith.select %or3A_1128, %select_n3A_1064, %broadcast_in_dim3A_1107 : vector<1x256xi1>, vector<1x256xf32>
    %select_n3A_1132 = arith.select %or3A_1128, %select_n3A_1065, %add3A_1123 : vector<1x256xi1>, vector<1x256xi32>
    %lt3A_1133 = arith.cmpf olt, %select_n3A_1131, %select_n3A_1073 : vector<1x256xf32>
    %eq3A_1134 = arith.cmpf oeq, %select_n3A_1131, %select_n3A_1073 : vector<1x256xf32>
    %lt3A_1135 = arith.cmpi slt, %select_n3A_1132, %select_n3A_1074 : vector<1x256xi32>
    %and3A_1136 = arith.andi %eq3A_1134, %lt3A_1135 : vector<1x256xi1>
    %or3A_1137 = arith.ori %lt3A_1133, %and3A_1136 : vector<1x256xi1>
    %select_n3A_1138 = arith.select %or3A_1137, %select_n3A_1131, %select_n3A_1073 : vector<1x256xi1>, vector<1x256xf32>
    %select_n3A_1139 = arith.select %or3A_1137, %select_n3A_1132, %select_n3A_1074 : vector<1x256xi1>, vector<1x256xi32>
    %select_n3A_1140 = arith.select %or3A_1137, %select_n3A_1073, %select_n3A_1131 : vector<1x256xi1>, vector<1x256xf32>
    %select_n3A_1141 = arith.select %or3A_1137, %select_n3A_1074, %select_n3A_1132 : vector<1x256xi1>, vector<1x256xi32>
    %lt3A_1142 = arith.cmpf olt, %select_n3A_1140, %select_n3A_1082 : vector<1x256xf32>
    %eq3A_1143 = arith.cmpf oeq, %select_n3A_1140, %select_n3A_1082 : vector<1x256xf32>
    %lt3A_1144 = arith.cmpi slt, %select_n3A_1141, %select_n3A_1083 : vector<1x256xi32>
    %and3A_1145 = arith.andi %eq3A_1143, %lt3A_1144 : vector<1x256xi1>
    %or3A_1146 = arith.ori %lt3A_1142, %and3A_1145 : vector<1x256xi1>
    %select_n3A_1147 = arith.select %or3A_1146, %select_n3A_1140, %select_n3A_1082 : vector<1x256xi1>, vector<1x256xf32>
    %select_n3A_1148 = arith.select %or3A_1146, %select_n3A_1141, %select_n3A_1083 : vector<1x256xi1>, vector<1x256xi32>
    %reduce_min3A_1149 = arith.constant dense<0x7F800000> : vector<256xf32>
    %reduce_min3A_1150 = vector.multi_reduction <minimumf>, %select_n3A_1120, %reduce_min3A_1149 [0] : vector<128x256xf32> to vector<256xf32>
    %broadcast_in_dim3A_1151 = vector.shape_cast %reduce_min3A_1150 : vector<256xf32> to vector<1x256xf32>
    %eq3A_1152 = vector.broadcast %broadcast_in_dim3A_1151 : vector<1x256xf32> to vector<128x256xf32>
    %eq3A_1153 = arith.cmpf oeq, %select_n3A_1120, %eq3A_1152 : vector<128x256xf32>
    %jit3A_1154 = arith.constant 128 : i32
    %broadcast_in_dim3A_1155 = vector.broadcast %jit3A_1154 : i32 to vector<128x256xi32>
    %select_n3A_1156 = arith.select %eq3A_1153, %iota3A, %broadcast_in_dim3A_1155 : vector<128x256xi1>, vector<128x256xi32>
    %reduce_min3A_1157 = arith.constant dense<2147483647> : vector<256xi32>
    %reduce_min3A_1158 = vector.multi_reduction <minsi>, %select_n3A_1156, %reduce_min3A_1157 [0] : vector<128x256xi32> to vector<256xi32>
    %broadcast_in_dim3A_1159 = vector.shape_cast %reduce_min3A_1158 : vector<256xi32> to vector<1x256xi32>
    %eq3A_1160 = vector.broadcast %broadcast_in_dim3A_1159 : vector<1x256xi32> to vector<128x256xi32>
    %eq3A_1161 = arith.cmpi eq, %iota3A, %eq3A_1160 : vector<128x256xi32>
    %jit3A_1162 = arith.constant 0x7F800000 : f32
    %broadcast_in_dim3A_1163 = vector.broadcast %jit3A_1162 : f32 to vector<128x256xf32>
    %select_n3A_1164 = arith.select %eq3A_1161, %broadcast_in_dim3A_1163, %select_n3A_1120 : vector<128x256xi1>, vector<128x256xf32>
    %add3A_1165 = arith.constant 896 : i32
    %add3A_1166 = vector.broadcast %add3A_1165 : i32 to vector<1x256xi32>
    %add3A_1167 = arith.addi %broadcast_in_dim3A_1159, %add3A_1166 : vector<1x256xi32>
    %lt3A_1168 = arith.cmpf olt, %broadcast_in_dim3A_1151, %select_n3A_1129 : vector<1x256xf32>
    %eq3A_1169 = arith.cmpf oeq, %broadcast_in_dim3A_1151, %select_n3A_1129 : vector<1x256xf32>
    %lt3A_1170 = arith.cmpi slt, %add3A_1167, %select_n3A_1130 : vector<1x256xi32>
    %and3A_1171 = arith.andi %eq3A_1169, %lt3A_1170 : vector<1x256xi1>
    %or3A_1172 = arith.ori %lt3A_1168, %and3A_1171 : vector<1x256xi1>
    %select_n3A_1173 = arith.select %or3A_1172, %broadcast_in_dim3A_1151, %select_n3A_1129 : vector<1x256xi1>, vector<1x256xf32>
    %select_n3A_1174 = arith.select %or3A_1172, %add3A_1167, %select_n3A_1130 : vector<1x256xi1>, vector<1x256xi32>
    %select_n3A_1175 = arith.select %or3A_1172, %select_n3A_1129, %broadcast_in_dim3A_1151 : vector<1x256xi1>, vector<1x256xf32>
    %select_n3A_1176 = arith.select %or3A_1172, %select_n3A_1130, %add3A_1167 : vector<1x256xi1>, vector<1x256xi32>
    %lt3A_1177 = arith.cmpf olt, %select_n3A_1175, %select_n3A_1138 : vector<1x256xf32>
    %eq3A_1178 = arith.cmpf oeq, %select_n3A_1175, %select_n3A_1138 : vector<1x256xf32>
    %lt3A_1179 = arith.cmpi slt, %select_n3A_1176, %select_n3A_1139 : vector<1x256xi32>
    %and3A_1180 = arith.andi %eq3A_1178, %lt3A_1179 : vector<1x256xi1>
    %or3A_1181 = arith.ori %lt3A_1177, %and3A_1180 : vector<1x256xi1>
    %select_n3A_1182 = arith.select %or3A_1181, %select_n3A_1175, %select_n3A_1138 : vector<1x256xi1>, vector<1x256xf32>
    %select_n3A_1183 = arith.select %or3A_1181, %select_n3A_1176, %select_n3A_1139 : vector<1x256xi1>, vector<1x256xi32>
    %select_n3A_1184 = arith.select %or3A_1181, %select_n3A_1138, %select_n3A_1175 : vector<1x256xi1>, vector<1x256xf32>
    %select_n3A_1185 = arith.select %or3A_1181, %select_n3A_1139, %select_n3A_1176 : vector<1x256xi1>, vector<1x256xi32>
    %lt3A_1186 = arith.cmpf olt, %select_n3A_1184, %select_n3A_1147 : vector<1x256xf32>
    %eq3A_1187 = arith.cmpf oeq, %select_n3A_1184, %select_n3A_1147 : vector<1x256xf32>
    %lt3A_1188 = arith.cmpi slt, %select_n3A_1185, %select_n3A_1148 : vector<1x256xi32>
    %and3A_1189 = arith.andi %eq3A_1187, %lt3A_1188 : vector<1x256xi1>
    %or3A_1190 = arith.ori %lt3A_1186, %and3A_1189 : vector<1x256xi1>
    %select_n3A_1191 = arith.select %or3A_1190, %select_n3A_1184, %select_n3A_1147 : vector<1x256xi1>, vector<1x256xf32>
    %select_n3A_1192 = arith.select %or3A_1190, %select_n3A_1185, %select_n3A_1148 : vector<1x256xi1>, vector<1x256xi32>
    %reduce_min3A_1193 = arith.constant dense<0x7F800000> : vector<256xf32>
    %reduce_min3A_1194 = vector.multi_reduction <minimumf>, %select_n3A_1164, %reduce_min3A_1193 [0] : vector<128x256xf32> to vector<256xf32>
    %broadcast_in_dim3A_1195 = vector.shape_cast %reduce_min3A_1194 : vector<256xf32> to vector<1x256xf32>
    %eq3A_1196 = vector.broadcast %broadcast_in_dim3A_1195 : vector<1x256xf32> to vector<128x256xf32>
    %eq3A_1197 = arith.cmpf oeq, %select_n3A_1164, %eq3A_1196 : vector<128x256xf32>
    %jit3A_1198 = arith.constant 128 : i32
    %broadcast_in_dim3A_1199 = vector.broadcast %jit3A_1198 : i32 to vector<128x256xi32>
    %select_n3A_1200 = arith.select %eq3A_1197, %iota3A, %broadcast_in_dim3A_1199 : vector<128x256xi1>, vector<128x256xi32>
    %reduce_min3A_1201 = arith.constant dense<2147483647> : vector<256xi32>
    %reduce_min3A_1202 = vector.multi_reduction <minsi>, %select_n3A_1200, %reduce_min3A_1201 [0] : vector<128x256xi32> to vector<256xi32>
    %broadcast_in_dim3A_1203 = vector.shape_cast %reduce_min3A_1202 : vector<256xi32> to vector<1x256xi32>
    %add3A_1204 = arith.constant 896 : i32
    %add3A_1205 = vector.broadcast %add3A_1204 : i32 to vector<1x256xi32>
    %add3A_1206 = arith.addi %broadcast_in_dim3A_1203, %add3A_1205 : vector<1x256xi32>
    %lt3A_1207 = arith.cmpf olt, %broadcast_in_dim3A_1195, %select_n3A_1173 : vector<1x256xf32>
    %eq3A_1208 = arith.cmpf oeq, %broadcast_in_dim3A_1195, %select_n3A_1173 : vector<1x256xf32>
    %lt3A_1209 = arith.cmpi slt, %add3A_1206, %select_n3A_1174 : vector<1x256xi32>
    %and3A_1210 = arith.andi %eq3A_1208, %lt3A_1209 : vector<1x256xi1>
    %or3A_1211 = arith.ori %lt3A_1207, %and3A_1210 : vector<1x256xi1>
    %select_n3A_1212 = arith.select %or3A_1211, %broadcast_in_dim3A_1195, %select_n3A_1173 : vector<1x256xi1>, vector<1x256xf32>
    %select_n3A_1213 = arith.select %or3A_1211, %add3A_1206, %select_n3A_1174 : vector<1x256xi1>, vector<1x256xi32>
    %select_n3A_1214 = arith.select %or3A_1211, %select_n3A_1173, %broadcast_in_dim3A_1195 : vector<1x256xi1>, vector<1x256xf32>
    %select_n3A_1215 = arith.select %or3A_1211, %select_n3A_1174, %add3A_1206 : vector<1x256xi1>, vector<1x256xi32>
    %lt3A_1216 = arith.cmpf olt, %select_n3A_1214, %select_n3A_1182 : vector<1x256xf32>
    %eq3A_1217 = arith.cmpf oeq, %select_n3A_1214, %select_n3A_1182 : vector<1x256xf32>
    %lt3A_1218 = arith.cmpi slt, %select_n3A_1215, %select_n3A_1183 : vector<1x256xi32>
    %and3A_1219 = arith.andi %eq3A_1217, %lt3A_1218 : vector<1x256xi1>
    %or3A_1220 = arith.ori %lt3A_1216, %and3A_1219 : vector<1x256xi1>
    %select_n3A_1221 = arith.select %or3A_1220, %select_n3A_1214, %select_n3A_1182 : vector<1x256xi1>, vector<1x256xf32>
    %select_n3A_1222 = arith.select %or3A_1220, %select_n3A_1215, %select_n3A_1183 : vector<1x256xi1>, vector<1x256xi32>
    %select_n3A_1223 = arith.select %or3A_1220, %select_n3A_1182, %select_n3A_1214 : vector<1x256xi1>, vector<1x256xf32>
    %select_n3A_1224 = arith.select %or3A_1220, %select_n3A_1183, %select_n3A_1215 : vector<1x256xi1>, vector<1x256xi32>
    %lt3A_1225 = arith.cmpf olt, %select_n3A_1223, %select_n3A_1191 : vector<1x256xf32>
    %eq3A_1226 = arith.cmpf oeq, %select_n3A_1223, %select_n3A_1191 : vector<1x256xf32>
    %lt3A_1227 = arith.cmpi slt, %select_n3A_1224, %select_n3A_1192 : vector<1x256xi32>
    %and3A_1228 = arith.andi %eq3A_1226, %lt3A_1227 : vector<1x256xi1>
    %or3A_1229 = arith.ori %lt3A_1225, %and3A_1228 : vector<1x256xi1>
    %select_n3A_1230 = arith.select %or3A_1229, %select_n3A_1223, %select_n3A_1191 : vector<1x256xi1>, vector<1x256xf32>
    %select_n3A_1231 = arith.select %or3A_1229, %select_n3A_1224, %select_n3A_1192 : vector<1x256xi1>, vector<1x256xi32>
    %max3A = arith.constant 1.000000e-07 : f32
    %max3A_1232 = vector.broadcast %max3A : f32 to vector<1x256xf32>
    %max3A_1233 = arith.maximumf %select_n3A_1212, %max3A_1232 : vector<1x256xf32>
    %div3A = arith.constant 1.000000e+00 : f32
    %div3A_1234 = vector.broadcast %div3A : f32 to vector<1x256xf32>
    %div3A_1235 = arith.divf %div3A_1234, %max3A_1233 : vector<1x256xf32>
    %max3A_1236 = arith.constant 1.000000e-07 : f32
    %max3A_1237 = vector.broadcast %max3A_1236 : f32 to vector<1x256xf32>
    %max3A_1238 = arith.maximumf %select_n3A_1221, %max3A_1237 : vector<1x256xf32>
    %div3A_1239 = arith.constant 1.000000e+00 : f32
    %div3A_1240 = vector.broadcast %div3A_1239 : f32 to vector<1x256xf32>
    %div3A_1241 = arith.divf %div3A_1240, %max3A_1238 : vector<1x256xf32>
    %max3A_1242 = arith.constant 1.000000e-07 : f32
    %max3A_1243 = vector.broadcast %max3A_1242 : f32 to vector<1x256xf32>
    %max3A_1244 = arith.maximumf %select_n3A_1230, %max3A_1243 : vector<1x256xf32>
    %div3A_1245 = arith.constant 1.000000e+00 : f32
    %div3A_1246 = vector.broadcast %div3A_1245 : f32 to vector<1x256xf32>
    %div3A_1247 = arith.divf %div3A_1246, %max3A_1244 : vector<1x256xf32>
    %add3A_1248 = arith.addf %div3A_1235, %div3A_1241 : vector<1x256xf32>
    %add3A_1249 = arith.addf %add3A_1248, %div3A_1247 : vector<1x256xf32>
    %mul3A_1250 = arith.constant 1024 : i32
    %mul3A_1251 = arith.muli %arg0, %mul3A_1250 : i32
    %add3A_1252 = vector.broadcast %mul3A_1251 : i32 to vector<1x256xi32>
    %add3A_1253 = arith.addi %select_n3A_1213, %add3A_1252 : vector<1x256xi32>
    %mul3A_1254 = arith.constant 1024 : i32
    %mul3A_1255 = arith.muli %arg0, %mul3A_1254 : i32
    %add3A_1256 = vector.broadcast %mul3A_1255 : i32 to vector<1x256xi32>
    %add3A_1257 = arith.addi %select_n3A_1222, %add3A_1256 : vector<1x256xi32>
    %mul3A_1258 = arith.constant 1024 : i32
    %mul3A_1259 = arith.muli %arg0, %mul3A_1258 : i32
    %add3A_1260 = vector.broadcast %mul3A_1259 : i32 to vector<1x256xi32>
    %add3A_1261 = arith.addi %select_n3A_1231, %add3A_1260 : vector<1x256xi32>
    %concatenate3A = tpu.concatenate %add3A_1253, %add3A_1257, %add3A_1261 in 0 : vector<1x256xi32>, vector<1x256xi32>, vector<1x256xi32> -> vector<3x256xi32>
    %div3A_1262 = arith.divf %div3A_1235, %add3A_1249 : vector<1x256xf32>
    %div3A_1263 = arith.divf %div3A_1241, %add3A_1249 : vector<1x256xf32>
    %div3A_1264 = arith.divf %div3A_1247, %add3A_1249 : vector<1x256xf32>
    %concatenate3A_1265 = tpu.concatenate %div3A_1262, %div3A_1263, %div3A_1264 in 0 : vector<1x256xf32>, vector<1x256xf32>, vector<1x256xf32> -> vector<3x256xf32>
    %slice3A_1266 = vector.extract_strided_slice %concatenate3A {offsets = [0, 0], sizes = [3, 128], strides = [1, 1]} : vector<3x256xi32> to vector<3x128xi32>
    %swap3A_1267 = arith.constant 0 : index
    %swap3A_1268 = arith.constant 0 : index
    %swap3A_1269 = arith.constant 0 : index
    %swap3A_1270 = arith.constant 0 : index
    %swap3A_1271 = arith.constant 0 : index
    %swap3A_1272 = vector.load %arg5[%swap3A_1267, %swap3A_1268, %swap3A_1269, %swap3A_1270, %swap3A_1271] : memref<1x1x2x3x128xi32, #tpu.memory_space<vmem>>, vector<1x1x1x3x128xi32>
    %swap3A_1273 = vector.shape_cast %swap3A_1272 : vector<1x1x1x3x128xi32> to vector<3x128xi32>
    %swap3A_1274 = vector.shape_cast %slice3A_1266 : vector<3x128xi32> to vector<1x1x1x3x128xi32>
    tpu.vector_store %arg5[%swap3A_1267, %swap3A_1268, %swap3A_1269, %swap3A_1270, %swap3A_1271], %swap3A_1274 {strides = array<i32>} : memref<1x1x2x3x128xi32, #tpu.memory_space<vmem>>, vector<1x1x1x3x128xi32>,
    %slice3A_1275 = vector.extract_strided_slice %concatenate3A_1265 {offsets = [0, 0], sizes = [3, 128], strides = [1, 1]} : vector<3x256xf32> to vector<3x128xf32>
    %swap3A_1276 = arith.constant 0 : index
    %swap3A_1277 = arith.constant 0 : index
    %swap3A_1278 = arith.constant 0 : index
    %swap3A_1279 = arith.constant 0 : index
    %swap3A_1280 = arith.constant 0 : index
    %swap3A_1281 = vector.load %arg6[%swap3A_1276, %swap3A_1277, %swap3A_1278, %swap3A_1279, %swap3A_1280] : memref<1x1x2x3x128xf32, #tpu.memory_space<vmem>>, vector<1x1x1x3x128xf32>
    %swap3A_1282 = vector.shape_cast %swap3A_1281 : vector<1x1x1x3x128xf32> to vector<3x128xf32>
    %swap3A_1283 = vector.shape_cast %slice3A_1275 : vector<3x128xf32> to vector<1x1x1x3x128xf32>
    tpu.vector_store %arg6[%swap3A_1276, %swap3A_1277, %swap3A_1278, %swap3A_1279, %swap3A_1280], %swap3A_1283 {strides = array<i32>} : memref<1x1x2x3x128xf32, #tpu.memory_space<vmem>>, vector<1x1x1x3x128xf32>,
    %slice3A_1284 = vector.extract_strided_slice %concatenate3A {offsets = [0, 128], sizes = [3, 128], strides = [1, 1]} : vector<3x256xi32> to vector<3x128xi32>
    %swap3A_1285 = arith.constant 0 : index
    %swap3A_1286 = arith.constant 0 : index
    %swap3A_1287 = arith.constant 1 : index
    %swap3A_1288 = arith.constant 0 : index
    %swap3A_1289 = arith.constant 0 : index
    %swap3A_1290 = vector.load %arg5[%swap3A_1285, %swap3A_1286, %swap3A_1287, %swap3A_1288, %swap3A_1289] : memref<1x1x2x3x128xi32, #tpu.memory_space<vmem>>, vector<1x1x1x3x128xi32>
    %swap3A_1291 = vector.shape_cast %swap3A_1290 : vector<1x1x1x3x128xi32> to vector<3x128xi32>
    %swap3A_1292 = vector.shape_cast %slice3A_1284 : vector<3x128xi32> to vector<1x1x1x3x128xi32>
    tpu.vector_store %arg5[%swap3A_1285, %swap3A_1286, %swap3A_1287, %swap3A_1288, %swap3A_1289], %swap3A_1292 {strides = array<i32>} : memref<1x1x2x3x128xi32, #tpu.memory_space<vmem>>, vector<1x1x1x3x128xi32>,
    %slice3A_1293 = vector.extract_strided_slice %concatenate3A_1265 {offsets = [0, 128], sizes = [3, 128], strides = [1, 1]} : vector<3x256xf32> to vector<3x128xf32>
    %swap3A_1294 = arith.constant 0 : index
    %swap3A_1295 = arith.constant 0 : index
    %swap3A_1296 = arith.constant 1 : index
    %swap3A_1297 = arith.constant 0 : index
    %swap3A_1298 = arith.constant 0 : index
    %swap3A_1299 = vector.load %arg6[%swap3A_1294, %swap3A_1295, %swap3A_1296, %swap3A_1297, %swap3A_1298] : memref<1x1x2x3x128xf32, #tpu.memory_space<vmem>>, vector<1x1x1x3x128xf32>
    %swap3A_1300 = vector.shape_cast %swap3A_1299 : vector<1x1x1x3x128xf32> to vector<3x128xf32>
    %swap3A_1301 = vector.shape_cast %slice3A_1293 : vector<3x128xf32> to vector<1x1x1x3x128xf32>
    tpu.vector_store %arg6[%swap3A_1294, %swap3A_1295, %swap3A_1296, %swap3A_1297, %swap3A_1298], %swap3A_1301 {strides = array<i32>} : memref<1x1x2x3x128xf32, #tpu.memory_space<vmem>>, vector<1x1x1x3x128xf32>,
    return
  }
  func.func @transform_0(%arg0: i32, %arg1: i32) -> (i32, i32, i32) {
    %c0_i32 = arith.constant 0 : i32
    %c0_i32_0 = arith.constant 0 : i32
    %c0_i32_1 = arith.constant 0 : i32
    return %arg0, %c0_i32, %c0_i32_0 : i32, i32, i32
  }
  func.func @transform_1(%arg0: i32, %arg1: i32) -> (i32, i32, i32) {
    %c0_i32 = arith.constant 0 : i32
    %c0_i32_0 = arith.constant 0 : i32
    return %arg0, %c0_i32, %arg1 : i32, i32, i32
  }
  func.func @transform_2(%arg0: i32, %arg1: i32) -> (i32, i32, i32) {
    %c0_i32 = arith.constant 0 : i32
    %c0_i32_0 = arith.constant 0 : i32
    return %arg0, %arg1, %c0_i32 : i32, i32, i32
  }
  func.func @transform_3(%arg0: i32, %arg1: i32) -> (i32, i32, i32, i32, i32) {
    %c0_i32 = arith.constant 0 : i32
    %c0_i32_0 = arith.constant 0 : i32
    %c0_i32_1 = arith.constant 0 : i32
    %c0_i32_2 = arith.constant 0 : i32
    return %arg0, %arg1, %c0_i32, %c0_i32_0, %c0_i32_1 : i32, i32, i32, i32, i32
  }
  func.func @transform_4(%arg0: i32, %arg1: i32) -> (i32, i32, i32, i32, i32) {
    %c0_i32 = arith.constant 0 : i32
    %c0_i32_0 = arith.constant 0 : i32
    %c0_i32_1 = arith.constant 0 : i32
    %c0_i32_2 = arith.constant 0 : i32
    return %arg0, %arg1, %c0_i32, %c0_i32_0, %c0_i32_1 : i32, i32, i32, i32, i32
  }
  func.func @transform_5(%arg0: i32, %arg1: i32) -> (i32, i32) {
    %mul3A = arith.constant 16 : i32
    %mul3A_0 = arith.muli %arg0, %mul3A : i32
    %add3A = arith.addi %mul3A_0, %arg1 : i32
    %c0_i32 = arith.constant 0 : i32
    %c0_i32_1 = arith.constant 0 : i32
    return %add3A, %c0_i32 : i32, i32
  }
}

module attributes {stable_mosaic.version = 14 : i64} {
  func.func @_mlp_body(%arg0: i32, %arg1: memref<512x128xi32, #tpu.memory_space<vmem>>, %arg2: memref<512x128xf32, #tpu.memory_space<vmem>>, %arg3: memref<256x256xbf16, #tpu.memory_space<vmem>>, %arg4: memref<128x256xbf16, #tpu.memory_space<vmem>>, %arg5: memref<1x256xf32, #tpu.memory_space<vmem>>, %arg6: memref<256x256xbf16, #tpu.memory_space<vmem>>, %arg7: memref<1x256xf32, #tpu.memory_space<vmem>>, %arg8: memref<512x256xf32, #tpu.memory_space<vmem>>) attributes {dimension_semantics = [#tpu.dimension_semantics<arbitrary>], iteration_bounds = array<i64: 64>, scalar_prefetch = 0 : i64, scratch_operands = 0 : i64, tpu.core_type = #tpu.core_type<tc>, window_params = [{transform_indices = @transform_0, window_bounds = array<i64: 512, 128>}, {transform_indices = @transform_1, window_bounds = array<i64: 512, 128>}, {pipeline_mode = #tpu.pipeline_mode<synchronous>, transform_indices = @transform_2, window_bounds = array<i64: 256, 256>}, {pipeline_mode = #tpu.pipeline_mode<synchronous>, transform_indices = @transform_3, window_bounds = array<i64: 128, 256>}, {pipeline_mode = #tpu.pipeline_mode<synchronous>, transform_indices = @transform_4, window_bounds = array<i64: 1, 256>}, {pipeline_mode = #tpu.pipeline_mode<synchronous>, transform_indices = @transform_5, window_bounds = array<i64: 256, 256>}, {pipeline_mode = #tpu.pipeline_mode<synchronous>, transform_indices = @transform_6, window_bounds = array<i64: 1, 256>}, {transform_indices = @transform_7, window_bounds = array<i64: 512, 256>}]} {
    %get3A = arith.constant 0 : index
    %get3A_0 = arith.constant 0 : index
    %get3A_1 = vector.load %arg1[%get3A, %get3A_0] : memref<512x128xi32, #tpu.memory_space<vmem>>, vector<512x128xi32>
    %shift_left3A = arith.constant 16 : i32
    %shift_left3A_2 = vector.broadcast %shift_left3A : i32 to vector<512x128xi32>
    %shift_left3A_3 = arith.shli %get3A_1, %shift_left3A_2 : vector<512x128xi32>
    %bitcast_convert_type3A = tpu.bitcast %shift_left3A_3 : vector<512x128xi32> -> vector<512x128xf32>
    %and3A = arith.constant -65536 : i32
    %and3A_4 = vector.broadcast %and3A : i32 to vector<512x128xi32>
    %and3A_5 = arith.andi %get3A_1, %and3A_4 : vector<512x128xi32>
    %bitcast_convert_type3A_6 = tpu.bitcast %and3A_5 : vector<512x128xi32> -> vector<512x128xf32>
    %convert_element_type3A = arith.truncf %bitcast_convert_type3A : vector<512x128xf32> to vector<512x128xbf16>
    %get3A_7 = arith.constant 0 : index
    %get3A_8 = arith.constant 0 : index
    %get3A_9 = vector.load %arg3[%get3A_7, %get3A_8] : memref<256x256xbf16, #tpu.memory_space<vmem>>, vector<128x256xbf16>
    %dot_general3A = arith.constant dense<0.000000e+00> : vector<512x256xf32>
    %dot_general3A_10 = tpu.matmul %convert_element_type3A, %get3A_9, %dot_general3A {dimension_numbers = #tpu.dot_dimension_numbers<[1], [0], [0], [1], [0, 0, 1, 1], [], []>, transpose_lhs_hint = false} : vector<512x128xbf16>, vector<128x256xbf16>, vector<512x256xf32> -> vector<512x256xf32>
    %convert_element_type3A_11 = arith.truncf %bitcast_convert_type3A_6 : vector<512x128xf32> to vector<512x128xbf16>
    %get3A_12 = arith.constant 128 : index
    %get3A_13 = arith.constant 0 : index
    %get3A_14 = vector.load %arg3[%get3A_12, %get3A_13] : memref<256x256xbf16, #tpu.memory_space<vmem>>, vector<128x256xbf16>
    %dot_general3A_15 = arith.constant dense<0.000000e+00> : vector<512x256xf32>
    %dot_general3A_16 = tpu.matmul %convert_element_type3A_11, %get3A_14, %dot_general3A_15 {dimension_numbers = #tpu.dot_dimension_numbers<[1], [0], [0], [1], [0, 0, 1, 1], [], []>, transpose_lhs_hint = false} : vector<512x128xbf16>, vector<128x256xbf16>, vector<512x256xf32> -> vector<512x256xf32>
    %add3A = arith.addf %dot_general3A_10, %dot_general3A_16 : vector<512x256xf32>
    %get3A_17 = arith.constant 0 : index
    %get3A_18 = arith.constant 0 : index
    %get3A_19 = vector.load %arg2[%get3A_17, %get3A_18] : memref<512x128xf32, #tpu.memory_space<vmem>>, vector<512x128xf32>
    %convert_element_type3A_20 = arith.truncf %get3A_19 : vector<512x128xf32> to vector<512x128xbf16>
    %get3A_21 = arith.constant 0 : index
    %get3A_22 = arith.constant 0 : index
    %get3A_23 = vector.load %arg4[%get3A_21, %get3A_22] : memref<128x256xbf16, #tpu.memory_space<vmem>>, vector<128x256xbf16>
    %dot_general3A_24 = arith.constant dense<0.000000e+00> : vector<512x256xf32>
    %dot_general3A_25 = tpu.matmul %convert_element_type3A_20, %get3A_23, %dot_general3A_24 {dimension_numbers = #tpu.dot_dimension_numbers<[1], [0], [0], [1], [0, 0, 1, 1], [], []>, transpose_lhs_hint = false} : vector<512x128xbf16>, vector<128x256xbf16>, vector<512x256xf32> -> vector<512x256xf32>
    %add3A_26 = arith.addf %add3A, %dot_general3A_25 : vector<512x256xf32>
    %get3A_27 = arith.constant 0 : index
    %get3A_28 = arith.constant 0 : index
    %get3A_29 = vector.load %arg5[%get3A_27, %get3A_28] : memref<1x256xf32, #tpu.memory_space<vmem>>, vector<1x256xf32>
    %add3A_30 = vector.broadcast %get3A_29 : vector<1x256xf32> to vector<512x256xf32>
    %add3A_31 = arith.addf %add3A_26, %add3A_30 : vector<512x256xf32>
    %max3A = arith.constant 0.000000e+00 : f32
    %max3A_32 = vector.broadcast %max3A : f32 to vector<512x256xf32>
    %max3A_33 = arith.maximumf %add3A_31, %max3A_32 : vector<512x256xf32>
    %convert_element_type3A_34 = arith.truncf %max3A_33 : vector<512x256xf32> to vector<512x256xbf16>
    %get3A_35 = arith.constant 0 : index
    %get3A_36 = arith.constant 0 : index
    %get3A_37 = vector.load %arg6[%get3A_35, %get3A_36] : memref<256x256xbf16, #tpu.memory_space<vmem>>, vector<256x256xbf16>
    %dot_general3A_38 = arith.constant dense<0.000000e+00> : vector<512x256xf32>
    %dot_general3A_39 = tpu.matmul %convert_element_type3A_34, %get3A_37, %dot_general3A_38 {dimension_numbers = #tpu.dot_dimension_numbers<[1], [0], [0], [1], [0, 0, 1, 1], [], []>, transpose_lhs_hint = false} : vector<512x256xbf16>, vector<256x256xbf16>, vector<512x256xf32> -> vector<512x256xf32>
    %get3A_40 = arith.constant 0 : index
    %get3A_41 = arith.constant 0 : index
    %get3A_42 = vector.load %arg7[%get3A_40, %get3A_41] : memref<1x256xf32, #tpu.memory_space<vmem>>, vector<1x256xf32>
    %add3A_43 = vector.broadcast %get3A_42 : vector<1x256xf32> to vector<512x256xf32>
    %add3A_44 = arith.addf %dot_general3A_39, %add3A_43 : vector<512x256xf32>
    %max3A_45 = arith.constant 0.000000e+00 : f32
    %max3A_46 = vector.broadcast %max3A_45 : f32 to vector<512x256xf32>
    %max3A_47 = arith.maximumf %add3A_44, %max3A_46 : vector<512x256xf32>
    %swap3A = arith.constant 0 : index
    %swap3A_48 = arith.constant 0 : index
    %swap3A_49 = vector.load %arg8[%swap3A, %swap3A_48] : memref<512x256xf32, #tpu.memory_space<vmem>>, vector<512x256xf32>
    tpu.vector_store %arg8[%swap3A, %swap3A_48], %max3A_47 {strides = array<i32>} : memref<512x256xf32, #tpu.memory_space<vmem>>, vector<512x256xf32>,
    return
  }
  func.func @transform_0(%arg0: i32) -> (i32, i32) {
    %c0_i32 = arith.constant 0 : i32
    %c0_i32_0 = arith.constant 0 : i32
    return %arg0, %c0_i32 : i32, i32
  }
  func.func @transform_1(%arg0: i32) -> (i32, i32) {
    %c0_i32 = arith.constant 0 : i32
    %c0_i32_0 = arith.constant 0 : i32
    return %arg0, %c0_i32 : i32, i32
  }
  func.func @transform_2(%arg0: i32) -> (i32, i32) {
    %c0_i32 = arith.constant 0 : i32
    %c0_i32_0 = arith.constant 0 : i32
    %c0_i32_1 = arith.constant 0 : i32
    return %c0_i32, %c0_i32_0 : i32, i32
  }
  func.func @transform_3(%arg0: i32) -> (i32, i32) {
    %c0_i32 = arith.constant 0 : i32
    %c0_i32_0 = arith.constant 0 : i32
    %c0_i32_1 = arith.constant 0 : i32
    return %c0_i32, %c0_i32_0 : i32, i32
  }
  func.func @transform_4(%arg0: i32) -> (i32, i32) {
    %c0_i32 = arith.constant 0 : i32
    %c0_i32_0 = arith.constant 0 : i32
    %c0_i32_1 = arith.constant 0 : i32
    return %c0_i32, %c0_i32_0 : i32, i32
  }
  func.func @transform_5(%arg0: i32) -> (i32, i32) {
    %c0_i32 = arith.constant 0 : i32
    %c0_i32_0 = arith.constant 0 : i32
    %c0_i32_1 = arith.constant 0 : i32
    return %c0_i32, %c0_i32_0 : i32, i32
  }
  func.func @transform_6(%arg0: i32) -> (i32, i32) {
    %c0_i32 = arith.constant 0 : i32
    %c0_i32_0 = arith.constant 0 : i32
    %c0_i32_1 = arith.constant 0 : i32
    return %c0_i32, %c0_i32_0 : i32, i32
  }
  func.func @transform_7(%arg0: i32) -> (i32, i32) {
    %c0_i32 = arith.constant 0 : i32
    %c0_i32_0 = arith.constant 0 : i32
    return %arg0, %c0_i32 : i32, i32
  }
}

</mosaic_0001>

<sc_bundles>
// kernel: kernel.11.cloned.1.call-start
scs
__scs_entry_jumppad:
0x0: {  	(pc) =	sbr.rel $0x88, $3  }
0x1: {  	(tag) =	ssettag $0x0;
	lr =	simm.s32 $0x1  }
0x2: {  	[smem:$0x3F9B] =	sst lr;
	_ =	strace $0xD0000000  }
0x3: {  	_ = 	snop  }
0x4: {  	_ = 	snop  }
0x5: {  	_ = 	snop  }
0x6: {  	_ = 	snop  }
0x7: {  	_ = 	snop  }
__scs_overlays_trampoline_lowered:
0x8: {  	[smem:$0x3FAA] =	sst s0  }
0x9: {  	[smem:$0x3FAB] =	sst s1  }
0xa: {  	[smem:$0x3FAC] =	sst s2  }
0xb: {  	[smem:$0x3FAD] =	sst s3  }
0xc: {  	[smem:$0x3FAE] =	sst s4  }
0xd: {  	[smem:$0x3FAF] =	sst s5  }
0xe: {  	[smem:$0x3FB0] =	sst s6  }
0xf: {  	[smem:$0x3FB1] =	sst s7  }
0x10: {  	[smem:$0x3FB2] =	sst s8  }
0x11: {  	[smem:$0x3FB3] =	sst s9;
	s0 =	simm.s32 @!p0 $0x0  }
0x12: {  	s1 =	sld [smem:$0x3F99];
	s0 =	simm.s32 @p0 $0x1  }
0x13: {  	[smem:$0x3FB4] =	sst s0;
	s0 =	simm.s32 @!p1 $0x0  }
0x14: {  	s2 =	sld [smem:$0x3F98];
	s0 =	simm.s32 @p1 $0x1  }
0x15: {  	[smem:$0x3FB5] =	sst s0;
	s0 =	simm.s32 @!p2 $0x0  }
0x16: {  	s3 =	sld [smem:$0x3FDB];
	s0 =	simm.s32 @p2 $0x1  }
0x17: {  	s4 =	simm.s32 $0x1BF5;
	[smem:$0x3FB7] =	sst s0  }
0x18: {  	s0 =	sld [smem:$0x3F9A];
	_ =	swait.ge [sflag:s4], $0x0  }
0x19: {  	s7 =	sld [smem:$0x3F9B]  }
0x1a: {  	s8 =	sadd.s32 $0xFFFFE003, lr  }
0x1b: {  	s9 =	sadd.s32 $0xFFFFFEF7, lr;
	s5 =	simm.s32 $0xFFFFFFFF;
	p2 =	slt.u32 s8, $0xFFFFF086  }
0x1c: {  	p1 =	slt.u32 s9, $0xF7A;
	s5 =	simm.s32 @!p2 $0x0  }
0x1d: {  	s5 =	simm.s32 @p1 $0x1;
	p0 =	seq.s32 s7, s2  }
0x1e: {  	s7 =	smul.u32 @!p0 $0xF7A, s2;
	p2 =	seq.s32 @!p0 s5, $0x0  }
0x1f: {  	s9 =	smul.u32 $0xF7A, s1;
	s8 =	simm.s32 @!p0 $0x1BF5;
	p2 =	por !p2, p0  }
0x20: {  	[sflag:s8] =	ssyncset.s32 @!p0 $0xFFFFF086;
	s6 =	sadd.s32 @!p0 s3, s7;
	s7 =	simm.s32 @!p0 $0x108  }
0x21: {  	s3 =	sadd.s32 s3, s9;
	s6 =	sadd.s32 @!p0 $0x88, s6;
	s7 =	simm.s32 @p2 $0x1082  }
0x22: {  	[simem:s7], [sflag:s8] =	dma.local @!p0 [hbm:s6], $0xF7A  }
0x23: {  	s9 =	sor.u32 $0xD0000000, s2;
	s6 =	simm.s32 $0x108;
	_ =	swait.ge @!p0 [sflag:s8], $0x0  }
0x24: {  	s3 =	sadd.s32 $0x88, s3;
	s6 =	simm.s32 @!p1 $0x1082;
	[sflag:s4] =	ssyncset.s32 $0xFFFFF086  }
0x25: {  	[simem:s6], [sflag:s4] =	dma.local [hbm:s3], $0xF7A  }
0x26: {  	[smem:$0x3F9B] =	sst s1;
	(tag) =	ssettag s2;
	_ =	strace s9  }
0x27: {  	s1 =	sld [smem:$0x3FAB]  }
0x28: {  	s2 =	sld [smem:$0x3FAC]  }
0x29: {  	s4 =	sld [smem:$0x3FAE]  }
0x2a: {  	p0 =	seq.s32 s5, $0x0;
	s5 =	sld [smem:$0x3FAF]  }
0x2b: {  	s6 =	sld [smem:$0x3FB0]  }
0x2c: {  	s7 =	sld [smem:$0x3FB1]  }
0x2d: {  	s3 =	simm.s32 $0x108;
	s8 =	sld [smem:$0x3FB2]  }
0x2e: {  	s3 =	simm.s32 @!p0 $0x1082;
	s9 =	sld [smem:$0x3FB3]  }
0x2f: {  	lr =	sadd.s32 s0, s3;
	s0 =	sld [smem:$0x3FAA]  }
0x30: {  	s3 =	sld [smem:$0x3FAD]  }
0x31: {  	[smem:$0x3FB6] =	sst s10  }
0x32: {  	s10 =	sld [smem:$0x3FB4];
	_ =	sdelay $0x3  }
0x33: {  	p0 =	seq.s32 s10, $0x1;
	s10 =	sld [smem:$0x3FB6];
	_ =	sdelay $0x3  }
0x34: {  	[smem:$0x3FB6] =	sst s10  }
0x35: {  	s10 =	sld [smem:$0x3FB5];
	_ =	sdelay $0x3  }
0x36: {  	p1 =	seq.s32 s10, $0x1;
	s10 =	sld [smem:$0x3FB6];
	_ =	sdelay $0x3  }
0x37: {  	[smem:$0x3FB6] =	sst s10  }
0x38: {  	s10 =	sld [smem:$0x3FB7]  }
0x39: {  	_ = 	snop;
	(pc) =	sbr.ind lr, $3  }
0x3a: {  	_ = 	snop  }
0x3b: {  	_ = 	snop  }
0x3c: {  	p2 =	seq.s32 s10, $0x1;
	s10 =	sld [smem:$0x3FB6]  }
0x3d: {  	_ =	shalt  }
0x3e: {  	_ =	shalt  }
0x3f: {  	_ =	shalt  }
0x40: {  	_ =	shalt  }
0x41: {  	_ =	shalt  }
0x42: {  	_ =	shalt  }
0x43: {  	_ =	shalt  }
0x44: {  	_ =	shalt  }
0x45: {  	_ =	shalt  }
0x46: {  	_ =	shalt  }
0x47: {  	_ =	shalt  }
0x48: {  	_ =	shalt  }
0x49: {  	_ =	shalt  }
0x4a: {  	_ =	shalt  }
0x4b: {  	_ =	shalt  }
0x4c: {  	_ =	shalt  }
0x4d: {  	_ =	shalt  }
0x4e: {  	_ =	shalt  }
0x4f: {  	_ =	shalt  }
0x50: {  	_ =	shalt  }
0x51: {  	_ =	shalt  }
0x52: {  	_ =	shalt  }
0x53: {  	_ =	shalt  }
0x54: {  	_ =	shalt  }
0x55: {  	_ =	shalt  }
0x56: {  	_ =	shalt  }
0x57: {  	_ =	shalt  }
0x58: {  	_ =	shalt  }
0x59: {  	_ =	shalt  }
0x5a: {  	_ =	shalt  }
0x5b: {  	_ =	shalt  }
0x5c: {  	_ =	shalt  }
0x5d: {  	_ =	shalt  }
0x5e: {  	_ =	shalt  }
0x5f: {  	_ =	shalt  }
0x60: {  	_ =	shalt  }
0x61: {  	_ =	shalt  }
0x62: {  	_ =	shalt  }
0x63: {  	_ =	shalt  }
0x64: {  	_ =	shalt  }
0x65: {  	_ =	shalt  }
0x66: {  	_ =	shalt  }
0x67: {  	_ =	shalt  }
0x68: {  	_ =	shalt  }
0x69: {  	_ =	shalt  }
0x6a: {  	_ =	shalt  }
0x6b: {  	_ =	shalt  }
0x6c: {  	_ =	shalt  }
0x6d: {  	_ =	shalt  }
0x6e: {  	_ =	shalt  }
0x6f: {  	_ =	shalt  }
0x70: {  	_ =	shalt  }
0x71: {  	_ =	shalt  }
0x72: {  	_ =	shalt  }
0x73: {  	_ =	shalt  }
0x74: {  	_ =	shalt  }
0x75: {  	_ =	shalt  }
0x76: {  	_ =	shalt  }
0x77: {  	_ =	shalt  }
0x78: {  	_ =	shalt  }
0x79: {  	_ =	shalt  }
0x7a: {  	_ =	shalt  }
0x7b: {  	_ =	shalt  }
0x7c: {  	_ =	shalt  }
0x7d: {  	_ =	shalt  }
0x7e: {  	_ =	shalt  }
0x7f: {  	_ =	shalt  }
0x80: {  	_ =	shalt  }
0x81: {  	_ =	shalt  }
0x82: {  	_ =	shalt  }
0x83: {  	_ =	shalt  }
0x84: {  	_ =	shalt  }
0x85: {  	_ =	shalt  }
0x86: {  	_ =	shalt  }
0x87: {  	_ =	shalt  }
.Lfunc_end0:
.L_simem_size_0:
called_computation.1_lowered:
.L_overlay_start_0:
0x88: {  	s2 =	sld [smem:$0x3FD9]  }
0x89: {  	s3 =	sld [smem:$0x3FFE];
	_ =	sdelay $0x1  }
0x8a: {  	s1 =	srdreg.scid  }
0x8b: {  	s0 =	sand.u32 $0x1, s1  }
0x8c: {  	s17 =	sshll.u32 s0, $0xA;
	s2 =	sadd.s32 s3, s2  }
0x8d: {  	s2 =	sadd.s32 s2, s17  }
0x8e: {  	[smem:$0x3FC2] =	sst s2  }
0x8f: {  	_ = 	snop  }
0x90: {  	(tm) =	ssettm $0x1  }
0x91: {  	s18 =	sld [smem:$0x3FFB];
	_ =	sdelay $0x3  }
0x92: {  	_ =	strace s18  }
0x93: {  	s2 =	sld [smem:$0x3FFC];
	_ =	sdelay $0x3  }
0x94: {  	_ =	strace s2  }
0x95: {  	s2 =	sld [smem:$0x3FFD];
	_ =	sdelay $0x3  }
0x96: {  	_ =	strace s2  }
0x97: {  	_ =	strace $0x8FFFFFFF  }
0x98: {  	s19 =	sld [smem:$0x3FDB];
	_ =	sdelay $0x1  }
0x99: {  	s20 =	simm.s32 $_scs_section_size  }
0x9a: {  	s4 =	simm.s32 $_size__tile_overlayer_lowered;
	s5 =	simm.s32 $_tile_overlayer_lowered  }
0x9b: {  	s6 =	simm.s32 $0x1BFF;
	s21 =	sshll.u32 s5, $0x1;
	s3 =	sadd.s32 s20, s19  }
0x9c: {  	s22 =	simm.s32 $0x0;
	s4 =	sshll.u32 s4, $0x1;
	s5 =	sadd.s32 s21, s3  }
0x9d: {  	[timem:s22], [sflag:s6] =	dma.local [hbm:s5], s4  }
0x9e: {  	_ =	swait.ge [sflag:s6], s4  }
0x9f: {  	s4 =	ssub.s32 $0x0, s4;
	[sflag:s6] =	ssyncset.done $0x0  }
0xa0: {  	[sflag:s6] =	ssyncadd.s32 s4;
	_ =	sdelay $0x1  }
0xa1: {  	s23 =	simm.s32 $0x1B8B  }
0xa2: {  	_ =	swait.ge [sflag:s23], $0x1  }
0xa3: {  	[sflag:s23] =	ssyncset.done $0x0  }
0xa4: {  	[sflag:s23] =	ssyncadd.s32 $0xFFFFFFFF  }
0xa5: {  	s4 =	sld [smem:$0x0]  }
0xa6: {  	s5 =	sand.u32 $0xFFFFFFFE, s1  }
0xa7: {  	p0 =	sne.s32 s1, s5  }
0xa8: {  	s5 =	sshll.u32 @p0 s5, $0xE  }
0xa9: {  	s5 =	sadd.s32 @p0 $0x11B8D, s5;
	s6 =	sshll.u32 @p0 s4, $0x11  }
0xaa: {  	s5 =	sor.u32 @p0 s6, s5  }
0xab: {  	[sflag:s5] =	ssyncadd.remote.s32 @p0 $0x1;
	_ =	sdelay $0x1  }
0xac: {  	s5 =	simm.s32 @p0 $0x1B8D  }
0xad: {  	_ =	swait.eq @p0 [sflag:s5], $0x1  }
0xae: {  	[sflag:s5] =	ssyncadd.s32 @p0 $0xFFFFFFFF  }
0xaf: {  	s6 =	sshll.u32 @!p0 s1, $0xE  }
0xb0: {  	s6 =	sor.u32 @!p0 $0x4000, s6;
	s5 =	simm.s32 @!p0 $0x1B8D  }
0xb1: {  	s4 =	sshll.u32 @!p0 s4, $0x11;
	s6 =	sadd.s32 @!p0 $0x11B8D, s6;
	_ =	swait.eq @!p0 [sflag:s5], $0x1  }
0xb2: {  	s4 =	sor.u32 @!p0 s4, s6;
	[sflag:s5] =	ssyncadd.s32 @!p0 $0xFFFFFFFF  }
0xb3: {  	s25 =	simm.s32 $0x1B8E;
	s24 =	sld [smem:$0x3FFE];
	[sflag:s4] =	ssyncadd.remote.s32 @!p0 $0x1  }
0xb4: {  	s26 =	simm.s32 $execute0_lowered;
	[smem:$0x3FD2] =	sst s25  }
0xb5: {  	s5 =	sshll.u32 s26, $0x1;
	_ =	strace $0x80000052;
	[dreg:$0x1] =	wrdreg $0xFFFFFFFF  }
0xb6: {  	s28 =	simm.s32 $_size_execute0_lowered;
	s3 =	sadd.s32 s3, s5;
	[dreg:$0x0] =	wrdreg $0x0  }
0xb7: {  	s5 =	sshll.u32 s28, $0x1;
	[dreg:$0x2] =	wrdreg s3  }
0xb8: {  	[dreg:$0x3] =	wrdreg s5  }
0xb9: {  	[dreg:$0x4] =	wrdreg $0xC0  }
0xba: {  	_ =	task [dreg:s22], $0x5FFFF  }
0xbb: {  	[dreg:$0x1] =	wrdreg $0xFFFFFFFF  }
0xbc: {  	[dreg:$0x0] =	wrdreg $0x60  }
0xbd: {  	[dreg:$0x2] =	wrdreg s24  }
0xbe: {  	[dreg:$0x3] =	wrdreg $0xA  }
0xbf: {  	_ =	task.clear_ibuf [dreg:s22], $0x4FFFF;
	_ =	strace $0x90000052  }
0xc0: {  	s29 =	simm.s32 $0xA;
	_ =	strace $0x8000005D  }
0xc1: {  	_ =	swait.ge [sflag:s29], $0x1  }
0xc2: {  	[sflag:s29] =	ssyncadd.s32 $0xFFFFFFFF  }
0xc3: {  	_ =	strace $0x9000005D  }
0xc4: {  	_ =	sfence  }
0xc5: {  	s30 =	sld [smem:$0x0];
	_ =	sdelay $0x2  }
0xc6: {  	s31 =	sshll.u32 s1, $0xD;
	s1 =	sshrl.u32 s1, $0x2  }
0xc7: {  	s4 =	sand.u32 $0x4000, s31;
	s1 =	sadd.s32 s1, s30  }
0xc8: {  	s0 =	sor.u32 s4, s0;
	s1 =	sshll.u32 s1, $0x11  }
0xc9: {  	s0 =	sor.u32 s1, s0  }
0xca: {  	s0 =	sadd.s32 $0x8F2B, s0  }
0xcb: {  	[sflag:s0] =	ssyncadd.remote.s32 $0x1  }
0xcc: {  	_ =	sfence.sel $0xFFFF  }
0xcd: {  	[dreg:$0x0] =	wrdreg $0xFFFFFFFF;
	(pc) =	sbr.abs _section_cstart, $3  }
0xce: {  	[dreg:$0x1] =	wrdreg $0xFFFFFFFF  }
0xcf: {  	_ =	task.clear_ibuf [dreg:s22], $0x2FFFF;
	_ =	strace $0x9FFFFFFF  }
0xd0: {  	(tm) =	ssettm $0x7FFFFFFF  }
0xd1: {  	_ =	shalt  }
tec
execute0_lowered:
.L_overlay_start_1:
0x0: {  	(tag) =	ssettag $0x1  }
0x1: {  	s0 =	rddreg [dreg:$0x0];
	s1 =	simm.s32 $0x0  }
0x2: {  	s28 =	srdreg.scid;
	s5 =	stileid.u32;
	s13 =	simm.s32 $0x80  }
0x3: {  	s14 =	simm.s32 $0x7;
	[smem:$0x7FF] =	sst s1;
	s1 =	sand.u32 $0x1, s28  }
0x4: {  	s3 =	sadd.s32 $0xAAE00, s0;
	s6 =	sshll.u32 s5, $0x3;
	s2 =	sshll.u32 s1, $0x7  }
0x5: {  	s4 =	sadd.s32 $0xCAE00, s0;
	s5 =	sadd.s32 $0xCEE00, s0;
	s6 =	sor.u32 s6, s2  }
0x6: {  	s7 =	sadd.s32 $0xD2E00, s0;
	s1 =	ssub.s32 $0x2, s1;
	s2 =	sshll.u32 s6, $0x6  }
0x7: {  	_ =	strace $0x80000053;
	s29 =	sshrl.u32 s1, $0x1;
	s30 =	sadd.s32 s4, s2  }
0x8: {  	s0 =	ssub.s32 s1, s29;
	s31 =	sadd.s32 s5, s2;
	[dreg:$0x2] =	wrdreg s30  }
0x9: {  	s15 =	simm.s32 $0x4000;
	s0 =	smax.u32 s0, $0x1;
	[dreg:$0x3] =	wrdreg s31  }
0xa: {  	s16 =	simm.s32 $0x8000;
	s18 =	simm.s32 $0x0;
	[dreg:$0x4] =	wrdreg s0  }
.LBB2_1:
0xb: {  	_ =	strace $0x80000054;
	s0 =	simm.s32 $0x0;
	s2 =	simm.s32 $0xC000  }
0xc: {  	s31 =	simm.s32 $0xC300;
	s28 =	simm.s32 $0x0;
	s19 =	simm.s32 $0x0  }
0xd: {  	s20 =	simm.s32 $0x0;
	s21 =	simm.s32 $0x0;
	s1 =	rddreg [dreg:$0x2]  }
0xe: {  	[tilespmem:s2], [sflag:$0x1] =	stream.linear.gather [hbm4b:s1+s0], $0x180, $0x200038;
	[tilespmem:$0x14600] =	vst v63  }
0xf: {  	s22 =	simm.s32 $0x1;
	s23 =	simm.s32 $0x0;
	s30 =	rddreg [dreg:$0x3]  }
0x10: {  	[tilespmem:s31], [sflag:$0x3] =	stream.linear.gather [hbm4b:s30+s0], $0x180, $0x200038;
	[tilespmem:$0x14600] =	vst v63  }
0x11: {  	s24 =	simm.s32 $0x1;
	s25 =	simm.s32 $0x0;
	_ =	strace $0x90000054  }
.LBB2_2:
0x12: {  	s26 =	sadd.s32 $0x1, s28  }
0x13: {  	p0 =	seq.s32 s26, $0x8  }
0x14: {  	s26 =	simm.s32 @p0 $0x0;
	p0 =	seq.s32 s25, $0x7  }
0x15: {  	p1 =	seq.s32 @!p0 s28, s26  }
0x16: {  	p2 =	por p1, p0  }
0x17: {  	s0 =	sand.u32 @!p2 $0x1, s24  }
0x18: {  	s2 =	sadd.s32 @!p2 s6, s26;
	s1 =	smul.u32 @!p2 $0x600, s0  }
0x19: {  	_ =	strace @!p2 $0x80000055;
	s2 =	sshll.u32 @!p2 s2, $0x6  }
0x1a: {  	s10 =	simm.s32 @!p2 $0x0;
	s2 =	sand.u32 @!p2 $0x1FFFFFC0, s2;
	s1 =	sshrl.u32 @!p2 s1, $0x2  }
0x1b: {  	s0 =	sadd.s32 @!p2 $0x1, s0;
	s9 =	sadd.s32 @!p2 s4, s2;
	s1 =	sor.u32 @!p2 $0xC000, s1  }
0x1c: {  	[tilespmem:s1], [sflag:s0] =	stream.linear.gather @!p2 [hbm4b:s9+s10], $0x180, $0x200038;
	[tilespmem:$0x14600] =	vst v63  }
0x1d: {  	s0 =	sand.u32 @!p2 $0x1, s22  }
0x1e: {  	s1 =	smul.u32 @!p2 $0x600, s0;
	_ =	sdelay $0x1  }
0x1f: {  	s2 =	sadd.s32 @!p2 s5, s2;
	_ =	strace @!p2 $0x90000055;
	s1 =	sshrl.u32 @!p2 s1, $0x2  }
0x20: {  	s0 =	sadd.s32 @!p2 $0x3, s0;
	_ =	strace @!p2 $0x80000056;
	s1 =	sadd.s32 @!p2 $0xC300, s1  }
0x21: {  	[tilespmem:s1], [sflag:s0] =	stream.linear.gather @!p2 [hbm4b:s2+s10], $0x180, $0x200038;
	[tilespmem:$0x14600] =	vst v63  }
0x22: {  	s10 =	sand.u32 $0x1, s23;
	_ =	strace @!p2 $0x90000056  }
0x23: {  	s11 =	sadd.s32 $0x1, s10;
	_ =	strace $0x80000057  }
0x24: {  	_ =	swait.ge [sflag:s11], $0x180  }
0x25: {  	[sflag:s11] =	ssyncset.done $0x0  }
0x26: {  	[sflag:s11] =	ssyncadd.s32 $0xFFFFFE80  }
0x27: {  	s12 =	sand.u32 $0x1, s21;
	_ =	strace $0x90000057  }
0x28: {  	s17 =	sadd.s32 $0x3, s12;
	_ =	strace $0x80000058  }
0x29: {  	_ =	swait.ge [sflag:s17], $0x180  }
0x2a: {  	[sflag:s17] =	ssyncset.done $0x0  }
0x2b: {  	s0 =	simm.s32 $0x180;
	p3 =	seq.s32 s10, $0x1;
	[sflag:s17] =	ssyncadd.s32 $0xFFFFFE80  }
0x2c: {  	s0 =	simm.s32 @!p3 $0x0;
	_ =	strace $0x90000058  }
0x2d: {  	s10 =	simm.s32 $0x0;
	s9 =	sor.u32 $0xC000, s0;
	_ =	strace $0x80000059  }
0x2e: {  	[tilespmem:s10], [sflag:$0x7] =	stream.indirect.gather [hbm4b:s3+s13], $0x80, s9, s13, $0x2000b8;
	[tilespmem:$0x14600] =	vst v63  }
0x2f: {  	_ =	swait.ge [sflag:s14], $0x4000  }
0x30: {  	[sflag:s14] =	ssyncset.done $0x0  }
0x31: {  	s11 =	sadd.s32 $0xC080, s0;
	[sflag:s14] =	ssyncadd.s32 $0xFFFFC000  }
0x32: {  	[tilespmem:s15], [sflag:$0x7] =	stream.indirect.gather [hbm4b:s3+s13], $0x80, s11, s13, $0x2000b8;
	[tilespmem:$0x14600] =	vst v63  }
0x33: {  	_ =	swait.ge [sflag:s14], $0x4000  }
0x34: {  	[sflag:s14] =	ssyncset.done $0x0  }
0x35: {  	s0 =	sadd.s32 $0xC100, s0;
	[sflag:s14] =	ssyncadd.s32 $0xFFFFC000  }
0x36: {  	v0 =	vmov s10;
	[tilespmem:s16], [sflag:$0x7] =	stream.indirect.gather [hbm4b:s3+s13], $0x80, s0, s13, $0x2000b8;
	[tilespmem:$0x14600] =	vst v63  }
0x37: {  	v1 =	vor.u32 $0x80, v0;
	_ =	swait.ge [sflag:s14], $0x4000  }
0x38: {  	s29 =	simm.s32 $0xC480;
	[sflag:s14] =	ssyncset.done $0x0  }
0x39: {  	p3 =	seq.s32 s12, $0x1;
	s12 =	simm.s32 $0x40;
	v2 =	vor.u32 $0x100, v0;
	[sflag:s14] =	ssyncadd.s32 $0xFFFFC000  }
0x3a: {  	s29 =	simm.s32 @!p3 $0xC300;
	v3 =	vld [tilespmem:s12+$0xFFFFFFC0]  }
0x3b: {  	v0 =	vld.idx.msk [tilespmem:v0+s29+$0x0], $0xffff  }
0x3c: {  	s31 =	simm.s32 $0x4040;
	v4 =	vld.idx.msk [tilespmem:v1+s29+$0x0], $0xffff  }
0x3d: {  	v5 =	vld [tilespmem:s31+$0xFFFFFFC0]  }
0x3e: {  	s0 =	simm.s32 $0x8040;
	v2 =	vld.idx.msk [tilespmem:v2+s29+$0x0], $0xffff  }
0x3f: {  	v6 =	vld [tilespmem:s0+$0xFFFFFFC0];
	_ =	sdelay $0x1  }
0x40: {  	v1 =	vpack.i.f32.bf16 v0, v0;
	v0 =	vpack.i.f32.bf16 v4, v4  }
0x41: {  	v3 =	vmul.bf16 v3, v1;
	v4 =	vmul.bf16 v5, v0  }
0x42: {  	v2 =	vpack.i.f32.bf16 v2, v2  }
0x43: {  	v5 =	vmul.bf16 v6, v2;
	v3 =	vadd.bf16 v4, v3  }
0x44: {  	s30 =	sand.u32 $0x1, s20  }
0x45: {  	s17 =	sshll.u32 s30, $0xE;
	v3 =	vadd.bf16 v5, v3  }
0x46: {  	s2 =	sadd.s32 $0xC640, s17  }
0x47: {  	[tilespmem:s2+$0xFFFFFFC0] =	vst v3  }
0x48: {  	v3 =	vld [tilespmem:s12+$0xFFFFFFD0]  }
0x49: {  	v4 =	vld [tilespmem:s31+$0xFFFFFFD0];
	_ =	sdelay $0x1  }
0x4a: {  	v5 =	vld [tilespmem:s0+$0xFFFFFFD0];
	_ =	sdelay $0x2  }
0x4b: {  	v3 =	vmul.bf16 v3, v1;
	v4 =	vmul.bf16 v4, v0;
	_ =	sdelay $0x1  }
0x4c: {  	v3 =	vadd.bf16 v4, v3;
	v4 =	vmul.bf16 v5, v2;
	_ =	sdelay $0x1  }
0x4d: {  	v3 =	vadd.bf16 v4, v3;
	_ =	sdelay $0x1  }
0x4e: {  	[tilespmem:s2+$0xFFFFFFD0] =	vst v3  }
0x4f: {  	v3 =	vld [tilespmem:s12+$0xFFFFFFE0]  }
0x50: {  	v4 =	vld [tilespmem:s31+$0xFFFFFFE0];
	_ =	sdelay $0x1  }
0x51: {  	v5 =	vld [tilespmem:s0+$0xFFFFFFE0];
	_ =	sdelay $0x2  }
0x52: {  	v3 =	vmul.bf16 v3, v1;
	v4 =	vmul.bf16 v4, v0;
	_ =	sdelay $0x1  }
0x53: {  	v3 =	vadd.bf16 v4, v3;
	v4 =	vmul.bf16 v5, v2;
	_ =	sdelay $0x1  }
0x54: {  	v3 =	vadd.bf16 v4, v3;
	_ =	sdelay $0x1  }
0x55: {  	[tilespmem:s2+$0xFFFFFFE0] =	vst v3  }
0x56: {  	v3 =	vld [tilespmem:s12+$0xFFFFFFF0]  }
0x57: {  	v4 =	vld [tilespmem:s31+$0xFFFFFFF0];
	_ =	sdelay $0x1  }
0x58: {  	v5 =	vld [tilespmem:s0+$0xFFFFFFF0];
	_ =	sdelay $0x2  }
0x59: {  	v3 =	vmul.bf16 v3, v1;
	v4 =	vmul.bf16 v4, v0;
	_ =	sdelay $0x1  }
0x5a: {  	v3 =	vadd.bf16 v4, v3;
	v4 =	vmul.bf16 v5, v2;
	_ =	sdelay $0x1  }
0x5b: {  	v3 =	vadd.bf16 v4, v3;
	_ =	sdelay $0x1  }
0x5c: {  	[tilespmem:s2+$0xFFFFFFF0] =	vst v3  }
0x5d: {  	v3 =	vld [tilespmem:s12+$0x0]  }
0x5e: {  	v4 =	vld [tilespmem:s31+$0x0];
	_ =	sdelay $0x1  }
0x5f: {  	v5 =	vld [tilespmem:s0+$0x0];
	_ =	sdelay $0x2  }
0x60: {  	v3 =	vmul.bf16 v3, v1;
	v4 =	vmul.bf16 v4, v0;
	_ =	sdelay $0x1  }
0x61: {  	v3 =	vadd.bf16 v4, v3;
	v4 =	vmul.bf16 v5, v2;
	_ =	sdelay $0x1  }
0x62: {  	v3 =	vadd.bf16 v4, v3;
	_ =	sdelay $0x1  }
0x63: {  	[tilespmem:s2+$0x0] =	vst v3  }
0x64: {  	v3 =	vld [tilespmem:s12+$0x10]  }
0x65: {  	v4 =	vld [tilespmem:s31+$0x10];
	_ =	sdelay $0x1  }
0x66: {  	v5 =	vld [tilespmem:s0+$0x10];
	_ =	sdelay $0x2  }
0x67: {  	v3 =	vmul.bf16 v3, v1;
	v4 =	vmul.bf16 v4, v0;
	_ =	sdelay $0x1  }
0x68: {  	v5 =	vmul.bf16 v5, v2;
	v3 =	vadd.bf16 v4, v3;
	_ =	sdelay $0x1  }
0x69: {  	v3 =	vadd.bf16 v5, v3;
	_ =	sdelay $0x1  }
0x6a: {  	[tilespmem:s2+$0x10] =	vst v3  }
0x6b: {  	v3 =	vld [tilespmem:s12+$0x20]  }
0x6c: {  	v4 =	vld [tilespmem:s31+$0x20];
	_ =	sdelay $0x1  }
0x6d: {  	v5 =	vld [tilespmem:s0+$0x20];
	_ =	sdelay $0x2  }
0x6e: {  	v3 =	vmul.bf16 v3, v1;
	v4 =	vmul.bf16 v4, v0;
	_ =	sdelay $0x1  }
0x6f: {  	v5 =	vmul.bf16 v5, v2;
	v3 =	vadd.bf16 v4, v3;
	_ =	sdelay $0x1  }
0x70: {  	v3 =	vadd.bf16 v5, v3;
	_ =	sdelay $0x1  }
0x71: {  	s8 =	smov.u32 s24;
	[tilespmem:s2+$0x20] =	vst v3  }
0x72: {  	p1 =	por !p1, p0;
	s1 =	sadd.s32 s6, s28;
	s10 =	sadd.s32 @!p2 $0x1, s24;
	v3 =	vld [tilespmem:s12+$0x30]  }
0x73: {  	s9 =	simm.s32 $0x1;
	s24 =	smov.u32 @p1 s10;
	s11 =	simm.s32 $0x0;
	v4 =	vld [tilespmem:s31+$0x30]  }
0x74: {  	s10 =	simm.s32 $0xC0;
	s24 =	smov.u32 @p0 s8;
	s11 =	simm.s32 @p1 $0x1;
	v5 =	vld [tilespmem:s0+$0x30]  }
0x75: {  	s8 =	smov.u32 s2;
	s11 =	simm.s32 @p0 $0x0;
	s12 =	sadd.s32 $0xC600, s17  }
.LBB2_3:
0x76: {  	s31 =	sadd.s32 $0x80, s31;
	s0 =	sadd.s32 $0x80, s0;
	s2 =	sadd.s32 $0x80, s2  }
0x77: {  	p1 =	sne.s32 s9, $0x7F;
	s17 =	smov.u32 s9;
	s9 =	sadd.s32 $0x1, s9;
	v1 =	vmul.bf16 v3, v1  }
0x78: {  	v0 =	vmul.bf16 v4, v0  }
0x79: {  	v2 =	vmul.bf16 v5, v2  }
0x7a: {  	v3 =	vmov s17;
	v0 =	vadd.bf16 v0, v1  }
0x7b: {  	v4 =	vor.u32 $0x100, v3;
	v1 =	vor.u32 $0x80, v3  }
0x7c: {  	v0 =	vadd.bf16 v2, v0;
	_ =	sdelay $0x1  }
0x7d: {  	[tilespmem:s8+$0x30] =	vst v0;
	s8 =	smov.u32 s2  }
0x7e: {  	v2 =	vld [tilespmem:s10+$0xFFFFFFC0]  }
0x7f: {  	v0 =	vld.idx.msk [tilespmem:v3+s29+$0x0], $0xffff  }
0x80: {  	v3 =	vld.idx.msk [tilespmem:v1+s29+$0x0], $0xffff  }
0x81: {  	v4 =	vld.idx.msk [tilespmem:v4+s29+$0x0], $0xffff  }
0x82: {  	v5 =	vld [tilespmem:s31+$0xFFFFFFC0]  }
0x83: {  	v6 =	vld [tilespmem:s0+$0xFFFFFFC0];
	_ =	sdelay $0x1  }
0x84: {  	v1 =	vpack.i.f32.bf16 v0, v0  }
0x85: {  	v0 =	vpack.i.f32.bf16 v3, v3;
	v3 =	vmul.bf16 v2, v1  }
0x86: {  	v2 =	vpack.i.f32.bf16 v4, v4;
	v4 =	vmul.bf16 v5, v0  }
0x87: {  	v5 =	vmul.bf16 v6, v2  }
0x88: {  	v3 =	vadd.bf16 v4, v3;
	_ =	sdelay $0x1  }
0x89: {  	v3 =	vadd.bf16 v5, v3;
	_ =	sdelay $0x1  }
0x8a: {  	[tilespmem:s2+$0xFFFFFFC0] =	vst v3  }
0x8b: {  	v3 =	vld [tilespmem:s10+$0xFFFFFFD0]  }
0x8c: {  	v4 =	vld [tilespmem:s31+$0xFFFFFFD0];
	_ =	sdelay $0x1  }
0x8d: {  	v5 =	vld [tilespmem:s0+$0xFFFFFFD0];
	_ =	sdelay $0x1  }
0x8e: {  	v3 =	vmul.bf16 v3, v1  }
0x8f: {  	v4 =	vmul.bf16 v4, v0;
	_ =	sdelay $0x1  }
0x90: {  	v3 =	vadd.bf16 v4, v3;
	v4 =	vmul.bf16 v5, v2;
	_ =	sdelay $0x1  }
0x91: {  	v3 =	vadd.bf16 v4, v3;
	_ =	sdelay $0x1  }
0x92: {  	[tilespmem:s2+$0xFFFFFFD0] =	vst v3  }
0x93: {  	v3 =	vld [tilespmem:s10+$0xFFFFFFE0]  }
0x94: {  	v4 =	vld [tilespmem:s31+$0xFFFFFFE0];
	_ =	sdelay $0x1  }
0x95: {  	v5 =	vld [tilespmem:s0+$0xFFFFFFE0];
	_ =	sdelay $0x1  }
0x96: {  	v3 =	vmul.bf16 v3, v1  }
0x97: {  	v4 =	vmul.bf16 v4, v0;
	_ =	sdelay $0x1  }
0x98: {  	v3 =	vadd.bf16 v4, v3;
	v4 =	vmul.bf16 v5, v2;
	_ =	sdelay $0x1  }
0x99: {  	v3 =	vadd.bf16 v4, v3;
	_ =	sdelay $0x1  }
0x9a: {  	[tilespmem:s2+$0xFFFFFFE0] =	vst v3  }
0x9b: {  	v3 =	vld [tilespmem:s10+$0xFFFFFFF0]  }
0x9c: {  	v4 =	vld [tilespmem:s31+$0xFFFFFFF0];
	_ =	sdelay $0x1  }
0x9d: {  	v5 =	vld [tilespmem:s0+$0xFFFFFFF0];
	_ =	sdelay $0x1  }
0x9e: {  	v3 =	vmul.bf16 v3, v1  }
0x9f: {  	v4 =	vmul.bf16 v4, v0;
	_ =	sdelay $0x1  }
0xa0: {  	v3 =	vadd.bf16 v4, v3;
	v4 =	vmul.bf16 v5, v2;
	_ =	sdelay $0x1  }
0xa1: {  	v3 =	vadd.bf16 v4, v3;
	_ =	sdelay $0x1  }
0xa2: {  	[tilespmem:s2+$0xFFFFFFF0] =	vst v3  }
0xa3: {  	v3 =	vld [tilespmem:s10+$0x0]  }
0xa4: {  	v4 =	vld [tilespmem:s31+$0x0];
	_ =	sdelay $0x1  }
0xa5: {  	v5 =	vld [tilespmem:s0+$0x0];
	_ =	sdelay $0x1  }
0xa6: {  	v3 =	vmul.bf16 v3, v1  }
0xa7: {  	v4 =	vmul.bf16 v4, v0;
	_ =	sdelay $0x1  }
0xa8: {  	v3 =	vadd.bf16 v4, v3;
	v4 =	vmul.bf16 v5, v2;
	_ =	sdelay $0x1  }
0xa9: {  	v3 =	vadd.bf16 v4, v3;
	_ =	sdelay $0x1  }
0xaa: {  	[tilespmem:s2+$0x0] =	vst v3  }
0xab: {  	v3 =	vld [tilespmem:s10+$0x10]  }
0xac: {  	v4 =	vld [tilespmem:s31+$0x10]  }
0xad: {  	v5 =	vld [tilespmem:s0+$0x10];
	_ =	sdelay $0x2  }
0xae: {  	v3 =	vmul.bf16 v3, v1  }
0xaf: {  	v4 =	vmul.bf16 v4, v0  }
0xb0: {  	v5 =	vmul.bf16 v5, v2  }
0xb1: {  	v3 =	vadd.bf16 v4, v3;
	_ =	sdelay $0x1  }
0xb2: {  	v3 =	vadd.bf16 v5, v3;
	_ =	sdelay $0x1  }
0xb3: {  	[tilespmem:s2+$0x10] =	vst v3  }
0xb4: {  	v3 =	vld [tilespmem:s10+$0x20]  }
0xb5: {  	v4 =	vld [tilespmem:s31+$0x20]  }
0xb6: {  	v5 =	vld [tilespmem:s0+$0x20];
	_ =	sdelay $0x2  }
0xb7: {  	v3 =	vmul.bf16 v3, v1  }
0xb8: {  	v4 =	vmul.bf16 v4, v0  }
0xb9: {  	v5 =	vmul.bf16 v5, v2  }
0xba: {  	v3 =	vadd.bf16 v4, v3;
	_ =	sdelay $0x1  }
0xbb: {  	v3 =	vadd.bf16 v5, v3;
	_ =	sdelay $0x1  }
.Ltmp0:
0xbc: {  	[tilespmem:s2+$0x20] =	vst v3;
	(pc) =	sbr.rel @p1 .LBB2_3-.Ltmp0, $4  }
0xbd: {  	v3 =	vld [tilespmem:s10+$0x30]  }
0xbe: {  	v4 =	vld [tilespmem:s31+$0x30]  }
0xbf: {  	v5 =	vld [tilespmem:s0+$0x30]  }
0xc0: {  	s10 =	sadd.s32 $0x80, s10  }
0xc1: {  	_ =	sdelay $0x1  }
0xc2: {  	v1 =	vmul.bf16 v3, v1;
	v0 =	vmul.bf16 v4, v0;
	_ =	sdelay $0x1  }
0xc3: {  	v2 =	vmul.bf16 v5, v2;
	v0 =	vadd.bf16 v0, v1;
	_ =	sdelay $0x1  }
0xc4: {  	p1 =	sne.s32 s28, s26;
	v0 =	vadd.bf16 v2, v0  }
0xc5: {  	p0 =	por p0, p1  }
0xc6: {  	p1 =	seq.s32 s25, $0x0;
	s0 =	sshll.u32 @p0 s1, $0xB;
	[tilespmem:s8+$0x30] =	vst v0  }
0xc7: {  	s1 =	sadd.s32 @p0 $0x5, s30;
	s0 =	sand.u32 @p0 $0x1FFFF800, s0;
	_ =	strace $0x90000059  }
0xc8: {  	s2 =	simm.s32 @p0 $0x0;
	s0 =	sadd.s32 @p0 s7, s0;
	_ =	strace @p0 $0x8000005A  }
0xc9: {  	[hbm4b:s0+s2] =	stream.linear.scatter @p0 [tilespmem:s12], [sflag:s1], $0x4000, $0x200038;
	[tilespmem:$0x14600] =	vst v63  }
0xca: {  	s0 =	sand.u32 @!p1 $0x1, s19;
	_ =	strace @p0 $0x9000005A  }
0xcb: {  	s0 =	sadd.s32 @!p1 $0x5, s0;
	_ =	strace @!p1 $0x8000005B  }
0xcc: {  	s1 =	simm.s32 $0x1;
	_ =	swait.ge @!p1 [sflag:s0], $0x4000  }
0xcd: {  	s1 =	simm.s32 @!p0 $0x0;
	p0 =	sne.s32 s25, $0x0;
	[sflag:s0] =	ssyncset.done @!p1 $0x0  }
0xce: {  	s25 =	sadd.s32 $0x1, s25;
	[sflag:s0] =	ssyncadd.s32 @!p1 $0xFFFFC000;
	s0 =	simm.s32 $0x1  }
0xcf: {  	s0 =	simm.s32 @!p0 $0x0;
	p0 =	sne.s32 s25, $0x8  }
.Ltmp1:
0xd0: {  	_ = 	snop;
	(pc) =	sbr.rel @p0 .LBB2_2-.Ltmp1, $4  }
0xd1: {  	_ = 	snop  }
0xd2: {  	s22 =	sadd.s32 s22, s11  }
0xd3: {  	s28 =	smov.u32 s26;
	s20 =	sadd.s32 s1, s20;
	s23 =	sadd.s32 s1, s23  }
0xd4: {  	s21 =	sadd.s32 s1, s21;
	_ =	strace @!p1 $0x9000005B;
	s19 =	sadd.s32 s0, s19  }
0xd5: {  	_ =	strace $0x8000005C;
	s0 =	simm.s32 $0x6  }
0xd6: {  	_ =	swait.ge [sflag:s0], $0x4000  }
0xd7: {  	s18 =	sadd.s32 $0x1, s18;
	s31 =	rddreg [dreg:$0x4]  }
0xd8: {  	p0 =	sne.s32 s18, s31  }
.Ltmp2:
0xd9: {  	_ = 	snop;
	(pc) =	sbr.rel @p0 .LBB2_1-.Ltmp2, $4  }
0xda: {  	_ = 	snop  }
0xdb: {  	[sflag:s0] =	ssyncset.done $0x0  }
0xdc: {  	[sflag:s0] =	ssyncadd.s32 $0xFFFFC000  }
0xdd: {  	_ =	strace $0x9000005C  }
0xde: {  	_ =	sfence.sel $0x180000  }
0xdf: {  	[bflag:$0x0] =	sbarrier.arrive $0xFFFF  }
0xe0: {  	_ =	strace $0x90000053  }
0xe1: {  	s0 =	stileid.u32;
	[bflag:$0x2] =	sbarrier.arrive $0xFFFF  }
0xe2: {  	p0 =	sne.s32 s0, $0x0;
	s0 =	rddreg [dreg:$0x1]  }
0xe3: {  	s0 =	sadd.s32 @!p0 $0x100000, s0  }
0xe4: {  	[sflag:s0] =	ssyncadd.tile.s32 @!p0 $0x1;
	_ =	shalt  }
.Lfunc_end2:
_tile_overlayer_lowered:
.L_overlay_start_2:
0xe5: {  	(tag) =	ssettag $0x2  }
0xe6: {  	s0 =	rddreg [dreg:$0x0];
	s2 =	stileid.u32  }
0xe7: {  	s1 =	rddreg [dreg:$0x1];
	p0 =	sne.s32 s2, $0x0  }
0xe8: {  	s3 =	rddreg [dreg:$0x2];
	[bflag:$0x3] =	sbarrier.arrive $0xFFFF;
	s2 =	simm.s32 @!p0 $0x1C01  }
0xe9: {  	[timem:s3], [sflag:s2] =	dma.local @!p0 [hbm:s0], s1  }
0xea: {  	s0 =	simm.s32 @!p0 $0x1  }
0xeb: {  	_ =	swait.ge @!p0 [sflag:s0], s1  }
0xec: {  	s1 =	ssub.s32 @!p0 $0x0, s1;
	[sflag:s0] =	ssyncset.done @!p0 $0x0  }
0xed: {  	[sflag:s0] =	ssyncadd.s32 @!p0 s1  }
0xee: {  	[bflag:$0x3] =	sbarrier.arrive $0xFFFF  }
0xef: {  	_ =	shalt  }

// kernel: kernel.8.cloned.1.call-start
scs
__scs_entry_jumppad:
0x0: {  	(pc) =	sbr.rel $0x88, $3  }
0x1: {  	(tag) =	ssettag $0x0;
	lr =	simm.s32 $0x1  }
0x2: {  	[smem:$0x3F9B] =	sst lr;
	_ =	strace $0xD0000000  }
0x3: {  	_ = 	snop  }
0x4: {  	_ = 	snop  }
0x5: {  	_ = 	snop  }
0x6: {  	_ = 	snop  }
0x7: {  	_ = 	snop  }
__scs_overlays_trampoline_lowered:
0x8: {  	[smem:$0x3FAA] =	sst s0  }
0x9: {  	[smem:$0x3FAB] =	sst s1  }
0xa: {  	[smem:$0x3FAC] =	sst s2  }
0xb: {  	[smem:$0x3FAD] =	sst s3  }
0xc: {  	[smem:$0x3FAE] =	sst s4  }
0xd: {  	[smem:$0x3FAF] =	sst s5  }
0xe: {  	[smem:$0x3FB0] =	sst s6  }
0xf: {  	[smem:$0x3FB1] =	sst s7  }
0x10: {  	[smem:$0x3FB2] =	sst s8  }
0x11: {  	[smem:$0x3FB3] =	sst s9;
	s0 =	simm.s32 @!p0 $0x0  }
0x12: {  	s1 =	sld [smem:$0x3F99];
	s0 =	simm.s32 @p0 $0x1  }
0x13: {  	[smem:$0x3FB4] =	sst s0;
	s0 =	simm.s32 @!p1 $0x0  }
0x14: {  	s2 =	sld [smem:$0x3F98];
	s0 =	simm.s32 @p1 $0x1  }
0x15: {  	[smem:$0x3FB5] =	sst s0;
	s0 =	simm.s32 @!p2 $0x0  }
0x16: {  	s3 =	sld [smem:$0x3FDB];
	s0 =	simm.s32 @p2 $0x1  }
0x17: {  	s4 =	simm.s32 $0x1BF5;
	[smem:$0x3FB7] =	sst s0  }
0x18: {  	s0 =	sld [smem:$0x3F9A];
	_ =	swait.ge [sflag:s4], $0x0  }
0x19: {  	s7 =	sld [smem:$0x3F9B]  }
0x1a: {  	s8 =	sadd.s32 $0xFFFFE003, lr  }
0x1b: {  	s9 =	sadd.s32 $0xFFFFFEF7, lr;
	s5 =	simm.s32 $0xFFFFFFFF;
	p2 =	slt.u32 s8, $0xFFFFF086  }
0x1c: {  	p1 =	slt.u32 s9, $0xF7A;
	s5 =	simm.s32 @!p2 $0x0  }
0x1d: {  	s5 =	simm.s32 @p1 $0x1;
	p0 =	seq.s32 s7, s2  }
0x1e: {  	s7 =	smul.u32 @!p0 $0xF7A, s2;
	p2 =	seq.s32 @!p0 s5, $0x0  }
0x1f: {  	s9 =	smul.u32 $0xF7A, s1;
	s8 =	simm.s32 @!p0 $0x1BF5;
	p2 =	por !p2, p0  }
0x20: {  	[sflag:s8] =	ssyncset.s32 @!p0 $0xFFFFF086;
	s6 =	sadd.s32 @!p0 s3, s7;
	s7 =	simm.s32 @!p0 $0x108  }
0x21: {  	s3 =	sadd.s32 s3, s9;
	s6 =	sadd.s32 @!p0 $0x88, s6;
	s7 =	simm.s32 @p2 $0x1082  }
0x22: {  	[simem:s7], [sflag:s8] =	dma.local @!p0 [hbm:s6], $0xF7A  }
0x23: {  	s9 =	sor.u32 $0xD0000000, s2;
	s6 =	simm.s32 $0x108;
	_ =	swait.ge @!p0 [sflag:s8], $0x0  }
0x24: {  	s3 =	sadd.s32 $0x88, s3;
	s6 =	simm.s32 @!p1 $0x1082;
	[sflag:s4] =	ssyncset.s32 $0xFFFFF086  }
0x25: {  	[simem:s6], [sflag:s4] =	dma.local [hbm:s3], $0xF7A  }
0x26: {  	[smem:$0x3F9B] =	sst s1;
	(tag) =	ssettag s2;
	_ =	strace s9  }
0x27: {  	s1 =	sld [smem:$0x3FAB]  }
0x28: {  	s2 =	sld [smem:$0x3FAC]  }
0x29: {  	s4 =	sld [smem:$0x3FAE]  }
0x2a: {  	p0 =	seq.s32 s5, $0x0;
	s5 =	sld [smem:$0x3FAF]  }
0x2b: {  	s6 =	sld [smem:$0x3FB0]  }
0x2c: {  	s7 =	sld [smem:$0x3FB1]  }
0x2d: {  	s3 =	simm.s32 $0x108;
	s8 =	sld [smem:$0x3FB2]  }
0x2e: {  	s3 =	simm.s32 @!p0 $0x1082;
	s9 =	sld [smem:$0x3FB3]  }
0x2f: {  	lr =	sadd.s32 s0, s3;
	s0 =	sld [smem:$0x3FAA]  }
0x30: {  	s3 =	sld [smem:$0x3FAD]  }
0x31: {  	[smem:$0x3FB6] =	sst s10  }
0x32: {  	s10 =	sld [smem:$0x3FB4];
	_ =	sdelay $0x3  }
0x33: {  	p0 =	seq.s32 s10, $0x1;
	s10 =	sld [smem:$0x3FB6];
	_ =	sdelay $0x3  }
0x34: {  	[smem:$0x3FB6] =	sst s10  }
0x35: {  	s10 =	sld [smem:$0x3FB5];
	_ =	sdelay $0x3  }
0x36: {  	p1 =	seq.s32 s10, $0x1;
	s10 =	sld [smem:$0x3FB6];
	_ =	sdelay $0x3  }
0x37: {  	[smem:$0x3FB6] =	sst s10  }
0x38: {  	s10 =	sld [smem:$0x3FB7]  }
0x39: {  	_ = 	snop;
	(pc) =	sbr.ind lr, $3  }
0x3a: {  	_ = 	snop  }
0x3b: {  	_ = 	snop  }
0x3c: {  	p2 =	seq.s32 s10, $0x1;
	s10 =	sld [smem:$0x3FB6]  }
0x3d: {  	_ =	shalt  }
0x3e: {  	_ =	shalt  }
0x3f: {  	_ =	shalt  }
0x40: {  	_ =	shalt  }
0x41: {  	_ =	shalt  }
0x42: {  	_ =	shalt  }
0x43: {  	_ =	shalt  }
0x44: {  	_ =	shalt  }
0x45: {  	_ =	shalt  }
0x46: {  	_ =	shalt  }
0x47: {  	_ =	shalt  }
0x48: {  	_ =	shalt  }
0x49: {  	_ =	shalt  }
0x4a: {  	_ =	shalt  }
0x4b: {  	_ =	shalt  }
0x4c: {  	_ =	shalt  }
0x4d: {  	_ =	shalt  }
0x4e: {  	_ =	shalt  }
0x4f: {  	_ =	shalt  }
0x50: {  	_ =	shalt  }
0x51: {  	_ =	shalt  }
0x52: {  	_ =	shalt  }
0x53: {  	_ =	shalt  }
0x54: {  	_ =	shalt  }
0x55: {  	_ =	shalt  }
0x56: {  	_ =	shalt  }
0x57: {  	_ =	shalt  }
0x58: {  	_ =	shalt  }
0x59: {  	_ =	shalt  }
0x5a: {  	_ =	shalt  }
0x5b: {  	_ =	shalt  }
0x5c: {  	_ =	shalt  }
0x5d: {  	_ =	shalt  }
0x5e: {  	_ =	shalt  }
0x5f: {  	_ =	shalt  }
0x60: {  	_ =	shalt  }
0x61: {  	_ =	shalt  }
0x62: {  	_ =	shalt  }
0x63: {  	_ =	shalt  }
0x64: {  	_ =	shalt  }
0x65: {  	_ =	shalt  }
0x66: {  	_ =	shalt  }
0x67: {  	_ =	shalt  }
0x68: {  	_ =	shalt  }
0x69: {  	_ =	shalt  }
0x6a: {  	_ =	shalt  }
0x6b: {  	_ =	shalt  }
0x6c: {  	_ =	shalt  }
0x6d: {  	_ =	shalt  }
0x6e: {  	_ =	shalt  }
0x6f: {  	_ =	shalt  }
0x70: {  	_ =	shalt  }
0x71: {  	_ =	shalt  }
0x72: {  	_ =	shalt  }
0x73: {  	_ =	shalt  }
0x74: {  	_ =	shalt  }
0x75: {  	_ =	shalt  }
0x76: {  	_ =	shalt  }
0x77: {  	_ =	shalt  }
0x78: {  	_ =	shalt  }
0x79: {  	_ =	shalt  }
0x7a: {  	_ =	shalt  }
0x7b: {  	_ =	shalt  }
0x7c: {  	_ =	shalt  }
0x7d: {  	_ =	shalt  }
0x7e: {  	_ =	shalt  }
0x7f: {  	_ =	shalt  }
0x80: {  	_ =	shalt  }
0x81: {  	_ =	shalt  }
0x82: {  	_ =	shalt  }
0x83: {  	_ =	shalt  }
0x84: {  	_ =	shalt  }
0x85: {  	_ =	shalt  }
0x86: {  	_ =	shalt  }
0x87: {  	_ =	shalt  }
.Lfunc_end0:
.L_simem_size_0:
called_computation_lowered:
.L_overlay_start_0:
0x88: {  	s2 =	sld [smem:$0x3FD9]  }
0x89: {  	s3 =	sld [smem:$0x3FFE];
	_ =	sdelay $0x1  }
0x8a: {  	s1 =	srdreg.scid  }
0x8b: {  	s0 =	sand.u32 $0x1, s1  }
0x8c: {  	s16 =	sshll.u32 s0, $0xA;
	s2 =	sadd.s32 s3, s2  }
0x8d: {  	s2 =	sadd.s32 s2, s16  }
0x8e: {  	[smem:$0x3FC2] =	sst s2  }
0x8f: {  	_ = 	snop  }
0x90: {  	(tm) =	ssettm $0x1  }
0x91: {  	s17 =	sld [smem:$0x3FFB];
	_ =	sdelay $0x3  }
0x92: {  	_ =	strace s17  }
0x93: {  	s2 =	sld [smem:$0x3FFC];
	_ =	sdelay $0x3  }
0x94: {  	_ =	strace s2  }
0x95: {  	s2 =	sld [smem:$0x3FFD];
	_ =	sdelay $0x3  }
0x96: {  	_ =	strace s2  }
0x97: {  	_ =	strace $0x8FFFFFFF  }
0x98: {  	s18 =	sld [smem:$0x3FDB];
	_ =	sdelay $0x1  }
0x99: {  	s19 =	simm.s32 $_scs_section_size  }
0x9a: {  	s4 =	simm.s32 $_size__tile_overlayer_lowered;
	s5 =	simm.s32 $_tile_overlayer_lowered  }
0x9b: {  	s22 =	simm.s32 $0x1BFF;
	s21 =	sshll.u32 s5, $0x1;
	s2 =	sadd.s32 s19, s18  }
0x9c: {  	s6 =	simm.s32 $0x0;
	s20 =	sshll.u32 s4, $0x1;
	s4 =	sadd.s32 s21, s2  }
0x9d: {  	[timem:s6], [sflag:s22] =	dma.local [hbm:s4], s20  }
0x9e: {  	_ =	swait.ge [sflag:s22], s20  }
0x9f: {  	s3 =	ssub.s32 $0x0, s20;
	[sflag:s22] =	ssyncset.done $0x0  }
0xa0: {  	[sflag:s22] =	ssyncadd.s32 s3;
	_ =	sdelay $0x1  }
0xa1: {  	s23 =	simm.s32 $0x1B8B  }
0xa2: {  	_ =	swait.ge [sflag:s23], $0x1  }
0xa3: {  	[sflag:s23] =	ssyncset.done $0x0  }
0xa4: {  	s25 =	simm.s32 $0x1B8E;
	s24 =	sld [smem:$0x3FFE];
	[sflag:s23] =	ssyncadd.s32 $0xFFFFFFFF  }
0xa5: {  	s26 =	simm.s32 $execute0_lowered;
	[smem:$0x3FD2] =	sst s25  }
0xa6: {  	s4 =	sshll.u32 s26, $0x1;
	_ =	strace $0x80000046;
	[dreg:$0x1] =	wrdreg $0xFFFFFFFF  }
0xa7: {  	s28 =	simm.s32 $_size_execute0_lowered;
	s2 =	sadd.s32 s2, s4;
	[dreg:$0x0] =	wrdreg $0x0  }
0xa8: {  	s4 =	sshll.u32 s28, $0x1;
	[dreg:$0x2] =	wrdreg s2  }
0xa9: {  	[dreg:$0x3] =	wrdreg s4  }
0xaa: {  	[dreg:$0x4] =	wrdreg $0xC0  }
0xab: {  	_ =	task [dreg:s6], $0x5FFFF  }
0xac: {  	[dreg:$0x1] =	wrdreg $0xFFFFFFFF  }
0xad: {  	[dreg:$0x0] =	wrdreg $0x60  }
0xae: {  	[dreg:$0x2] =	wrdreg s24  }
0xaf: {  	[dreg:$0x3] =	wrdreg $0x9  }
0xb0: {  	_ =	task.clear_ibuf [dreg:s6], $0x4FFFF;
	_ =	strace $0x90000046  }
0xb1: {  	s29 =	simm.s32 $0x9;
	_ =	strace $0x80000051  }
0xb2: {  	_ =	swait.ge [sflag:s29], $0x1  }
0xb3: {  	[sflag:s29] =	ssyncadd.s32 $0xFFFFFFFF  }
0xb4: {  	_ =	strace $0x90000051  }
0xb5: {  	_ =	sfence  }
0xb6: {  	s30 =	sld [smem:$0x0];
	_ =	sdelay $0x2  }
0xb7: {  	s31 =	sshll.u32 s1, $0xD;
	s1 =	sshrl.u32 s1, $0x2  }
0xb8: {  	s3 =	sand.u32 $0x4000, s31;
	s1 =	sadd.s32 s1, s30  }
0xb9: {  	s0 =	sor.u32 s3, s0;
	s1 =	sshll.u32 s1, $0x11  }
0xba: {  	s0 =	sor.u32 s1, s0  }
0xbb: {  	s0 =	sadd.s32 $0x8F2B, s0  }
0xbc: {  	[sflag:s0] =	ssyncadd.remote.s32 $0x1  }
0xbd: {  	_ =	sfence.sel $0xFFFF  }
0xbe: {  	[dreg:$0x0] =	wrdreg $0xFFFFFFFF;
	(pc) =	sbr.abs _section_cstart, $3  }
0xbf: {  	[dreg:$0x1] =	wrdreg $0xFFFFFFFF  }
0xc0: {  	_ =	task.clear_ibuf [dreg:s6], $0x2FFFF;
	_ =	strace $0x9FFFFFFF  }
0xc1: {  	(tm) =	ssettm $0x7FFFFFFF  }
tec
execute0_lowered:
.L_overlay_start_1:
0x0: {  	(tag) =	ssettag $0x1  }
0x1: {  	s0 =	rddreg [dreg:$0x0];
	s1 =	simm.s32 $0x0  }
0x2: {  	s28 =	srdreg.scid;
	s5 =	stileid.u32;
	s13 =	simm.s32 $0x80  }
0x3: {  	s14 =	simm.s32 $0x7;
	[smem:$0x7FF] =	sst s1;
	s1 =	sand.u32 $0x1, s28  }
0x4: {  	s3 =	sadd.s32 $0x2E00, s0;
	s6 =	sshll.u32 s5, $0x3;
	s2 =	sshll.u32 s1, $0x7  }
0x5: {  	s4 =	sadd.s32 $0x22E00, s0;
	s5 =	sadd.s32 $0x26E00, s0;
	s6 =	sor.u32 s6, s2  }
0x6: {  	s7 =	sadd.s32 $0x2AE00, s0;
	s1 =	ssub.s32 $0x2, s1;
	s2 =	sshll.u32 s6, $0x6  }
0x7: {  	_ =	strace $0x80000047;
	s29 =	sshrl.u32 s1, $0x1;
	s30 =	sadd.s32 s4, s2  }
0x8: {  	s0 =	ssub.s32 s1, s29;
	s31 =	sadd.s32 s5, s2;
	[dreg:$0x2] =	wrdreg s30  }
0x9: {  	s15 =	simm.s32 $0x4000;
	s0 =	smax.u32 s0, $0x1;
	[dreg:$0x3] =	wrdreg s31  }
0xa: {  	s16 =	simm.s32 $0x8000;
	s18 =	simm.s32 $0x0;
	[dreg:$0x4] =	wrdreg s0  }
.LBB2_1:
0xb: {  	_ =	strace $0x80000048;
	s0 =	simm.s32 $0x0;
	s2 =	simm.s32 $0xC000  }
0xc: {  	s31 =	simm.s32 $0xC300;
	s28 =	simm.s32 $0x0;
	s19 =	simm.s32 $0x0  }
0xd: {  	s20 =	simm.s32 $0x0;
	s21 =	simm.s32 $0x0;
	s1 =	rddreg [dreg:$0x2]  }
0xe: {  	[tilespmem:s2], [sflag:$0x1] =	stream.linear.gather [hbm4b:s1+s0], $0x180, $0x200038;
	[tilespmem:$0x14600] =	vst v63  }
0xf: {  	s22 =	simm.s32 $0x1;
	s23 =	simm.s32 $0x0;
	s30 =	rddreg [dreg:$0x3]  }
0x10: {  	[tilespmem:s31], [sflag:$0x3] =	stream.linear.gather [hbm4b:s30+s0], $0x180, $0x200038;
	[tilespmem:$0x14600] =	vst v63  }
0x11: {  	s24 =	simm.s32 $0x1;
	s25 =	simm.s32 $0x0;
	_ =	strace $0x90000048  }
.LBB2_2:
0x12: {  	s26 =	sadd.s32 $0x1, s28  }
0x13: {  	p0 =	seq.s32 s26, $0x8  }
0x14: {  	s26 =	simm.s32 @p0 $0x0;
	p0 =	seq.s32 s25, $0x7  }
0x15: {  	p1 =	seq.s32 @!p0 s28, s26  }
0x16: {  	p2 =	por p1, p0  }
0x17: {  	s0 =	sand.u32 @!p2 $0x1, s24  }
0x18: {  	s2 =	sadd.s32 @!p2 s6, s26;
	s1 =	smul.u32 @!p2 $0x600, s0  }
0x19: {  	_ =	strace @!p2 $0x80000049;
	s2 =	sshll.u32 @!p2 s2, $0x6  }
0x1a: {  	s10 =	simm.s32 @!p2 $0x0;
	s2 =	sand.u32 @!p2 $0x1FFFFFC0, s2;
	s1 =	sshrl.u32 @!p2 s1, $0x2  }
0x1b: {  	s0 =	sadd.s32 @!p2 $0x1, s0;
	s9 =	sadd.s32 @!p2 s4, s2;
	s1 =	sor.u32 @!p2 $0xC000, s1  }
0x1c: {  	[tilespmem:s1], [sflag:s0] =	stream.linear.gather @!p2 [hbm4b:s9+s10], $0x180, $0x200038;
	[tilespmem:$0x14600] =	vst v63  }
0x1d: {  	s0 =	sand.u32 @!p2 $0x1, s22  }
0x1e: {  	s1 =	smul.u32 @!p2 $0x600, s0;
	_ =	sdelay $0x1  }
0x1f: {  	s2 =	sadd.s32 @!p2 s5, s2;
	_ =	strace @!p2 $0x90000049;
	s1 =	sshrl.u32 @!p2 s1, $0x2  }
0x20: {  	s0 =	sadd.s32 @!p2 $0x3, s0;
	_ =	strace @!p2 $0x8000004A;
	s1 =	sadd.s32 @!p2 $0xC300, s1  }
0x21: {  	[tilespmem:s1], [sflag:s0] =	stream.linear.gather @!p2 [hbm4b:s2+s10], $0x180, $0x200038;
	[tilespmem:$0x14600] =	vst v63  }
0x22: {  	s10 =	sand.u32 $0x1, s23;
	_ =	strace @!p2 $0x9000004A  }
0x23: {  	s11 =	sadd.s32 $0x1, s10;
	_ =	strace $0x8000004B  }
0x24: {  	_ =	swait.ge [sflag:s11], $0x180  }
0x25: {  	[sflag:s11] =	ssyncset.done $0x0  }
0x26: {  	[sflag:s11] =	ssyncadd.s32 $0xFFFFFE80  }
0x27: {  	s12 =	sand.u32 $0x1, s21;
	_ =	strace $0x9000004B  }
0x28: {  	s17 =	sadd.s32 $0x3, s12;
	_ =	strace $0x8000004C  }
0x29: {  	_ =	swait.ge [sflag:s17], $0x180  }
0x2a: {  	[sflag:s17] =	ssyncset.done $0x0  }
0x2b: {  	s0 =	simm.s32 $0x180;
	p3 =	seq.s32 s10, $0x1;
	[sflag:s17] =	ssyncadd.s32 $0xFFFFFE80  }
0x2c: {  	s0 =	simm.s32 @!p3 $0x0;
	_ =	strace $0x9000004C  }
0x2d: {  	s10 =	simm.s32 $0x0;
	s9 =	sor.u32 $0xC000, s0;
	_ =	strace $0x8000004D  }
0x2e: {  	[tilespmem:s10], [sflag:$0x7] =	stream.indirect.gather [hbm4b:s3+s13], $0x80, s9, s13, $0x2000b8;
	[tilespmem:$0x14600] =	vst v63  }
0x2f: {  	_ =	swait.ge [sflag:s14], $0x4000  }
0x30: {  	[sflag:s14] =	ssyncset.done $0x0  }
0x31: {  	s11 =	sadd.s32 $0xC080, s0;
	[sflag:s14] =	ssyncadd.s32 $0xFFFFC000  }
0x32: {  	[tilespmem:s15], [sflag:$0x7] =	stream.indirect.gather [hbm4b:s3+s13], $0x80, s11, s13, $0x2000b8;
	[tilespmem:$0x14600] =	vst v63  }
0x33: {  	_ =	swait.ge [sflag:s14], $0x4000  }
0x34: {  	[sflag:s14] =	ssyncset.done $0x0  }
0x35: {  	s0 =	sadd.s32 $0xC100, s0;
	[sflag:s14] =	ssyncadd.s32 $0xFFFFC000  }
0x36: {  	v0 =	vmov s10;
	[tilespmem:s16], [sflag:$0x7] =	stream.indirect.gather [hbm4b:s3+s13], $0x80, s0, s13, $0x2000b8;
	[tilespmem:$0x14600] =	vst v63  }
0x37: {  	v1 =	vor.u32 $0x80, v0;
	_ =	swait.ge [sflag:s14], $0x4000  }
0x38: {  	s29 =	simm.s32 $0xC480;
	[sflag:s14] =	ssyncset.done $0x0  }
0x39: {  	p3 =	seq.s32 s12, $0x1;
	s12 =	simm.s32 $0x40;
	v2 =	vor.u32 $0x100, v0;
	[sflag:s14] =	ssyncadd.s32 $0xFFFFC000  }
0x3a: {  	s29 =	simm.s32 @!p3 $0xC300;
	v3 =	vld [tilespmem:s12+$0xFFFFFFC0]  }
0x3b: {  	v0 =	vld.idx.msk [tilespmem:v0+s29+$0x0], $0xffff  }
0x3c: {  	s31 =	simm.s32 $0x4040;
	v4 =	vld.idx.msk [tilespmem:v1+s29+$0x0], $0xffff  }
0x3d: {  	v5 =	vld [tilespmem:s31+$0xFFFFFFC0]  }
0x3e: {  	s0 =	simm.s32 $0x8040;
	v2 =	vld.idx.msk [tilespmem:v2+s29+$0x0], $0xffff  }
0x3f: {  	v6 =	vld [tilespmem:s0+$0xFFFFFFC0];
	_ =	sdelay $0x1  }
0x40: {  	v1 =	vpack.i.f32.bf16 v0, v0;
	v0 =	vpack.i.f32.bf16 v4, v4  }
0x41: {  	v3 =	vmul.bf16 v3, v1;
	v4 =	vmul.bf16 v5, v0  }
0x42: {  	v2 =	vpack.i.f32.bf16 v2, v2  }
0x43: {  	v5 =	vmul.bf16 v6, v2;
	v3 =	vadd.bf16 v4, v3  }
0x44: {  	s30 =	sand.u32 $0x1, s20  }
0x45: {  	s17 =	sshll.u32 s30, $0xE;
	v3 =	vadd.bf16 v5, v3  }
0x46: {  	s2 =	sadd.s32 $0xC640, s17  }
0x47: {  	[tilespmem:s2+$0xFFFFFFC0] =	vst v3  }
0x48: {  	v3 =	vld [tilespmem:s12+$0xFFFFFFD0]  }
0x49: {  	v4 =	vld [tilespmem:s31+$0xFFFFFFD0];
	_ =	sdelay $0x1  }
0x4a: {  	v5 =	vld [tilespmem:s0+$0xFFFFFFD0];
	_ =	sdelay $0x2  }
0x4b: {  	v3 =	vmul.bf16 v3, v1;
	v4 =	vmul.bf16 v4, v0;
	_ =	sdelay $0x1  }
0x4c: {  	v3 =	vadd.bf16 v4, v3;
	v4 =	vmul.bf16 v5, v2;
	_ =	sdelay $0x1  }
0x4d: {  	v3 =	vadd.bf16 v4, v3;
	_ =	sdelay $0x1  }
0x4e: {  	[tilespmem:s2+$0xFFFFFFD0] =	vst v3  }
0x4f: {  	v3 =	vld [tilespmem:s12+$0xFFFFFFE0]  }
0x50: {  	v4 =	vld [tilespmem:s31+$0xFFFFFFE0];
	_ =	sdelay $0x1  }
0x51: {  	v5 =	vld [tilespmem:s0+$0xFFFFFFE0];
	_ =	sdelay $0x2  }
0x52: {  	v3 =	vmul.bf16 v3, v1;
	v4 =	vmul.bf16 v4, v0;
	_ =	sdelay $0x1  }
0x53: {  	v3 =	vadd.bf16 v4, v3;
	v4 =	vmul.bf16 v5, v2;
	_ =	sdelay $0x1  }
0x54: {  	v3 =	vadd.bf16 v4, v3;
	_ =	sdelay $0x1  }
0x55: {  	[tilespmem:s2+$0xFFFFFFE0] =	vst v3  }
0x56: {  	v3 =	vld [tilespmem:s12+$0xFFFFFFF0]  }
0x57: {  	v4 =	vld [tilespmem:s31+$0xFFFFFFF0];
	_ =	sdelay $0x1  }
0x58: {  	v5 =	vld [tilespmem:s0+$0xFFFFFFF0];
	_ =	sdelay $0x2  }
0x59: {  	v3 =	vmul.bf16 v3, v1;
	v4 =	vmul.bf16 v4, v0;
	_ =	sdelay $0x1  }
0x5a: {  	v3 =	vadd.bf16 v4, v3;
	v4 =	vmul.bf16 v5, v2;
	_ =	sdelay $0x1  }
0x5b: {  	v3 =	vadd.bf16 v4, v3;
	_ =	sdelay $0x1  }
0x5c: {  	[tilespmem:s2+$0xFFFFFFF0] =	vst v3  }
0x5d: {  	v3 =	vld [tilespmem:s12+$0x0]  }
0x5e: {  	v4 =	vld [tilespmem:s31+$0x0];
	_ =	sdelay $0x1  }
0x5f: {  	v5 =	vld [tilespmem:s0+$0x0];
	_ =	sdelay $0x2  }
0x60: {  	v3 =	vmul.bf16 v3, v1;
	v4 =	vmul.bf16 v4, v0;
	_ =	sdelay $0x1  }
0x61: {  	v3 =	vadd.bf16 v4, v3;
	v4 =	vmul.bf16 v5, v2;
	_ =	sdelay $0x1  }
0x62: {  	v3 =	vadd.bf16 v4, v3;
	_ =	sdelay $0x1  }
0x63: {  	[tilespmem:s2+$0x0] =	vst v3  }
0x64: {  	v3 =	vld [tilespmem:s12+$0x10]  }
0x65: {  	v4 =	vld [tilespmem:s31+$0x10];
	_ =	sdelay $0x1  }
0x66: {  	v5 =	vld [tilespmem:s0+$0x10];
	_ =	sdelay $0x2  }
0x67: {  	v3 =	vmul.bf16 v3, v1;
	v4 =	vmul.bf16 v4, v0;
	_ =	sdelay $0x1  }
0x68: {  	v5 =	vmul.bf16 v5, v2;
	v3 =	vadd.bf16 v4, v3;
	_ =	sdelay $0x1  }
0x69: {  	v3 =	vadd.bf16 v5, v3;
	_ =	sdelay $0x1  }
0x6a: {  	[tilespmem:s2+$0x10] =	vst v3  }
0x6b: {  	v3 =	vld [tilespmem:s12+$0x20]  }
0x6c: {  	v4 =	vld [tilespmem:s31+$0x20];
	_ =	sdelay $0x1  }
0x6d: {  	v5 =	vld [tilespmem:s0+$0x20];
	_ =	sdelay $0x2  }
0x6e: {  	v3 =	vmul.bf16 v3, v1;
	v4 =	vmul.bf16 v4, v0;
	_ =	sdelay $0x1  }
0x6f: {  	v5 =	vmul.bf16 v5, v2;
	v3 =	vadd.bf16 v4, v3;
	_ =	sdelay $0x1  }
0x70: {  	v3 =	vadd.bf16 v5, v3;
	_ =	sdelay $0x1  }
0x71: {  	s8 =	smov.u32 s24;
	[tilespmem:s2+$0x20] =	vst v3  }
0x72: {  	p1 =	por !p1, p0;
	s1 =	sadd.s32 s6, s28;
	s10 =	sadd.s32 @!p2 $0x1, s24;
	v3 =	vld [tilespmem:s12+$0x30]  }
0x73: {  	s9 =	simm.s32 $0x1;
	s24 =	smov.u32 @p1 s10;
	s11 =	simm.s32 $0x0;
	v4 =	vld [tilespmem:s31+$0x30]  }
0x74: {  	s10 =	simm.s32 $0xC0;
	s24 =	smov.u32 @p0 s8;
	s11 =	simm.s32 @p1 $0x1;
	v5 =	vld [tilespmem:s0+$0x30]  }
0x75: {  	s8 =	smov.u32 s2;
	s11 =	simm.s32 @p0 $0x0;
	s12 =	sadd.s32 $0xC600, s17  }
.LBB2_3:
0x76: {  	s31 =	sadd.s32 $0x80, s31;
	s0 =	sadd.s32 $0x80, s0;
	s2 =	sadd.s32 $0x80, s2  }
0x77: {  	p1 =	sne.s32 s9, $0x7F;
	s17 =	smov.u32 s9;
	s9 =	sadd.s32 $0x1, s9;
	v1 =	vmul.bf16 v3, v1  }
0x78: {  	v0 =	vmul.bf16 v4, v0  }
0x79: {  	v2 =	vmul.bf16 v5, v2  }
0x7a: {  	v3 =	vmov s17;
	v0 =	vadd.bf16 v0, v1  }
0x7b: {  	v4 =	vor.u32 $0x100, v3;
	v1 =	vor.u32 $0x80, v3  }
0x7c: {  	v0 =	vadd.bf16 v2, v0;
	_ =	sdelay $0x1  }
0x7d: {  	[tilespmem:s8+$0x30] =	vst v0;
	s8 =	smov.u32 s2  }
0x7e: {  	v2 =	vld [tilespmem:s10+$0xFFFFFFC0]  }
0x7f: {  	v0 =	vld.idx.msk [tilespmem:v3+s29+$0x0], $0xffff  }
0x80: {  	v3 =	vld.idx.msk [tilespmem:v1+s29+$0x0], $0xffff  }
0x81: {  	v4 =	vld.idx.msk [tilespmem:v4+s29+$0x0], $0xffff  }
0x82: {  	v5 =	vld [tilespmem:s31+$0xFFFFFFC0]  }
0x83: {  	v6 =	vld [tilespmem:s0+$0xFFFFFFC0];
	_ =	sdelay $0x1  }
0x84: {  	v1 =	vpack.i.f32.bf16 v0, v0  }
0x85: {  	v0 =	vpack.i.f32.bf16 v3, v3;
	v3 =	vmul.bf16 v2, v1  }
0x86: {  	v2 =	vpack.i.f32.bf16 v4, v4;
	v4 =	vmul.bf16 v5, v0  }
0x87: {  	v5 =	vmul.bf16 v6, v2  }
0x88: {  	v3 =	vadd.bf16 v4, v3;
	_ =	sdelay $0x1  }
0x89: {  	v3 =	vadd.bf16 v5, v3;
	_ =	sdelay $0x1  }
0x8a: {  	[tilespmem:s2+$0xFFFFFFC0] =	vst v3  }
0x8b: {  	v3 =	vld [tilespmem:s10+$0xFFFFFFD0]  }
0x8c: {  	v4 =	vld [tilespmem:s31+$0xFFFFFFD0];
	_ =	sdelay $0x1  }
0x8d: {  	v5 =	vld [tilespmem:s0+$0xFFFFFFD0];
	_ =	sdelay $0x1  }
0x8e: {  	v3 =	vmul.bf16 v3, v1  }
0x8f: {  	v4 =	vmul.bf16 v4, v0;
	_ =	sdelay $0x1  }
0x90: {  	v3 =	vadd.bf16 v4, v3;
	v4 =	vmul.bf16 v5, v2;
	_ =	sdelay $0x1  }
0x91: {  	v3 =	vadd.bf16 v4, v3;
	_ =	sdelay $0x1  }
0x92: {  	[tilespmem:s2+$0xFFFFFFD0] =	vst v3  }
0x93: {  	v3 =	vld [tilespmem:s10+$0xFFFFFFE0]  }
0x94: {  	v4 =	vld [tilespmem:s31+$0xFFFFFFE0];
	_ =	sdelay $0x1  }
0x95: {  	v5 =	vld [tilespmem:s0+$0xFFFFFFE0];
	_ =	sdelay $0x1  }
0x96: {  	v3 =	vmul.bf16 v3, v1  }
0x97: {  	v4 =	vmul.bf16 v4, v0;
	_ =	sdelay $0x1  }
0x98: {  	v3 =	vadd.bf16 v4, v3;
	v4 =	vmul.bf16 v5, v2;
	_ =	sdelay $0x1  }
0x99: {  	v3 =	vadd.bf16 v4, v3;
	_ =	sdelay $0x1  }
0x9a: {  	[tilespmem:s2+$0xFFFFFFE0] =	vst v3  }
0x9b: {  	v3 =	vld [tilespmem:s10+$0xFFFFFFF0]  }
0x9c: {  	v4 =	vld [tilespmem:s31+$0xFFFFFFF0];
	_ =	sdelay $0x1  }
0x9d: {  	v5 =	vld [tilespmem:s0+$0xFFFFFFF0];
	_ =	sdelay $0x1  }
0x9e: {  	v3 =	vmul.bf16 v3, v1  }
0x9f: {  	v4 =	vmul.bf16 v4, v0;
	_ =	sdelay $0x1  }
0xa0: {  	v3 =	vadd.bf16 v4, v3;
	v4 =	vmul.bf16 v5, v2;
	_ =	sdelay $0x1  }
0xa1: {  	v3 =	vadd.bf16 v4, v3;
	_ =	sdelay $0x1  }
0xa2: {  	[tilespmem:s2+$0xFFFFFFF0] =	vst v3  }
0xa3: {  	v3 =	vld [tilespmem:s10+$0x0]  }
0xa4: {  	v4 =	vld [tilespmem:s31+$0x0];
	_ =	sdelay $0x1  }
0xa5: {  	v5 =	vld [tilespmem:s0+$0x0];
	_ =	sdelay $0x1  }
0xa6: {  	v3 =	vmul.bf16 v3, v1  }
0xa7: {  	v4 =	vmul.bf16 v4, v0;
	_ =	sdelay $0x1  }
0xa8: {  	v3 =	vadd.bf16 v4, v3;
	v4 =	vmul.bf16 v5, v2;
	_ =	sdelay $0x1  }
0xa9: {  	v3 =	vadd.bf16 v4, v3;
	_ =	sdelay $0x1  }
0xaa: {  	[tilespmem:s2+$0x0] =	vst v3  }
0xab: {  	v3 =	vld [tilespmem:s10+$0x10]  }
0xac: {  	v4 =	vld [tilespmem:s31+$0x10]  }
0xad: {  	v5 =	vld [tilespmem:s0+$0x10];
	_ =	sdelay $0x2  }
0xae: {  	v3 =	vmul.bf16 v3, v1  }
0xaf: {  	v4 =	vmul.bf16 v4, v0  }
0xb0: {  	v5 =	vmul.bf16 v5, v2  }
0xb1: {  	v3 =	vadd.bf16 v4, v3;
	_ =	sdelay $0x1  }
0xb2: {  	v3 =	vadd.bf16 v5, v3;
	_ =	sdelay $0x1  }
0xb3: {  	[tilespmem:s2+$0x10] =	vst v3  }
0xb4: {  	v3 =	vld [tilespmem:s10+$0x20]  }
0xb5: {  	v4 =	vld [tilespmem:s31+$0x20]  }
0xb6: {  	v5 =	vld [tilespmem:s0+$0x20];
	_ =	sdelay $0x2  }
0xb7: {  	v3 =	vmul.bf16 v3, v1  }
0xb8: {  	v4 =	vmul.bf16 v4, v0  }
0xb9: {  	v5 =	vmul.bf16 v5, v2  }
0xba: {  	v3 =	vadd.bf16 v4, v3;
	_ =	sdelay $0x1  }
0xbb: {  	v3 =	vadd.bf16 v5, v3;
	_ =	sdelay $0x1  }
.Ltmp0:
0xbc: {  	[tilespmem:s2+$0x20] =	vst v3;
	(pc) =	sbr.rel @p1 .LBB2_3-.Ltmp0, $4  }
0xbd: {  	v3 =	vld [tilespmem:s10+$0x30]  }
0xbe: {  	v4 =	vld [tilespmem:s31+$0x30]  }
0xbf: {  	v5 =	vld [tilespmem:s0+$0x30]  }
0xc0: {  	s10 =	sadd.s32 $0x80, s10  }
0xc1: {  	_ =	sdelay $0x1  }
0xc2: {  	v1 =	vmul.bf16 v3, v1;
	v0 =	vmul.bf16 v4, v0;
	_ =	sdelay $0x1  }
0xc3: {  	v2 =	vmul.bf16 v5, v2;
	v0 =	vadd.bf16 v0, v1;
	_ =	sdelay $0x1  }
0xc4: {  	p1 =	sne.s32 s28, s26;
	v0 =	vadd.bf16 v2, v0  }
0xc5: {  	p0 =	por p0, p1  }
0xc6: {  	p1 =	seq.s32 s25, $0x0;
	s0 =	sshll.u32 @p0 s1, $0xB;
	[tilespmem:s8+$0x30] =	vst v0  }
0xc7: {  	s1 =	sadd.s32 @p0 $0x5, s30;
	s0 =	sand.u32 @p0 $0x1FFFF800, s0;
	_ =	strace $0x9000004D  }
0xc8: {  	s2 =	simm.s32 @p0 $0x0;
	s0 =	sadd.s32 @p0 s7, s0;
	_ =	strace @p0 $0x8000004E  }
0xc9: {  	[hbm4b:s0+s2] =	stream.linear.scatter @p0 [tilespmem:s12], [sflag:s1], $0x4000, $0x200038;
	[tilespmem:$0x14600] =	vst v63  }
0xca: {  	s0 =	sand.u32 @!p1 $0x1, s19;
	_ =	strace @p0 $0x9000004E  }
0xcb: {  	s0 =	sadd.s32 @!p1 $0x5, s0;
	_ =	strace @!p1 $0x8000004F  }
0xcc: {  	s1 =	simm.s32 $0x1;
	_ =	swait.ge @!p1 [sflag:s0], $0x4000  }
0xcd: {  	s1 =	simm.s32 @!p0 $0x0;
	p0 =	sne.s32 s25, $0x0;
	[sflag:s0] =	ssyncset.done @!p1 $0x0  }
0xce: {  	s25 =	sadd.s32 $0x1, s25;
	[sflag:s0] =	ssyncadd.s32 @!p1 $0xFFFFC000;
	s0 =	simm.s32 $0x1  }
0xcf: {  	s0 =	simm.s32 @!p0 $0x0;
	p0 =	sne.s32 s25, $0x8  }
.Ltmp1:
0xd0: {  	_ = 	snop;
	(pc) =	sbr.rel @p0 .LBB2_2-.Ltmp1, $4  }
0xd1: {  	_ = 	snop  }
0xd2: {  	s22 =	sadd.s32 s22, s11  }
0xd3: {  	s28 =	smov.u32 s26;
	s20 =	sadd.s32 s1, s20;
	s23 =	sadd.s32 s1, s23  }
0xd4: {  	s21 =	sadd.s32 s1, s21;
	_ =	strace @!p1 $0x9000004F;
	s19 =	sadd.s32 s0, s19  }
0xd5: {  	_ =	strace $0x80000050;
	s0 =	simm.s32 $0x6  }
0xd6: {  	_ =	swait.ge [sflag:s0], $0x4000  }
0xd7: {  	s18 =	sadd.s32 $0x1, s18;
	s31 =	rddreg [dreg:$0x4]  }
0xd8: {  	p0 =	sne.s32 s18, s31  }
.Ltmp2:
0xd9: {  	_ = 	snop;
	(pc) =	sbr.rel @p0 .LBB2_1-.Ltmp2, $4  }
0xda: {  	_ = 	snop  }
0xdb: {  	[sflag:s0] =	ssyncset.done $0x0  }
0xdc: {  	[sflag:s0] =	ssyncadd.s32 $0xFFFFC000  }
0xdd: {  	_ =	strace $0x90000050  }
0xde: {  	_ =	sfence.sel $0x180000  }
0xdf: {  	[bflag:$0x0] =	sbarrier.arrive $0xFFFF  }
0xe0: {  	_ =	strace $0x90000047  }
0xe1: {  	s0 =	stileid.u32;
	[bflag:$0x2] =	sbarrier.arrive $0xFFFF  }
0xe2: {  	p0 =	sne.s32 s0, $0x0;
	s0 =	rddreg [dreg:$0x1]  }
0xe3: {  	s0 =	sadd.s32 @!p0 $0x100000, s0  }
0xe4: {  	[sflag:s0] =	ssyncadd.tile.s32 @!p0 $0x1;
	_ =	shalt  }
.Lfunc_end2:
_tile_overlayer_lowered:
.L_overlay_start_2:
0xe5: {  	(tag) =	ssettag $0x2  }
0xe6: {  	s0 =	rddreg [dreg:$0x0];
	s2 =	stileid.u32  }
0xe7: {  	s1 =	rddreg [dreg:$0x1];
	p0 =	sne.s32 s2, $0x0  }
0xe8: {  	s3 =	rddreg [dreg:$0x2];
	[bflag:$0x3] =	sbarrier.arrive $0xFFFF;
	s2 =	simm.s32 @!p0 $0x1C01  }
0xe9: {  	[timem:s3], [sflag:s2] =	dma.local @!p0 [hbm:s0], s1  }
0xea: {  	s0 =	simm.s32 @!p0 $0x1  }
0xeb: {  	_ =	swait.ge @!p0 [sflag:s0], s1  }
0xec: {  	s1 =	ssub.s32 @!p0 $0x0, s1;
	[sflag:s0] =	ssyncset.done @!p0 $0x0  }
0xed: {  	[sflag:s0] =	ssyncadd.s32 @!p0 s1  }
0xee: {  	[bflag:$0x3] =	sbarrier.arrive $0xFFFF  }
0xef: {  	_ =	shalt  }

</sc_bundles>
